<compile_context>
chip_gen: v7x
topology: tpu7x:2x2x1
jax: 0.10.2.dev20260603
libtpu: 0.0.44.dev20260713+nightly
codegen_flags: <defaults>
</compile_context>

<pallas_src>
import functools

import jax
import jax.numpy as jnp
import numpy as np
from jax import lax
from jax.experimental import pallas as pl
from jax.experimental.pallas import tpu as pltpu
from jax.experimental.pallas import tpu_sc as plsc

GRID = 32
STEP = 1.0 / GRID
NUM_STEPS = 4
HEADS = 4
HID = 64
B = 64
N = B * GRID
F1 = HEADS * HID



_HI = jax.lax.Precision.HIGHEST


def _dotx(a, b):
    return jnp.dot(a, b, preferred_element_type=jnp.float32, precision=_HI)


def _b32(x):
    return x.astype(jnp.bfloat16).astype(jnp.float32)

def _roll(h, s):
    if s == 0:
        return h
    return jnp.concatenate([h[:, -s:, :], h[:, :-s, :]], axis=1)


def _elu(x):
    return jnp.where(x > 0, x, jnp.exp(jnp.minimum(x, 0.0)) - 1.0)


def _leaky(x):
    return jnp.where(x >= 0, x, 0.2 * x)


def _src_3d(ts):
    xi = -(ts + 2 * ts + 2 * ts + ts) / 6.0
    gio = lax.broadcasted_iota(jnp.int32, (B, GRID, 1), 1).astype(jnp.float32)
    x_n = (gio + 0.5) * STEP + xi
    x_n = x_n - jnp.floor(x_n)
    kio = lax.broadcasted_iota(jnp.int32, (B, GRID, GRID), 2).astype(jnp.float32)
    cmp = ((kio + 0.5) * STEP <= x_n).astype(jnp.int32)
    indx = jnp.sum(cmp, axis=2, keepdims=True) - 1
    return indx & 31, (indx + 1) & 31, xi


def _idx_body(ts_ref, f1_ref, f2_ref):
    src1, src2, _ = _src_3d(ts_ref[...])
    bio = lax.broadcasted_iota(jnp.int32, (B, GRID, 1), 0)
    f1_ref[...] = src1 + bio * GRID
    f2_ref[...] = src2 + bio * GRID


def _tc1_body(ts_ref, xg_ref, *refs):
    conv = [(refs[2 * i][...], refs[2 * i + 1][...]) for i in range(6)]
    wl, bl, wr, br = (refs[12][...], refs[13][...], refs[14][...], refs[15][...])
    xl_ref, xr_ref = refs[16], refs[17]
    ts = ts_ref[...]
    xi = -(ts + 2 * ts + 2 * ts + ts) / 6.0
    xi_ch = jnp.broadcast_to(xi * np.float32(GRID), (B, GRID, 1))
    h = jnp.concatenate([xg_ref[...], xi_ch], axis=2)
    for (W5, b5) in conv:
        ci5, co = W5.shape
        X5 = jnp.concatenate([_roll(h, s) for s in (2, 1, 0, -1, -2)], axis=2)
        hh = jnp.dot(X5.reshape(N, ci5), W5, preferred_element_type=jnp.float32) + b5
        h = _elu(hh).reshape(B, GRID, co)
    xc2 = h.reshape(N, 128)
    xl_ref[...] = jnp.dot(xc2, wl, preferred_element_type=jnp.float32) + bl
    xr_ref[...] = jnp.dot(xc2, wr, preferred_element_type=jnp.float32) + br


def _att_lin_body(a1_ref, a2_ref, xl_ref, xr_ref, am_ref, hmt_ref, bs_ref,
                  wl2_ref, bl2_ref, wr2_ref, br2_ref, xl2_ref, xr2_ref):
    A1, A2 = a1_ref[...], a2_ref[...]
    xl, xr = xl_ref[...], xr_ref[...]
    am, hmt, bs = am_ref[...], hmt_ref[...], bs_ref[...]
    l1 = _dotx(_leaky(A1 + xr), am)
    l2 = _dotx(_leaky(A2 + xr), am)
    ls = _dotx(_leaky(xl + xr), am)
    m = jnp.maximum(jnp.maximum(l1, l2), ls)
    a1 = jnp.exp(l1 - m)
    a2 = jnp.exp(l2 - m)
    as_ = jnp.exp(ls - m)
    den = a1 + a2 + as_
    wb = lambda a: _dotx(a / den, hmt)
    xc2 = wb(a1) * A1 + wb(a2) * A2 + wb(as_) * xl + bs
    xl2_ref[...] = jnp.dot(xc2, wl2_ref[...], preferred_element_type=jnp.float32) + bl2_ref[...]
    xr2_ref[...] = jnp.dot(xc2, wr2_ref[...], preferred_element_type=jnp.float32) + br2_ref[...]


def _fin_body(ts_ref, a1_ref, a2_ref, xl_ref, xr_ref, am_ref, hmt_ref,
              bs_ref, w2_ref, xg_ref, xlane_ref,
              newxg_ref, newxlane_ref, pred_ref):
    A1, A2 = a1_ref[...], a2_ref[...]
    xl, xr = xl_ref[...], xr_ref[...]
    am, hmt, bs = am_ref[...], hmt_ref[...], bs_ref[...]
    l1 = _dotx(_leaky(A1 + xr), am)
    l2 = _dotx(_leaky(A2 + xr), am)
    ls = _dotx(_leaky(xl + xr), am)
    m = jnp.maximum(jnp.maximum(l1, l2), ls)
    a1 = jnp.exp(l1 - m)
    a2 = jnp.exp(l2 - m)
    as_ = jnp.exp(ls - m)
    den = a1 + a2 + as_
    wb = lambda a: _dotx(a / den, hmt)
    xc2 = _elu(wb(a1) * A1 + wb(a2) * A2 + wb(as_) * xl + bs)

    src1, src2, _ = _src_3d(ts_ref[...])
    sio = lax.broadcasted_iota(jnp.int32, (B, GRID, GRID), 2)
    oh1 = (src1 == sio).astype(jnp.float32)
    oh2 = (src2 == sio).astype(jnp.float32)
    ohsum = oh1 + oh2
    deg = jnp.sum(ohsum, axis=1, keepdims=True)
    gio_i = lax.broadcasted_iota(jnp.int32, (B, GRID, GRID), 1)
    ident = (gio_i == sio).astype(jnp.float32)

    xc3 = xc2.reshape(B, GRID, F1)
    v3 = jnp.sum(_b32(xc3) * _b32(w2_ref[...]), axis=2, keepdims=True)
    Sv = jnp.sum(ohsum * v3, axis=1, keepdims=True)
    q = (Sv - 1.0) / deg
    q1 = jnp.sum(oh1 * q, axis=2, keepdims=True)
    q2 = jnp.sum(oh2 * q, axis=2, keepdims=True)
    xlane = xlane_ref[...]
    xs1 = jnp.sum(oh1 * xlane, axis=2, keepdims=True)
    xs2 = jnp.sum(oh2 * xlane, axis=2, keepdims=True)
    xg3 = xs1 * (v3 - q1) + xs2 * (v3 - q2)
    newxg_ref[...] = xg3
    newxlane_ref[...] = jnp.sum(ident * xg3, axis=1, keepdims=True)
    pred_ref[...] = xg3.reshape(N, 1)




def _fin_conv_body(ts_ref, a1_ref, a2_ref, xl_ref, xr_ref, am_ref, hmt_ref,
                   bs_ref, w2_ref, xg_ref, xlane_ref, *refs):
    conv = [(refs[2 * i][...], refs[2 * i + 1][...]) for i in range(6)]
    wl, bl, wr, br = (refs[12][...], refs[13][...], refs[14][...], refs[15][...])
    pred_ref, newxlane_ref, xl1_ref, xr1_ref = refs[16], refs[17], refs[18], refs[19]

    A1, A2 = a1_ref[...], a2_ref[...]
    xl, xr = xl_ref[...], xr_ref[...]
    am, hmt, bs = am_ref[...], hmt_ref[...], bs_ref[...]
    l1 = _dotx(_leaky(A1 + xr), am)
    l2 = _dotx(_leaky(A2 + xr), am)
    ls = _dotx(_leaky(xl + xr), am)
    m = jnp.maximum(jnp.maximum(l1, l2), ls)
    a1 = jnp.exp(l1 - m)
    a2 = jnp.exp(l2 - m)
    as_ = jnp.exp(ls - m)
    den = a1 + a2 + as_
    wb = lambda a: _dotx(a / den, hmt)
    xc2 = _elu(wb(a1) * A1 + wb(a2) * A2 + wb(as_) * xl + bs)

    src1, src2, xi = _src_3d(ts_ref[...])
    sio = lax.broadcasted_iota(jnp.int32, (B, GRID, GRID), 2)
    oh1 = (src1 == sio).astype(jnp.float32)
    oh2 = (src2 == sio).astype(jnp.float32)
    ohsum = oh1 + oh2
    deg = jnp.sum(ohsum, axis=1, keepdims=True)
    gio_i = lax.broadcasted_iota(jnp.int32, (B, GRID, GRID), 1)
    ident = (gio_i == sio).astype(jnp.float32)

    xc3 = xc2.reshape(B, GRID, F1)
    v3 = jnp.sum(_b32(xc3) * _b32(w2_ref[...]), axis=2, keepdims=True)
    Sv = jnp.sum(ohsum * v3, axis=1, keepdims=True)
    q = (Sv - 1.0) / deg
    q1 = jnp.sum(oh1 * q, axis=2, keepdims=True)
    q2 = jnp.sum(oh2 * q, axis=2, keepdims=True)
    xlane = xlane_ref[...]
    xs1 = jnp.sum(oh1 * xlane, axis=2, keepdims=True)
    xs2 = jnp.sum(oh2 * xlane, axis=2, keepdims=True)
    xg3 = xs1 * (v3 - q1) + xs2 * (v3 - q2)
    pred_ref[...] = xg3.reshape(N, 1)
    newxlane_ref[...] = jnp.sum(ident * xg3, axis=1, keepdims=True)

    xi_ch = jnp.broadcast_to(xi * np.float32(GRID), (B, GRID, 1))
    h = jnp.concatenate([xg3, xi_ch], axis=2)
    for (W5, b5) in conv:
        ci5, co = W5.shape
        X5 = jnp.concatenate([_roll(h, s) for s in (2, 1, 0, -1, -2)], axis=2)
        hh = jnp.dot(X5.reshape(N, ci5), W5, preferred_element_type=jnp.float32) + b5
        h = _elu(hh).reshape(B, GRID, co)
    xc = h.reshape(N, 128)
    xl1_ref[...] = jnp.dot(xc, wl, preferred_element_type=jnp.float32) + bl
    xr1_ref[...] = jnp.dot(xc, wr, preferred_element_type=jnp.float32) + br


_info = None


def _sc_gather(table, idx1, idx2):
    NW = 32
    b_per_w = N // NW
    mesh = plsc.VectorSubcoreMesh(core_axis_name="c", subcore_axis_name="s")

    @functools.partial(
        pl.kernel, mesh=mesh,
        out_type=(jax.ShapeDtypeStruct((N, F1), jnp.float32),
                  jax.ShapeDtypeStruct((N, F1), jnp.float32)),
        scratch_types=[
            pltpu.VMEM((b_per_w,), jnp.int32),
            pltpu.VMEM((b_per_w,), jnp.int32),
            pltpu.VMEM((b_per_w, F1), jnp.float32),
            pltpu.VMEM((b_per_w, F1), jnp.float32),
            pltpu.SemaphoreType.DMA,
            pltpu.SemaphoreType.DMA,
        ],
    )
    def k(table_hbm, i1_hbm, i2_hbm, o1_hbm, o2_hbm,
          i1_v, i2_v, r1_v, r2_v, sem1, sem2):
        wid = lax.axis_index("s") * 2 + lax.axis_index("c")
        base = wid * b_per_w
        pltpu.sync_copy(i1_hbm.at[pl.ds(base, b_per_w)], i1_v)
        pltpu.sync_copy(i2_hbm.at[pl.ds(base, b_per_w)], i2_v)
        c1 = pltpu.async_copy(table_hbm.at[i1_v], r1_v, sem1)
        c2 = pltpu.async_copy(table_hbm.at[i2_v], r2_v, sem2)
        c1.wait()
        c2.wait()
        pltpu.sync_copy(r1_v, o1_hbm.at[pl.ds(base, b_per_w)])
        pltpu.sync_copy(r2_v, o2_hbm.at[pl.ds(base, b_per_w)])

    return k(table, idx1, idx2)


def _tc_call(body, args, out_shapes):
    return pl.pallas_call(
        body,
        out_shape=out_shapes,
    )(*args)


@jax.jit
def kernel(x, cur_time, time_step, conv_params, gat1, gat2, lin_W, lin_b):
    del cur_time, lin_b
    ts3 = time_step.astype(jnp.float32).reshape(B, 1, 1)
    xg3 = x.reshape(B, GRID, 1)
    xlane = x.reshape(B, 1, GRID)

    flat_conv = []
    for (W, b) in conv_params:
        co, ci, _ = W.shape
        flat_conv.append(jnp.transpose(W, (2, 1, 0)).reshape(5 * ci, co))
        flat_conv.append(b.reshape(1, co))

    def gat_args(g):
        Wl, bl, Wr, br, att, bias = g
        attf = att.reshape(F1)
        hsel = (np.arange(F1)[:, None] // HID) == np.arange(HEADS)[None, :]
        am = attf[:, None] * jnp.asarray(hsel, dtype=jnp.float32)
        return [Wl, bl.reshape(1, F1), Wr, br.reshape(1, F1), am,
                bias.reshape(1, F1)]

    g1 = gat_args(gat1)
    g2 = gat_args(gat2)
    hmt = jnp.asarray((np.arange(F1)[None, :] // HID)
                      == np.arange(HEADS)[:, None], dtype=jnp.float32)
    w2 = lin_W[F1:, 0].reshape(1, 1, F1)

    S = jax.ShapeDtypeStruct
    f1g, f2g = _tc_call(_idx_body, [ts3],
                        (S((B, GRID, 1), jnp.int32), S((B, GRID, 1), jnp.int32)))
    idx1 = f1g.reshape(N)
    idx2 = f2g.reshape(N)

    preds = []
    xl1, xr1 = _tc_call(
        _tc1_body,
        [ts3, xg3] + flat_conv + [g1[0], g1[1], g1[2], g1[3]],
        (S((N, F1), jnp.float32), S((N, F1), jnp.float32)))
    for step in range(NUM_STEPS):
        A1, A2 = _sc_gather(xl1, idx1, idx2)
        xl2, xr2 = _tc_call(
            _att_lin_body,
            [A1, A2, xl1, xr1, g1[4], hmt, g1[5], g2[0], g2[1], g2[2], g2[3]],
            (S((N, F1), jnp.float32), S((N, F1), jnp.float32)))
        B1, B2 = _sc_gather(xl2, idx1, idx2)
        if step < NUM_STEPS - 1:
            pred, xlane, xl1, xr1 = _tc_call(
                _fin_conv_body,
                [ts3, B1, B2, xl2, xr2, g2[4], hmt, g2[5], w2, xg3, xlane]
                + flat_conv + [g1[0], g1[1], g1[2], g1[3]],
                (S((N, 1), jnp.float32), S((B, 1, GRID), jnp.float32),
                 S((N, F1), jnp.float32), S((N, F1), jnp.float32)))
        else:
            _, xlane, pred = _tc_call(
                _fin_body,
                [ts3, B1, B2, xl2, xr2, g2[4], hmt, g2[5], w2, xg3, xlane],
                (S((B, GRID, 1), jnp.float32), S((B, 1, GRID), jnp.float32),
                 S((N, 1), jnp.float32)))
        preds.append(pred)
    return jnp.concatenate(preds, axis=1)

# --- scband reference (transcript-rebuilt; emitter-appended) ---
"""Pipeline reference for scband-global-model-60464549593523 (READ-ONLY COPY).

The authoritative reference and input builder live on the scoring server;
editing this copy changes nothing except your own understanding.
"""

import jax, jax.numpy as jnp
import numpy as np

GRID = 32
STEP = 1.0 / GRID
XC = jnp.asarray(np.arange(STEP * 0.5, 1.0, STEP), dtype=jnp.float32)
NUM_STEPS = 4
HEADS = 4
HID = 64


def get_upstream(t, ts):
    B = ts.shape[0]
    X = jnp.broadcast_to(XC[None, :], (B, GRID))
    vel = lambda x: jnp.ones_like(x)
    k1 = ts[:, None] * vel(X)
    k2 = ts[:, None] * vel(X - 0.5 * k1)
    k3 = ts[:, None] * vel(X - 0.5 * k2)
    k4 = ts[:, None] * vel(X - k3)
    return -(k1 + 2 * k2 + 2 * k3 + k4) / 6.0


def generate_index_1d(x_grid, x_new):
    cmp = (x_grid[None, None, :] <= x_new[:, :, None]).astype(jnp.int32)
    return jnp.argmin(cmp, axis=2) - 1


def generate_edge(indx):
    B = indx.shape[0]
    node_index = jnp.arange(GRID)
    src = jnp.stack([indx % GRID, (indx + 1) % GRID], axis=-1)
    dst = jnp.broadcast_to(node_index[None, :, None], (B, GRID, 2))
    edge = jnp.stack([src, dst], axis=1)
    return edge.reshape(B, 2, 2 * GRID)


def generate_edge_from_xi(xi):
    x_n = XC[None, :] + xi
    x_n = x_n - jnp.floor(x_n)
    indx = generate_index_1d(XC, x_n) % GRID
    return generate_edge(indx)


def conv1d_periodic(x, W, b):
    p = W.shape[2] // 2
    xp = jnp.concatenate([x[:, :, -p:], x, x[:, :, :p]], axis=2)
    out = jax.lax.conv_general_dilated(xp, W, window_strides=(1,), padding='VALID', dimension_numbers=('NCH', 'OIH', 'NCH'))
    return jax.nn.elu(out + b[None, :, None])


def gatv2(x, edge_index, Wl, bl, Wr, br, att, bias):
    N = x.shape[0]
    H, C = att.shape
    sl = jnp.arange(N)
    src = jnp.concatenate([edge_index[0], sl])
    dst = jnp.concatenate([edge_index[1], sl])
    xl = (x @ Wl + bl).reshape(N, H, C)
    xr = (x @ Wr + br).reshape(N, H, C)
    e = jax.nn.leaky_relu(xl[src] + xr[dst], negative_slope=0.2)
    logit = (e * att[None]).sum(-1)
    m = jax.ops.segment_max(logit, dst, num_segments=N)
    alpha = jnp.exp(logit - m[dst])
    denom = jax.ops.segment_sum(alpha, dst, num_segments=N)
    alpha = alpha / denom[dst]
    out = jax.ops.segment_sum(xl[src] * alpha[..., None], dst, num_segments=N)
    return out.reshape(N, H * C) + bias


def forward(x, cur_time, time_step, conv_params, gat1, gat2, lin_W, lin_b):
    B = time_step.shape[0]
    N = B * GRID
    ar = jnp.arange(N)
    ct = cur_time
    preds = []
    for _ in range(NUM_STEPS):
        xi = get_upstream(ct, time_step)
        el = generate_edge_from_xi(xi)
        eg = el + (jnp.arange(B) * GRID)[:, None, None]
        edge_index = jnp.transpose(eg, (1, 0, 2)).reshape(2, -1)
        h = jnp.stack([x.reshape(B, GRID), xi / STEP], axis=1)
        for (W, b) in conv_params:
            h = conv1d_periodic(h, W, b)
        xc = jnp.transpose(h, (0, 2, 1)).reshape(N, -1)
        xc = gatv2(xc, edge_index, *gat1)
        xc = gatv2(xc, edge_index, *gat2)
        xc = jax.nn.elu(xc)
        row, col = edge_index[0], edge_index[1]
        ef = jnp.concatenate([xc[row], xc[col]], axis=1) @ lin_W + lin_b
        row_mask = (row[:, None] == ar[None, :]).astype(x.dtype)
        edge_mask = ef * row_mask
        edge_sum = edge_mask.sum(0)
        deg = row_mask.sum(0)
        ef2 = edge_mask - row_mask * edge_sum / deg + (1.0 / deg) * row_mask
        ef3 = ef2.sum(1, keepdims=True)
        col_mask = (col[:, None] == ar[None, :]).astype(x.dtype)
        x = (x[row] * col_mask * ef3).sum(0, keepdims=True).T
        preds.append(x)
        ct = ct + time_step[:, None]
    return jnp.concatenate(preds, axis=1)


def setup_inputs(seed: int = 0):
    key = jax.random.key(seed)
    ks = jax.random.split(key, 20)
    B = 64
    N = B * GRID
    x = jax.random.normal(ks[0], (N, 1), dtype=jnp.float32)
    cur_time = jax.random.uniform(ks[1], (B, 1), dtype=jnp.float32)
    time_step = jax.random.uniform(ks[2], (B,), dtype=jnp.float32)
    dims = [(2, 32)] + [(32, 32)] * 4 + [(32, 128)]
    conv_params = []
    for i, (ci, co) in enumerate(dims):
        W = jax.random.normal(ks[3 + i], (co, ci, 5), dtype=jnp.float32) * 0.1
        b = jnp.zeros((co,), dtype=jnp.float32)
        conv_params.append((W, b))

    def gat_params(k, cin):
        kk = jax.random.split(k, 3)
        Wl = jax.random.normal(kk[0], (cin, HEADS * HID), dtype=jnp.float32) * 0.1
        Wr = jax.random.normal(kk[1], (cin, HEADS * HID), dtype=jnp.float32) * 0.1
        att = jax.random.normal(kk[2], (HEADS, HID), dtype=jnp.float32) * 0.1
        z = jnp.zeros((HEADS * HID,), dtype=jnp.float32)
        return (Wl, z, Wr, z, att, z)

    gat1 = gat_params(ks[10], 128)
    gat2 = gat_params(ks[11], HEADS * HID)
    lin_W = jax.random.normal(ks[12], (2 * HEADS * HID, 1), dtype=jnp.float32) * 0.1
    lin_b = jnp.zeros((1,), dtype=jnp.float32)
    return {"x": x, "cur_time": cur_time, "time_step": time_step, "conv_params": conv_params, "gat1": gat1, "gat2": gat2, "lin_W": lin_W, "lin_b": lin_b}


def reference(x, cur_time, time_step, conv_params, gat1, gat2, lin_W, lin_b):
    return forward(x, cur_time, time_step, conv_params, gat1, gat2, lin_W, lin_b)

if __name__ == "__main__":
    import jax
    _d = setup_inputs()
    print(jax.jit(kernel)(*tuple(_d.values())))

</pallas_src>

<mosaic_0001>
#map = affine_map<(d0, d1) -> (0, 0)>
#map1 = affine_map<(d0, d1) -> (0)>
module attributes {stable_mosaic.version = 14 : i64} {
  func.func @k(%arg0: i32, %arg1: i32, %arg2: memref<2048x256xf32, #tpu.memory_space<hbm>>, %arg3: memref<2048xi32, #tpu.memory_space<hbm>>, %arg4: memref<2048xi32, #tpu.memory_space<hbm>>, %arg5: memref<2048x256xf32, #tpu.memory_space<hbm>>, %arg6: memref<2048x256xf32, #tpu.memory_space<hbm>>, %arg7: memref<64xi32, #tpu.memory_space<vmem>>, %arg8: memref<64xi32, #tpu.memory_space<vmem>>, %arg9: memref<64x256xf32, #tpu.memory_space<vmem>>, %arg10: memref<64x256xf32, #tpu.memory_space<vmem>>, %arg11: memref<!tpu.dma_semaphore, #tpu.memory_space<semaphore_mem>>, %arg12: memref<!tpu.dma_semaphore, #tpu.memory_space<semaphore_mem>>) attributes {dimension_semantics = [#tpu.dimension_semantics<core_parallel>, #tpu.dimension_semantics<subcore_parallel>], iteration_bounds = array<i64: 2, 16>, scalar_prefetch = 0 : i64, scratch_operands = 6 : i64, tpu.core_type = #tpu.core_type<sc_vector_subcore>, window_params = [{transform_indices = #map}, {transform_indices = #map1}, {transform_indices = #map1}, {transform_indices = #map}, {transform_indices = #map}]} {
    %mul3A = arith.constant 2 : i32
    %mul3A_0 = arith.muli %arg1, %mul3A : i32
    %add3A = arith.addi %mul3A_0, %arg0 : i32
    %mul3A_1 = arith.constant 64 : i32
    %mul3A_2 = arith.muli %add3A, %mul3A_1 : i32
    "tpu.region"() ({
      %run_scoped3A = tpu.sem_alloc : memref<!tpu.dma_semaphore, #tpu.memory_space<semaphore_mem>>
      %dma_start3A_13 = tpu.memref_slice %arg3[%mul3A_2] : memref<2048xi32, #tpu.memory_space<hbm>> -> memref<64xi32, #tpu.memory_space<hbm>>
      %dma_start3A_14 = tpu.memref_slice %arg3[%mul3A_2] : memref<2048xi32, #tpu.memory_space<hbm>> -> memref<64xi32, #tpu.memory_space<hbm>>
      tpu.enqueue_dma source(%dma_start3A_14 : memref<64xi32, #tpu.memory_space<hbm>>) target(%arg7 : memref<64xi32, #tpu.memory_space<vmem>>) target_semaphore(%run_scoped3A : memref<!tpu.dma_semaphore, #tpu.memory_space<semaphore_mem>>)
      %dma_wait3A_15 = tpu.memref_slice %arg3[%mul3A_2] : memref<2048xi32, #tpu.memory_space<hbm>> -> memref<64xi32, #tpu.memory_space<hbm>>
      %dma_wait3A_16 = tpu.memref_slice %arg3[%mul3A_2] : memref<2048xi32, #tpu.memory_space<hbm>> -> memref<64xi32, #tpu.memory_space<hbm>>
      tpu.wait_dma2 semaphore(%run_scoped3A : memref<!tpu.dma_semaphore, #tpu.memory_space<semaphore_mem>>) src(%dma_wait3A_16 : memref<64xi32, #tpu.memory_space<hbm>>) dst(%arg7 : memref<64xi32, #tpu.memory_space<vmem>>)
      tpu.yield
    }) : () -> ()
    "tpu.region"() ({
      %run_scoped3A = tpu.sem_alloc : memref<!tpu.dma_semaphore, #tpu.memory_space<semaphore_mem>>
      %dma_start3A_13 = tpu.memref_slice %arg4[%mul3A_2] : memref<2048xi32, #tpu.memory_space<hbm>> -> memref<64xi32, #tpu.memory_space<hbm>>
      %dma_start3A_14 = tpu.memref_slice %arg4[%mul3A_2] : memref<2048xi32, #tpu.memory_space<hbm>> -> memref<64xi32, #tpu.memory_space<hbm>>
      tpu.enqueue_dma source(%dma_start3A_14 : memref<64xi32, #tpu.memory_space<hbm>>) target(%arg8 : memref<64xi32, #tpu.memory_space<vmem>>) target_semaphore(%run_scoped3A : memref<!tpu.dma_semaphore, #tpu.memory_space<semaphore_mem>>)
      %dma_wait3A_15 = tpu.memref_slice %arg4[%mul3A_2] : memref<2048xi32, #tpu.memory_space<hbm>> -> memref<64xi32, #tpu.memory_space<hbm>>
      %dma_wait3A_16 = tpu.memref_slice %arg4[%mul3A_2] : memref<2048xi32, #tpu.memory_space<hbm>> -> memref<64xi32, #tpu.memory_space<hbm>>
      tpu.wait_dma2 semaphore(%run_scoped3A : memref<!tpu.dma_semaphore, #tpu.memory_space<semaphore_mem>>) src(%dma_wait3A_16 : memref<64xi32, #tpu.memory_space<hbm>>) dst(%arg8 : memref<64xi32, #tpu.memory_space<vmem>>)
      tpu.yield
    }) : () -> ()
    %dma_start3A = arith.constant 0 : i32
    %dma_start3A_3 = arith.constant 0 : i32
    %dma_start3A_4 = tpu.memref_slice %arg2[%dma_start3A, %dma_start3A_3] : memref<2048x256xf32, #tpu.memory_space<hbm>> -> memref<2048x256xf32, #tpu.memory_space<hbm>>
    tpu.enqueue_indirect_dma source(%dma_start3A_4 : memref<2048x256xf32, #tpu.memory_space<hbm>>) target(%arg9 : memref<64x256xf32, #tpu.memory_space<vmem>>) offsets(%arg7 : memref<64xi32, #tpu.memory_space<vmem>>) semaphore(%arg11 : memref<!tpu.dma_semaphore, #tpu.memory_space<semaphore_mem>>)
    %dma_start3A_5 = arith.constant 0 : i32
    %dma_start3A_6 = arith.constant 0 : i32
    %dma_start3A_7 = tpu.memref_slice %arg2[%dma_start3A_5, %dma_start3A_6] : memref<2048x256xf32, #tpu.memory_space<hbm>> -> memref<2048x256xf32, #tpu.memory_space<hbm>>
    tpu.enqueue_indirect_dma source(%dma_start3A_7 : memref<2048x256xf32, #tpu.memory_space<hbm>>) target(%arg10 : memref<64x256xf32, #tpu.memory_space<vmem>>) offsets(%arg8 : memref<64xi32, #tpu.memory_space<vmem>>) semaphore(%arg12 : memref<!tpu.dma_semaphore, #tpu.memory_space<semaphore_mem>>)
    %dma_wait3A = arith.constant 0 : i32
    %dma_wait3A_8 = arith.constant 0 : i32
    %dma_wait3A_9 = tpu.memref_slice %arg2[%dma_wait3A, %dma_wait3A_8] : memref<2048x256xf32, #tpu.memory_space<hbm>> -> memref<2048x256xf32, #tpu.memory_space<hbm>>
    tpu.wait_indirect_dma semaphore(%arg11 : memref<!tpu.dma_semaphore, #tpu.memory_space<semaphore_mem>>) src(%dma_wait3A_9 : memref<2048x256xf32, #tpu.memory_space<hbm>>) dst(%arg9 : memref<64x256xf32, #tpu.memory_space<vmem>>)
    %dma_wait3A_10 = arith.constant 0 : i32
    %dma_wait3A_11 = arith.constant 0 : i32
    %dma_wait3A_12 = tpu.memref_slice %arg2[%dma_wait3A_10, %dma_wait3A_11] : memref<2048x256xf32, #tpu.memory_space<hbm>> -> memref<2048x256xf32, #tpu.memory_space<hbm>>
    tpu.wait_indirect_dma semaphore(%arg12 : memref<!tpu.dma_semaphore, #tpu.memory_space<semaphore_mem>>) src(%dma_wait3A_12 : memref<2048x256xf32, #tpu.memory_space<hbm>>) dst(%arg10 : memref<64x256xf32, #tpu.memory_space<vmem>>)
    "tpu.region"() ({
      %run_scoped3A = tpu.sem_alloc : memref<!tpu.dma_semaphore, #tpu.memory_space<semaphore_mem>>
      %dma_start3A_13 = arith.constant 0 : i32
      %dma_start3A_14 = tpu.memref_slice %arg5[%mul3A_2, %dma_start3A_13] : memref<2048x256xf32, #tpu.memory_space<hbm>> -> memref<64x256xf32, #tpu.memory_space<hbm>>
      %dma_start3A_15 = arith.constant 0 : i32
      %dma_start3A_16 = tpu.memref_slice %arg5[%mul3A_2, %dma_start3A_15] : memref<2048x256xf32, #tpu.memory_space<hbm>> -> memref<64x256xf32, #tpu.memory_space<hbm>>
      tpu.enqueue_dma source(%arg9 : memref<64x256xf32, #tpu.memory_space<vmem>>) target(%dma_start3A_16 : memref<64x256xf32, #tpu.memory_space<hbm>>) target_semaphore(%run_scoped3A : memref<!tpu.dma_semaphore, #tpu.memory_space<semaphore_mem>>)
      %dma_wait3A_17 = arith.constant 0 : i32
      %dma_wait3A_18 = tpu.memref_slice %arg5[%mul3A_2, %dma_wait3A_17] : memref<2048x256xf32, #tpu.memory_space<hbm>> -> memref<64x256xf32, #tpu.memory_space<hbm>>
      %dma_wait3A_19 = arith.constant 0 : i32
      %dma_wait3A_20 = tpu.memref_slice %arg5[%mul3A_2, %dma_wait3A_19] : memref<2048x256xf32, #tpu.memory_space<hbm>> -> memref<64x256xf32, #tpu.memory_space<hbm>>
      tpu.wait_dma2 semaphore(%run_scoped3A : memref<!tpu.dma_semaphore, #tpu.memory_space<semaphore_mem>>) src(%arg9 : memref<64x256xf32, #tpu.memory_space<vmem>>) dst(%dma_wait3A_20 : memref<64x256xf32, #tpu.memory_space<hbm>>)
      tpu.yield
    }) : () -> ()
    "tpu.region"() ({
      %run_scoped3A = tpu.sem_alloc : memref<!tpu.dma_semaphore, #tpu.memory_space<semaphore_mem>>
      %dma_start3A_13 = arith.constant 0 : i32
      %dma_start3A_14 = tpu.memref_slice %arg6[%mul3A_2, %dma_start3A_13] : memref<2048x256xf32, #tpu.memory_space<hbm>> -> memref<64x256xf32, #tpu.memory_space<hbm>>
      %dma_start3A_15 = arith.constant 0 : i32
      %dma_start3A_16 = tpu.memref_slice %arg6[%mul3A_2, %dma_start3A_15] : memref<2048x256xf32, #tpu.memory_space<hbm>> -> memref<64x256xf32, #tpu.memory_space<hbm>>
      tpu.enqueue_dma source(%arg10 : memref<64x256xf32, #tpu.memory_space<vmem>>) target(%dma_start3A_16 : memref<64x256xf32, #tpu.memory_space<hbm>>) target_semaphore(%run_scoped3A : memref<!tpu.dma_semaphore, #tpu.memory_space<semaphore_mem>>)
      %dma_wait3A_17 = arith.constant 0 : i32
      %dma_wait3A_18 = tpu.memref_slice %arg6[%mul3A_2, %dma_wait3A_17] : memref<2048x256xf32, #tpu.memory_space<hbm>> -> memref<64x256xf32, #tpu.memory_space<hbm>>
      %dma_wait3A_19 = arith.constant 0 : i32
      %dma_wait3A_20 = tpu.memref_slice %arg6[%mul3A_2, %dma_wait3A_19] : memref<2048x256xf32, #tpu.memory_space<hbm>> -> memref<64x256xf32, #tpu.memory_space<hbm>>
      tpu.wait_dma2 semaphore(%run_scoped3A : memref<!tpu.dma_semaphore, #tpu.memory_space<semaphore_mem>>) src(%arg10 : memref<64x256xf32, #tpu.memory_space<vmem>>) dst(%dma_wait3A_20 : memref<64x256xf32, #tpu.memory_space<hbm>>)
      tpu.yield
    }) : () -> ()
    return
  }
}

#map = affine_map<(d0, d1) -> (0, 0)>
#map1 = affine_map<(d0, d1) -> (0)>
module attributes {stable_mosaic.version = 14 : i64} {
  func.func @k(%arg0: i32, %arg1: i32, %arg2: memref<2048x256xf32, #tpu.memory_space<hbm>>, %arg3: memref<2048xi32, #tpu.memory_space<hbm>>, %arg4: memref<2048xi32, #tpu.memory_space<hbm>>, %arg5: memref<2048x256xf32, #tpu.memory_space<hbm>>, %arg6: memref<2048x256xf32, #tpu.memory_space<hbm>>, %arg7: memref<64xi32, #tpu.memory_space<vmem>>, %arg8: memref<64xi32, #tpu.memory_space<vmem>>, %arg9: memref<64x256xf32, #tpu.memory_space<vmem>>, %arg10: memref<64x256xf32, #tpu.memory_space<vmem>>, %arg11: memref<!tpu.dma_semaphore, #tpu.memory_space<semaphore_mem>>, %arg12: memref<!tpu.dma_semaphore, #tpu.memory_space<semaphore_mem>>) attributes {dimension_semantics = [#tpu.dimension_semantics<core_parallel>, #tpu.dimension_semantics<subcore_parallel>], iteration_bounds = array<i64: 2, 16>, scalar_prefetch = 0 : i64, scratch_operands = 6 : i64, tpu.core_type = #tpu.core_type<sc_vector_subcore>, window_params = [{transform_indices = #map}, {transform_indices = #map1}, {transform_indices = #map1}, {transform_indices = #map}, {transform_indices = #map}]} {
    %mul3A = arith.constant 2 : i32
    %mul3A_0 = arith.muli %arg1, %mul3A : i32
    %add3A = arith.addi %mul3A_0, %arg0 : i32
    %mul3A_1 = arith.constant 64 : i32
    %mul3A_2 = arith.muli %add3A, %mul3A_1 : i32
    "tpu.region"() ({
      %run_scoped3A = tpu.sem_alloc : memref<!tpu.dma_semaphore, #tpu.memory_space<semaphore_mem>>
      %dma_start3A_13 = tpu.memref_slice %arg3[%mul3A_2] : memref<2048xi32, #tpu.memory_space<hbm>> -> memref<64xi32, #tpu.memory_space<hbm>>
      %dma_start3A_14 = tpu.memref_slice %arg3[%mul3A_2] : memref<2048xi32, #tpu.memory_space<hbm>> -> memref<64xi32, #tpu.memory_space<hbm>>
      tpu.enqueue_dma source(%dma_start3A_14 : memref<64xi32, #tpu.memory_space<hbm>>) target(%arg7 : memref<64xi32, #tpu.memory_space<vmem>>) target_semaphore(%run_scoped3A : memref<!tpu.dma_semaphore, #tpu.memory_space<semaphore_mem>>)
      %dma_wait3A_15 = tpu.memref_slice %arg3[%mul3A_2] : memref<2048xi32, #tpu.memory_space<hbm>> -> memref<64xi32, #tpu.memory_space<hbm>>
      %dma_wait3A_16 = tpu.memref_slice %arg3[%mul3A_2] : memref<2048xi32, #tpu.memory_space<hbm>> -> memref<64xi32, #tpu.memory_space<hbm>>
      tpu.wait_dma2 semaphore(%run_scoped3A : memref<!tpu.dma_semaphore, #tpu.memory_space<semaphore_mem>>) src(%dma_wait3A_16 : memref<64xi32, #tpu.memory_space<hbm>>) dst(%arg7 : memref<64xi32, #tpu.memory_space<vmem>>)
      tpu.yield
    }) : () -> ()
    "tpu.region"() ({
      %run_scoped3A = tpu.sem_alloc : memref<!tpu.dma_semaphore, #tpu.memory_space<semaphore_mem>>
      %dma_start3A_13 = tpu.memref_slice %arg4[%mul3A_2] : memref<2048xi32, #tpu.memory_space<hbm>> -> memref<64xi32, #tpu.memory_space<hbm>>
      %dma_start3A_14 = tpu.memref_slice %arg4[%mul3A_2] : memref<2048xi32, #tpu.memory_space<hbm>> -> memref<64xi32, #tpu.memory_space<hbm>>
      tpu.enqueue_dma source(%dma_start3A_14 : memref<64xi32, #tpu.memory_space<hbm>>) target(%arg8 : memref<64xi32, #tpu.memory_space<vmem>>) target_semaphore(%run_scoped3A : memref<!tpu.dma_semaphore, #tpu.memory_space<semaphore_mem>>)
      %dma_wait3A_15 = tpu.memref_slice %arg4[%mul3A_2] : memref<2048xi32, #tpu.memory_space<hbm>> -> memref<64xi32, #tpu.memory_space<hbm>>
      %dma_wait3A_16 = tpu.memref_slice %arg4[%mul3A_2] : memref<2048xi32, #tpu.memory_space<hbm>> -> memref<64xi32, #tpu.memory_space<hbm>>
      tpu.wait_dma2 semaphore(%run_scoped3A : memref<!tpu.dma_semaphore, #tpu.memory_space<semaphore_mem>>) src(%dma_wait3A_16 : memref<64xi32, #tpu.memory_space<hbm>>) dst(%arg8 : memref<64xi32, #tpu.memory_space<vmem>>)
      tpu.yield
    }) : () -> ()
    %dma_start3A = arith.constant 0 : i32
    %dma_start3A_3 = arith.constant 0 : i32
    %dma_start3A_4 = tpu.memref_slice %arg2[%dma_start3A, %dma_start3A_3] : memref<2048x256xf32, #tpu.memory_space<hbm>> -> memref<2048x256xf32, #tpu.memory_space<hbm>>
    tpu.enqueue_indirect_dma source(%dma_start3A_4 : memref<2048x256xf32, #tpu.memory_space<hbm>>) target(%arg9 : memref<64x256xf32, #tpu.memory_space<vmem>>) offsets(%arg7 : memref<64xi32, #tpu.memory_space<vmem>>) semaphore(%arg11 : memref<!tpu.dma_semaphore, #tpu.memory_space<semaphore_mem>>)
    %dma_start3A_5 = arith.constant 0 : i32
    %dma_start3A_6 = arith.constant 0 : i32
    %dma_start3A_7 = tpu.memref_slice %arg2[%dma_start3A_5, %dma_start3A_6] : memref<2048x256xf32, #tpu.memory_space<hbm>> -> memref<2048x256xf32, #tpu.memory_space<hbm>>
    tpu.enqueue_indirect_dma source(%dma_start3A_7 : memref<2048x256xf32, #tpu.memory_space<hbm>>) target(%arg10 : memref<64x256xf32, #tpu.memory_space<vmem>>) offsets(%arg8 : memref<64xi32, #tpu.memory_space<vmem>>) semaphore(%arg12 : memref<!tpu.dma_semaphore, #tpu.memory_space<semaphore_mem>>)
    %dma_wait3A = arith.constant 0 : i32
    %dma_wait3A_8 = arith.constant 0 : i32
    %dma_wait3A_9 = tpu.memref_slice %arg2[%dma_wait3A, %dma_wait3A_8] : memref<2048x256xf32, #tpu.memory_space<hbm>> -> memref<2048x256xf32, #tpu.memory_space<hbm>>
    tpu.wait_indirect_dma semaphore(%arg11 : memref<!tpu.dma_semaphore, #tpu.memory_space<semaphore_mem>>) src(%dma_wait3A_9 : memref<2048x256xf32, #tpu.memory_space<hbm>>) dst(%arg9 : memref<64x256xf32, #tpu.memory_space<vmem>>)
    %dma_wait3A_10 = arith.constant 0 : i32
    %dma_wait3A_11 = arith.constant 0 : i32
    %dma_wait3A_12 = tpu.memref_slice %arg2[%dma_wait3A_10, %dma_wait3A_11] : memref<2048x256xf32, #tpu.memory_space<hbm>> -> memref<2048x256xf32, #tpu.memory_space<hbm>>
    tpu.wait_indirect_dma semaphore(%arg12 : memref<!tpu.dma_semaphore, #tpu.memory_space<semaphore_mem>>) src(%dma_wait3A_12 : memref<2048x256xf32, #tpu.memory_space<hbm>>) dst(%arg10 : memref<64x256xf32, #tpu.memory_space<vmem>>)
    "tpu.region"() ({
      %run_scoped3A = tpu.sem_alloc : memref<!tpu.dma_semaphore, #tpu.memory_space<semaphore_mem>>
      %dma_start3A_13 = arith.constant 0 : i32
      %dma_start3A_14 = tpu.memref_slice %arg5[%mul3A_2, %dma_start3A_13] : memref<2048x256xf32, #tpu.memory_space<hbm>> -> memref<64x256xf32, #tpu.memory_space<hbm>>
      %dma_start3A_15 = arith.constant 0 : i32
      %dma_start3A_16 = tpu.memref_slice %arg5[%mul3A_2, %dma_start3A_15] : memref<2048x256xf32, #tpu.memory_space<hbm>> -> memref<64x256xf32, #tpu.memory_space<hbm>>
      tpu.enqueue_dma source(%arg9 : memref<64x256xf32, #tpu.memory_space<vmem>>) target(%dma_start3A_16 : memref<64x256xf32, #tpu.memory_space<hbm>>) target_semaphore(%run_scoped3A : memref<!tpu.dma_semaphore, #tpu.memory_space<semaphore_mem>>)
      %dma_wait3A_17 = arith.constant 0 : i32
      %dma_wait3A_18 = tpu.memref_slice %arg5[%mul3A_2, %dma_wait3A_17] : memref<2048x256xf32, #tpu.memory_space<hbm>> -> memref<64x256xf32, #tpu.memory_space<hbm>>
      %dma_wait3A_19 = arith.constant 0 : i32
      %dma_wait3A_20 = tpu.memref_slice %arg5[%mul3A_2, %dma_wait3A_19] : memref<2048x256xf32, #tpu.memory_space<hbm>> -> memref<64x256xf32, #tpu.memory_space<hbm>>
      tpu.wait_dma2 semaphore(%run_scoped3A : memref<!tpu.dma_semaphore, #tpu.memory_space<semaphore_mem>>) src(%arg9 : memref<64x256xf32, #tpu.memory_space<vmem>>) dst(%dma_wait3A_20 : memref<64x256xf32, #tpu.memory_space<hbm>>)
      tpu.yield
    }) : () -> ()
    "tpu.region"() ({
      %run_scoped3A = tpu.sem_alloc : memref<!tpu.dma_semaphore, #tpu.memory_space<semaphore_mem>>
      %dma_start3A_13 = arith.constant 0 : i32
      %dma_start3A_14 = tpu.memref_slice %arg6[%mul3A_2, %dma_start3A_13] : memref<2048x256xf32, #tpu.memory_space<hbm>> -> memref<64x256xf32, #tpu.memory_space<hbm>>
      %dma_start3A_15 = arith.constant 0 : i32
      %dma_start3A_16 = tpu.memref_slice %arg6[%mul3A_2, %dma_start3A_15] : memref<2048x256xf32, #tpu.memory_space<hbm>> -> memref<64x256xf32, #tpu.memory_space<hbm>>
      tpu.enqueue_dma source(%arg10 : memref<64x256xf32, #tpu.memory_space<vmem>>) target(%dma_start3A_16 : memref<64x256xf32, #tpu.memory_space<hbm>>) target_semaphore(%run_scoped3A : memref<!tpu.dma_semaphore, #tpu.memory_space<semaphore_mem>>)
      %dma_wait3A_17 = arith.constant 0 : i32
      %dma_wait3A_18 = tpu.memref_slice %arg6[%mul3A_2, %dma_wait3A_17] : memref<2048x256xf32, #tpu.memory_space<hbm>> -> memref<64x256xf32, #tpu.memory_space<hbm>>
      %dma_wait3A_19 = arith.constant 0 : i32
      %dma_wait3A_20 = tpu.memref_slice %arg6[%mul3A_2, %dma_wait3A_19] : memref<2048x256xf32, #tpu.memory_space<hbm>> -> memref<64x256xf32, #tpu.memory_space<hbm>>
      tpu.wait_dma2 semaphore(%run_scoped3A : memref<!tpu.dma_semaphore, #tpu.memory_space<semaphore_mem>>) src(%arg10 : memref<64x256xf32, #tpu.memory_space<vmem>>) dst(%dma_wait3A_20 : memref<64x256xf32, #tpu.memory_space<hbm>>)
      tpu.yield
    }) : () -> ()
    return
  }
}

#map = affine_map<(d0, d1) -> (0, 0)>
#map1 = affine_map<(d0, d1) -> (0)>
module attributes {stable_mosaic.version = 14 : i64} {
  func.func @k(%arg0: i32, %arg1: i32, %arg2: memref<2048x256xf32, #tpu.memory_space<hbm>>, %arg3: memref<2048xi32, #tpu.memory_space<hbm>>, %arg4: memref<2048xi32, #tpu.memory_space<hbm>>, %arg5: memref<2048x256xf32, #tpu.memory_space<hbm>>, %arg6: memref<2048x256xf32, #tpu.memory_space<hbm>>, %arg7: memref<64xi32, #tpu.memory_space<vmem>>, %arg8: memref<64xi32, #tpu.memory_space<vmem>>, %arg9: memref<64x256xf32, #tpu.memory_space<vmem>>, %arg10: memref<64x256xf32, #tpu.memory_space<vmem>>, %arg11: memref<!tpu.dma_semaphore, #tpu.memory_space<semaphore_mem>>, %arg12: memref<!tpu.dma_semaphore, #tpu.memory_space<semaphore_mem>>) attributes {dimension_semantics = [#tpu.dimension_semantics<core_parallel>, #tpu.dimension_semantics<subcore_parallel>], iteration_bounds = array<i64: 2, 16>, scalar_prefetch = 0 : i64, scratch_operands = 6 : i64, tpu.core_type = #tpu.core_type<sc_vector_subcore>, window_params = [{transform_indices = #map}, {transform_indices = #map1}, {transform_indices = #map1}, {transform_indices = #map}, {transform_indices = #map}]} {
    %mul3A = arith.constant 2 : i32
    %mul3A_0 = arith.muli %arg1, %mul3A : i32
    %add3A = arith.addi %mul3A_0, %arg0 : i32
    %mul3A_1 = arith.constant 64 : i32
    %mul3A_2 = arith.muli %add3A, %mul3A_1 : i32
    "tpu.region"() ({
      %run_scoped3A = tpu.sem_alloc : memref<!tpu.dma_semaphore, #tpu.memory_space<semaphore_mem>>
      %dma_start3A_13 = tpu.memref_slice %arg3[%mul3A_2] : memref<2048xi32, #tpu.memory_space<hbm>> -> memref<64xi32, #tpu.memory_space<hbm>>
      %dma_start3A_14 = tpu.memref_slice %arg3[%mul3A_2] : memref<2048xi32, #tpu.memory_space<hbm>> -> memref<64xi32, #tpu.memory_space<hbm>>
      tpu.enqueue_dma source(%dma_start3A_14 : memref<64xi32, #tpu.memory_space<hbm>>) target(%arg7 : memref<64xi32, #tpu.memory_space<vmem>>) target_semaphore(%run_scoped3A : memref<!tpu.dma_semaphore, #tpu.memory_space<semaphore_mem>>)
      %dma_wait3A_15 = tpu.memref_slice %arg3[%mul3A_2] : memref<2048xi32, #tpu.memory_space<hbm>> -> memref<64xi32, #tpu.memory_space<hbm>>
      %dma_wait3A_16 = tpu.memref_slice %arg3[%mul3A_2] : memref<2048xi32, #tpu.memory_space<hbm>> -> memref<64xi32, #tpu.memory_space<hbm>>
      tpu.wait_dma2 semaphore(%run_scoped3A : memref<!tpu.dma_semaphore, #tpu.memory_space<semaphore_mem>>) src(%dma_wait3A_16 : memref<64xi32, #tpu.memory_space<hbm>>) dst(%arg7 : memref<64xi32, #tpu.memory_space<vmem>>)
      tpu.yield
    }) : () -> ()
    "tpu.region"() ({
      %run_scoped3A = tpu.sem_alloc : memref<!tpu.dma_semaphore, #tpu.memory_space<semaphore_mem>>
      %dma_start3A_13 = tpu.memref_slice %arg4[%mul3A_2] : memref<2048xi32, #tpu.memory_space<hbm>> -> memref<64xi32, #tpu.memory_space<hbm>>
      %dma_start3A_14 = tpu.memref_slice %arg4[%mul3A_2] : memref<2048xi32, #tpu.memory_space<hbm>> -> memref<64xi32, #tpu.memory_space<hbm>>
      tpu.enqueue_dma source(%dma_start3A_14 : memref<64xi32, #tpu.memory_space<hbm>>) target(%arg8 : memref<64xi32, #tpu.memory_space<vmem>>) target_semaphore(%run_scoped3A : memref<!tpu.dma_semaphore, #tpu.memory_space<semaphore_mem>>)
      %dma_wait3A_15 = tpu.memref_slice %arg4[%mul3A_2] : memref<2048xi32, #tpu.memory_space<hbm>> -> memref<64xi32, #tpu.memory_space<hbm>>
      %dma_wait3A_16 = tpu.memref_slice %arg4[%mul3A_2] : memref<2048xi32, #tpu.memory_space<hbm>> -> memref<64xi32, #tpu.memory_space<hbm>>
      tpu.wait_dma2 semaphore(%run_scoped3A : memref<!tpu.dma_semaphore, #tpu.memory_space<semaphore_mem>>) src(%dma_wait3A_16 : memref<64xi32, #tpu.memory_space<hbm>>) dst(%arg8 : memref<64xi32, #tpu.memory_space<vmem>>)
      tpu.yield
    }) : () -> ()
    %dma_start3A = arith.constant 0 : i32
    %dma_start3A_3 = arith.constant 0 : i32
    %dma_start3A_4 = tpu.memref_slice %arg2[%dma_start3A, %dma_start3A_3] : memref<2048x256xf32, #tpu.memory_space<hbm>> -> memref<2048x256xf32, #tpu.memory_space<hbm>>
    tpu.enqueue_indirect_dma source(%dma_start3A_4 : memref<2048x256xf32, #tpu.memory_space<hbm>>) target(%arg9 : memref<64x256xf32, #tpu.memory_space<vmem>>) offsets(%arg7 : memref<64xi32, #tpu.memory_space<vmem>>) semaphore(%arg11 : memref<!tpu.dma_semaphore, #tpu.memory_space<semaphore_mem>>)
    %dma_start3A_5 = arith.constant 0 : i32
    %dma_start3A_6 = arith.constant 0 : i32
    %dma_start3A_7 = tpu.memref_slice %arg2[%dma_start3A_5, %dma_start3A_6] : memref<2048x256xf32, #tpu.memory_space<hbm>> -> memref<2048x256xf32, #tpu.memory_space<hbm>>
    tpu.enqueue_indirect_dma source(%dma_start3A_7 : memref<2048x256xf32, #tpu.memory_space<hbm>>) target(%arg10 : memref<64x256xf32, #tpu.memory_space<vmem>>) offsets(%arg8 : memref<64xi32, #tpu.memory_space<vmem>>) semaphore(%arg12 : memref<!tpu.dma_semaphore, #tpu.memory_space<semaphore_mem>>)
    %dma_wait3A = arith.constant 0 : i32
    %dma_wait3A_8 = arith.constant 0 : i32
    %dma_wait3A_9 = tpu.memref_slice %arg2[%dma_wait3A, %dma_wait3A_8] : memref<2048x256xf32, #tpu.memory_space<hbm>> -> memref<2048x256xf32, #tpu.memory_space<hbm>>
    tpu.wait_indirect_dma semaphore(%arg11 : memref<!tpu.dma_semaphore, #tpu.memory_space<semaphore_mem>>) src(%dma_wait3A_9 : memref<2048x256xf32, #tpu.memory_space<hbm>>) dst(%arg9 : memref<64x256xf32, #tpu.memory_space<vmem>>)
    %dma_wait3A_10 = arith.constant 0 : i32
    %dma_wait3A_11 = arith.constant 0 : i32
    %dma_wait3A_12 = tpu.memref_slice %arg2[%dma_wait3A_10, %dma_wait3A_11] : memref<2048x256xf32, #tpu.memory_space<hbm>> -> memref<2048x256xf32, #tpu.memory_space<hbm>>
    tpu.wait_indirect_dma semaphore(%arg12 : memref<!tpu.dma_semaphore, #tpu.memory_space<semaphore_mem>>) src(%dma_wait3A_12 : memref<2048x256xf32, #tpu.memory_space<hbm>>) dst(%arg10 : memref<64x256xf32, #tpu.memory_space<vmem>>)
    "tpu.region"() ({
      %run_scoped3A = tpu.sem_alloc : memref<!tpu.dma_semaphore, #tpu.memory_space<semaphore_mem>>
      %dma_start3A_13 = arith.constant 0 : i32
      %dma_start3A_14 = tpu.memref_slice %arg5[%mul3A_2, %dma_start3A_13] : memref<2048x256xf32, #tpu.memory_space<hbm>> -> memref<64x256xf32, #tpu.memory_space<hbm>>
      %dma_start3A_15 = arith.constant 0 : i32
      %dma_start3A_16 = tpu.memref_slice %arg5[%mul3A_2, %dma_start3A_15] : memref<2048x256xf32, #tpu.memory_space<hbm>> -> memref<64x256xf32, #tpu.memory_space<hbm>>
      tpu.enqueue_dma source(%arg9 : memref<64x256xf32, #tpu.memory_space<vmem>>) target(%dma_start3A_16 : memref<64x256xf32, #tpu.memory_space<hbm>>) target_semaphore(%run_scoped3A : memref<!tpu.dma_semaphore, #tpu.memory_space<semaphore_mem>>)
      %dma_wait3A_17 = arith.constant 0 : i32
      %dma_wait3A_18 = tpu.memref_slice %arg5[%mul3A_2, %dma_wait3A_17] : memref<2048x256xf32, #tpu.memory_space<hbm>> -> memref<64x256xf32, #tpu.memory_space<hbm>>
      %dma_wait3A_19 = arith.constant 0 : i32
      %dma_wait3A_20 = tpu.memref_slice %arg5[%mul3A_2, %dma_wait3A_19] : memref<2048x256xf32, #tpu.memory_space<hbm>> -> memref<64x256xf32, #tpu.memory_space<hbm>>
      tpu.wait_dma2 semaphore(%run_scoped3A : memref<!tpu.dma_semaphore, #tpu.memory_space<semaphore_mem>>) src(%arg9 : memref<64x256xf32, #tpu.memory_space<vmem>>) dst(%dma_wait3A_20 : memref<64x256xf32, #tpu.memory_space<hbm>>)
      tpu.yield
    }) : () -> ()
    "tpu.region"() ({
      %run_scoped3A = tpu.sem_alloc : memref<!tpu.dma_semaphore, #tpu.memory_space<semaphore_mem>>
      %dma_start3A_13 = arith.constant 0 : i32
      %dma_start3A_14 = tpu.memref_slice %arg6[%mul3A_2, %dma_start3A_13] : memref<2048x256xf32, #tpu.memory_space<hbm>> -> memref<64x256xf32, #tpu.memory_space<hbm>>
      %dma_start3A_15 = arith.constant 0 : i32
      %dma_start3A_16 = tpu.memref_slice %arg6[%mul3A_2, %dma_start3A_15] : memref<2048x256xf32, #tpu.memory_space<hbm>> -> memref<64x256xf32, #tpu.memory_space<hbm>>
      tpu.enqueue_dma source(%arg10 : memref<64x256xf32, #tpu.memory_space<vmem>>) target(%dma_start3A_16 : memref<64x256xf32, #tpu.memory_space<hbm>>) target_semaphore(%run_scoped3A : memref<!tpu.dma_semaphore, #tpu.memory_space<semaphore_mem>>)
      %dma_wait3A_17 = arith.constant 0 : i32
      %dma_wait3A_18 = tpu.memref_slice %arg6[%mul3A_2, %dma_wait3A_17] : memref<2048x256xf32, #tpu.memory_space<hbm>> -> memref<64x256xf32, #tpu.memory_space<hbm>>
      %dma_wait3A_19 = arith.constant 0 : i32
      %dma_wait3A_20 = tpu.memref_slice %arg6[%mul3A_2, %dma_wait3A_19] : memref<2048x256xf32, #tpu.memory_space<hbm>> -> memref<64x256xf32, #tpu.memory_space<hbm>>
      tpu.wait_dma2 semaphore(%run_scoped3A : memref<!tpu.dma_semaphore, #tpu.memory_space<semaphore_mem>>) src(%arg10 : memref<64x256xf32, #tpu.memory_space<vmem>>) dst(%dma_wait3A_20 : memref<64x256xf32, #tpu.memory_space<hbm>>)
      tpu.yield
    }) : () -> ()
    return
  }
}

#map = affine_map<(d0, d1) -> (0, 0)>
#map1 = affine_map<(d0, d1) -> (0)>
module attributes {stable_mosaic.version = 14 : i64} {
  func.func @k(%arg0: i32, %arg1: i32, %arg2: memref<2048x256xf32, #tpu.memory_space<hbm>>, %arg3: memref<2048xi32, #tpu.memory_space<hbm>>, %arg4: memref<2048xi32, #tpu.memory_space<hbm>>, %arg5: memref<2048x256xf32, #tpu.memory_space<hbm>>, %arg6: memref<2048x256xf32, #tpu.memory_space<hbm>>, %arg7: memref<64xi32, #tpu.memory_space<vmem>>, %arg8: memref<64xi32, #tpu.memory_space<vmem>>, %arg9: memref<64x256xf32, #tpu.memory_space<vmem>>, %arg10: memref<64x256xf32, #tpu.memory_space<vmem>>, %arg11: memref<!tpu.dma_semaphore, #tpu.memory_space<semaphore_mem>>, %arg12: memref<!tpu.dma_semaphore, #tpu.memory_space<semaphore_mem>>) attributes {dimension_semantics = [#tpu.dimension_semantics<core_parallel>, #tpu.dimension_semantics<subcore_parallel>], iteration_bounds = array<i64: 2, 16>, scalar_prefetch = 0 : i64, scratch_operands = 6 : i64, tpu.core_type = #tpu.core_type<sc_vector_subcore>, window_params = [{transform_indices = #map}, {transform_indices = #map1}, {transform_indices = #map1}, {transform_indices = #map}, {transform_indices = #map}]} {
    %mul3A = arith.constant 2 : i32
    %mul3A_0 = arith.muli %arg1, %mul3A : i32
    %add3A = arith.addi %mul3A_0, %arg0 : i32
    %mul3A_1 = arith.constant 64 : i32
    %mul3A_2 = arith.muli %add3A, %mul3A_1 : i32
    "tpu.region"() ({
      %run_scoped3A = tpu.sem_alloc : memref<!tpu.dma_semaphore, #tpu.memory_space<semaphore_mem>>
      %dma_start3A_13 = tpu.memref_slice %arg3[%mul3A_2] : memref<2048xi32, #tpu.memory_space<hbm>> -> memref<64xi32, #tpu.memory_space<hbm>>
      %dma_start3A_14 = tpu.memref_slice %arg3[%mul3A_2] : memref<2048xi32, #tpu.memory_space<hbm>> -> memref<64xi32, #tpu.memory_space<hbm>>
      tpu.enqueue_dma source(%dma_start3A_14 : memref<64xi32, #tpu.memory_space<hbm>>) target(%arg7 : memref<64xi32, #tpu.memory_space<vmem>>) target_semaphore(%run_scoped3A : memref<!tpu.dma_semaphore, #tpu.memory_space<semaphore_mem>>)
      %dma_wait3A_15 = tpu.memref_slice %arg3[%mul3A_2] : memref<2048xi32, #tpu.memory_space<hbm>> -> memref<64xi32, #tpu.memory_space<hbm>>
      %dma_wait3A_16 = tpu.memref_slice %arg3[%mul3A_2] : memref<2048xi32, #tpu.memory_space<hbm>> -> memref<64xi32, #tpu.memory_space<hbm>>
      tpu.wait_dma2 semaphore(%run_scoped3A : memref<!tpu.dma_semaphore, #tpu.memory_space<semaphore_mem>>) src(%dma_wait3A_16 : memref<64xi32, #tpu.memory_space<hbm>>) dst(%arg7 : memref<64xi32, #tpu.memory_space<vmem>>)
      tpu.yield
    }) : () -> ()
    "tpu.region"() ({
      %run_scoped3A = tpu.sem_alloc : memref<!tpu.dma_semaphore, #tpu.memory_space<semaphore_mem>>
      %dma_start3A_13 = tpu.memref_slice %arg4[%mul3A_2] : memref<2048xi32, #tpu.memory_space<hbm>> -> memref<64xi32, #tpu.memory_space<hbm>>
      %dma_start3A_14 = tpu.memref_slice %arg4[%mul3A_2] : memref<2048xi32, #tpu.memory_space<hbm>> -> memref<64xi32, #tpu.memory_space<hbm>>
      tpu.enqueue_dma source(%dma_start3A_14 : memref<64xi32, #tpu.memory_space<hbm>>) target(%arg8 : memref<64xi32, #tpu.memory_space<vmem>>) target_semaphore(%run_scoped3A : memref<!tpu.dma_semaphore, #tpu.memory_space<semaphore_mem>>)
      %dma_wait3A_15 = tpu.memref_slice %arg4[%mul3A_2] : memref<2048xi32, #tpu.memory_space<hbm>> -> memref<64xi32, #tpu.memory_space<hbm>>
      %dma_wait3A_16 = tpu.memref_slice %arg4[%mul3A_2] : memref<2048xi32, #tpu.memory_space<hbm>> -> memref<64xi32, #tpu.memory_space<hbm>>
      tpu.wait_dma2 semaphore(%run_scoped3A : memref<!tpu.dma_semaphore, #tpu.memory_space<semaphore_mem>>) src(%dma_wait3A_16 : memref<64xi32, #tpu.memory_space<hbm>>) dst(%arg8 : memref<64xi32, #tpu.memory_space<vmem>>)
      tpu.yield
    }) : () -> ()
    %dma_start3A = arith.constant 0 : i32
    %dma_start3A_3 = arith.constant 0 : i32
    %dma_start3A_4 = tpu.memref_slice %arg2[%dma_start3A, %dma_start3A_3] : memref<2048x256xf32, #tpu.memory_space<hbm>> -> memref<2048x256xf32, #tpu.memory_space<hbm>>
    tpu.enqueue_indirect_dma source(%dma_start3A_4 : memref<2048x256xf32, #tpu.memory_space<hbm>>) target(%arg9 : memref<64x256xf32, #tpu.memory_space<vmem>>) offsets(%arg7 : memref<64xi32, #tpu.memory_space<vmem>>) semaphore(%arg11 : memref<!tpu.dma_semaphore, #tpu.memory_space<semaphore_mem>>)
    %dma_start3A_5 = arith.constant 0 : i32
    %dma_start3A_6 = arith.constant 0 : i32
    %dma_start3A_7 = tpu.memref_slice %arg2[%dma_start3A_5, %dma_start3A_6] : memref<2048x256xf32, #tpu.memory_space<hbm>> -> memref<2048x256xf32, #tpu.memory_space<hbm>>
    tpu.enqueue_indirect_dma source(%dma_start3A_7 : memref<2048x256xf32, #tpu.memory_space<hbm>>) target(%arg10 : memref<64x256xf32, #tpu.memory_space<vmem>>) offsets(%arg8 : memref<64xi32, #tpu.memory_space<vmem>>) semaphore(%arg12 : memref<!tpu.dma_semaphore, #tpu.memory_space<semaphore_mem>>)
    %dma_wait3A = arith.constant 0 : i32
    %dma_wait3A_8 = arith.constant 0 : i32
    %dma_wait3A_9 = tpu.memref_slice %arg2[%dma_wait3A, %dma_wait3A_8] : memref<2048x256xf32, #tpu.memory_space<hbm>> -> memref<2048x256xf32, #tpu.memory_space<hbm>>
    tpu.wait_indirect_dma semaphore(%arg11 : memref<!tpu.dma_semaphore, #tpu.memory_space<semaphore_mem>>) src(%dma_wait3A_9 : memref<2048x256xf32, #tpu.memory_space<hbm>>) dst(%arg9 : memref<64x256xf32, #tpu.memory_space<vmem>>)
    %dma_wait3A_10 = arith.constant 0 : i32
    %dma_wait3A_11 = arith.constant 0 : i32
    %dma_wait3A_12 = tpu.memref_slice %arg2[%dma_wait3A_10, %dma_wait3A_11] : memref<2048x256xf32, #tpu.memory_space<hbm>> -> memref<2048x256xf32, #tpu.memory_space<hbm>>
    tpu.wait_indirect_dma semaphore(%arg12 : memref<!tpu.dma_semaphore, #tpu.memory_space<semaphore_mem>>) src(%dma_wait3A_12 : memref<2048x256xf32, #tpu.memory_space<hbm>>) dst(%arg10 : memref<64x256xf32, #tpu.memory_space<vmem>>)
    "tpu.region"() ({
      %run_scoped3A = tpu.sem_alloc : memref<!tpu.dma_semaphore, #tpu.memory_space<semaphore_mem>>
      %dma_start3A_13 = arith.constant 0 : i32
      %dma_start3A_14 = tpu.memref_slice %arg5[%mul3A_2, %dma_start3A_13] : memref<2048x256xf32, #tpu.memory_space<hbm>> -> memref<64x256xf32, #tpu.memory_space<hbm>>
      %dma_start3A_15 = arith.constant 0 : i32
      %dma_start3A_16 = tpu.memref_slice %arg5[%mul3A_2, %dma_start3A_15] : memref<2048x256xf32, #tpu.memory_space<hbm>> -> memref<64x256xf32, #tpu.memory_space<hbm>>
      tpu.enqueue_dma source(%arg9 : memref<64x256xf32, #tpu.memory_space<vmem>>) target(%dma_start3A_16 : memref<64x256xf32, #tpu.memory_space<hbm>>) target_semaphore(%run_scoped3A : memref<!tpu.dma_semaphore, #tpu.memory_space<semaphore_mem>>)
      %dma_wait3A_17 = arith.constant 0 : i32
      %dma_wait3A_18 = tpu.memref_slice %arg5[%mul3A_2, %dma_wait3A_17] : memref<2048x256xf32, #tpu.memory_space<hbm>> -> memref<64x256xf32, #tpu.memory_space<hbm>>
      %dma_wait3A_19 = arith.constant 0 : i32
      %dma_wait3A_20 = tpu.memref_slice %arg5[%mul3A_2, %dma_wait3A_19] : memref<2048x256xf32, #tpu.memory_space<hbm>> -> memref<64x256xf32, #tpu.memory_space<hbm>>
      tpu.wait_dma2 semaphore(%run_scoped3A : memref<!tpu.dma_semaphore, #tpu.memory_space<semaphore_mem>>) src(%arg9 : memref<64x256xf32, #tpu.memory_space<vmem>>) dst(%dma_wait3A_20 : memref<64x256xf32, #tpu.memory_space<hbm>>)
      tpu.yield
    }) : () -> ()
    "tpu.region"() ({
      %run_scoped3A = tpu.sem_alloc : memref<!tpu.dma_semaphore, #tpu.memory_space<semaphore_mem>>
      %dma_start3A_13 = arith.constant 0 : i32
      %dma_start3A_14 = tpu.memref_slice %arg6[%mul3A_2, %dma_start3A_13] : memref<2048x256xf32, #tpu.memory_space<hbm>> -> memref<64x256xf32, #tpu.memory_space<hbm>>
      %dma_start3A_15 = arith.constant 0 : i32
      %dma_start3A_16 = tpu.memref_slice %arg6[%mul3A_2, %dma_start3A_15] : memref<2048x256xf32, #tpu.memory_space<hbm>> -> memref<64x256xf32, #tpu.memory_space<hbm>>
      tpu.enqueue_dma source(%arg10 : memref<64x256xf32, #tpu.memory_space<vmem>>) target(%dma_start3A_16 : memref<64x256xf32, #tpu.memory_space<hbm>>) target_semaphore(%run_scoped3A : memref<!tpu.dma_semaphore, #tpu.memory_space<semaphore_mem>>)
      %dma_wait3A_17 = arith.constant 0 : i32
      %dma_wait3A_18 = tpu.memref_slice %arg6[%mul3A_2, %dma_wait3A_17] : memref<2048x256xf32, #tpu.memory_space<hbm>> -> memref<64x256xf32, #tpu.memory_space<hbm>>
      %dma_wait3A_19 = arith.constant 0 : i32
      %dma_wait3A_20 = tpu.memref_slice %arg6[%mul3A_2, %dma_wait3A_19] : memref<2048x256xf32, #tpu.memory_space<hbm>> -> memref<64x256xf32, #tpu.memory_space<hbm>>
      tpu.wait_dma2 semaphore(%run_scoped3A : memref<!tpu.dma_semaphore, #tpu.memory_space<semaphore_mem>>) src(%arg10 : memref<64x256xf32, #tpu.memory_space<vmem>>) dst(%dma_wait3A_20 : memref<64x256xf32, #tpu.memory_space<hbm>>)
      tpu.yield
    }) : () -> ()
    return
  }
}

#map = affine_map<(d0, d1) -> (0, 0)>
#map1 = affine_map<(d0, d1) -> (0)>
module attributes {stable_mosaic.version = 14 : i64} {
  func.func @k(%arg0: i32, %arg1: i32, %arg2: memref<2048x256xf32, #tpu.memory_space<hbm>>, %arg3: memref<2048xi32, #tpu.memory_space<hbm>>, %arg4: memref<2048xi32, #tpu.memory_space<hbm>>, %arg5: memref<2048x256xf32, #tpu.memory_space<hbm>>, %arg6: memref<2048x256xf32, #tpu.memory_space<hbm>>, %arg7: memref<64xi32, #tpu.memory_space<vmem>>, %arg8: memref<64xi32, #tpu.memory_space<vmem>>, %arg9: memref<64x256xf32, #tpu.memory_space<vmem>>, %arg10: memref<64x256xf32, #tpu.memory_space<vmem>>, %arg11: memref<!tpu.dma_semaphore, #tpu.memory_space<semaphore_mem>>, %arg12: memref<!tpu.dma_semaphore, #tpu.memory_space<semaphore_mem>>) attributes {dimension_semantics = [#tpu.dimension_semantics<core_parallel>, #tpu.dimension_semantics<subcore_parallel>], iteration_bounds = array<i64: 2, 16>, scalar_prefetch = 0 : i64, scratch_operands = 6 : i64, tpu.core_type = #tpu.core_type<sc_vector_subcore>, window_params = [{transform_indices = #map}, {transform_indices = #map1}, {transform_indices = #map1}, {transform_indices = #map}, {transform_indices = #map}]} {
    %mul3A = arith.constant 2 : i32
    %mul3A_0 = arith.muli %arg1, %mul3A : i32
    %add3A = arith.addi %mul3A_0, %arg0 : i32
    %mul3A_1 = arith.constant 64 : i32
    %mul3A_2 = arith.muli %add3A, %mul3A_1 : i32
    "tpu.region"() ({
      %run_scoped3A = tpu.sem_alloc : memref<!tpu.dma_semaphore, #tpu.memory_space<semaphore_mem>>
      %dma_start3A_13 = tpu.memref_slice %arg3[%mul3A_2] : memref<2048xi32, #tpu.memory_space<hbm>> -> memref<64xi32, #tpu.memory_space<hbm>>
      %dma_start3A_14 = tpu.memref_slice %arg3[%mul3A_2] : memref<2048xi32, #tpu.memory_space<hbm>> -> memref<64xi32, #tpu.memory_space<hbm>>
      tpu.enqueue_dma source(%dma_start3A_14 : memref<64xi32, #tpu.memory_space<hbm>>) target(%arg7 : memref<64xi32, #tpu.memory_space<vmem>>) target_semaphore(%run_scoped3A : memref<!tpu.dma_semaphore, #tpu.memory_space<semaphore_mem>>)
      %dma_wait3A_15 = tpu.memref_slice %arg3[%mul3A_2] : memref<2048xi32, #tpu.memory_space<hbm>> -> memref<64xi32, #tpu.memory_space<hbm>>
      %dma_wait3A_16 = tpu.memref_slice %arg3[%mul3A_2] : memref<2048xi32, #tpu.memory_space<hbm>> -> memref<64xi32, #tpu.memory_space<hbm>>
      tpu.wait_dma2 semaphore(%run_scoped3A : memref<!tpu.dma_semaphore, #tpu.memory_space<semaphore_mem>>) src(%dma_wait3A_16 : memref<64xi32, #tpu.memory_space<hbm>>) dst(%arg7 : memref<64xi32, #tpu.memory_space<vmem>>)
      tpu.yield
    }) : () -> ()
    "tpu.region"() ({
      %run_scoped3A = tpu.sem_alloc : memref<!tpu.dma_semaphore, #tpu.memory_space<semaphore_mem>>
      %dma_start3A_13 = tpu.memref_slice %arg4[%mul3A_2] : memref<2048xi32, #tpu.memory_space<hbm>> -> memref<64xi32, #tpu.memory_space<hbm>>
      %dma_start3A_14 = tpu.memref_slice %arg4[%mul3A_2] : memref<2048xi32, #tpu.memory_space<hbm>> -> memref<64xi32, #tpu.memory_space<hbm>>
      tpu.enqueue_dma source(%dma_start3A_14 : memref<64xi32, #tpu.memory_space<hbm>>) target(%arg8 : memref<64xi32, #tpu.memory_space<vmem>>) target_semaphore(%run_scoped3A : memref<!tpu.dma_semaphore, #tpu.memory_space<semaphore_mem>>)
      %dma_wait3A_15 = tpu.memref_slice %arg4[%mul3A_2] : memref<2048xi32, #tpu.memory_space<hbm>> -> memref<64xi32, #tpu.memory_space<hbm>>
      %dma_wait3A_16 = tpu.memref_slice %arg4[%mul3A_2] : memref<2048xi32, #tpu.memory_space<hbm>> -> memref<64xi32, #tpu.memory_space<hbm>>
      tpu.wait_dma2 semaphore(%run_scoped3A : memref<!tpu.dma_semaphore, #tpu.memory_space<semaphore_mem>>) src(%dma_wait3A_16 : memref<64xi32, #tpu.memory_space<hbm>>) dst(%arg8 : memref<64xi32, #tpu.memory_space<vmem>>)
      tpu.yield
    }) : () -> ()
    %dma_start3A = arith.constant 0 : i32
    %dma_start3A_3 = arith.constant 0 : i32
    %dma_start3A_4 = tpu.memref_slice %arg2[%dma_start3A, %dma_start3A_3] : memref<2048x256xf32, #tpu.memory_space<hbm>> -> memref<2048x256xf32, #tpu.memory_space<hbm>>
    tpu.enqueue_indirect_dma source(%dma_start3A_4 : memref<2048x256xf32, #tpu.memory_space<hbm>>) target(%arg9 : memref<64x256xf32, #tpu.memory_space<vmem>>) offsets(%arg7 : memref<64xi32, #tpu.memory_space<vmem>>) semaphore(%arg11 : memref<!tpu.dma_semaphore, #tpu.memory_space<semaphore_mem>>)
    %dma_start3A_5 = arith.constant 0 : i32
    %dma_start3A_6 = arith.constant 0 : i32
    %dma_start3A_7 = tpu.memref_slice %arg2[%dma_start3A_5, %dma_start3A_6] : memref<2048x256xf32, #tpu.memory_space<hbm>> -> memref<2048x256xf32, #tpu.memory_space<hbm>>
    tpu.enqueue_indirect_dma source(%dma_start3A_7 : memref<2048x256xf32, #tpu.memory_space<hbm>>) target(%arg10 : memref<64x256xf32, #tpu.memory_space<vmem>>) offsets(%arg8 : memref<64xi32, #tpu.memory_space<vmem>>) semaphore(%arg12 : memref<!tpu.dma_semaphore, #tpu.memory_space<semaphore_mem>>)
    %dma_wait3A = arith.constant 0 : i32
    %dma_wait3A_8 = arith.constant 0 : i32
    %dma_wait3A_9 = tpu.memref_slice %arg2[%dma_wait3A, %dma_wait3A_8] : memref<2048x256xf32, #tpu.memory_space<hbm>> -> memref<2048x256xf32, #tpu.memory_space<hbm>>
    tpu.wait_indirect_dma semaphore(%arg11 : memref<!tpu.dma_semaphore, #tpu.memory_space<semaphore_mem>>) src(%dma_wait3A_9 : memref<2048x256xf32, #tpu.memory_space<hbm>>) dst(%arg9 : memref<64x256xf32, #tpu.memory_space<vmem>>)
    %dma_wait3A_10 = arith.constant 0 : i32
    %dma_wait3A_11 = arith.constant 0 : i32
    %dma_wait3A_12 = tpu.memref_slice %arg2[%dma_wait3A_10, %dma_wait3A_11] : memref<2048x256xf32, #tpu.memory_space<hbm>> -> memref<2048x256xf32, #tpu.memory_space<hbm>>
    tpu.wait_indirect_dma semaphore(%arg12 : memref<!tpu.dma_semaphore, #tpu.memory_space<semaphore_mem>>) src(%dma_wait3A_12 : memref<2048x256xf32, #tpu.memory_space<hbm>>) dst(%arg10 : memref<64x256xf32, #tpu.memory_space<vmem>>)
    "tpu.region"() ({
      %run_scoped3A = tpu.sem_alloc : memref<!tpu.dma_semaphore, #tpu.memory_space<semaphore_mem>>
      %dma_start3A_13 = arith.constant 0 : i32
      %dma_start3A_14 = tpu.memref_slice %arg5[%mul3A_2, %dma_start3A_13] : memref<2048x256xf32, #tpu.memory_space<hbm>> -> memref<64x256xf32, #tpu.memory_space<hbm>>
      %dma_start3A_15 = arith.constant 0 : i32
      %dma_start3A_16 = tpu.memref_slice %arg5[%mul3A_2, %dma_start3A_15] : memref<2048x256xf32, #tpu.memory_space<hbm>> -> memref<64x256xf32, #tpu.memory_space<hbm>>
      tpu.enqueue_dma source(%arg9 : memref<64x256xf32, #tpu.memory_space<vmem>>) target(%dma_start3A_16 : memref<64x256xf32, #tpu.memory_space<hbm>>) target_semaphore(%run_scoped3A : memref<!tpu.dma_semaphore, #tpu.memory_space<semaphore_mem>>)
      %dma_wait3A_17 = arith.constant 0 : i32
      %dma_wait3A_18 = tpu.memref_slice %arg5[%mul3A_2, %dma_wait3A_17] : memref<2048x256xf32, #tpu.memory_space<hbm>> -> memref<64x256xf32, #tpu.memory_space<hbm>>
      %dma_wait3A_19 = arith.constant 0 : i32
      %dma_wait3A_20 = tpu.memref_slice %arg5[%mul3A_2, %dma_wait3A_19] : memref<2048x256xf32, #tpu.memory_space<hbm>> -> memref<64x256xf32, #tpu.memory_space<hbm>>
      tpu.wait_dma2 semaphore(%run_scoped3A : memref<!tpu.dma_semaphore, #tpu.memory_space<semaphore_mem>>) src(%arg9 : memref<64x256xf32, #tpu.memory_space<vmem>>) dst(%dma_wait3A_20 : memref<64x256xf32, #tpu.memory_space<hbm>>)
      tpu.yield
    }) : () -> ()
    "tpu.region"() ({
      %run_scoped3A = tpu.sem_alloc : memref<!tpu.dma_semaphore, #tpu.memory_space<semaphore_mem>>
      %dma_start3A_13 = arith.constant 0 : i32
      %dma_start3A_14 = tpu.memref_slice %arg6[%mul3A_2, %dma_start3A_13] : memref<2048x256xf32, #tpu.memory_space<hbm>> -> memref<64x256xf32, #tpu.memory_space<hbm>>
      %dma_start3A_15 = arith.constant 0 : i32
      %dma_start3A_16 = tpu.memref_slice %arg6[%mul3A_2, %dma_start3A_15] : memref<2048x256xf32, #tpu.memory_space<hbm>> -> memref<64x256xf32, #tpu.memory_space<hbm>>
      tpu.enqueue_dma source(%arg10 : memref<64x256xf32, #tpu.memory_space<vmem>>) target(%dma_start3A_16 : memref<64x256xf32, #tpu.memory_space<hbm>>) target_semaphore(%run_scoped3A : memref<!tpu.dma_semaphore, #tpu.memory_space<semaphore_mem>>)
      %dma_wait3A_17 = arith.constant 0 : i32
      %dma_wait3A_18 = tpu.memref_slice %arg6[%mul3A_2, %dma_wait3A_17] : memref<2048x256xf32, #tpu.memory_space<hbm>> -> memref<64x256xf32, #tpu.memory_space<hbm>>
      %dma_wait3A_19 = arith.constant 0 : i32
      %dma_wait3A_20 = tpu.memref_slice %arg6[%mul3A_2, %dma_wait3A_19] : memref<2048x256xf32, #tpu.memory_space<hbm>> -> memref<64x256xf32, #tpu.memory_space<hbm>>
      tpu.wait_dma2 semaphore(%run_scoped3A : memref<!tpu.dma_semaphore, #tpu.memory_space<semaphore_mem>>) src(%arg10 : memref<64x256xf32, #tpu.memory_space<vmem>>) dst(%dma_wait3A_20 : memref<64x256xf32, #tpu.memory_space<hbm>>)
      tpu.yield
    }) : () -> ()
    return
  }
}

#map = affine_map<(d0, d1) -> (0, 0)>
#map1 = affine_map<(d0, d1) -> (0)>
module attributes {stable_mosaic.version = 14 : i64} {
  func.func @k(%arg0: i32, %arg1: i32, %arg2: memref<2048x256xf32, #tpu.memory_space<hbm>>, %arg3: memref<2048xi32, #tpu.memory_space<hbm>>, %arg4: memref<2048xi32, #tpu.memory_space<hbm>>, %arg5: memref<2048x256xf32, #tpu.memory_space<hbm>>, %arg6: memref<2048x256xf32, #tpu.memory_space<hbm>>, %arg7: memref<64xi32, #tpu.memory_space<vmem>>, %arg8: memref<64xi32, #tpu.memory_space<vmem>>, %arg9: memref<64x256xf32, #tpu.memory_space<vmem>>, %arg10: memref<64x256xf32, #tpu.memory_space<vmem>>, %arg11: memref<!tpu.dma_semaphore, #tpu.memory_space<semaphore_mem>>, %arg12: memref<!tpu.dma_semaphore, #tpu.memory_space<semaphore_mem>>) attributes {dimension_semantics = [#tpu.dimension_semantics<core_parallel>, #tpu.dimension_semantics<subcore_parallel>], iteration_bounds = array<i64: 2, 16>, scalar_prefetch = 0 : i64, scratch_operands = 6 : i64, tpu.core_type = #tpu.core_type<sc_vector_subcore>, window_params = [{transform_indices = #map}, {transform_indices = #map1}, {transform_indices = #map1}, {transform_indices = #map}, {transform_indices = #map}]} {
    %mul3A = arith.constant 2 : i32
    %mul3A_0 = arith.muli %arg1, %mul3A : i32
    %add3A = arith.addi %mul3A_0, %arg0 : i32
    %mul3A_1 = arith.constant 64 : i32
    %mul3A_2 = arith.muli %add3A, %mul3A_1 : i32
    "tpu.region"() ({
      %run_scoped3A = tpu.sem_alloc : memref<!tpu.dma_semaphore, #tpu.memory_space<semaphore_mem>>
      %dma_start3A_13 = tpu.memref_slice %arg3[%mul3A_2] : memref<2048xi32, #tpu.memory_space<hbm>> -> memref<64xi32, #tpu.memory_space<hbm>>
      %dma_start3A_14 = tpu.memref_slice %arg3[%mul3A_2] : memref<2048xi32, #tpu.memory_space<hbm>> -> memref<64xi32, #tpu.memory_space<hbm>>
      tpu.enqueue_dma source(%dma_start3A_14 : memref<64xi32, #tpu.memory_space<hbm>>) target(%arg7 : memref<64xi32, #tpu.memory_space<vmem>>) target_semaphore(%run_scoped3A : memref<!tpu.dma_semaphore, #tpu.memory_space<semaphore_mem>>)
      %dma_wait3A_15 = tpu.memref_slice %arg3[%mul3A_2] : memref<2048xi32, #tpu.memory_space<hbm>> -> memref<64xi32, #tpu.memory_space<hbm>>
      %dma_wait3A_16 = tpu.memref_slice %arg3[%mul3A_2] : memref<2048xi32, #tpu.memory_space<hbm>> -> memref<64xi32, #tpu.memory_space<hbm>>
      tpu.wait_dma2 semaphore(%run_scoped3A : memref<!tpu.dma_semaphore, #tpu.memory_space<semaphore_mem>>) src(%dma_wait3A_16 : memref<64xi32, #tpu.memory_space<hbm>>) dst(%arg7 : memref<64xi32, #tpu.memory_space<vmem>>)
      tpu.yield
    }) : () -> ()
    "tpu.region"() ({
      %run_scoped3A = tpu.sem_alloc : memref<!tpu.dma_semaphore, #tpu.memory_space<semaphore_mem>>
      %dma_start3A_13 = tpu.memref_slice %arg4[%mul3A_2] : memref<2048xi32, #tpu.memory_space<hbm>> -> memref<64xi32, #tpu.memory_space<hbm>>
      %dma_start3A_14 = tpu.memref_slice %arg4[%mul3A_2] : memref<2048xi32, #tpu.memory_space<hbm>> -> memref<64xi32, #tpu.memory_space<hbm>>
      tpu.enqueue_dma source(%dma_start3A_14 : memref<64xi32, #tpu.memory_space<hbm>>) target(%arg8 : memref<64xi32, #tpu.memory_space<vmem>>) target_semaphore(%run_scoped3A : memref<!tpu.dma_semaphore, #tpu.memory_space<semaphore_mem>>)
      %dma_wait3A_15 = tpu.memref_slice %arg4[%mul3A_2] : memref<2048xi32, #tpu.memory_space<hbm>> -> memref<64xi32, #tpu.memory_space<hbm>>
      %dma_wait3A_16 = tpu.memref_slice %arg4[%mul3A_2] : memref<2048xi32, #tpu.memory_space<hbm>> -> memref<64xi32, #tpu.memory_space<hbm>>
      tpu.wait_dma2 semaphore(%run_scoped3A : memref<!tpu.dma_semaphore, #tpu.memory_space<semaphore_mem>>) src(%dma_wait3A_16 : memref<64xi32, #tpu.memory_space<hbm>>) dst(%arg8 : memref<64xi32, #tpu.memory_space<vmem>>)
      tpu.yield
    }) : () -> ()
    %dma_start3A = arith.constant 0 : i32
    %dma_start3A_3 = arith.constant 0 : i32
    %dma_start3A_4 = tpu.memref_slice %arg2[%dma_start3A, %dma_start3A_3] : memref<2048x256xf32, #tpu.memory_space<hbm>> -> memref<2048x256xf32, #tpu.memory_space<hbm>>
    tpu.enqueue_indirect_dma source(%dma_start3A_4 : memref<2048x256xf32, #tpu.memory_space<hbm>>) target(%arg9 : memref<64x256xf32, #tpu.memory_space<vmem>>) offsets(%arg7 : memref<64xi32, #tpu.memory_space<vmem>>) semaphore(%arg11 : memref<!tpu.dma_semaphore, #tpu.memory_space<semaphore_mem>>)
    %dma_start3A_5 = arith.constant 0 : i32
    %dma_start3A_6 = arith.constant 0 : i32
    %dma_start3A_7 = tpu.memref_slice %arg2[%dma_start3A_5, %dma_start3A_6] : memref<2048x256xf32, #tpu.memory_space<hbm>> -> memref<2048x256xf32, #tpu.memory_space<hbm>>
    tpu.enqueue_indirect_dma source(%dma_start3A_7 : memref<2048x256xf32, #tpu.memory_space<hbm>>) target(%arg10 : memref<64x256xf32, #tpu.memory_space<vmem>>) offsets(%arg8 : memref<64xi32, #tpu.memory_space<vmem>>) semaphore(%arg12 : memref<!tpu.dma_semaphore, #tpu.memory_space<semaphore_mem>>)
    %dma_wait3A = arith.constant 0 : i32
    %dma_wait3A_8 = arith.constant 0 : i32
    %dma_wait3A_9 = tpu.memref_slice %arg2[%dma_wait3A, %dma_wait3A_8] : memref<2048x256xf32, #tpu.memory_space<hbm>> -> memref<2048x256xf32, #tpu.memory_space<hbm>>
    tpu.wait_indirect_dma semaphore(%arg11 : memref<!tpu.dma_semaphore, #tpu.memory_space<semaphore_mem>>) src(%dma_wait3A_9 : memref<2048x256xf32, #tpu.memory_space<hbm>>) dst(%arg9 : memref<64x256xf32, #tpu.memory_space<vmem>>)
    %dma_wait3A_10 = arith.constant 0 : i32
    %dma_wait3A_11 = arith.constant 0 : i32
    %dma_wait3A_12 = tpu.memref_slice %arg2[%dma_wait3A_10, %dma_wait3A_11] : memref<2048x256xf32, #tpu.memory_space<hbm>> -> memref<2048x256xf32, #tpu.memory_space<hbm>>
    tpu.wait_indirect_dma semaphore(%arg12 : memref<!tpu.dma_semaphore, #tpu.memory_space<semaphore_mem>>) src(%dma_wait3A_12 : memref<2048x256xf32, #tpu.memory_space<hbm>>) dst(%arg10 : memref<64x256xf32, #tpu.memory_space<vmem>>)
    "tpu.region"() ({
      %run_scoped3A = tpu.sem_alloc : memref<!tpu.dma_semaphore, #tpu.memory_space<semaphore_mem>>
      %dma_start3A_13 = arith.constant 0 : i32
      %dma_start3A_14 = tpu.memref_slice %arg5[%mul3A_2, %dma_start3A_13] : memref<2048x256xf32, #tpu.memory_space<hbm>> -> memref<64x256xf32, #tpu.memory_space<hbm>>
      %dma_start3A_15 = arith.constant 0 : i32
      %dma_start3A_16 = tpu.memref_slice %arg5[%mul3A_2, %dma_start3A_15] : memref<2048x256xf32, #tpu.memory_space<hbm>> -> memref<64x256xf32, #tpu.memory_space<hbm>>
      tpu.enqueue_dma source(%arg9 : memref<64x256xf32, #tpu.memory_space<vmem>>) target(%dma_start3A_16 : memref<64x256xf32, #tpu.memory_space<hbm>>) target_semaphore(%run_scoped3A : memref<!tpu.dma_semaphore, #tpu.memory_space<semaphore_mem>>)
      %dma_wait3A_17 = arith.constant 0 : i32
      %dma_wait3A_18 = tpu.memref_slice %arg5[%mul3A_2, %dma_wait3A_17] : memref<2048x256xf32, #tpu.memory_space<hbm>> -> memref<64x256xf32, #tpu.memory_space<hbm>>
      %dma_wait3A_19 = arith.constant 0 : i32
      %dma_wait3A_20 = tpu.memref_slice %arg5[%mul3A_2, %dma_wait3A_19] : memref<2048x256xf32, #tpu.memory_space<hbm>> -> memref<64x256xf32, #tpu.memory_space<hbm>>
      tpu.wait_dma2 semaphore(%run_scoped3A : memref<!tpu.dma_semaphore, #tpu.memory_space<semaphore_mem>>) src(%arg9 : memref<64x256xf32, #tpu.memory_space<vmem>>) dst(%dma_wait3A_20 : memref<64x256xf32, #tpu.memory_space<hbm>>)
      tpu.yield
    }) : () -> ()
    "tpu.region"() ({
      %run_scoped3A = tpu.sem_alloc : memref<!tpu.dma_semaphore, #tpu.memory_space<semaphore_mem>>
      %dma_start3A_13 = arith.constant 0 : i32
      %dma_start3A_14 = tpu.memref_slice %arg6[%mul3A_2, %dma_start3A_13] : memref<2048x256xf32, #tpu.memory_space<hbm>> -> memref<64x256xf32, #tpu.memory_space<hbm>>
      %dma_start3A_15 = arith.constant 0 : i32
      %dma_start3A_16 = tpu.memref_slice %arg6[%mul3A_2, %dma_start3A_15] : memref<2048x256xf32, #tpu.memory_space<hbm>> -> memref<64x256xf32, #tpu.memory_space<hbm>>
      tpu.enqueue_dma source(%arg10 : memref<64x256xf32, #tpu.memory_space<vmem>>) target(%dma_start3A_16 : memref<64x256xf32, #tpu.memory_space<hbm>>) target_semaphore(%run_scoped3A : memref<!tpu.dma_semaphore, #tpu.memory_space<semaphore_mem>>)
      %dma_wait3A_17 = arith.constant 0 : i32
      %dma_wait3A_18 = tpu.memref_slice %arg6[%mul3A_2, %dma_wait3A_17] : memref<2048x256xf32, #tpu.memory_space<hbm>> -> memref<64x256xf32, #tpu.memory_space<hbm>>
      %dma_wait3A_19 = arith.constant 0 : i32
      %dma_wait3A_20 = tpu.memref_slice %arg6[%mul3A_2, %dma_wait3A_19] : memref<2048x256xf32, #tpu.memory_space<hbm>> -> memref<64x256xf32, #tpu.memory_space<hbm>>
      tpu.wait_dma2 semaphore(%run_scoped3A : memref<!tpu.dma_semaphore, #tpu.memory_space<semaphore_mem>>) src(%arg10 : memref<64x256xf32, #tpu.memory_space<vmem>>) dst(%dma_wait3A_20 : memref<64x256xf32, #tpu.memory_space<hbm>>)
      tpu.yield
    }) : () -> ()
    return
  }
}

#map = affine_map<(d0, d1) -> (0, 0)>
#map1 = affine_map<(d0, d1) -> (0)>
module attributes {stable_mosaic.version = 14 : i64} {
  func.func @k(%arg0: i32, %arg1: i32, %arg2: memref<2048x256xf32, #tpu.memory_space<hbm>>, %arg3: memref<2048xi32, #tpu.memory_space<hbm>>, %arg4: memref<2048xi32, #tpu.memory_space<hbm>>, %arg5: memref<2048x256xf32, #tpu.memory_space<hbm>>, %arg6: memref<2048x256xf32, #tpu.memory_space<hbm>>, %arg7: memref<64xi32, #tpu.memory_space<vmem>>, %arg8: memref<64xi32, #tpu.memory_space<vmem>>, %arg9: memref<64x256xf32, #tpu.memory_space<vmem>>, %arg10: memref<64x256xf32, #tpu.memory_space<vmem>>, %arg11: memref<!tpu.dma_semaphore, #tpu.memory_space<semaphore_mem>>, %arg12: memref<!tpu.dma_semaphore, #tpu.memory_space<semaphore_mem>>) attributes {dimension_semantics = [#tpu.dimension_semantics<core_parallel>, #tpu.dimension_semantics<subcore_parallel>], iteration_bounds = array<i64: 2, 16>, scalar_prefetch = 0 : i64, scratch_operands = 6 : i64, tpu.core_type = #tpu.core_type<sc_vector_subcore>, window_params = [{transform_indices = #map}, {transform_indices = #map1}, {transform_indices = #map1}, {transform_indices = #map}, {transform_indices = #map}]} {
    %mul3A = arith.constant 2 : i32
    %mul3A_0 = arith.muli %arg1, %mul3A : i32
    %add3A = arith.addi %mul3A_0, %arg0 : i32
    %mul3A_1 = arith.constant 64 : i32
    %mul3A_2 = arith.muli %add3A, %mul3A_1 : i32
    "tpu.region"() ({
      %run_scoped3A = tpu.sem_alloc : memref<!tpu.dma_semaphore, #tpu.memory_space<semaphore_mem>>
      %dma_start3A_13 = tpu.memref_slice %arg3[%mul3A_2] : memref<2048xi32, #tpu.memory_space<hbm>> -> memref<64xi32, #tpu.memory_space<hbm>>
      %dma_start3A_14 = tpu.memref_slice %arg3[%mul3A_2] : memref<2048xi32, #tpu.memory_space<hbm>> -> memref<64xi32, #tpu.memory_space<hbm>>
      tpu.enqueue_dma source(%dma_start3A_14 : memref<64xi32, #tpu.memory_space<hbm>>) target(%arg7 : memref<64xi32, #tpu.memory_space<vmem>>) target_semaphore(%run_scoped3A : memref<!tpu.dma_semaphore, #tpu.memory_space<semaphore_mem>>)
      %dma_wait3A_15 = tpu.memref_slice %arg3[%mul3A_2] : memref<2048xi32, #tpu.memory_space<hbm>> -> memref<64xi32, #tpu.memory_space<hbm>>
      %dma_wait3A_16 = tpu.memref_slice %arg3[%mul3A_2] : memref<2048xi32, #tpu.memory_space<hbm>> -> memref<64xi32, #tpu.memory_space<hbm>>
      tpu.wait_dma2 semaphore(%run_scoped3A : memref<!tpu.dma_semaphore, #tpu.memory_space<semaphore_mem>>) src(%dma_wait3A_16 : memref<64xi32, #tpu.memory_space<hbm>>) dst(%arg7 : memref<64xi32, #tpu.memory_space<vmem>>)
      tpu.yield
    }) : () -> ()
    "tpu.region"() ({
      %run_scoped3A = tpu.sem_alloc : memref<!tpu.dma_semaphore, #tpu.memory_space<semaphore_mem>>
      %dma_start3A_13 = tpu.memref_slice %arg4[%mul3A_2] : memref<2048xi32, #tpu.memory_space<hbm>> -> memref<64xi32, #tpu.memory_space<hbm>>
      %dma_start3A_14 = tpu.memref_slice %arg4[%mul3A_2] : memref<2048xi32, #tpu.memory_space<hbm>> -> memref<64xi32, #tpu.memory_space<hbm>>
      tpu.enqueue_dma source(%dma_start3A_14 : memref<64xi32, #tpu.memory_space<hbm>>) target(%arg8 : memref<64xi32, #tpu.memory_space<vmem>>) target_semaphore(%run_scoped3A : memref<!tpu.dma_semaphore, #tpu.memory_space<semaphore_mem>>)
      %dma_wait3A_15 = tpu.memref_slice %arg4[%mul3A_2] : memref<2048xi32, #tpu.memory_space<hbm>> -> memref<64xi32, #tpu.memory_space<hbm>>
      %dma_wait3A_16 = tpu.memref_slice %arg4[%mul3A_2] : memref<2048xi32, #tpu.memory_space<hbm>> -> memref<64xi32, #tpu.memory_space<hbm>>
      tpu.wait_dma2 semaphore(%run_scoped3A : memref<!tpu.dma_semaphore, #tpu.memory_space<semaphore_mem>>) src(%dma_wait3A_16 : memref<64xi32, #tpu.memory_space<hbm>>) dst(%arg8 : memref<64xi32, #tpu.memory_space<vmem>>)
      tpu.yield
    }) : () -> ()
    %dma_start3A = arith.constant 0 : i32
    %dma_start3A_3 = arith.constant 0 : i32
    %dma_start3A_4 = tpu.memref_slice %arg2[%dma_start3A, %dma_start3A_3] : memref<2048x256xf32, #tpu.memory_space<hbm>> -> memref<2048x256xf32, #tpu.memory_space<hbm>>
    tpu.enqueue_indirect_dma source(%dma_start3A_4 : memref<2048x256xf32, #tpu.memory_space<hbm>>) target(%arg9 : memref<64x256xf32, #tpu.memory_space<vmem>>) offsets(%arg7 : memref<64xi32, #tpu.memory_space<vmem>>) semaphore(%arg11 : memref<!tpu.dma_semaphore, #tpu.memory_space<semaphore_mem>>)
    %dma_start3A_5 = arith.constant 0 : i32
    %dma_start3A_6 = arith.constant 0 : i32
    %dma_start3A_7 = tpu.memref_slice %arg2[%dma_start3A_5, %dma_start3A_6] : memref<2048x256xf32, #tpu.memory_space<hbm>> -> memref<2048x256xf32, #tpu.memory_space<hbm>>
    tpu.enqueue_indirect_dma source(%dma_start3A_7 : memref<2048x256xf32, #tpu.memory_space<hbm>>) target(%arg10 : memref<64x256xf32, #tpu.memory_space<vmem>>) offsets(%arg8 : memref<64xi32, #tpu.memory_space<vmem>>) semaphore(%arg12 : memref<!tpu.dma_semaphore, #tpu.memory_space<semaphore_mem>>)
    %dma_wait3A = arith.constant 0 : i32
    %dma_wait3A_8 = arith.constant 0 : i32
    %dma_wait3A_9 = tpu.memref_slice %arg2[%dma_wait3A, %dma_wait3A_8] : memref<2048x256xf32, #tpu.memory_space<hbm>> -> memref<2048x256xf32, #tpu.memory_space<hbm>>
    tpu.wait_indirect_dma semaphore(%arg11 : memref<!tpu.dma_semaphore, #tpu.memory_space<semaphore_mem>>) src(%dma_wait3A_9 : memref<2048x256xf32, #tpu.memory_space<hbm>>) dst(%arg9 : memref<64x256xf32, #tpu.memory_space<vmem>>)
    %dma_wait3A_10 = arith.constant 0 : i32
    %dma_wait3A_11 = arith.constant 0 : i32
    %dma_wait3A_12 = tpu.memref_slice %arg2[%dma_wait3A_10, %dma_wait3A_11] : memref<2048x256xf32, #tpu.memory_space<hbm>> -> memref<2048x256xf32, #tpu.memory_space<hbm>>
    tpu.wait_indirect_dma semaphore(%arg12 : memref<!tpu.dma_semaphore, #tpu.memory_space<semaphore_mem>>) src(%dma_wait3A_12 : memref<2048x256xf32, #tpu.memory_space<hbm>>) dst(%arg10 : memref<64x256xf32, #tpu.memory_space<vmem>>)
    "tpu.region"() ({
      %run_scoped3A = tpu.sem_alloc : memref<!tpu.dma_semaphore, #tpu.memory_space<semaphore_mem>>
      %dma_start3A_13 = arith.constant 0 : i32
      %dma_start3A_14 = tpu.memref_slice %arg5[%mul3A_2, %dma_start3A_13] : memref<2048x256xf32, #tpu.memory_space<hbm>> -> memref<64x256xf32, #tpu.memory_space<hbm>>
      %dma_start3A_15 = arith.constant 0 : i32
      %dma_start3A_16 = tpu.memref_slice %arg5[%mul3A_2, %dma_start3A_15] : memref<2048x256xf32, #tpu.memory_space<hbm>> -> memref<64x256xf32, #tpu.memory_space<hbm>>
      tpu.enqueue_dma source(%arg9 : memref<64x256xf32, #tpu.memory_space<vmem>>) target(%dma_start3A_16 : memref<64x256xf32, #tpu.memory_space<hbm>>) target_semaphore(%run_scoped3A : memref<!tpu.dma_semaphore, #tpu.memory_space<semaphore_mem>>)
      %dma_wait3A_17 = arith.constant 0 : i32
      %dma_wait3A_18 = tpu.memref_slice %arg5[%mul3A_2, %dma_wait3A_17] : memref<2048x256xf32, #tpu.memory_space<hbm>> -> memref<64x256xf32, #tpu.memory_space<hbm>>
      %dma_wait3A_19 = arith.constant 0 : i32
      %dma_wait3A_20 = tpu.memref_slice %arg5[%mul3A_2, %dma_wait3A_19] : memref<2048x256xf32, #tpu.memory_space<hbm>> -> memref<64x256xf32, #tpu.memory_space<hbm>>
      tpu.wait_dma2 semaphore(%run_scoped3A : memref<!tpu.dma_semaphore, #tpu.memory_space<semaphore_mem>>) src(%arg9 : memref<64x256xf32, #tpu.memory_space<vmem>>) dst(%dma_wait3A_20 : memref<64x256xf32, #tpu.memory_space<hbm>>)
      tpu.yield
    }) : () -> ()
    "tpu.region"() ({
      %run_scoped3A = tpu.sem_alloc : memref<!tpu.dma_semaphore, #tpu.memory_space<semaphore_mem>>
      %dma_start3A_13 = arith.constant 0 : i32
      %dma_start3A_14 = tpu.memref_slice %arg6[%mul3A_2, %dma_start3A_13] : memref<2048x256xf32, #tpu.memory_space<hbm>> -> memref<64x256xf32, #tpu.memory_space<hbm>>
      %dma_start3A_15 = arith.constant 0 : i32
      %dma_start3A_16 = tpu.memref_slice %arg6[%mul3A_2, %dma_start3A_15] : memref<2048x256xf32, #tpu.memory_space<hbm>> -> memref<64x256xf32, #tpu.memory_space<hbm>>
      tpu.enqueue_dma source(%arg10 : memref<64x256xf32, #tpu.memory_space<vmem>>) target(%dma_start3A_16 : memref<64x256xf32, #tpu.memory_space<hbm>>) target_semaphore(%run_scoped3A : memref<!tpu.dma_semaphore, #tpu.memory_space<semaphore_mem>>)
      %dma_wait3A_17 = arith.constant 0 : i32
      %dma_wait3A_18 = tpu.memref_slice %arg6[%mul3A_2, %dma_wait3A_17] : memref<2048x256xf32, #tpu.memory_space<hbm>> -> memref<64x256xf32, #tpu.memory_space<hbm>>
      %dma_wait3A_19 = arith.constant 0 : i32
      %dma_wait3A_20 = tpu.memref_slice %arg6[%mul3A_2, %dma_wait3A_19] : memref<2048x256xf32, #tpu.memory_space<hbm>> -> memref<64x256xf32, #tpu.memory_space<hbm>>
      tpu.wait_dma2 semaphore(%run_scoped3A : memref<!tpu.dma_semaphore, #tpu.memory_space<semaphore_mem>>) src(%arg10 : memref<64x256xf32, #tpu.memory_space<vmem>>) dst(%dma_wait3A_20 : memref<64x256xf32, #tpu.memory_space<hbm>>)
      tpu.yield
    }) : () -> ()
    return
  }
}

#map = affine_map<(d0, d1) -> (0, 0)>
#map1 = affine_map<(d0, d1) -> (0)>
module attributes {stable_mosaic.version = 14 : i64} {
  func.func @k(%arg0: i32, %arg1: i32, %arg2: memref<2048x256xf32, #tpu.memory_space<hbm>>, %arg3: memref<2048xi32, #tpu.memory_space<hbm>>, %arg4: memref<2048xi32, #tpu.memory_space<hbm>>, %arg5: memref<2048x256xf32, #tpu.memory_space<hbm>>, %arg6: memref<2048x256xf32, #tpu.memory_space<hbm>>, %arg7: memref<64xi32, #tpu.memory_space<vmem>>, %arg8: memref<64xi32, #tpu.memory_space<vmem>>, %arg9: memref<64x256xf32, #tpu.memory_space<vmem>>, %arg10: memref<64x256xf32, #tpu.memory_space<vmem>>, %arg11: memref<!tpu.dma_semaphore, #tpu.memory_space<semaphore_mem>>, %arg12: memref<!tpu.dma_semaphore, #tpu.memory_space<semaphore_mem>>) attributes {dimension_semantics = [#tpu.dimension_semantics<core_parallel>, #tpu.dimension_semantics<subcore_parallel>], iteration_bounds = array<i64: 2, 16>, scalar_prefetch = 0 : i64, scratch_operands = 6 : i64, tpu.core_type = #tpu.core_type<sc_vector_subcore>, window_params = [{transform_indices = #map}, {transform_indices = #map1}, {transform_indices = #map1}, {transform_indices = #map}, {transform_indices = #map}]} {
    %mul3A = arith.constant 2 : i32
    %mul3A_0 = arith.muli %arg1, %mul3A : i32
    %add3A = arith.addi %mul3A_0, %arg0 : i32
    %mul3A_1 = arith.constant 64 : i32
    %mul3A_2 = arith.muli %add3A, %mul3A_1 : i32
    "tpu.region"() ({
      %run_scoped3A = tpu.sem_alloc : memref<!tpu.dma_semaphore, #tpu.memory_space<semaphore_mem>>
      %dma_start3A_13 = tpu.memref_slice %arg3[%mul3A_2] : memref<2048xi32, #tpu.memory_space<hbm>> -> memref<64xi32, #tpu.memory_space<hbm>>
      %dma_start3A_14 = tpu.memref_slice %arg3[%mul3A_2] : memref<2048xi32, #tpu.memory_space<hbm>> -> memref<64xi32, #tpu.memory_space<hbm>>
      tpu.enqueue_dma source(%dma_start3A_14 : memref<64xi32, #tpu.memory_space<hbm>>) target(%arg7 : memref<64xi32, #tpu.memory_space<vmem>>) target_semaphore(%run_scoped3A : memref<!tpu.dma_semaphore, #tpu.memory_space<semaphore_mem>>)
      %dma_wait3A_15 = tpu.memref_slice %arg3[%mul3A_2] : memref<2048xi32, #tpu.memory_space<hbm>> -> memref<64xi32, #tpu.memory_space<hbm>>
      %dma_wait3A_16 = tpu.memref_slice %arg3[%mul3A_2] : memref<2048xi32, #tpu.memory_space<hbm>> -> memref<64xi32, #tpu.memory_space<hbm>>
      tpu.wait_dma2 semaphore(%run_scoped3A : memref<!tpu.dma_semaphore, #tpu.memory_space<semaphore_mem>>) src(%dma_wait3A_16 : memref<64xi32, #tpu.memory_space<hbm>>) dst(%arg7 : memref<64xi32, #tpu.memory_space<vmem>>)
      tpu.yield
    }) : () -> ()
    "tpu.region"() ({
      %run_scoped3A = tpu.sem_alloc : memref<!tpu.dma_semaphore, #tpu.memory_space<semaphore_mem>>
      %dma_start3A_13 = tpu.memref_slice %arg4[%mul3A_2] : memref<2048xi32, #tpu.memory_space<hbm>> -> memref<64xi32, #tpu.memory_space<hbm>>
      %dma_start3A_14 = tpu.memref_slice %arg4[%mul3A_2] : memref<2048xi32, #tpu.memory_space<hbm>> -> memref<64xi32, #tpu.memory_space<hbm>>
      tpu.enqueue_dma source(%dma_start3A_14 : memref<64xi32, #tpu.memory_space<hbm>>) target(%arg8 : memref<64xi32, #tpu.memory_space<vmem>>) target_semaphore(%run_scoped3A : memref<!tpu.dma_semaphore, #tpu.memory_space<semaphore_mem>>)
      %dma_wait3A_15 = tpu.memref_slice %arg4[%mul3A_2] : memref<2048xi32, #tpu.memory_space<hbm>> -> memref<64xi32, #tpu.memory_space<hbm>>
      %dma_wait3A_16 = tpu.memref_slice %arg4[%mul3A_2] : memref<2048xi32, #tpu.memory_space<hbm>> -> memref<64xi32, #tpu.memory_space<hbm>>
      tpu.wait_dma2 semaphore(%run_scoped3A : memref<!tpu.dma_semaphore, #tpu.memory_space<semaphore_mem>>) src(%dma_wait3A_16 : memref<64xi32, #tpu.memory_space<hbm>>) dst(%arg8 : memref<64xi32, #tpu.memory_space<vmem>>)
      tpu.yield
    }) : () -> ()
    %dma_start3A = arith.constant 0 : i32
    %dma_start3A_3 = arith.constant 0 : i32
    %dma_start3A_4 = tpu.memref_slice %arg2[%dma_start3A, %dma_start3A_3] : memref<2048x256xf32, #tpu.memory_space<hbm>> -> memref<2048x256xf32, #tpu.memory_space<hbm>>
    tpu.enqueue_indirect_dma source(%dma_start3A_4 : memref<2048x256xf32, #tpu.memory_space<hbm>>) target(%arg9 : memref<64x256xf32, #tpu.memory_space<vmem>>) offsets(%arg7 : memref<64xi32, #tpu.memory_space<vmem>>) semaphore(%arg11 : memref<!tpu.dma_semaphore, #tpu.memory_space<semaphore_mem>>)
    %dma_start3A_5 = arith.constant 0 : i32
    %dma_start3A_6 = arith.constant 0 : i32
    %dma_start3A_7 = tpu.memref_slice %arg2[%dma_start3A_5, %dma_start3A_6] : memref<2048x256xf32, #tpu.memory_space<hbm>> -> memref<2048x256xf32, #tpu.memory_space<hbm>>
    tpu.enqueue_indirect_dma source(%dma_start3A_7 : memref<2048x256xf32, #tpu.memory_space<hbm>>) target(%arg10 : memref<64x256xf32, #tpu.memory_space<vmem>>) offsets(%arg8 : memref<64xi32, #tpu.memory_space<vmem>>) semaphore(%arg12 : memref<!tpu.dma_semaphore, #tpu.memory_space<semaphore_mem>>)
    %dma_wait3A = arith.constant 0 : i32
    %dma_wait3A_8 = arith.constant 0 : i32
    %dma_wait3A_9 = tpu.memref_slice %arg2[%dma_wait3A, %dma_wait3A_8] : memref<2048x256xf32, #tpu.memory_space<hbm>> -> memref<2048x256xf32, #tpu.memory_space<hbm>>
    tpu.wait_indirect_dma semaphore(%arg11 : memref<!tpu.dma_semaphore, #tpu.memory_space<semaphore_mem>>) src(%dma_wait3A_9 : memref<2048x256xf32, #tpu.memory_space<hbm>>) dst(%arg9 : memref<64x256xf32, #tpu.memory_space<vmem>>)
    %dma_wait3A_10 = arith.constant 0 : i32
    %dma_wait3A_11 = arith.constant 0 : i32
    %dma_wait3A_12 = tpu.memref_slice %arg2[%dma_wait3A_10, %dma_wait3A_11] : memref<2048x256xf32, #tpu.memory_space<hbm>> -> memref<2048x256xf32, #tpu.memory_space<hbm>>
    tpu.wait_indirect_dma semaphore(%arg12 : memref<!tpu.dma_semaphore, #tpu.memory_space<semaphore_mem>>) src(%dma_wait3A_12 : memref<2048x256xf32, #tpu.memory_space<hbm>>) dst(%arg10 : memref<64x256xf32, #tpu.memory_space<vmem>>)
    "tpu.region"() ({
      %run_scoped3A = tpu.sem_alloc : memref<!tpu.dma_semaphore, #tpu.memory_space<semaphore_mem>>
      %dma_start3A_13 = arith.constant 0 : i32
      %dma_start3A_14 = tpu.memref_slice %arg5[%mul3A_2, %dma_start3A_13] : memref<2048x256xf32, #tpu.memory_space<hbm>> -> memref<64x256xf32, #tpu.memory_space<hbm>>
      %dma_start3A_15 = arith.constant 0 : i32
      %dma_start3A_16 = tpu.memref_slice %arg5[%mul3A_2, %dma_start3A_15] : memref<2048x256xf32, #tpu.memory_space<hbm>> -> memref<64x256xf32, #tpu.memory_space<hbm>>
      tpu.enqueue_dma source(%arg9 : memref<64x256xf32, #tpu.memory_space<vmem>>) target(%dma_start3A_16 : memref<64x256xf32, #tpu.memory_space<hbm>>) target_semaphore(%run_scoped3A : memref<!tpu.dma_semaphore, #tpu.memory_space<semaphore_mem>>)
      %dma_wait3A_17 = arith.constant 0 : i32
      %dma_wait3A_18 = tpu.memref_slice %arg5[%mul3A_2, %dma_wait3A_17] : memref<2048x256xf32, #tpu.memory_space<hbm>> -> memref<64x256xf32, #tpu.memory_space<hbm>>
      %dma_wait3A_19 = arith.constant 0 : i32
      %dma_wait3A_20 = tpu.memref_slice %arg5[%mul3A_2, %dma_wait3A_19] : memref<2048x256xf32, #tpu.memory_space<hbm>> -> memref<64x256xf32, #tpu.memory_space<hbm>>
      tpu.wait_dma2 semaphore(%run_scoped3A : memref<!tpu.dma_semaphore, #tpu.memory_space<semaphore_mem>>) src(%arg9 : memref<64x256xf32, #tpu.memory_space<vmem>>) dst(%dma_wait3A_20 : memref<64x256xf32, #tpu.memory_space<hbm>>)
      tpu.yield
    }) : () -> ()
    "tpu.region"() ({
      %run_scoped3A = tpu.sem_alloc : memref<!tpu.dma_semaphore, #tpu.memory_space<semaphore_mem>>
      %dma_start3A_13 = arith.constant 0 : i32
      %dma_start3A_14 = tpu.memref_slice %arg6[%mul3A_2, %dma_start3A_13] : memref<2048x256xf32, #tpu.memory_space<hbm>> -> memref<64x256xf32, #tpu.memory_space<hbm>>
      %dma_start3A_15 = arith.constant 0 : i32
      %dma_start3A_16 = tpu.memref_slice %arg6[%mul3A_2, %dma_start3A_15] : memref<2048x256xf32, #tpu.memory_space<hbm>> -> memref<64x256xf32, #tpu.memory_space<hbm>>
      tpu.enqueue_dma source(%arg10 : memref<64x256xf32, #tpu.memory_space<vmem>>) target(%dma_start3A_16 : memref<64x256xf32, #tpu.memory_space<hbm>>) target_semaphore(%run_scoped3A : memref<!tpu.dma_semaphore, #tpu.memory_space<semaphore_mem>>)
      %dma_wait3A_17 = arith.constant 0 : i32
      %dma_wait3A_18 = tpu.memref_slice %arg6[%mul3A_2, %dma_wait3A_17] : memref<2048x256xf32, #tpu.memory_space<hbm>> -> memref<64x256xf32, #tpu.memory_space<hbm>>
      %dma_wait3A_19 = arith.constant 0 : i32
      %dma_wait3A_20 = tpu.memref_slice %arg6[%mul3A_2, %dma_wait3A_19] : memref<2048x256xf32, #tpu.memory_space<hbm>> -> memref<64x256xf32, #tpu.memory_space<hbm>>
      tpu.wait_dma2 semaphore(%run_scoped3A : memref<!tpu.dma_semaphore, #tpu.memory_space<semaphore_mem>>) src(%arg10 : memref<64x256xf32, #tpu.memory_space<vmem>>) dst(%dma_wait3A_20 : memref<64x256xf32, #tpu.memory_space<hbm>>)
      tpu.yield
    }) : () -> ()
    return
  }
}

module attributes {stable_mosaic.version = 14 : i64} {
  func.func @_idx_body(%arg0: memref<64x1x1xf32, #tpu.memory_space<vmem>>, %arg1: memref<64x32x1xi32, #tpu.memory_space<vmem>>, %arg2: memref<64x32x1xi32, #tpu.memory_space<vmem>>) attributes {dimension_semantics = [], scalar_prefetch = 0 : i64, scratch_operands = 0 : i64, tpu.core_type = #tpu.core_type<tc>} {
    %get3A = arith.constant 0 : index
    %get3A_0 = arith.constant 0 : index
    %get3A_1 = arith.constant 0 : index
    %get3A_2 = vector.load %arg0[%get3A, %get3A_0, %get3A_1] : memref<64x1x1xf32, #tpu.memory_space<vmem>>, vector<64x1x1xf32>
    %mul3A = arith.constant 2.000000e+00 : f32
    %mul3A_3 = vector.broadcast %mul3A : f32 to vector<64x1x1xf32>
    %mul3A_4 = arith.mulf %mul3A_3, %get3A_2 : vector<64x1x1xf32>
    %add3A = arith.addf %get3A_2, %mul3A_4 : vector<64x1x1xf32>
    %mul3A_5 = arith.constant 2.000000e+00 : f32
    %mul3A_6 = vector.broadcast %mul3A_5 : f32 to vector<64x1x1xf32>
    %mul3A_7 = arith.mulf %mul3A_6, %get3A_2 : vector<64x1x1xf32>
    %add3A_8 = arith.addf %add3A, %mul3A_7 : vector<64x1x1xf32>
    %add3A_9 = arith.addf %add3A_8, %get3A_2 : vector<64x1x1xf32>
    %neg3A = arith.constant 0.000000e+00 : f32
    %neg3A_10 = vector.broadcast %neg3A : f32 to vector<64x1x1xf32>
    %neg3A_11 = arith.subf %neg3A_10, %add3A_9 : vector<64x1x1xf32>
    %div3A = arith.constant 6.000000e+00 : f32
    %div3A_12 = vector.broadcast %div3A : f32 to vector<64x1x1xf32>
    %div3A_13 = arith.divf %neg3A_11, %div3A_12 : vector<64x1x1xf32>
    %iota3A = tpu.iota {dimensions = array<i32: 1>} : vector<64x32x1xi32>
    %convert_element_type3A = arith.sitofp %iota3A : vector<64x32x1xi32> to vector<64x32x1xf32>
    %add3A_14 = arith.constant 5.000000e-01 : f32
    %add3A_15 = vector.broadcast %add3A_14 : f32 to vector<64x32x1xf32>
    %add3A_16 = arith.addf %convert_element_type3A, %add3A_15 : vector<64x32x1xf32>
    %mul3A_17 = arith.constant 3.125000e-02 : f32
    %mul3A_18 = vector.broadcast %mul3A_17 : f32 to vector<64x32x1xf32>
    %mul3A_19 = arith.mulf %add3A_16, %mul3A_18 : vector<64x32x1xf32>
    %add3A_20 = vector.broadcast %div3A_13 : vector<64x1x1xf32> to vector<64x32x1xf32>
    %add3A_21 = arith.addf %mul3A_19, %add3A_20 : vector<64x32x1xf32>
    %floor3A = math.floor %add3A_21 : vector<64x32x1xf32>
    %sub3A = arith.subf %add3A_21, %floor3A : vector<64x32x1xf32>
    %iota3A_22 = tpu.iota {dimensions = array<i32: 2>} : vector<64x32x32xi32>
    %convert_element_type3A_23 = arith.sitofp %iota3A_22 : vector<64x32x32xi32> to vector<64x32x32xf32>
    %add3A_24 = arith.constant 5.000000e-01 : f32
    %add3A_25 = vector.broadcast %add3A_24 : f32 to vector<64x32x32xf32>
    %add3A_26 = arith.addf %convert_element_type3A_23, %add3A_25 : vector<64x32x32xf32>
    %mul3A_27 = arith.constant 3.125000e-02 : f32
    %mul3A_28 = vector.broadcast %mul3A_27 : f32 to vector<64x32x32xf32>
    %mul3A_29 = arith.mulf %add3A_26, %mul3A_28 : vector<64x32x32xf32>
    %le3A = vector.broadcast %sub3A : vector<64x32x1xf32> to vector<64x32x32xf32>
    %le3A_30 = arith.cmpf ole, %mul3A_29, %le3A : vector<64x32x32xf32>
    %convert_element_type3A_31 = arith.extui %le3A_30 : vector<64x32x32xi1> to vector<64x32x32xi32>
    %reduce_sum3A = arith.constant dense<0> : vector<64x32xi32>
    %reduce_sum3A_32 = vector.multi_reduction <add>, %convert_element_type3A_31, %reduce_sum3A [2] : vector<64x32x32xi32> to vector<64x32xi32>
    %broadcast_in_dim3A = vector.shape_cast %reduce_sum3A_32 : vector<64x32xi32> to vector<64x32x1xi32>
    %sub3A_33 = arith.constant 1 : i32
    %sub3A_34 = vector.broadcast %sub3A_33 : i32 to vector<64x32x1xi32>
    %sub3A_35 = arith.subi %broadcast_in_dim3A, %sub3A_34 : vector<64x32x1xi32>
    %and3A = arith.constant 31 : i32
    %and3A_36 = vector.broadcast %and3A : i32 to vector<64x32x1xi32>
    %and3A_37 = arith.andi %sub3A_35, %and3A_36 : vector<64x32x1xi32>
    %add3A_38 = arith.constant 1 : i32
    %add3A_39 = vector.broadcast %add3A_38 : i32 to vector<64x32x1xi32>
    %add3A_40 = arith.addi %sub3A_35, %add3A_39 : vector<64x32x1xi32>
    %and3A_41 = arith.constant 31 : i32
    %and3A_42 = vector.broadcast %and3A_41 : i32 to vector<64x32x1xi32>
    %and3A_43 = arith.andi %add3A_40, %and3A_42 : vector<64x32x1xi32>
    %iota3A_44 = tpu.iota {dimensions = array<i32: 0>} : vector<64x32x1xi32>
    %mul3A_45 = arith.constant 32 : i32
    %mul3A_46 = vector.broadcast %mul3A_45 : i32 to vector<64x32x1xi32>
    %mul3A_47 = arith.muli %iota3A_44, %mul3A_46 : vector<64x32x1xi32>
    %add3A_48 = arith.addi %and3A_37, %mul3A_47 : vector<64x32x1xi32>
    %swap3A = arith.constant 0 : index
    %swap3A_49 = arith.constant 0 : index
    %swap3A_50 = arith.constant 0 : index
    %swap3A_51 = vector.load %arg1[%swap3A, %swap3A_49, %swap3A_50] : memref<64x32x1xi32, #tpu.memory_space<vmem>>, vector<64x32x1xi32>
    tpu.vector_store %arg1[%swap3A, %swap3A_49, %swap3A_50], %add3A_48 {strides = array<i32>} : memref<64x32x1xi32, #tpu.memory_space<vmem>>, vector<64x32x1xi32>,
    %mul3A_52 = arith.constant 32 : i32
    %mul3A_53 = vector.broadcast %mul3A_52 : i32 to vector<64x32x1xi32>
    %mul3A_54 = arith.muli %iota3A_44, %mul3A_53 : vector<64x32x1xi32>
    %add3A_55 = arith.addi %and3A_43, %mul3A_54 : vector<64x32x1xi32>
    %swap3A_56 = arith.constant 0 : index
    %swap3A_57 = arith.constant 0 : index
    %swap3A_58 = arith.constant 0 : index
    %swap3A_59 = vector.load %arg2[%swap3A_56, %swap3A_57, %swap3A_58] : memref<64x32x1xi32, #tpu.memory_space<vmem>>, vector<64x32x1xi32>
    tpu.vector_store %arg2[%swap3A_56, %swap3A_57, %swap3A_58], %add3A_55 {strides = array<i32>} : memref<64x32x1xi32, #tpu.memory_space<vmem>>, vector<64x32x1xi32>,
    return
  }
}

module attributes {stable_mosaic.version = 14 : i64} {
  func.func @_tc1_body(%arg0: memref<64x1x1xf32, #tpu.memory_space<vmem>>, %arg1: memref<64x32x1xf32, #tpu.memory_space<vmem>>, %arg2: memref<10x32xf32, #tpu.memory_space<vmem>>, %arg3: memref<1x32xf32, #tpu.memory_space<vmem>>, %arg4: memref<160x32xf32, #tpu.memory_space<vmem>>, %arg5: memref<1x32xf32, #tpu.memory_space<vmem>>, %arg6: memref<160x32xf32, #tpu.memory_space<vmem>>, %arg7: memref<1x32xf32, #tpu.memory_space<vmem>>, %arg8: memref<160x32xf32, #tpu.memory_space<vmem>>, %arg9: memref<1x32xf32, #tpu.memory_space<vmem>>, %arg10: memref<160x32xf32, #tpu.memory_space<vmem>>, %arg11: memref<1x32xf32, #tpu.memory_space<vmem>>, %arg12: memref<160x128xf32, #tpu.memory_space<vmem>>, %arg13: memref<1x128xf32, #tpu.memory_space<vmem>>, %arg14: memref<128x256xf32, #tpu.memory_space<vmem>>, %arg15: memref<1x256xf32, #tpu.memory_space<vmem>>, %arg16: memref<128x256xf32, #tpu.memory_space<vmem>>, %arg17: memref<1x256xf32, #tpu.memory_space<vmem>>, %arg18: memref<2048x256xf32, #tpu.memory_space<vmem>>, %arg19: memref<2048x256xf32, #tpu.memory_space<vmem>>) attributes {dimension_semantics = [], scalar_prefetch = 0 : i64, scratch_operands = 0 : i64, tpu.core_type = #tpu.core_type<tc>} {
    %get3A = arith.constant 0 : index
    %get3A_0 = arith.constant 0 : index
    %get3A_1 = vector.load %arg2[%get3A, %get3A_0] : memref<10x32xf32, #tpu.memory_space<vmem>>, vector<10x32xf32>
    %get3A_2 = arith.constant 0 : index
    %get3A_3 = arith.constant 0 : index
    %get3A_4 = vector.load %arg3[%get3A_2, %get3A_3] : memref<1x32xf32, #tpu.memory_space<vmem>>, vector<1x32xf32>
    %get3A_5 = arith.constant 0 : index
    %get3A_6 = arith.constant 0 : index
    %get3A_7 = vector.load %arg4[%get3A_5, %get3A_6] : memref<160x32xf32, #tpu.memory_space<vmem>>, vector<160x32xf32>
    %get3A_8 = arith.constant 0 : index
    %get3A_9 = arith.constant 0 : index
    %get3A_10 = vector.load %arg5[%get3A_8, %get3A_9] : memref<1x32xf32, #tpu.memory_space<vmem>>, vector<1x32xf32>
    %get3A_11 = arith.constant 0 : index
    %get3A_12 = arith.constant 0 : index
    %get3A_13 = vector.load %arg6[%get3A_11, %get3A_12] : memref<160x32xf32, #tpu.memory_space<vmem>>, vector<160x32xf32>
    %get3A_14 = arith.constant 0 : index
    %get3A_15 = arith.constant 0 : index
    %get3A_16 = vector.load %arg7[%get3A_14, %get3A_15] : memref<1x32xf32, #tpu.memory_space<vmem>>, vector<1x32xf32>
    %get3A_17 = arith.constant 0 : index
    %get3A_18 = arith.constant 0 : index
    %get3A_19 = vector.load %arg8[%get3A_17, %get3A_18] : memref<160x32xf32, #tpu.memory_space<vmem>>, vector<160x32xf32>
    %get3A_20 = arith.constant 0 : index
    %get3A_21 = arith.constant 0 : index
    %get3A_22 = vector.load %arg9[%get3A_20, %get3A_21] : memref<1x32xf32, #tpu.memory_space<vmem>>, vector<1x32xf32>
    %get3A_23 = arith.constant 0 : index
    %get3A_24 = arith.constant 0 : index
    %get3A_25 = vector.load %arg10[%get3A_23, %get3A_24] : memref<160x32xf32, #tpu.memory_space<vmem>>, vector<160x32xf32>
    %get3A_26 = arith.constant 0 : index
    %get3A_27 = arith.constant 0 : index
    %get3A_28 = vector.load %arg11[%get3A_26, %get3A_27] : memref<1x32xf32, #tpu.memory_space<vmem>>, vector<1x32xf32>
    %get3A_29 = arith.constant 0 : index
    %get3A_30 = arith.constant 0 : index
    %get3A_31 = vector.load %arg12[%get3A_29, %get3A_30] : memref<160x128xf32, #tpu.memory_space<vmem>>, vector<160x128xf32>
    %get3A_32 = arith.constant 0 : index
    %get3A_33 = arith.constant 0 : index
    %get3A_34 = vector.load %arg13[%get3A_32, %get3A_33] : memref<1x128xf32, #tpu.memory_space<vmem>>, vector<1x128xf32>
    %get3A_35 = arith.constant 0 : index
    %get3A_36 = arith.constant 0 : index
    %get3A_37 = vector.load %arg14[%get3A_35, %get3A_36] : memref<128x256xf32, #tpu.memory_space<vmem>>, vector<128x256xf32>
    %get3A_38 = arith.constant 0 : index
    %get3A_39 = arith.constant 0 : index
    %get3A_40 = vector.load %arg15[%get3A_38, %get3A_39] : memref<1x256xf32, #tpu.memory_space<vmem>>, vector<1x256xf32>
    %get3A_41 = arith.constant 0 : index
    %get3A_42 = arith.constant 0 : index
    %get3A_43 = vector.load %arg16[%get3A_41, %get3A_42] : memref<128x256xf32, #tpu.memory_space<vmem>>, vector<128x256xf32>
    %get3A_44 = arith.constant 0 : index
    %get3A_45 = arith.constant 0 : index
    %get3A_46 = vector.load %arg17[%get3A_44, %get3A_45] : memref<1x256xf32, #tpu.memory_space<vmem>>, vector<1x256xf32>
    %get3A_47 = arith.constant 0 : index
    %get3A_48 = arith.constant 0 : index
    %get3A_49 = arith.constant 0 : index
    %get3A_50 = vector.load %arg0[%get3A_47, %get3A_48, %get3A_49] : memref<64x1x1xf32, #tpu.memory_space<vmem>>, vector<64x1x1xf32>
    %mul3A = arith.constant 2.000000e+00 : f32
    %mul3A_51 = vector.broadcast %mul3A : f32 to vector<64x1x1xf32>
    %mul3A_52 = arith.mulf %mul3A_51, %get3A_50 : vector<64x1x1xf32>
    %add3A = arith.addf %get3A_50, %mul3A_52 : vector<64x1x1xf32>
    %mul3A_53 = arith.constant 2.000000e+00 : f32
    %mul3A_54 = vector.broadcast %mul3A_53 : f32 to vector<64x1x1xf32>
    %mul3A_55 = arith.mulf %mul3A_54, %get3A_50 : vector<64x1x1xf32>
    %add3A_56 = arith.addf %add3A, %mul3A_55 : vector<64x1x1xf32>
    %add3A_57 = arith.addf %add3A_56, %get3A_50 : vector<64x1x1xf32>
    %neg3A = arith.constant 0.000000e+00 : f32
    %neg3A_58 = vector.broadcast %neg3A : f32 to vector<64x1x1xf32>
    %neg3A_59 = arith.subf %neg3A_58, %add3A_57 : vector<64x1x1xf32>
    %div3A = arith.constant 6.000000e+00 : f32
    %div3A_60 = vector.broadcast %div3A : f32 to vector<64x1x1xf32>
    %div3A_61 = arith.divf %neg3A_59, %div3A_60 : vector<64x1x1xf32>
    %mul3A_62 = arith.constant 3.200000e+01 : f32
    %mul3A_63 = vector.broadcast %mul3A_62 : f32 to vector<64x1x1xf32>
    %mul3A_64 = arith.mulf %div3A_61, %mul3A_63 : vector<64x1x1xf32>
    %broadcast_in_dim3A = vector.shape_cast %mul3A_64 : vector<64x1x1xf32> to vector<64x1x1xf32>
    %broadcast_in_dim3A_65 = vector.broadcast %broadcast_in_dim3A : vector<64x1x1xf32> to vector<64x32x1xf32>
    %get3A_66 = arith.constant 0 : index
    %get3A_67 = arith.constant 0 : index
    %get3A_68 = arith.constant 0 : index
    %get3A_69 = vector.load %arg1[%get3A_66, %get3A_67, %get3A_68] : memref<64x32x1xf32, #tpu.memory_space<vmem>>, vector<64x32x1xf32>
    %concatenate3A = tpu.concatenate %get3A_69, %broadcast_in_dim3A_65 in 2 : vector<64x32x1xf32>, vector<64x32x1xf32> -> vector<64x32x2xf32>
    %slice3A = vector.extract_strided_slice %concatenate3A {offsets = [0, 30, 0], sizes = [64, 2, 2], strides = [1, 1, 1]} : vector<64x32x2xf32> to vector<64x2x2xf32>
    %slice3A_70 = vector.extract_strided_slice %concatenate3A {offsets = [0, 0, 0], sizes = [64, 30, 2], strides = [1, 1, 1]} : vector<64x32x2xf32> to vector<64x30x2xf32>
    %concatenate3A_71 = tpu.concatenate %slice3A, %slice3A_70 in 1 : vector<64x2x2xf32>, vector<64x30x2xf32> -> vector<64x32x2xf32>
    %slice3A_72 = vector.extract_strided_slice %concatenate3A {offsets = [0, 31, 0], sizes = [64, 1, 2], strides = [1, 1, 1]} : vector<64x32x2xf32> to vector<64x1x2xf32>
    %slice3A_73 = vector.extract_strided_slice %concatenate3A {offsets = [0, 0, 0], sizes = [64, 31, 2], strides = [1, 1, 1]} : vector<64x32x2xf32> to vector<64x31x2xf32>
    %concatenate3A_74 = tpu.concatenate %slice3A_72, %slice3A_73 in 1 : vector<64x1x2xf32>, vector<64x31x2xf32> -> vector<64x32x2xf32>
    %slice3A_75 = vector.extract_strided_slice %concatenate3A {offsets = [0, 1, 0], sizes = [64, 31, 2], strides = [1, 1, 1]} : vector<64x32x2xf32> to vector<64x31x2xf32>
    %slice3A_76 = vector.extract_strided_slice %concatenate3A {offsets = [0, 0, 0], sizes = [64, 1, 2], strides = [1, 1, 1]} : vector<64x32x2xf32> to vector<64x1x2xf32>
    %concatenate3A_77 = tpu.concatenate %slice3A_75, %slice3A_76 in 1 : vector<64x31x2xf32>, vector<64x1x2xf32> -> vector<64x32x2xf32>
    %slice3A_78 = vector.extract_strided_slice %concatenate3A {offsets = [0, 2, 0], sizes = [64, 30, 2], strides = [1, 1, 1]} : vector<64x32x2xf32> to vector<64x30x2xf32>
    %slice3A_79 = vector.extract_strided_slice %concatenate3A {offsets = [0, 0, 0], sizes = [64, 2, 2], strides = [1, 1, 1]} : vector<64x32x2xf32> to vector<64x2x2xf32>
    %concatenate3A_80 = tpu.concatenate %slice3A_78, %slice3A_79 in 1 : vector<64x30x2xf32>, vector<64x2x2xf32> -> vector<64x32x2xf32>
    %concatenate3A_81 = tpu.concatenate %concatenate3A_71, %concatenate3A_74, %concatenate3A, %concatenate3A_77, %concatenate3A_80 in 2 : vector<64x32x2xf32>, vector<64x32x2xf32>, vector<64x32x2xf32>, vector<64x32x2xf32>, vector<64x32x2xf32> -> vector<64x32x10xf32>
    %reshape3A = vector.shape_cast %concatenate3A_81 : vector<64x32x10xf32> to vector<2048x10xf32>
    %dot_general3A = arith.constant dense<0.000000e+00> : vector<2048x32xf32>
    %dot_general3A_82 = tpu.matmul %reshape3A, %get3A_1, %dot_general3A {dimension_numbers = #tpu.dot_dimension_numbers<[1], [0], [0], [1], [0, 0, 1, 1], [], []>, transpose_lhs_hint = false} : vector<2048x10xf32>, vector<10x32xf32>, vector<2048x32xf32> -> vector<2048x32xf32>
    %add3A_83 = vector.broadcast %get3A_4 : vector<1x32xf32> to vector<2048x32xf32>
    %add3A_84 = arith.addf %dot_general3A_82, %add3A_83 : vector<2048x32xf32>
    %gt3A = arith.constant 0.000000e+00 : f32
    %gt3A_85 = vector.broadcast %gt3A : f32 to vector<2048x32xf32>
    %gt3A_86 = arith.cmpf ogt, %add3A_84, %gt3A_85 : vector<2048x32xf32>
    %min3A = arith.constant 0.000000e+00 : f32
    %min3A_87 = vector.broadcast %min3A : f32 to vector<2048x32xf32>
    %min3A_88 = arith.minimumf %add3A_84, %min3A_87 : vector<2048x32xf32>
    %exp3A = math.exp %min3A_88 : vector<2048x32xf32>
    %sub3A = arith.constant 1.000000e+00 : f32
    %sub3A_89 = vector.broadcast %sub3A : f32 to vector<2048x32xf32>
    %sub3A_90 = arith.subf %exp3A, %sub3A_89 : vector<2048x32xf32>
    %select_n3A = arith.select %gt3A_86, %add3A_84, %sub3A_90 : vector<2048x32xi1>, vector<2048x32xf32>
    %reshape3A_91 = vector.shape_cast %select_n3A : vector<2048x32xf32> to vector<64x32x32xf32>
    %slice3A_92 = vector.extract_strided_slice %reshape3A_91 {offsets = [0, 30, 0], sizes = [64, 2, 32], strides = [1, 1, 1]} : vector<64x32x32xf32> to vector<64x2x32xf32>
    %slice3A_93 = vector.extract_strided_slice %reshape3A_91 {offsets = [0, 0, 0], sizes = [64, 30, 32], strides = [1, 1, 1]} : vector<64x32x32xf32> to vector<64x30x32xf32>
    %concatenate3A_94 = tpu.concatenate %slice3A_92, %slice3A_93 in 1 : vector<64x2x32xf32>, vector<64x30x32xf32> -> vector<64x32x32xf32>
    %slice3A_95 = vector.extract_strided_slice %reshape3A_91 {offsets = [0, 31, 0], sizes = [64, 1, 32], strides = [1, 1, 1]} : vector<64x32x32xf32> to vector<64x1x32xf32>
    %slice3A_96 = vector.extract_strided_slice %reshape3A_91 {offsets = [0, 0, 0], sizes = [64, 31, 32], strides = [1, 1, 1]} : vector<64x32x32xf32> to vector<64x31x32xf32>
    %concatenate3A_97 = tpu.concatenate %slice3A_95, %slice3A_96 in 1 : vector<64x1x32xf32>, vector<64x31x32xf32> -> vector<64x32x32xf32>
    %slice3A_98 = vector.extract_strided_slice %reshape3A_91 {offsets = [0, 1, 0], sizes = [64, 31, 32], strides = [1, 1, 1]} : vector<64x32x32xf32> to vector<64x31x32xf32>
    %slice3A_99 = vector.extract_strided_slice %reshape3A_91 {offsets = [0, 0, 0], sizes = [64, 1, 32], strides = [1, 1, 1]} : vector<64x32x32xf32> to vector<64x1x32xf32>
    %concatenate3A_100 = tpu.concatenate %slice3A_98, %slice3A_99 in 1 : vector<64x31x32xf32>, vector<64x1x32xf32> -> vector<64x32x32xf32>
    %slice3A_101 = vector.extract_strided_slice %reshape3A_91 {offsets = [0, 2, 0], sizes = [64, 30, 32], strides = [1, 1, 1]} : vector<64x32x32xf32> to vector<64x30x32xf32>
    %slice3A_102 = vector.extract_strided_slice %reshape3A_91 {offsets = [0, 0, 0], sizes = [64, 2, 32], strides = [1, 1, 1]} : vector<64x32x32xf32> to vector<64x2x32xf32>
    %concatenate3A_103 = tpu.concatenate %slice3A_101, %slice3A_102 in 1 : vector<64x30x32xf32>, vector<64x2x32xf32> -> vector<64x32x32xf32>
    %concatenate3A_104 = tpu.concatenate %concatenate3A_94, %concatenate3A_97, %reshape3A_91, %concatenate3A_100, %concatenate3A_103 in 2 : vector<64x32x32xf32>, vector<64x32x32xf32>, vector<64x32x32xf32>, vector<64x32x32xf32>, vector<64x32x32xf32> -> vector<64x32x160xf32>
    %reshape3A_105 = vector.shape_cast %concatenate3A_104 : vector<64x32x160xf32> to vector<2048x160xf32>
    %dot_general3A_106 = arith.constant dense<0.000000e+00> : vector<2048x32xf32>
    %dot_general3A_107 = tpu.matmul %reshape3A_105, %get3A_7, %dot_general3A_106 {dimension_numbers = #tpu.dot_dimension_numbers<[1], [0], [0], [1], [0, 0, 1, 1], [], []>, transpose_lhs_hint = false} : vector<2048x160xf32>, vector<160x32xf32>, vector<2048x32xf32> -> vector<2048x32xf32>
    %add3A_108 = vector.broadcast %get3A_10 : vector<1x32xf32> to vector<2048x32xf32>
    %add3A_109 = arith.addf %dot_general3A_107, %add3A_108 : vector<2048x32xf32>
    %gt3A_110 = arith.constant 0.000000e+00 : f32
    %gt3A_111 = vector.broadcast %gt3A_110 : f32 to vector<2048x32xf32>
    %gt3A_112 = arith.cmpf ogt, %add3A_109, %gt3A_111 : vector<2048x32xf32>
    %min3A_113 = arith.constant 0.000000e+00 : f32
    %min3A_114 = vector.broadcast %min3A_113 : f32 to vector<2048x32xf32>
    %min3A_115 = arith.minimumf %add3A_109, %min3A_114 : vector<2048x32xf32>
    %exp3A_116 = math.exp %min3A_115 : vector<2048x32xf32>
    %sub3A_117 = arith.constant 1.000000e+00 : f32
    %sub3A_118 = vector.broadcast %sub3A_117 : f32 to vector<2048x32xf32>
    %sub3A_119 = arith.subf %exp3A_116, %sub3A_118 : vector<2048x32xf32>
    %select_n3A_120 = arith.select %gt3A_112, %add3A_109, %sub3A_119 : vector<2048x32xi1>, vector<2048x32xf32>
    %reshape3A_121 = vector.shape_cast %select_n3A_120 : vector<2048x32xf32> to vector<64x32x32xf32>
    %slice3A_122 = vector.extract_strided_slice %reshape3A_121 {offsets = [0, 30, 0], sizes = [64, 2, 32], strides = [1, 1, 1]} : vector<64x32x32xf32> to vector<64x2x32xf32>
    %slice3A_123 = vector.extract_strided_slice %reshape3A_121 {offsets = [0, 0, 0], sizes = [64, 30, 32], strides = [1, 1, 1]} : vector<64x32x32xf32> to vector<64x30x32xf32>
    %concatenate3A_124 = tpu.concatenate %slice3A_122, %slice3A_123 in 1 : vector<64x2x32xf32>, vector<64x30x32xf32> -> vector<64x32x32xf32>
    %slice3A_125 = vector.extract_strided_slice %reshape3A_121 {offsets = [0, 31, 0], sizes = [64, 1, 32], strides = [1, 1, 1]} : vector<64x32x32xf32> to vector<64x1x32xf32>
    %slice3A_126 = vector.extract_strided_slice %reshape3A_121 {offsets = [0, 0, 0], sizes = [64, 31, 32], strides = [1, 1, 1]} : vector<64x32x32xf32> to vector<64x31x32xf32>
    %concatenate3A_127 = tpu.concatenate %slice3A_125, %slice3A_126 in 1 : vector<64x1x32xf32>, vector<64x31x32xf32> -> vector<64x32x32xf32>
    %slice3A_128 = vector.extract_strided_slice %reshape3A_121 {offsets = [0, 1, 0], sizes = [64, 31, 32], strides = [1, 1, 1]} : vector<64x32x32xf32> to vector<64x31x32xf32>
    %slice3A_129 = vector.extract_strided_slice %reshape3A_121 {offsets = [0, 0, 0], sizes = [64, 1, 32], strides = [1, 1, 1]} : vector<64x32x32xf32> to vector<64x1x32xf32>
    %concatenate3A_130 = tpu.concatenate %slice3A_128, %slice3A_129 in 1 : vector<64x31x32xf32>, vector<64x1x32xf32> -> vector<64x32x32xf32>
    %slice3A_131 = vector.extract_strided_slice %reshape3A_121 {offsets = [0, 2, 0], sizes = [64, 30, 32], strides = [1, 1, 1]} : vector<64x32x32xf32> to vector<64x30x32xf32>
    %slice3A_132 = vector.extract_strided_slice %reshape3A_121 {offsets = [0, 0, 0], sizes = [64, 2, 32], strides = [1, 1, 1]} : vector<64x32x32xf32> to vector<64x2x32xf32>
    %concatenate3A_133 = tpu.concatenate %slice3A_131, %slice3A_132 in 1 : vector<64x30x32xf32>, vector<64x2x32xf32> -> vector<64x32x32xf32>
    %concatenate3A_134 = tpu.concatenate %concatenate3A_124, %concatenate3A_127, %reshape3A_121, %concatenate3A_130, %concatenate3A_133 in 2 : vector<64x32x32xf32>, vector<64x32x32xf32>, vector<64x32x32xf32>, vector<64x32x32xf32>, vector<64x32x32xf32> -> vector<64x32x160xf32>
    %reshape3A_135 = vector.shape_cast %concatenate3A_134 : vector<64x32x160xf32> to vector<2048x160xf32>
    %dot_general3A_136 = arith.constant dense<0.000000e+00> : vector<2048x32xf32>
    %dot_general3A_137 = tpu.matmul %reshape3A_135, %get3A_13, %dot_general3A_136 {dimension_numbers = #tpu.dot_dimension_numbers<[1], [0], [0], [1], [0, 0, 1, 1], [], []>, transpose_lhs_hint = false} : vector<2048x160xf32>, vector<160x32xf32>, vector<2048x32xf32> -> vector<2048x32xf32>
    %add3A_138 = vector.broadcast %get3A_16 : vector<1x32xf32> to vector<2048x32xf32>
    %add3A_139 = arith.addf %dot_general3A_137, %add3A_138 : vector<2048x32xf32>
    %gt3A_140 = arith.constant 0.000000e+00 : f32
    %gt3A_141 = vector.broadcast %gt3A_140 : f32 to vector<2048x32xf32>
    %gt3A_142 = arith.cmpf ogt, %add3A_139, %gt3A_141 : vector<2048x32xf32>
    %min3A_143 = arith.constant 0.000000e+00 : f32
    %min3A_144 = vector.broadcast %min3A_143 : f32 to vector<2048x32xf32>
    %min3A_145 = arith.minimumf %add3A_139, %min3A_144 : vector<2048x32xf32>
    %exp3A_146 = math.exp %min3A_145 : vector<2048x32xf32>
    %sub3A_147 = arith.constant 1.000000e+00 : f32
    %sub3A_148 = vector.broadcast %sub3A_147 : f32 to vector<2048x32xf32>
    %sub3A_149 = arith.subf %exp3A_146, %sub3A_148 : vector<2048x32xf32>
    %select_n3A_150 = arith.select %gt3A_142, %add3A_139, %sub3A_149 : vector<2048x32xi1>, vector<2048x32xf32>
    %reshape3A_151 = vector.shape_cast %select_n3A_150 : vector<2048x32xf32> to vector<64x32x32xf32>
    %slice3A_152 = vector.extract_strided_slice %reshape3A_151 {offsets = [0, 30, 0], sizes = [64, 2, 32], strides = [1, 1, 1]} : vector<64x32x32xf32> to vector<64x2x32xf32>
    %slice3A_153 = vector.extract_strided_slice %reshape3A_151 {offsets = [0, 0, 0], sizes = [64, 30, 32], strides = [1, 1, 1]} : vector<64x32x32xf32> to vector<64x30x32xf32>
    %concatenate3A_154 = tpu.concatenate %slice3A_152, %slice3A_153 in 1 : vector<64x2x32xf32>, vector<64x30x32xf32> -> vector<64x32x32xf32>
    %slice3A_155 = vector.extract_strided_slice %reshape3A_151 {offsets = [0, 31, 0], sizes = [64, 1, 32], strides = [1, 1, 1]} : vector<64x32x32xf32> to vector<64x1x32xf32>
    %slice3A_156 = vector.extract_strided_slice %reshape3A_151 {offsets = [0, 0, 0], sizes = [64, 31, 32], strides = [1, 1, 1]} : vector<64x32x32xf32> to vector<64x31x32xf32>
    %concatenate3A_157 = tpu.concatenate %slice3A_155, %slice3A_156 in 1 : vector<64x1x32xf32>, vector<64x31x32xf32> -> vector<64x32x32xf32>
    %slice3A_158 = vector.extract_strided_slice %reshape3A_151 {offsets = [0, 1, 0], sizes = [64, 31, 32], strides = [1, 1, 1]} : vector<64x32x32xf32> to vector<64x31x32xf32>
    %slice3A_159 = vector.extract_strided_slice %reshape3A_151 {offsets = [0, 0, 0], sizes = [64, 1, 32], strides = [1, 1, 1]} : vector<64x32x32xf32> to vector<64x1x32xf32>
    %concatenate3A_160 = tpu.concatenate %slice3A_158, %slice3A_159 in 1 : vector<64x31x32xf32>, vector<64x1x32xf32> -> vector<64x32x32xf32>
    %slice3A_161 = vector.extract_strided_slice %reshape3A_151 {offsets = [0, 2, 0], sizes = [64, 30, 32], strides = [1, 1, 1]} : vector<64x32x32xf32> to vector<64x30x32xf32>
    %slice3A_162 = vector.extract_strided_slice %reshape3A_151 {offsets = [0, 0, 0], sizes = [64, 2, 32], strides = [1, 1, 1]} : vector<64x32x32xf32> to vector<64x2x32xf32>
    %concatenate3A_163 = tpu.concatenate %slice3A_161, %slice3A_162 in 1 : vector<64x30x32xf32>, vector<64x2x32xf32> -> vector<64x32x32xf32>
    %concatenate3A_164 = tpu.concatenate %concatenate3A_154, %concatenate3A_157, %reshape3A_151, %concatenate3A_160, %concatenate3A_163 in 2 : vector<64x32x32xf32>, vector<64x32x32xf32>, vector<64x32x32xf32>, vector<64x32x32xf32>, vector<64x32x32xf32> -> vector<64x32x160xf32>
    %reshape3A_165 = vector.shape_cast %concatenate3A_164 : vector<64x32x160xf32> to vector<2048x160xf32>
    %dot_general3A_166 = arith.constant dense<0.000000e+00> : vector<2048x32xf32>
    %dot_general3A_167 = tpu.matmul %reshape3A_165, %get3A_19, %dot_general3A_166 {dimension_numbers = #tpu.dot_dimension_numbers<[1], [0], [0], [1], [0, 0, 1, 1], [], []>, transpose_lhs_hint = false} : vector<2048x160xf32>, vector<160x32xf32>, vector<2048x32xf32> -> vector<2048x32xf32>
    %add3A_168 = vector.broadcast %get3A_22 : vector<1x32xf32> to vector<2048x32xf32>
    %add3A_169 = arith.addf %dot_general3A_167, %add3A_168 : vector<2048x32xf32>
    %gt3A_170 = arith.constant 0.000000e+00 : f32
    %gt3A_171 = vector.broadcast %gt3A_170 : f32 to vector<2048x32xf32>
    %gt3A_172 = arith.cmpf ogt, %add3A_169, %gt3A_171 : vector<2048x32xf32>
    %min3A_173 = arith.constant 0.000000e+00 : f32
    %min3A_174 = vector.broadcast %min3A_173 : f32 to vector<2048x32xf32>
    %min3A_175 = arith.minimumf %add3A_169, %min3A_174 : vector<2048x32xf32>
    %exp3A_176 = math.exp %min3A_175 : vector<2048x32xf32>
    %sub3A_177 = arith.constant 1.000000e+00 : f32
    %sub3A_178 = vector.broadcast %sub3A_177 : f32 to vector<2048x32xf32>
    %sub3A_179 = arith.subf %exp3A_176, %sub3A_178 : vector<2048x32xf32>
    %select_n3A_180 = arith.select %gt3A_172, %add3A_169, %sub3A_179 : vector<2048x32xi1>, vector<2048x32xf32>
    %reshape3A_181 = vector.shape_cast %select_n3A_180 : vector<2048x32xf32> to vector<64x32x32xf32>
    %slice3A_182 = vector.extract_strided_slice %reshape3A_181 {offsets = [0, 30, 0], sizes = [64, 2, 32], strides = [1, 1, 1]} : vector<64x32x32xf32> to vector<64x2x32xf32>
    %slice3A_183 = vector.extract_strided_slice %reshape3A_181 {offsets = [0, 0, 0], sizes = [64, 30, 32], strides = [1, 1, 1]} : vector<64x32x32xf32> to vector<64x30x32xf32>
    %concatenate3A_184 = tpu.concatenate %slice3A_182, %slice3A_183 in 1 : vector<64x2x32xf32>, vector<64x30x32xf32> -> vector<64x32x32xf32>
    %slice3A_185 = vector.extract_strided_slice %reshape3A_181 {offsets = [0, 31, 0], sizes = [64, 1, 32], strides = [1, 1, 1]} : vector<64x32x32xf32> to vector<64x1x32xf32>
    %slice3A_186 = vector.extract_strided_slice %reshape3A_181 {offsets = [0, 0, 0], sizes = [64, 31, 32], strides = [1, 1, 1]} : vector<64x32x32xf32> to vector<64x31x32xf32>
    %concatenate3A_187 = tpu.concatenate %slice3A_185, %slice3A_186 in 1 : vector<64x1x32xf32>, vector<64x31x32xf32> -> vector<64x32x32xf32>
    %slice3A_188 = vector.extract_strided_slice %reshape3A_181 {offsets = [0, 1, 0], sizes = [64, 31, 32], strides = [1, 1, 1]} : vector<64x32x32xf32> to vector<64x31x32xf32>
    %slice3A_189 = vector.extract_strided_slice %reshape3A_181 {offsets = [0, 0, 0], sizes = [64, 1, 32], strides = [1, 1, 1]} : vector<64x32x32xf32> to vector<64x1x32xf32>
    %concatenate3A_190 = tpu.concatenate %slice3A_188, %slice3A_189 in 1 : vector<64x31x32xf32>, vector<64x1x32xf32> -> vector<64x32x32xf32>
    %slice3A_191 = vector.extract_strided_slice %reshape3A_181 {offsets = [0, 2, 0], sizes = [64, 30, 32], strides = [1, 1, 1]} : vector<64x32x32xf32> to vector<64x30x32xf32>
    %slice3A_192 = vector.extract_strided_slice %reshape3A_181 {offsets = [0, 0, 0], sizes = [64, 2, 32], strides = [1, 1, 1]} : vector<64x32x32xf32> to vector<64x2x32xf32>
    %concatenate3A_193 = tpu.concatenate %slice3A_191, %slice3A_192 in 1 : vector<64x30x32xf32>, vector<64x2x32xf32> -> vector<64x32x32xf32>
    %concatenate3A_194 = tpu.concatenate %concatenate3A_184, %concatenate3A_187, %reshape3A_181, %concatenate3A_190, %concatenate3A_193 in 2 : vector<64x32x32xf32>, vector<64x32x32xf32>, vector<64x32x32xf32>, vector<64x32x32xf32>, vector<64x32x32xf32> -> vector<64x32x160xf32>
    %reshape3A_195 = vector.shape_cast %concatenate3A_194 : vector<64x32x160xf32> to vector<2048x160xf32>
    %dot_general3A_196 = arith.constant dense<0.000000e+00> : vector<2048x32xf32>
    %dot_general3A_197 = tpu.matmul %reshape3A_195, %get3A_25, %dot_general3A_196 {dimension_numbers = #tpu.dot_dimension_numbers<[1], [0], [0], [1], [0, 0, 1, 1], [], []>, transpose_lhs_hint = false} : vector<2048x160xf32>, vector<160x32xf32>, vector<2048x32xf32> -> vector<2048x32xf32>
    %add3A_198 = vector.broadcast %get3A_28 : vector<1x32xf32> to vector<2048x32xf32>
    %add3A_199 = arith.addf %dot_general3A_197, %add3A_198 : vector<2048x32xf32>
    %gt3A_200 = arith.constant 0.000000e+00 : f32
    %gt3A_201 = vector.broadcast %gt3A_200 : f32 to vector<2048x32xf32>
    %gt3A_202 = arith.cmpf ogt, %add3A_199, %gt3A_201 : vector<2048x32xf32>
    %min3A_203 = arith.constant 0.000000e+00 : f32
    %min3A_204 = vector.broadcast %min3A_203 : f32 to vector<2048x32xf32>
    %min3A_205 = arith.minimumf %add3A_199, %min3A_204 : vector<2048x32xf32>
    %exp3A_206 = math.exp %min3A_205 : vector<2048x32xf32>
    %sub3A_207 = arith.constant 1.000000e+00 : f32
    %sub3A_208 = vector.broadcast %sub3A_207 : f32 to vector<2048x32xf32>
    %sub3A_209 = arith.subf %exp3A_206, %sub3A_208 : vector<2048x32xf32>
    %select_n3A_210 = arith.select %gt3A_202, %add3A_199, %sub3A_209 : vector<2048x32xi1>, vector<2048x32xf32>
    %reshape3A_211 = vector.shape_cast %select_n3A_210 : vector<2048x32xf32> to vector<64x32x32xf32>
    %slice3A_212 = vector.extract_strided_slice %reshape3A_211 {offsets = [0, 30, 0], sizes = [64, 2, 32], strides = [1, 1, 1]} : vector<64x32x32xf32> to vector<64x2x32xf32>
    %slice3A_213 = vector.extract_strided_slice %reshape3A_211 {offsets = [0, 0, 0], sizes = [64, 30, 32], strides = [1, 1, 1]} : vector<64x32x32xf32> to vector<64x30x32xf32>
    %concatenate3A_214 = tpu.concatenate %slice3A_212, %slice3A_213 in 1 : vector<64x2x32xf32>, vector<64x30x32xf32> -> vector<64x32x32xf32>
    %slice3A_215 = vector.extract_strided_slice %reshape3A_211 {offsets = [0, 31, 0], sizes = [64, 1, 32], strides = [1, 1, 1]} : vector<64x32x32xf32> to vector<64x1x32xf32>
    %slice3A_216 = vector.extract_strided_slice %reshape3A_211 {offsets = [0, 0, 0], sizes = [64, 31, 32], strides = [1, 1, 1]} : vector<64x32x32xf32> to vector<64x31x32xf32>
    %concatenate3A_217 = tpu.concatenate %slice3A_215, %slice3A_216 in 1 : vector<64x1x32xf32>, vector<64x31x32xf32> -> vector<64x32x32xf32>
    %slice3A_218 = vector.extract_strided_slice %reshape3A_211 {offsets = [0, 1, 0], sizes = [64, 31, 32], strides = [1, 1, 1]} : vector<64x32x32xf32> to vector<64x31x32xf32>
    %slice3A_219 = vector.extract_strided_slice %reshape3A_211 {offsets = [0, 0, 0], sizes = [64, 1, 32], strides = [1, 1, 1]} : vector<64x32x32xf32> to vector<64x1x32xf32>
    %concatenate3A_220 = tpu.concatenate %slice3A_218, %slice3A_219 in 1 : vector<64x31x32xf32>, vector<64x1x32xf32> -> vector<64x32x32xf32>
    %slice3A_221 = vector.extract_strided_slice %reshape3A_211 {offsets = [0, 2, 0], sizes = [64, 30, 32], strides = [1, 1, 1]} : vector<64x32x32xf32> to vector<64x30x32xf32>
    %slice3A_222 = vector.extract_strided_slice %reshape3A_211 {offsets = [0, 0, 0], sizes = [64, 2, 32], strides = [1, 1, 1]} : vector<64x32x32xf32> to vector<64x2x32xf32>
    %concatenate3A_223 = tpu.concatenate %slice3A_221, %slice3A_222 in 1 : vector<64x30x32xf32>, vector<64x2x32xf32> -> vector<64x32x32xf32>
    %concatenate3A_224 = tpu.concatenate %concatenate3A_214, %concatenate3A_217, %reshape3A_211, %concatenate3A_220, %concatenate3A_223 in 2 : vector<64x32x32xf32>, vector<64x32x32xf32>, vector<64x32x32xf32>, vector<64x32x32xf32>, vector<64x32x32xf32> -> vector<64x32x160xf32>
    %reshape3A_225 = vector.shape_cast %concatenate3A_224 : vector<64x32x160xf32> to vector<2048x160xf32>
    %dot_general3A_226 = arith.constant dense<0.000000e+00> : vector<2048x128xf32>
    %dot_general3A_227 = tpu.matmul %reshape3A_225, %get3A_31, %dot_general3A_226 {dimension_numbers = #tpu.dot_dimension_numbers<[1], [0], [0], [1], [0, 0, 1, 1], [], []>, transpose_lhs_hint = false} : vector<2048x160xf32>, vector<160x128xf32>, vector<2048x128xf32> -> vector<2048x128xf32>
    %add3A_228 = vector.broadcast %get3A_34 : vector<1x128xf32> to vector<2048x128xf32>
    %add3A_229 = arith.addf %dot_general3A_227, %add3A_228 : vector<2048x128xf32>
    %gt3A_230 = arith.constant 0.000000e+00 : f32
    %gt3A_231 = vector.broadcast %gt3A_230 : f32 to vector<2048x128xf32>
    %gt3A_232 = arith.cmpf ogt, %add3A_229, %gt3A_231 : vector<2048x128xf32>
    %min3A_233 = arith.constant 0.000000e+00 : f32
    %min3A_234 = vector.broadcast %min3A_233 : f32 to vector<2048x128xf32>
    %min3A_235 = arith.minimumf %add3A_229, %min3A_234 : vector<2048x128xf32>
    %exp3A_236 = math.exp %min3A_235 : vector<2048x128xf32>
    %sub3A_237 = arith.constant 1.000000e+00 : f32
    %sub3A_238 = vector.broadcast %sub3A_237 : f32 to vector<2048x128xf32>
    %sub3A_239 = arith.subf %exp3A_236, %sub3A_238 : vector<2048x128xf32>
    %select_n3A_240 = arith.select %gt3A_232, %add3A_229, %sub3A_239 : vector<2048x128xi1>, vector<2048x128xf32>
    %reshape3A_241 = vector.shape_cast %select_n3A_240 : vector<2048x128xf32> to vector<64x32x128xf32>
    %reshape3A_242 = vector.shape_cast %reshape3A_241 : vector<64x32x128xf32> to vector<2048x128xf32>
    %dot_general3A_243 = arith.constant dense<0.000000e+00> : vector<2048x256xf32>
    %dot_general3A_244 = tpu.matmul %reshape3A_242, %get3A_37, %dot_general3A_243 {dimension_numbers = #tpu.dot_dimension_numbers<[1], [0], [0], [1], [0, 0, 1, 1], [], []>, transpose_lhs_hint = false} : vector<2048x128xf32>, vector<128x256xf32>, vector<2048x256xf32> -> vector<2048x256xf32>
    %add3A_245 = vector.broadcast %get3A_40 : vector<1x256xf32> to vector<2048x256xf32>
    %add3A_246 = arith.addf %dot_general3A_244, %add3A_245 : vector<2048x256xf32>
    %swap3A = arith.constant 0 : index
    %swap3A_247 = arith.constant 0 : index
    %swap3A_248 = vector.load %arg18[%swap3A, %swap3A_247] : memref<2048x256xf32, #tpu.memory_space<vmem>>, vector<2048x256xf32>
    tpu.vector_store %arg18[%swap3A, %swap3A_247], %add3A_246 {strides = array<i32>} : memref<2048x256xf32, #tpu.memory_space<vmem>>, vector<2048x256xf32>,
    %dot_general3A_249 = arith.constant dense<0.000000e+00> : vector<2048x256xf32>
    %dot_general3A_250 = tpu.matmul %reshape3A_242, %get3A_43, %dot_general3A_249 {dimension_numbers = #tpu.dot_dimension_numbers<[1], [0], [0], [1], [0, 0, 1, 1], [], []>, transpose_lhs_hint = false} : vector<2048x128xf32>, vector<128x256xf32>, vector<2048x256xf32> -> vector<2048x256xf32>
    %add3A_251 = vector.broadcast %get3A_46 : vector<1x256xf32> to vector<2048x256xf32>
    %add3A_252 = arith.addf %dot_general3A_250, %add3A_251 : vector<2048x256xf32>
    %swap3A_253 = arith.constant 0 : index
    %swap3A_254 = arith.constant 0 : index
    %swap3A_255 = vector.load %arg19[%swap3A_253, %swap3A_254] : memref<2048x256xf32, #tpu.memory_space<vmem>>, vector<2048x256xf32>
    tpu.vector_store %arg19[%swap3A_253, %swap3A_254], %add3A_252 {strides = array<i32>} : memref<2048x256xf32, #tpu.memory_space<vmem>>, vector<2048x256xf32>,
    return
  }
}

module attributes {stable_mosaic.version = 14 : i64} {
  func.func @_att_lin_body(%arg0: memref<2048x256xf32, #tpu.memory_space<vmem>>, %arg1: memref<2048x256xf32, #tpu.memory_space<vmem>>, %arg2: memref<2048x256xf32, #tpu.memory_space<vmem>>, %arg3: memref<2048x256xf32, #tpu.memory_space<vmem>>, %arg4: memref<256x4xf32, #tpu.memory_space<vmem>>, %arg5: memref<4x256xf32, #tpu.memory_space<vmem>>, %arg6: memref<1x256xf32, #tpu.memory_space<vmem>>, %arg7: memref<256x256xf32, #tpu.memory_space<vmem>>, %arg8: memref<1x256xf32, #tpu.memory_space<vmem>>, %arg9: memref<256x256xf32, #tpu.memory_space<vmem>>, %arg10: memref<1x256xf32, #tpu.memory_space<vmem>>, %arg11: memref<2048x256xf32, #tpu.memory_space<vmem>>, %arg12: memref<2048x256xf32, #tpu.memory_space<vmem>>) attributes {dimension_semantics = [], scalar_prefetch = 0 : i64, scratch_operands = 0 : i64, tpu.core_type = #tpu.core_type<tc>} {
    %get3A = arith.constant 0 : index
    %get3A_0 = arith.constant 0 : index
    %get3A_1 = vector.load %arg0[%get3A, %get3A_0] : memref<2048x256xf32, #tpu.memory_space<vmem>>, vector<2048x256xf32>
    %get3A_2 = arith.constant 0 : index
    %get3A_3 = arith.constant 0 : index
    %get3A_4 = vector.load %arg1[%get3A_2, %get3A_3] : memref<2048x256xf32, #tpu.memory_space<vmem>>, vector<2048x256xf32>
    %get3A_5 = arith.constant 0 : index
    %get3A_6 = arith.constant 0 : index
    %get3A_7 = vector.load %arg2[%get3A_5, %get3A_6] : memref<2048x256xf32, #tpu.memory_space<vmem>>, vector<2048x256xf32>
    %get3A_8 = arith.constant 0 : index
    %get3A_9 = arith.constant 0 : index
    %get3A_10 = vector.load %arg3[%get3A_8, %get3A_9] : memref<2048x256xf32, #tpu.memory_space<vmem>>, vector<2048x256xf32>
    %get3A_11 = arith.constant 0 : index
    %get3A_12 = arith.constant 0 : index
    %get3A_13 = vector.load %arg4[%get3A_11, %get3A_12] : memref<256x4xf32, #tpu.memory_space<vmem>>, vector<256x4xf32>
    %get3A_14 = arith.constant 0 : index
    %get3A_15 = arith.constant 0 : index
    %get3A_16 = vector.load %arg5[%get3A_14, %get3A_15] : memref<4x256xf32, #tpu.memory_space<vmem>>, vector<4x256xf32>
    %get3A_17 = arith.constant 0 : index
    %get3A_18 = arith.constant 0 : index
    %get3A_19 = vector.load %arg6[%get3A_17, %get3A_18] : memref<1x256xf32, #tpu.memory_space<vmem>>, vector<1x256xf32>
    %add3A = arith.addf %get3A_1, %get3A_10 : vector<2048x256xf32>
    %ge3A = arith.constant 0.000000e+00 : f32
    %ge3A_20 = vector.broadcast %ge3A : f32 to vector<2048x256xf32>
    %ge3A_21 = arith.cmpf oge, %add3A, %ge3A_20 : vector<2048x256xf32>
    %mul3A = arith.constant 2.000000e-01 : f32
    %mul3A_22 = vector.broadcast %mul3A : f32 to vector<2048x256xf32>
    %mul3A_23 = arith.mulf %mul3A_22, %add3A : vector<2048x256xf32>
    %select_n3A = arith.select %ge3A_21, %add3A, %mul3A_23 : vector<2048x256xi1>, vector<2048x256xf32>
    %dot_general3A = arith.constant dense<0.000000e+00> : vector<2048x4xf32>
    %dot_general3A_24 = tpu.matmul %select_n3A, %get3A_13, %dot_general3A {dimension_numbers = #tpu.dot_dimension_numbers<[1], [0], [0], [1], [0, 0, 1, 1], [], []>, precision = #tpu.contract_precision<fp32>, transpose_lhs_hint = false} : vector<2048x256xf32>, vector<256x4xf32>, vector<2048x4xf32> -> vector<2048x4xf32>
    %add3A_25 = arith.addf %get3A_4, %get3A_10 : vector<2048x256xf32>
    %ge3A_26 = arith.constant 0.000000e+00 : f32
    %ge3A_27 = vector.broadcast %ge3A_26 : f32 to vector<2048x256xf32>
    %ge3A_28 = arith.cmpf oge, %add3A_25, %ge3A_27 : vector<2048x256xf32>
    %mul3A_29 = arith.constant 2.000000e-01 : f32
    %mul3A_30 = vector.broadcast %mul3A_29 : f32 to vector<2048x256xf32>
    %mul3A_31 = arith.mulf %mul3A_30, %add3A_25 : vector<2048x256xf32>
    %select_n3A_32 = arith.select %ge3A_28, %add3A_25, %mul3A_31 : vector<2048x256xi1>, vector<2048x256xf32>
    %dot_general3A_33 = arith.constant dense<0.000000e+00> : vector<2048x4xf32>
    %dot_general3A_34 = tpu.matmul %select_n3A_32, %get3A_13, %dot_general3A_33 {dimension_numbers = #tpu.dot_dimension_numbers<[1], [0], [0], [1], [0, 0, 1, 1], [], []>, precision = #tpu.contract_precision<fp32>, transpose_lhs_hint = false} : vector<2048x256xf32>, vector<256x4xf32>, vector<2048x4xf32> -> vector<2048x4xf32>
    %add3A_35 = arith.addf %get3A_7, %get3A_10 : vector<2048x256xf32>
    %ge3A_36 = arith.constant 0.000000e+00 : f32
    %ge3A_37 = vector.broadcast %ge3A_36 : f32 to vector<2048x256xf32>
    %ge3A_38 = arith.cmpf oge, %add3A_35, %ge3A_37 : vector<2048x256xf32>
    %mul3A_39 = arith.constant 2.000000e-01 : f32
    %mul3A_40 = vector.broadcast %mul3A_39 : f32 to vector<2048x256xf32>
    %mul3A_41 = arith.mulf %mul3A_40, %add3A_35 : vector<2048x256xf32>
    %select_n3A_42 = arith.select %ge3A_38, %add3A_35, %mul3A_41 : vector<2048x256xi1>, vector<2048x256xf32>
    %dot_general3A_43 = arith.constant dense<0.000000e+00> : vector<2048x4xf32>
    %dot_general3A_44 = tpu.matmul %select_n3A_42, %get3A_13, %dot_general3A_43 {dimension_numbers = #tpu.dot_dimension_numbers<[1], [0], [0], [1], [0, 0, 1, 1], [], []>, precision = #tpu.contract_precision<fp32>, transpose_lhs_hint = false} : vector<2048x256xf32>, vector<256x4xf32>, vector<2048x4xf32> -> vector<2048x4xf32>
    %max3A = arith.maximumf %dot_general3A_24, %dot_general3A_34 : vector<2048x4xf32>
    %max3A_45 = arith.maximumf %max3A, %dot_general3A_44 : vector<2048x4xf32>
    %sub3A = arith.subf %dot_general3A_24, %max3A_45 : vector<2048x4xf32>
    %exp3A = math.exp %sub3A : vector<2048x4xf32>
    %sub3A_46 = arith.subf %dot_general3A_34, %max3A_45 : vector<2048x4xf32>
    %exp3A_47 = math.exp %sub3A_46 : vector<2048x4xf32>
    %sub3A_48 = arith.subf %dot_general3A_44, %max3A_45 : vector<2048x4xf32>
    %exp3A_49 = math.exp %sub3A_48 : vector<2048x4xf32>
    %add3A_50 = arith.addf %exp3A, %exp3A_47 : vector<2048x4xf32>
    %add3A_51 = arith.addf %add3A_50, %exp3A_49 : vector<2048x4xf32>
    %div3A = arith.divf %exp3A, %add3A_51 : vector<2048x4xf32>
    %dot_general3A_52 = arith.constant dense<0.000000e+00> : vector<2048x256xf32>
    %dot_general3A_53 = tpu.matmul %div3A, %get3A_16, %dot_general3A_52 {dimension_numbers = #tpu.dot_dimension_numbers<[1], [0], [0], [1], [0, 0, 1, 1], [], []>, precision = #tpu.contract_precision<fp32>, transpose_lhs_hint = false} : vector<2048x4xf32>, vector<4x256xf32>, vector<2048x256xf32> -> vector<2048x256xf32>
    %mul3A_54 = arith.mulf %dot_general3A_53, %get3A_1 : vector<2048x256xf32>
    %div3A_55 = arith.divf %exp3A_47, %add3A_51 : vector<2048x4xf32>
    %dot_general3A_56 = arith.constant dense<0.000000e+00> : vector<2048x256xf32>
    %dot_general3A_57 = tpu.matmul %div3A_55, %get3A_16, %dot_general3A_56 {dimension_numbers = #tpu.dot_dimension_numbers<[1], [0], [0], [1], [0, 0, 1, 1], [], []>, precision = #tpu.contract_precision<fp32>, transpose_lhs_hint = false} : vector<2048x4xf32>, vector<4x256xf32>, vector<2048x256xf32> -> vector<2048x256xf32>
    %mul3A_58 = arith.mulf %dot_general3A_57, %get3A_4 : vector<2048x256xf32>
    %add3A_59 = arith.addf %mul3A_54, %mul3A_58 : vector<2048x256xf32>
    %div3A_60 = arith.divf %exp3A_49, %add3A_51 : vector<2048x4xf32>
    %dot_general3A_61 = arith.constant dense<0.000000e+00> : vector<2048x256xf32>
    %dot_general3A_62 = tpu.matmul %div3A_60, %get3A_16, %dot_general3A_61 {dimension_numbers = #tpu.dot_dimension_numbers<[1], [0], [0], [1], [0, 0, 1, 1], [], []>, precision = #tpu.contract_precision<fp32>, transpose_lhs_hint = false} : vector<2048x4xf32>, vector<4x256xf32>, vector<2048x256xf32> -> vector<2048x256xf32>
    %mul3A_63 = arith.mulf %dot_general3A_62, %get3A_7 : vector<2048x256xf32>
    %add3A_64 = arith.addf %add3A_59, %mul3A_63 : vector<2048x256xf32>
    %add3A_65 = vector.broadcast %get3A_19 : vector<1x256xf32> to vector<2048x256xf32>
    %add3A_66 = arith.addf %add3A_64, %add3A_65 : vector<2048x256xf32>
    %get3A_67 = arith.constant 0 : index
    %get3A_68 = arith.constant 0 : index
    %get3A_69 = vector.load %arg7[%get3A_67, %get3A_68] : memref<256x256xf32, #tpu.memory_space<vmem>>, vector<256x256xf32>
    %dot_general3A_70 = arith.constant dense<0.000000e+00> : vector<2048x256xf32>
    %dot_general3A_71 = tpu.matmul %add3A_66, %get3A_69, %dot_general3A_70 {dimension_numbers = #tpu.dot_dimension_numbers<[1], [0], [0], [1], [0, 0, 1, 1], [], []>, transpose_lhs_hint = false} : vector<2048x256xf32>, vector<256x256xf32>, vector<2048x256xf32> -> vector<2048x256xf32>
    %get3A_72 = arith.constant 0 : index
    %get3A_73 = arith.constant 0 : index
    %get3A_74 = vector.load %arg8[%get3A_72, %get3A_73] : memref<1x256xf32, #tpu.memory_space<vmem>>, vector<1x256xf32>
    %add3A_75 = vector.broadcast %get3A_74 : vector<1x256xf32> to vector<2048x256xf32>
    %add3A_76 = arith.addf %dot_general3A_71, %add3A_75 : vector<2048x256xf32>
    %swap3A = arith.constant 0 : index
    %swap3A_77 = arith.constant 0 : index
    %swap3A_78 = vector.load %arg11[%swap3A, %swap3A_77] : memref<2048x256xf32, #tpu.memory_space<vmem>>, vector<2048x256xf32>
    tpu.vector_store %arg11[%swap3A, %swap3A_77], %add3A_76 {strides = array<i32>} : memref<2048x256xf32, #tpu.memory_space<vmem>>, vector<2048x256xf32>,
    %get3A_79 = arith.constant 0 : index
    %get3A_80 = arith.constant 0 : index
    %get3A_81 = vector.load %arg9[%get3A_79, %get3A_80] : memref<256x256xf32, #tpu.memory_space<vmem>>, vector<256x256xf32>
    %dot_general3A_82 = arith.constant dense<0.000000e+00> : vector<2048x256xf32>
    %dot_general3A_83 = tpu.matmul %add3A_66, %get3A_81, %dot_general3A_82 {dimension_numbers = #tpu.dot_dimension_numbers<[1], [0], [0], [1], [0, 0, 1, 1], [], []>, transpose_lhs_hint = false} : vector<2048x256xf32>, vector<256x256xf32>, vector<2048x256xf32> -> vector<2048x256xf32>
    %get3A_84 = arith.constant 0 : index
    %get3A_85 = arith.constant 0 : index
    %get3A_86 = vector.load %arg10[%get3A_84, %get3A_85] : memref<1x256xf32, #tpu.memory_space<vmem>>, vector<1x256xf32>
    %add3A_87 = vector.broadcast %get3A_86 : vector<1x256xf32> to vector<2048x256xf32>
    %add3A_88 = arith.addf %dot_general3A_83, %add3A_87 : vector<2048x256xf32>
    %swap3A_89 = arith.constant 0 : index
    %swap3A_90 = arith.constant 0 : index
    %swap3A_91 = vector.load %arg12[%swap3A_89, %swap3A_90] : memref<2048x256xf32, #tpu.memory_space<vmem>>, vector<2048x256xf32>
    tpu.vector_store %arg12[%swap3A_89, %swap3A_90], %add3A_88 {strides = array<i32>} : memref<2048x256xf32, #tpu.memory_space<vmem>>, vector<2048x256xf32>,
    return
  }
}

module attributes {stable_mosaic.version = 14 : i64} {
  func.func @_fin_conv_body(%arg0: memref<64x1x1xf32, #tpu.memory_space<vmem>>, %arg1: memref<2048x256xf32, #tpu.memory_space<vmem>>, %arg2: memref<2048x256xf32, #tpu.memory_space<vmem>>, %arg3: memref<2048x256xf32, #tpu.memory_space<vmem>>, %arg4: memref<2048x256xf32, #tpu.memory_space<vmem>>, %arg5: memref<256x4xf32, #tpu.memory_space<vmem>>, %arg6: memref<4x256xf32, #tpu.memory_space<vmem>>, %arg7: memref<1x256xf32, #tpu.memory_space<vmem>>, %arg8: memref<1x1x256xf32, #tpu.memory_space<vmem>>, %arg9: memref<64x32x1xf32, #tpu.memory_space<vmem>>, %arg10: memref<64x1x32xf32, #tpu.memory_space<vmem>>, %arg11: memref<10x32xf32, #tpu.memory_space<vmem>>, %arg12: memref<1x32xf32, #tpu.memory_space<vmem>>, %arg13: memref<160x32xf32, #tpu.memory_space<vmem>>, %arg14: memref<1x32xf32, #tpu.memory_space<vmem>>, %arg15: memref<160x32xf32, #tpu.memory_space<vmem>>, %arg16: memref<1x32xf32, #tpu.memory_space<vmem>>, %arg17: memref<160x32xf32, #tpu.memory_space<vmem>>, %arg18: memref<1x32xf32, #tpu.memory_space<vmem>>, %arg19: memref<160x32xf32, #tpu.memory_space<vmem>>, %arg20: memref<1x32xf32, #tpu.memory_space<vmem>>, %arg21: memref<160x128xf32, #tpu.memory_space<vmem>>, %arg22: memref<1x128xf32, #tpu.memory_space<vmem>>, %arg23: memref<128x256xf32, #tpu.memory_space<vmem>>, %arg24: memref<1x256xf32, #tpu.memory_space<vmem>>, %arg25: memref<128x256xf32, #tpu.memory_space<vmem>>, %arg26: memref<1x256xf32, #tpu.memory_space<vmem>>, %arg27: memref<2048x1xf32, #tpu.memory_space<vmem>>, %arg28: memref<64x1x32xf32, #tpu.memory_space<vmem>>, %arg29: memref<2048x256xf32, #tpu.memory_space<vmem>>, %arg30: memref<2048x256xf32, #tpu.memory_space<vmem>>) attributes {dimension_semantics = [], scalar_prefetch = 0 : i64, scratch_operands = 0 : i64, tpu.core_type = #tpu.core_type<tc>} {
    %get3A = arith.constant 0 : index
    %get3A_0 = arith.constant 0 : index
    %get3A_1 = vector.load %arg11[%get3A, %get3A_0] : memref<10x32xf32, #tpu.memory_space<vmem>>, vector<10x32xf32>
    %get3A_2 = arith.constant 0 : index
    %get3A_3 = arith.constant 0 : index
    %get3A_4 = vector.load %arg12[%get3A_2, %get3A_3] : memref<1x32xf32, #tpu.memory_space<vmem>>, vector<1x32xf32>
    %get3A_5 = arith.constant 0 : index
    %get3A_6 = arith.constant 0 : index
    %get3A_7 = vector.load %arg13[%get3A_5, %get3A_6] : memref<160x32xf32, #tpu.memory_space<vmem>>, vector<160x32xf32>
    %get3A_8 = arith.constant 0 : index
    %get3A_9 = arith.constant 0 : index
    %get3A_10 = vector.load %arg14[%get3A_8, %get3A_9] : memref<1x32xf32, #tpu.memory_space<vmem>>, vector<1x32xf32>
    %get3A_11 = arith.constant 0 : index
    %get3A_12 = arith.constant 0 : index
    %get3A_13 = vector.load %arg15[%get3A_11, %get3A_12] : memref<160x32xf32, #tpu.memory_space<vmem>>, vector<160x32xf32>
    %get3A_14 = arith.constant 0 : index
    %get3A_15 = arith.constant 0 : index
    %get3A_16 = vector.load %arg16[%get3A_14, %get3A_15] : memref<1x32xf32, #tpu.memory_space<vmem>>, vector<1x32xf32>
    %get3A_17 = arith.constant 0 : index
    %get3A_18 = arith.constant 0 : index
    %get3A_19 = vector.load %arg17[%get3A_17, %get3A_18] : memref<160x32xf32, #tpu.memory_space<vmem>>, vector<160x32xf32>
    %get3A_20 = arith.constant 0 : index
    %get3A_21 = arith.constant 0 : index
    %get3A_22 = vector.load %arg18[%get3A_20, %get3A_21] : memref<1x32xf32, #tpu.memory_space<vmem>>, vector<1x32xf32>
    %get3A_23 = arith.constant 0 : index
    %get3A_24 = arith.constant 0 : index
    %get3A_25 = vector.load %arg19[%get3A_23, %get3A_24] : memref<160x32xf32, #tpu.memory_space<vmem>>, vector<160x32xf32>
    %get3A_26 = arith.constant 0 : index
    %get3A_27 = arith.constant 0 : index
    %get3A_28 = vector.load %arg20[%get3A_26, %get3A_27] : memref<1x32xf32, #tpu.memory_space<vmem>>, vector<1x32xf32>
    %get3A_29 = arith.constant 0 : index
    %get3A_30 = arith.constant 0 : index
    %get3A_31 = vector.load %arg21[%get3A_29, %get3A_30] : memref<160x128xf32, #tpu.memory_space<vmem>>, vector<160x128xf32>
    %get3A_32 = arith.constant 0 : index
    %get3A_33 = arith.constant 0 : index
    %get3A_34 = vector.load %arg22[%get3A_32, %get3A_33] : memref<1x128xf32, #tpu.memory_space<vmem>>, vector<1x128xf32>
    %get3A_35 = arith.constant 0 : index
    %get3A_36 = arith.constant 0 : index
    %get3A_37 = vector.load %arg23[%get3A_35, %get3A_36] : memref<128x256xf32, #tpu.memory_space<vmem>>, vector<128x256xf32>
    %get3A_38 = arith.constant 0 : index
    %get3A_39 = arith.constant 0 : index
    %get3A_40 = vector.load %arg24[%get3A_38, %get3A_39] : memref<1x256xf32, #tpu.memory_space<vmem>>, vector<1x256xf32>
    %get3A_41 = arith.constant 0 : index
    %get3A_42 = arith.constant 0 : index
    %get3A_43 = vector.load %arg25[%get3A_41, %get3A_42] : memref<128x256xf32, #tpu.memory_space<vmem>>, vector<128x256xf32>
    %get3A_44 = arith.constant 0 : index
    %get3A_45 = arith.constant 0 : index
    %get3A_46 = vector.load %arg26[%get3A_44, %get3A_45] : memref<1x256xf32, #tpu.memory_space<vmem>>, vector<1x256xf32>
    %get3A_47 = arith.constant 0 : index
    %get3A_48 = arith.constant 0 : index
    %get3A_49 = vector.load %arg1[%get3A_47, %get3A_48] : memref<2048x256xf32, #tpu.memory_space<vmem>>, vector<2048x256xf32>
    %get3A_50 = arith.constant 0 : index
    %get3A_51 = arith.constant 0 : index
    %get3A_52 = vector.load %arg2[%get3A_50, %get3A_51] : memref<2048x256xf32, #tpu.memory_space<vmem>>, vector<2048x256xf32>
    %get3A_53 = arith.constant 0 : index
    %get3A_54 = arith.constant 0 : index
    %get3A_55 = vector.load %arg3[%get3A_53, %get3A_54] : memref<2048x256xf32, #tpu.memory_space<vmem>>, vector<2048x256xf32>
    %get3A_56 = arith.constant 0 : index
    %get3A_57 = arith.constant 0 : index
    %get3A_58 = vector.load %arg4[%get3A_56, %get3A_57] : memref<2048x256xf32, #tpu.memory_space<vmem>>, vector<2048x256xf32>
    %get3A_59 = arith.constant 0 : index
    %get3A_60 = arith.constant 0 : index
    %get3A_61 = vector.load %arg5[%get3A_59, %get3A_60] : memref<256x4xf32, #tpu.memory_space<vmem>>, vector<256x4xf32>
    %get3A_62 = arith.constant 0 : index
    %get3A_63 = arith.constant 0 : index
    %get3A_64 = vector.load %arg6[%get3A_62, %get3A_63] : memref<4x256xf32, #tpu.memory_space<vmem>>, vector<4x256xf32>
    %get3A_65 = arith.constant 0 : index
    %get3A_66 = arith.constant 0 : index
    %get3A_67 = vector.load %arg7[%get3A_65, %get3A_66] : memref<1x256xf32, #tpu.memory_space<vmem>>, vector<1x256xf32>
    %add3A = arith.addf %get3A_49, %get3A_58 : vector<2048x256xf32>
    %ge3A = arith.constant 0.000000e+00 : f32
    %ge3A_68 = vector.broadcast %ge3A : f32 to vector<2048x256xf32>
    %ge3A_69 = arith.cmpf oge, %add3A, %ge3A_68 : vector<2048x256xf32>
    %mul3A = arith.constant 2.000000e-01 : f32
    %mul3A_70 = vector.broadcast %mul3A : f32 to vector<2048x256xf32>
    %mul3A_71 = arith.mulf %mul3A_70, %add3A : vector<2048x256xf32>
    %select_n3A = arith.select %ge3A_69, %add3A, %mul3A_71 : vector<2048x256xi1>, vector<2048x256xf32>
    %dot_general3A = arith.constant dense<0.000000e+00> : vector<2048x4xf32>
    %dot_general3A_72 = tpu.matmul %select_n3A, %get3A_61, %dot_general3A {dimension_numbers = #tpu.dot_dimension_numbers<[1], [0], [0], [1], [0, 0, 1, 1], [], []>, precision = #tpu.contract_precision<fp32>, transpose_lhs_hint = false} : vector<2048x256xf32>, vector<256x4xf32>, vector<2048x4xf32> -> vector<2048x4xf32>
    %add3A_73 = arith.addf %get3A_52, %get3A_58 : vector<2048x256xf32>
    %ge3A_74 = arith.constant 0.000000e+00 : f32
    %ge3A_75 = vector.broadcast %ge3A_74 : f32 to vector<2048x256xf32>
    %ge3A_76 = arith.cmpf oge, %add3A_73, %ge3A_75 : vector<2048x256xf32>
    %mul3A_77 = arith.constant 2.000000e-01 : f32
    %mul3A_78 = vector.broadcast %mul3A_77 : f32 to vector<2048x256xf32>
    %mul3A_79 = arith.mulf %mul3A_78, %add3A_73 : vector<2048x256xf32>
    %select_n3A_80 = arith.select %ge3A_76, %add3A_73, %mul3A_79 : vector<2048x256xi1>, vector<2048x256xf32>
    %dot_general3A_81 = arith.constant dense<0.000000e+00> : vector<2048x4xf32>
    %dot_general3A_82 = tpu.matmul %select_n3A_80, %get3A_61, %dot_general3A_81 {dimension_numbers = #tpu.dot_dimension_numbers<[1], [0], [0], [1], [0, 0, 1, 1], [], []>, precision = #tpu.contract_precision<fp32>, transpose_lhs_hint = false} : vector<2048x256xf32>, vector<256x4xf32>, vector<2048x4xf32> -> vector<2048x4xf32>
    %add3A_83 = arith.addf %get3A_55, %get3A_58 : vector<2048x256xf32>
    %ge3A_84 = arith.constant 0.000000e+00 : f32
    %ge3A_85 = vector.broadcast %ge3A_84 : f32 to vector<2048x256xf32>
    %ge3A_86 = arith.cmpf oge, %add3A_83, %ge3A_85 : vector<2048x256xf32>
    %mul3A_87 = arith.constant 2.000000e-01 : f32
    %mul3A_88 = vector.broadcast %mul3A_87 : f32 to vector<2048x256xf32>
    %mul3A_89 = arith.mulf %mul3A_88, %add3A_83 : vector<2048x256xf32>
    %select_n3A_90 = arith.select %ge3A_86, %add3A_83, %mul3A_89 : vector<2048x256xi1>, vector<2048x256xf32>
    %dot_general3A_91 = arith.constant dense<0.000000e+00> : vector<2048x4xf32>
    %dot_general3A_92 = tpu.matmul %select_n3A_90, %get3A_61, %dot_general3A_91 {dimension_numbers = #tpu.dot_dimension_numbers<[1], [0], [0], [1], [0, 0, 1, 1], [], []>, precision = #tpu.contract_precision<fp32>, transpose_lhs_hint = false} : vector<2048x256xf32>, vector<256x4xf32>, vector<2048x4xf32> -> vector<2048x4xf32>
    %max3A = arith.maximumf %dot_general3A_72, %dot_general3A_82 : vector<2048x4xf32>
    %max3A_93 = arith.maximumf %max3A, %dot_general3A_92 : vector<2048x4xf32>
    %sub3A = arith.subf %dot_general3A_72, %max3A_93 : vector<2048x4xf32>
    %exp3A = math.exp %sub3A : vector<2048x4xf32>
    %sub3A_94 = arith.subf %dot_general3A_82, %max3A_93 : vector<2048x4xf32>
    %exp3A_95 = math.exp %sub3A_94 : vector<2048x4xf32>
    %sub3A_96 = arith.subf %dot_general3A_92, %max3A_93 : vector<2048x4xf32>
    %exp3A_97 = math.exp %sub3A_96 : vector<2048x4xf32>
    %add3A_98 = arith.addf %exp3A, %exp3A_95 : vector<2048x4xf32>
    %add3A_99 = arith.addf %add3A_98, %exp3A_97 : vector<2048x4xf32>
    %div3A = arith.divf %exp3A, %add3A_99 : vector<2048x4xf32>
    %dot_general3A_100 = arith.constant dense<0.000000e+00> : vector<2048x256xf32>
    %dot_general3A_101 = tpu.matmul %div3A, %get3A_64, %dot_general3A_100 {dimension_numbers = #tpu.dot_dimension_numbers<[1], [0], [0], [1], [0, 0, 1, 1], [], []>, precision = #tpu.contract_precision<fp32>, transpose_lhs_hint = false} : vector<2048x4xf32>, vector<4x256xf32>, vector<2048x256xf32> -> vector<2048x256xf32>
    %mul3A_102 = arith.mulf %dot_general3A_101, %get3A_49 : vector<2048x256xf32>
    %div3A_103 = arith.divf %exp3A_95, %add3A_99 : vector<2048x4xf32>
    %dot_general3A_104 = arith.constant dense<0.000000e+00> : vector<2048x256xf32>
    %dot_general3A_105 = tpu.matmul %div3A_103, %get3A_64, %dot_general3A_104 {dimension_numbers = #tpu.dot_dimension_numbers<[1], [0], [0], [1], [0, 0, 1, 1], [], []>, precision = #tpu.contract_precision<fp32>, transpose_lhs_hint = false} : vector<2048x4xf32>, vector<4x256xf32>, vector<2048x256xf32> -> vector<2048x256xf32>
    %mul3A_106 = arith.mulf %dot_general3A_105, %get3A_52 : vector<2048x256xf32>
    %add3A_107 = arith.addf %mul3A_102, %mul3A_106 : vector<2048x256xf32>
    %div3A_108 = arith.divf %exp3A_97, %add3A_99 : vector<2048x4xf32>
    %dot_general3A_109 = arith.constant dense<0.000000e+00> : vector<2048x256xf32>
    %dot_general3A_110 = tpu.matmul %div3A_108, %get3A_64, %dot_general3A_109 {dimension_numbers = #tpu.dot_dimension_numbers<[1], [0], [0], [1], [0, 0, 1, 1], [], []>, precision = #tpu.contract_precision<fp32>, transpose_lhs_hint = false} : vector<2048x4xf32>, vector<4x256xf32>, vector<2048x256xf32> -> vector<2048x256xf32>
    %mul3A_111 = arith.mulf %dot_general3A_110, %get3A_55 : vector<2048x256xf32>
    %add3A_112 = arith.addf %add3A_107, %mul3A_111 : vector<2048x256xf32>
    %add3A_113 = vector.broadcast %get3A_67 : vector<1x256xf32> to vector<2048x256xf32>
    %add3A_114 = arith.addf %add3A_112, %add3A_113 : vector<2048x256xf32>
    %gt3A = arith.constant 0.000000e+00 : f32
    %gt3A_115 = vector.broadcast %gt3A : f32 to vector<2048x256xf32>
    %gt3A_116 = arith.cmpf ogt, %add3A_114, %gt3A_115 : vector<2048x256xf32>
    %min3A = arith.constant 0.000000e+00 : f32
    %min3A_117 = vector.broadcast %min3A : f32 to vector<2048x256xf32>
    %min3A_118 = arith.minimumf %add3A_114, %min3A_117 : vector<2048x256xf32>
    %exp3A_119 = math.exp %min3A_118 : vector<2048x256xf32>
    %sub3A_120 = arith.constant 1.000000e+00 : f32
    %sub3A_121 = vector.broadcast %sub3A_120 : f32 to vector<2048x256xf32>
    %sub3A_122 = arith.subf %exp3A_119, %sub3A_121 : vector<2048x256xf32>
    %select_n3A_123 = arith.select %gt3A_116, %add3A_114, %sub3A_122 : vector<2048x256xi1>, vector<2048x256xf32>
    %get3A_124 = arith.constant 0 : index
    %get3A_125 = arith.constant 0 : index
    %get3A_126 = arith.constant 0 : index
    %get3A_127 = vector.load %arg0[%get3A_124, %get3A_125, %get3A_126] : memref<64x1x1xf32, #tpu.memory_space<vmem>>, vector<64x1x1xf32>
    %mul3A_128 = arith.constant 2.000000e+00 : f32
    %mul3A_129 = vector.broadcast %mul3A_128 : f32 to vector<64x1x1xf32>
    %mul3A_130 = arith.mulf %mul3A_129, %get3A_127 : vector<64x1x1xf32>
    %add3A_131 = arith.addf %get3A_127, %mul3A_130 : vector<64x1x1xf32>
    %mul3A_132 = arith.constant 2.000000e+00 : f32
    %mul3A_133 = vector.broadcast %mul3A_132 : f32 to vector<64x1x1xf32>
    %mul3A_134 = arith.mulf %mul3A_133, %get3A_127 : vector<64x1x1xf32>
    %add3A_135 = arith.addf %add3A_131, %mul3A_134 : vector<64x1x1xf32>
    %add3A_136 = arith.addf %add3A_135, %get3A_127 : vector<64x1x1xf32>
    %neg3A = arith.constant 0.000000e+00 : f32
    %neg3A_137 = vector.broadcast %neg3A : f32 to vector<64x1x1xf32>
    %neg3A_138 = arith.subf %neg3A_137, %add3A_136 : vector<64x1x1xf32>
    %div3A_139 = arith.constant 6.000000e+00 : f32
    %div3A_140 = vector.broadcast %div3A_139 : f32 to vector<64x1x1xf32>
    %div3A_141 = arith.divf %neg3A_138, %div3A_140 : vector<64x1x1xf32>
    %iota3A = tpu.iota {dimensions = array<i32: 1>} : vector<64x32x1xi32>
    %convert_element_type3A = arith.sitofp %iota3A : vector<64x32x1xi32> to vector<64x32x1xf32>
    %add3A_142 = arith.constant 5.000000e-01 : f32
    %add3A_143 = vector.broadcast %add3A_142 : f32 to vector<64x32x1xf32>
    %add3A_144 = arith.addf %convert_element_type3A, %add3A_143 : vector<64x32x1xf32>
    %mul3A_145 = arith.constant 3.125000e-02 : f32
    %mul3A_146 = vector.broadcast %mul3A_145 : f32 to vector<64x32x1xf32>
    %mul3A_147 = arith.mulf %add3A_144, %mul3A_146 : vector<64x32x1xf32>
    %add3A_148 = vector.broadcast %div3A_141 : vector<64x1x1xf32> to vector<64x32x1xf32>
    %add3A_149 = arith.addf %mul3A_147, %add3A_148 : vector<64x32x1xf32>
    %floor3A = math.floor %add3A_149 : vector<64x32x1xf32>
    %sub3A_150 = arith.subf %add3A_149, %floor3A : vector<64x32x1xf32>
    %iota3A_151 = tpu.iota {dimensions = array<i32: 2>} : vector<64x32x32xi32>
    %convert_element_type3A_152 = arith.sitofp %iota3A_151 : vector<64x32x32xi32> to vector<64x32x32xf32>
    %add3A_153 = arith.constant 5.000000e-01 : f32
    %add3A_154 = vector.broadcast %add3A_153 : f32 to vector<64x32x32xf32>
    %add3A_155 = arith.addf %convert_element_type3A_152, %add3A_154 : vector<64x32x32xf32>
    %mul3A_156 = arith.constant 3.125000e-02 : f32
    %mul3A_157 = vector.broadcast %mul3A_156 : f32 to vector<64x32x32xf32>
    %mul3A_158 = arith.mulf %add3A_155, %mul3A_157 : vector<64x32x32xf32>
    %le3A = vector.broadcast %sub3A_150 : vector<64x32x1xf32> to vector<64x32x32xf32>
    %le3A_159 = arith.cmpf ole, %mul3A_158, %le3A : vector<64x32x32xf32>
    %convert_element_type3A_160 = arith.extui %le3A_159 : vector<64x32x32xi1> to vector<64x32x32xi32>
    %reduce_sum3A = arith.constant dense<0> : vector<64x32xi32>
    %reduce_sum3A_161 = vector.multi_reduction <add>, %convert_element_type3A_160, %reduce_sum3A [2] : vector<64x32x32xi32> to vector<64x32xi32>
    %broadcast_in_dim3A = vector.shape_cast %reduce_sum3A_161 : vector<64x32xi32> to vector<64x32x1xi32>
    %sub3A_162 = arith.constant 1 : i32
    %sub3A_163 = vector.broadcast %sub3A_162 : i32 to vector<64x32x1xi32>
    %sub3A_164 = arith.subi %broadcast_in_dim3A, %sub3A_163 : vector<64x32x1xi32>
    %and3A = arith.constant 31 : i32
    %and3A_165 = vector.broadcast %and3A : i32 to vector<64x32x1xi32>
    %and3A_166 = arith.andi %sub3A_164, %and3A_165 : vector<64x32x1xi32>
    %add3A_167 = arith.constant 1 : i32
    %add3A_168 = vector.broadcast %add3A_167 : i32 to vector<64x32x1xi32>
    %add3A_169 = arith.addi %sub3A_164, %add3A_168 : vector<64x32x1xi32>
    %and3A_170 = arith.constant 31 : i32
    %and3A_171 = vector.broadcast %and3A_170 : i32 to vector<64x32x1xi32>
    %and3A_172 = arith.andi %add3A_169, %and3A_171 : vector<64x32x1xi32>
    %iota3A_173 = tpu.iota {dimensions = array<i32: 2>} : vector<64x32x32xi32>
    %eq3A = vector.broadcast %and3A_166 : vector<64x32x1xi32> to vector<64x32x32xi32>
    %eq3A_174 = arith.cmpi eq, %eq3A, %iota3A_173 : vector<64x32x32xi32>
    %convert_element_type3A_175 = arith.extui %eq3A_174 : vector<64x32x32xi1> to vector<64x32x32xi32>
    %convert_element_type3A_176 = arith.sitofp %convert_element_type3A_175 : vector<64x32x32xi32> to vector<64x32x32xf32>
    %eq3A_177 = vector.broadcast %and3A_172 : vector<64x32x1xi32> to vector<64x32x32xi32>
    %eq3A_178 = arith.cmpi eq, %eq3A_177, %iota3A_173 : vector<64x32x32xi32>
    %convert_element_type3A_179 = arith.extui %eq3A_178 : vector<64x32x32xi1> to vector<64x32x32xi32>
    %convert_element_type3A_180 = arith.sitofp %convert_element_type3A_179 : vector<64x32x32xi32> to vector<64x32x32xf32>
    %add3A_181 = arith.addf %convert_element_type3A_176, %convert_element_type3A_180 : vector<64x32x32xf32>
    %reduce_sum3A_182 = arith.constant dense<0.000000e+00> : vector<64x32xf32>
    %reduce_sum3A_183 = vector.multi_reduction <add>, %add3A_181, %reduce_sum3A_182 [1] : vector<64x32x32xf32> to vector<64x32xf32>
    %broadcast_in_dim3A_184 = vector.shape_cast %reduce_sum3A_183 : vector<64x32xf32> to vector<64x1x32xf32>
    %iota3A_185 = tpu.iota {dimensions = array<i32: 1>} : vector<64x32x32xi32>
    %eq3A_186 = arith.cmpi eq, %iota3A_185, %iota3A_173 : vector<64x32x32xi32>
    %convert_element_type3A_187 = arith.extui %eq3A_186 : vector<64x32x32xi1> to vector<64x32x32xi32>
    %convert_element_type3A_188 = arith.sitofp %convert_element_type3A_187 : vector<64x32x32xi32> to vector<64x32x32xf32>
    %reshape3A = vector.shape_cast %select_n3A_123 : vector<2048x256xf32> to vector<64x32x256xf32>
    %convert_element_type3A_189 = arith.truncf %reshape3A : vector<64x32x256xf32> to vector<64x32x256xbf16>
    %convert_element_type3A_190 = arith.extf %convert_element_type3A_189 : vector<64x32x256xbf16> to vector<64x32x256xf32>
    %get3A_191 = arith.constant 0 : index
    %get3A_192 = arith.constant 0 : index
    %get3A_193 = arith.constant 0 : index
    %get3A_194 = vector.load %arg8[%get3A_191, %get3A_192, %get3A_193] : memref<1x1x256xf32, #tpu.memory_space<vmem>>, vector<1x1x256xf32>
    %convert_element_type3A_195 = arith.truncf %get3A_194 : vector<1x1x256xf32> to vector<1x1x256xbf16>
    %convert_element_type3A_196 = arith.extf %convert_element_type3A_195 : vector<1x1x256xbf16> to vector<1x1x256xf32>
    %mul3A_197 = vector.broadcast %convert_element_type3A_196 : vector<1x1x256xf32> to vector<64x32x256xf32>
    %mul3A_198 = arith.mulf %convert_element_type3A_190, %mul3A_197 : vector<64x32x256xf32>
    %reduce_sum3A_199 = arith.constant dense<0.000000e+00> : vector<64x32xf32>
    %reduce_sum3A_200 = vector.multi_reduction <add>, %mul3A_198, %reduce_sum3A_199 [2] : vector<64x32x256xf32> to vector<64x32xf32>
    %broadcast_in_dim3A_201 = vector.shape_cast %reduce_sum3A_200 : vector<64x32xf32> to vector<64x32x1xf32>
    %mul3A_202 = vector.broadcast %broadcast_in_dim3A_201 : vector<64x32x1xf32> to vector<64x32x32xf32>
    %mul3A_203 = arith.mulf %add3A_181, %mul3A_202 : vector<64x32x32xf32>
    %reduce_sum3A_204 = arith.constant dense<0.000000e+00> : vector<64x32xf32>
    %reduce_sum3A_205 = vector.multi_reduction <add>, %mul3A_203, %reduce_sum3A_204 [1] : vector<64x32x32xf32> to vector<64x32xf32>
    %broadcast_in_dim3A_206 = vector.shape_cast %reduce_sum3A_205 : vector<64x32xf32> to vector<64x1x32xf32>
    %sub3A_207 = arith.constant 1.000000e+00 : f32
    %sub3A_208 = vector.broadcast %sub3A_207 : f32 to vector<64x1x32xf32>
    %sub3A_209 = arith.subf %broadcast_in_dim3A_206, %sub3A_208 : vector<64x1x32xf32>
    %div3A_210 = arith.divf %sub3A_209, %broadcast_in_dim3A_184 : vector<64x1x32xf32>
    %mul3A_211 = vector.broadcast %div3A_210 : vector<64x1x32xf32> to vector<64x32x32xf32>
    %mul3A_212 = arith.mulf %convert_element_type3A_176, %mul3A_211 : vector<64x32x32xf32>
    %reduce_sum3A_213 = arith.constant dense<0.000000e+00> : vector<64x32xf32>
    %reduce_sum3A_214 = vector.multi_reduction <add>, %mul3A_212, %reduce_sum3A_213 [2] : vector<64x32x32xf32> to vector<64x32xf32>
    %broadcast_in_dim3A_215 = vector.shape_cast %reduce_sum3A_214 : vector<64x32xf32> to vector<64x32x1xf32>
    %mul3A_216 = vector.broadcast %div3A_210 : vector<64x1x32xf32> to vector<64x32x32xf32>
    %mul3A_217 = arith.mulf %convert_element_type3A_180, %mul3A_216 : vector<64x32x32xf32>
    %reduce_sum3A_218 = arith.constant dense<0.000000e+00> : vector<64x32xf32>
    %reduce_sum3A_219 = vector.multi_reduction <add>, %mul3A_217, %reduce_sum3A_218 [2] : vector<64x32x32xf32> to vector<64x32xf32>
    %broadcast_in_dim3A_220 = vector.shape_cast %reduce_sum3A_219 : vector<64x32xf32> to vector<64x32x1xf32>
    %get3A_221 = arith.constant 0 : index
    %get3A_222 = arith.constant 0 : index
    %get3A_223 = arith.constant 0 : index
    %get3A_224 = vector.load %arg10[%get3A_221, %get3A_222, %get3A_223] : memref<64x1x32xf32, #tpu.memory_space<vmem>>, vector<64x1x32xf32>
    %mul3A_225 = vector.broadcast %get3A_224 : vector<64x1x32xf32> to vector<64x32x32xf32>
    %mul3A_226 = arith.mulf %convert_element_type3A_176, %mul3A_225 : vector<64x32x32xf32>
    %reduce_sum3A_227 = arith.constant dense<0.000000e+00> : vector<64x32xf32>
    %reduce_sum3A_228 = vector.multi_reduction <add>, %mul3A_226, %reduce_sum3A_227 [2] : vector<64x32x32xf32> to vector<64x32xf32>
    %broadcast_in_dim3A_229 = vector.shape_cast %reduce_sum3A_228 : vector<64x32xf32> to vector<64x32x1xf32>
    %mul3A_230 = vector.broadcast %get3A_224 : vector<64x1x32xf32> to vector<64x32x32xf32>
    %mul3A_231 = arith.mulf %convert_element_type3A_180, %mul3A_230 : vector<64x32x32xf32>
    %reduce_sum3A_232 = arith.constant dense<0.000000e+00> : vector<64x32xf32>
    %reduce_sum3A_233 = vector.multi_reduction <add>, %mul3A_231, %reduce_sum3A_232 [2] : vector<64x32x32xf32> to vector<64x32xf32>
    %broadcast_in_dim3A_234 = vector.shape_cast %reduce_sum3A_233 : vector<64x32xf32> to vector<64x32x1xf32>
    %sub3A_235 = arith.subf %broadcast_in_dim3A_201, %broadcast_in_dim3A_215 : vector<64x32x1xf32>
    %mul3A_236 = arith.mulf %broadcast_in_dim3A_229, %sub3A_235 : vector<64x32x1xf32>
    %sub3A_237 = arith.subf %broadcast_in_dim3A_201, %broadcast_in_dim3A_220 : vector<64x32x1xf32>
    %mul3A_238 = arith.mulf %broadcast_in_dim3A_234, %sub3A_237 : vector<64x32x1xf32>
    %add3A_239 = arith.addf %mul3A_236, %mul3A_238 : vector<64x32x1xf32>
    %reshape3A_240 = vector.shape_cast %add3A_239 : vector<64x32x1xf32> to vector<2048x1xf32>
    %swap3A = arith.constant 0 : index
    %swap3A_241 = arith.constant 0 : index
    %swap3A_242 = vector.load %arg27[%swap3A, %swap3A_241] : memref<2048x1xf32, #tpu.memory_space<vmem>>, vector<2048x1xf32>
    tpu.vector_store %arg27[%swap3A, %swap3A_241], %reshape3A_240 {strides = array<i32>} : memref<2048x1xf32, #tpu.memory_space<vmem>>, vector<2048x1xf32>,
    %mul3A_243 = vector.broadcast %add3A_239 : vector<64x32x1xf32> to vector<64x32x32xf32>
    %mul3A_244 = arith.mulf %convert_element_type3A_188, %mul3A_243 : vector<64x32x32xf32>
    %reduce_sum3A_245 = arith.constant dense<0.000000e+00> : vector<64x32xf32>
    %reduce_sum3A_246 = vector.multi_reduction <add>, %mul3A_244, %reduce_sum3A_245 [1] : vector<64x32x32xf32> to vector<64x32xf32>
    %broadcast_in_dim3A_247 = vector.shape_cast %reduce_sum3A_246 : vector<64x32xf32> to vector<64x1x32xf32>
    %swap3A_248 = arith.constant 0 : index
    %swap3A_249 = arith.constant 0 : index
    %swap3A_250 = arith.constant 0 : index
    %swap3A_251 = vector.load %arg28[%swap3A_248, %swap3A_249, %swap3A_250] : memref<64x1x32xf32, #tpu.memory_space<vmem>>, vector<64x1x32xf32>
    tpu.vector_store %arg28[%swap3A_248, %swap3A_249, %swap3A_250], %broadcast_in_dim3A_247 {strides = array<i32>} : memref<64x1x32xf32, #tpu.memory_space<vmem>>, vector<64x1x32xf32>,
    %mul3A_252 = arith.constant 3.200000e+01 : f32
    %mul3A_253 = vector.broadcast %mul3A_252 : f32 to vector<64x1x1xf32>
    %mul3A_254 = arith.mulf %div3A_141, %mul3A_253 : vector<64x1x1xf32>
    %broadcast_in_dim3A_255 = vector.shape_cast %mul3A_254 : vector<64x1x1xf32> to vector<64x1x1xf32>
    %broadcast_in_dim3A_256 = vector.broadcast %broadcast_in_dim3A_255 : vector<64x1x1xf32> to vector<64x32x1xf32>
    %concatenate3A = tpu.concatenate %add3A_239, %broadcast_in_dim3A_256 in 2 : vector<64x32x1xf32>, vector<64x32x1xf32> -> vector<64x32x2xf32>
    %slice3A = vector.extract_strided_slice %concatenate3A {offsets = [0, 30, 0], sizes = [64, 2, 2], strides = [1, 1, 1]} : vector<64x32x2xf32> to vector<64x2x2xf32>
    %slice3A_257 = vector.extract_strided_slice %concatenate3A {offsets = [0, 0, 0], sizes = [64, 30, 2], strides = [1, 1, 1]} : vector<64x32x2xf32> to vector<64x30x2xf32>
    %concatenate3A_258 = tpu.concatenate %slice3A, %slice3A_257 in 1 : vector<64x2x2xf32>, vector<64x30x2xf32> -> vector<64x32x2xf32>
    %slice3A_259 = vector.extract_strided_slice %concatenate3A {offsets = [0, 31, 0], sizes = [64, 1, 2], strides = [1, 1, 1]} : vector<64x32x2xf32> to vector<64x1x2xf32>
    %slice3A_260 = vector.extract_strided_slice %concatenate3A {offsets = [0, 0, 0], sizes = [64, 31, 2], strides = [1, 1, 1]} : vector<64x32x2xf32> to vector<64x31x2xf32>
    %concatenate3A_261 = tpu.concatenate %slice3A_259, %slice3A_260 in 1 : vector<64x1x2xf32>, vector<64x31x2xf32> -> vector<64x32x2xf32>
    %slice3A_262 = vector.extract_strided_slice %concatenate3A {offsets = [0, 1, 0], sizes = [64, 31, 2], strides = [1, 1, 1]} : vector<64x32x2xf32> to vector<64x31x2xf32>
    %slice3A_263 = vector.extract_strided_slice %concatenate3A {offsets = [0, 0, 0], sizes = [64, 1, 2], strides = [1, 1, 1]} : vector<64x32x2xf32> to vector<64x1x2xf32>
    %concatenate3A_264 = tpu.concatenate %slice3A_262, %slice3A_263 in 1 : vector<64x31x2xf32>, vector<64x1x2xf32> -> vector<64x32x2xf32>
    %slice3A_265 = vector.extract_strided_slice %concatenate3A {offsets = [0, 2, 0], sizes = [64, 30, 2], strides = [1, 1, 1]} : vector<64x32x2xf32> to vector<64x30x2xf32>
    %slice3A_266 = vector.extract_strided_slice %concatenate3A {offsets = [0, 0, 0], sizes = [64, 2, 2], strides = [1, 1, 1]} : vector<64x32x2xf32> to vector<64x2x2xf32>
    %concatenate3A_267 = tpu.concatenate %slice3A_265, %slice3A_266 in 1 : vector<64x30x2xf32>, vector<64x2x2xf32> -> vector<64x32x2xf32>
    %concatenate3A_268 = tpu.concatenate %concatenate3A_258, %concatenate3A_261, %concatenate3A, %concatenate3A_264, %concatenate3A_267 in 2 : vector<64x32x2xf32>, vector<64x32x2xf32>, vector<64x32x2xf32>, vector<64x32x2xf32>, vector<64x32x2xf32> -> vector<64x32x10xf32>
    %reshape3A_269 = vector.shape_cast %concatenate3A_268 : vector<64x32x10xf32> to vector<2048x10xf32>
    %dot_general3A_270 = arith.constant dense<0.000000e+00> : vector<2048x32xf32>
    %dot_general3A_271 = tpu.matmul %reshape3A_269, %get3A_1, %dot_general3A_270 {dimension_numbers = #tpu.dot_dimension_numbers<[1], [0], [0], [1], [0, 0, 1, 1], [], []>, transpose_lhs_hint = false} : vector<2048x10xf32>, vector<10x32xf32>, vector<2048x32xf32> -> vector<2048x32xf32>
    %add3A_272 = vector.broadcast %get3A_4 : vector<1x32xf32> to vector<2048x32xf32>
    %add3A_273 = arith.addf %dot_general3A_271, %add3A_272 : vector<2048x32xf32>
    %gt3A_274 = arith.constant 0.000000e+00 : f32
    %gt3A_275 = vector.broadcast %gt3A_274 : f32 to vector<2048x32xf32>
    %gt3A_276 = arith.cmpf ogt, %add3A_273, %gt3A_275 : vector<2048x32xf32>
    %min3A_277 = arith.constant 0.000000e+00 : f32
    %min3A_278 = vector.broadcast %min3A_277 : f32 to vector<2048x32xf32>
    %min3A_279 = arith.minimumf %add3A_273, %min3A_278 : vector<2048x32xf32>
    %exp3A_280 = math.exp %min3A_279 : vector<2048x32xf32>
    %sub3A_281 = arith.constant 1.000000e+00 : f32
    %sub3A_282 = vector.broadcast %sub3A_281 : f32 to vector<2048x32xf32>
    %sub3A_283 = arith.subf %exp3A_280, %sub3A_282 : vector<2048x32xf32>
    %select_n3A_284 = arith.select %gt3A_276, %add3A_273, %sub3A_283 : vector<2048x32xi1>, vector<2048x32xf32>
    %reshape3A_285 = vector.shape_cast %select_n3A_284 : vector<2048x32xf32> to vector<64x32x32xf32>
    %slice3A_286 = vector.extract_strided_slice %reshape3A_285 {offsets = [0, 30, 0], sizes = [64, 2, 32], strides = [1, 1, 1]} : vector<64x32x32xf32> to vector<64x2x32xf32>
    %slice3A_287 = vector.extract_strided_slice %reshape3A_285 {offsets = [0, 0, 0], sizes = [64, 30, 32], strides = [1, 1, 1]} : vector<64x32x32xf32> to vector<64x30x32xf32>
    %concatenate3A_288 = tpu.concatenate %slice3A_286, %slice3A_287 in 1 : vector<64x2x32xf32>, vector<64x30x32xf32> -> vector<64x32x32xf32>
    %slice3A_289 = vector.extract_strided_slice %reshape3A_285 {offsets = [0, 31, 0], sizes = [64, 1, 32], strides = [1, 1, 1]} : vector<64x32x32xf32> to vector<64x1x32xf32>
    %slice3A_290 = vector.extract_strided_slice %reshape3A_285 {offsets = [0, 0, 0], sizes = [64, 31, 32], strides = [1, 1, 1]} : vector<64x32x32xf32> to vector<64x31x32xf32>
    %concatenate3A_291 = tpu.concatenate %slice3A_289, %slice3A_290 in 1 : vector<64x1x32xf32>, vector<64x31x32xf32> -> vector<64x32x32xf32>
    %slice3A_292 = vector.extract_strided_slice %reshape3A_285 {offsets = [0, 1, 0], sizes = [64, 31, 32], strides = [1, 1, 1]} : vector<64x32x32xf32> to vector<64x31x32xf32>
    %slice3A_293 = vector.extract_strided_slice %reshape3A_285 {offsets = [0, 0, 0], sizes = [64, 1, 32], strides = [1, 1, 1]} : vector<64x32x32xf32> to vector<64x1x32xf32>
    %concatenate3A_294 = tpu.concatenate %slice3A_292, %slice3A_293 in 1 : vector<64x31x32xf32>, vector<64x1x32xf32> -> vector<64x32x32xf32>
    %slice3A_295 = vector.extract_strided_slice %reshape3A_285 {offsets = [0, 2, 0], sizes = [64, 30, 32], strides = [1, 1, 1]} : vector<64x32x32xf32> to vector<64x30x32xf32>
    %slice3A_296 = vector.extract_strided_slice %reshape3A_285 {offsets = [0, 0, 0], sizes = [64, 2, 32], strides = [1, 1, 1]} : vector<64x32x32xf32> to vector<64x2x32xf32>
    %concatenate3A_297 = tpu.concatenate %slice3A_295, %slice3A_296 in 1 : vector<64x30x32xf32>, vector<64x2x32xf32> -> vector<64x32x32xf32>
    %concatenate3A_298 = tpu.concatenate %concatenate3A_288, %concatenate3A_291, %reshape3A_285, %concatenate3A_294, %concatenate3A_297 in 2 : vector<64x32x32xf32>, vector<64x32x32xf32>, vector<64x32x32xf32>, vector<64x32x32xf32>, vector<64x32x32xf32> -> vector<64x32x160xf32>
    %reshape3A_299 = vector.shape_cast %concatenate3A_298 : vector<64x32x160xf32> to vector<2048x160xf32>
    %dot_general3A_300 = arith.constant dense<0.000000e+00> : vector<2048x32xf32>
    %dot_general3A_301 = tpu.matmul %reshape3A_299, %get3A_7, %dot_general3A_300 {dimension_numbers = #tpu.dot_dimension_numbers<[1], [0], [0], [1], [0, 0, 1, 1], [], []>, transpose_lhs_hint = false} : vector<2048x160xf32>, vector<160x32xf32>, vector<2048x32xf32> -> vector<2048x32xf32>
    %add3A_302 = vector.broadcast %get3A_10 : vector<1x32xf32> to vector<2048x32xf32>
    %add3A_303 = arith.addf %dot_general3A_301, %add3A_302 : vector<2048x32xf32>
    %gt3A_304 = arith.constant 0.000000e+00 : f32
    %gt3A_305 = vector.broadcast %gt3A_304 : f32 to vector<2048x32xf32>
    %gt3A_306 = arith.cmpf ogt, %add3A_303, %gt3A_305 : vector<2048x32xf32>
    %min3A_307 = arith.constant 0.000000e+00 : f32
    %min3A_308 = vector.broadcast %min3A_307 : f32 to vector<2048x32xf32>
    %min3A_309 = arith.minimumf %add3A_303, %min3A_308 : vector<2048x32xf32>
    %exp3A_310 = math.exp %min3A_309 : vector<2048x32xf32>
    %sub3A_311 = arith.constant 1.000000e+00 : f32
    %sub3A_312 = vector.broadcast %sub3A_311 : f32 to vector<2048x32xf32>
    %sub3A_313 = arith.subf %exp3A_310, %sub3A_312 : vector<2048x32xf32>
    %select_n3A_314 = arith.select %gt3A_306, %add3A_303, %sub3A_313 : vector<2048x32xi1>, vector<2048x32xf32>
    %reshape3A_315 = vector.shape_cast %select_n3A_314 : vector<2048x32xf32> to vector<64x32x32xf32>
    %slice3A_316 = vector.extract_strided_slice %reshape3A_315 {offsets = [0, 30, 0], sizes = [64, 2, 32], strides = [1, 1, 1]} : vector<64x32x32xf32> to vector<64x2x32xf32>
    %slice3A_317 = vector.extract_strided_slice %reshape3A_315 {offsets = [0, 0, 0], sizes = [64, 30, 32], strides = [1, 1, 1]} : vector<64x32x32xf32> to vector<64x30x32xf32>
    %concatenate3A_318 = tpu.concatenate %slice3A_316, %slice3A_317 in 1 : vector<64x2x32xf32>, vector<64x30x32xf32> -> vector<64x32x32xf32>
    %slice3A_319 = vector.extract_strided_slice %reshape3A_315 {offsets = [0, 31, 0], sizes = [64, 1, 32], strides = [1, 1, 1]} : vector<64x32x32xf32> to vector<64x1x32xf32>
    %slice3A_320 = vector.extract_strided_slice %reshape3A_315 {offsets = [0, 0, 0], sizes = [64, 31, 32], strides = [1, 1, 1]} : vector<64x32x32xf32> to vector<64x31x32xf32>
    %concatenate3A_321 = tpu.concatenate %slice3A_319, %slice3A_320 in 1 : vector<64x1x32xf32>, vector<64x31x32xf32> -> vector<64x32x32xf32>
    %slice3A_322 = vector.extract_strided_slice %reshape3A_315 {offsets = [0, 1, 0], sizes = [64, 31, 32], strides = [1, 1, 1]} : vector<64x32x32xf32> to vector<64x31x32xf32>
    %slice3A_323 = vector.extract_strided_slice %reshape3A_315 {offsets = [0, 0, 0], sizes = [64, 1, 32], strides = [1, 1, 1]} : vector<64x32x32xf32> to vector<64x1x32xf32>
    %concatenate3A_324 = tpu.concatenate %slice3A_322, %slice3A_323 in 1 : vector<64x31x32xf32>, vector<64x1x32xf32> -> vector<64x32x32xf32>
    %slice3A_325 = vector.extract_strided_slice %reshape3A_315 {offsets = [0, 2, 0], sizes = [64, 30, 32], strides = [1, 1, 1]} : vector<64x32x32xf32> to vector<64x30x32xf32>
    %slice3A_326 = vector.extract_strided_slice %reshape3A_315 {offsets = [0, 0, 0], sizes = [64, 2, 32], strides = [1, 1, 1]} : vector<64x32x32xf32> to vector<64x2x32xf32>
    %concatenate3A_327 = tpu.concatenate %slice3A_325, %slice3A_326 in 1 : vector<64x30x32xf32>, vector<64x2x32xf32> -> vector<64x32x32xf32>
    %concatenate3A_328 = tpu.concatenate %concatenate3A_318, %concatenate3A_321, %reshape3A_315, %concatenate3A_324, %concatenate3A_327 in 2 : vector<64x32x32xf32>, vector<64x32x32xf32>, vector<64x32x32xf32>, vector<64x32x32xf32>, vector<64x32x32xf32> -> vector<64x32x160xf32>
    %reshape3A_329 = vector.shape_cast %concatenate3A_328 : vector<64x32x160xf32> to vector<2048x160xf32>
    %dot_general3A_330 = arith.constant dense<0.000000e+00> : vector<2048x32xf32>
    %dot_general3A_331 = tpu.matmul %reshape3A_329, %get3A_13, %dot_general3A_330 {dimension_numbers = #tpu.dot_dimension_numbers<[1], [0], [0], [1], [0, 0, 1, 1], [], []>, transpose_lhs_hint = false} : vector<2048x160xf32>, vector<160x32xf32>, vector<2048x32xf32> -> vector<2048x32xf32>
    %add3A_332 = vector.broadcast %get3A_16 : vector<1x32xf32> to vector<2048x32xf32>
    %add3A_333 = arith.addf %dot_general3A_331, %add3A_332 : vector<2048x32xf32>
    %gt3A_334 = arith.constant 0.000000e+00 : f32
    %gt3A_335 = vector.broadcast %gt3A_334 : f32 to vector<2048x32xf32>
    %gt3A_336 = arith.cmpf ogt, %add3A_333, %gt3A_335 : vector<2048x32xf32>
    %min3A_337 = arith.constant 0.000000e+00 : f32
    %min3A_338 = vector.broadcast %min3A_337 : f32 to vector<2048x32xf32>
    %min3A_339 = arith.minimumf %add3A_333, %min3A_338 : vector<2048x32xf32>
    %exp3A_340 = math.exp %min3A_339 : vector<2048x32xf32>
    %sub3A_341 = arith.constant 1.000000e+00 : f32
    %sub3A_342 = vector.broadcast %sub3A_341 : f32 to vector<2048x32xf32>
    %sub3A_343 = arith.subf %exp3A_340, %sub3A_342 : vector<2048x32xf32>
    %select_n3A_344 = arith.select %gt3A_336, %add3A_333, %sub3A_343 : vector<2048x32xi1>, vector<2048x32xf32>
    %reshape3A_345 = vector.shape_cast %select_n3A_344 : vector<2048x32xf32> to vector<64x32x32xf32>
    %slice3A_346 = vector.extract_strided_slice %reshape3A_345 {offsets = [0, 30, 0], sizes = [64, 2, 32], strides = [1, 1, 1]} : vector<64x32x32xf32> to vector<64x2x32xf32>
    %slice3A_347 = vector.extract_strided_slice %reshape3A_345 {offsets = [0, 0, 0], sizes = [64, 30, 32], strides = [1, 1, 1]} : vector<64x32x32xf32> to vector<64x30x32xf32>
    %concatenate3A_348 = tpu.concatenate %slice3A_346, %slice3A_347 in 1 : vector<64x2x32xf32>, vector<64x30x32xf32> -> vector<64x32x32xf32>
    %slice3A_349 = vector.extract_strided_slice %reshape3A_345 {offsets = [0, 31, 0], sizes = [64, 1, 32], strides = [1, 1, 1]} : vector<64x32x32xf32> to vector<64x1x32xf32>
    %slice3A_350 = vector.extract_strided_slice %reshape3A_345 {offsets = [0, 0, 0], sizes = [64, 31, 32], strides = [1, 1, 1]} : vector<64x32x32xf32> to vector<64x31x32xf32>
    %concatenate3A_351 = tpu.concatenate %slice3A_349, %slice3A_350 in 1 : vector<64x1x32xf32>, vector<64x31x32xf32> -> vector<64x32x32xf32>
    %slice3A_352 = vector.extract_strided_slice %reshape3A_345 {offsets = [0, 1, 0], sizes = [64, 31, 32], strides = [1, 1, 1]} : vector<64x32x32xf32> to vector<64x31x32xf32>
    %slice3A_353 = vector.extract_strided_slice %reshape3A_345 {offsets = [0, 0, 0], sizes = [64, 1, 32], strides = [1, 1, 1]} : vector<64x32x32xf32> to vector<64x1x32xf32>
    %concatenate3A_354 = tpu.concatenate %slice3A_352, %slice3A_353 in 1 : vector<64x31x32xf32>, vector<64x1x32xf32> -> vector<64x32x32xf32>
    %slice3A_355 = vector.extract_strided_slice %reshape3A_345 {offsets = [0, 2, 0], sizes = [64, 30, 32], strides = [1, 1, 1]} : vector<64x32x32xf32> to vector<64x30x32xf32>
    %slice3A_356 = vector.extract_strided_slice %reshape3A_345 {offsets = [0, 0, 0], sizes = [64, 2, 32], strides = [1, 1, 1]} : vector<64x32x32xf32> to vector<64x2x32xf32>
    %concatenate3A_357 = tpu.concatenate %slice3A_355, %slice3A_356 in 1 : vector<64x30x32xf32>, vector<64x2x32xf32> -> vector<64x32x32xf32>
    %concatenate3A_358 = tpu.concatenate %concatenate3A_348, %concatenate3A_351, %reshape3A_345, %concatenate3A_354, %concatenate3A_357 in 2 : vector<64x32x32xf32>, vector<64x32x32xf32>, vector<64x32x32xf32>, vector<64x32x32xf32>, vector<64x32x32xf32> -> vector<64x32x160xf32>
    %reshape3A_359 = vector.shape_cast %concatenate3A_358 : vector<64x32x160xf32> to vector<2048x160xf32>
    %dot_general3A_360 = arith.constant dense<0.000000e+00> : vector<2048x32xf32>
    %dot_general3A_361 = tpu.matmul %reshape3A_359, %get3A_19, %dot_general3A_360 {dimension_numbers = #tpu.dot_dimension_numbers<[1], [0], [0], [1], [0, 0, 1, 1], [], []>, transpose_lhs_hint = false} : vector<2048x160xf32>, vector<160x32xf32>, vector<2048x32xf32> -> vector<2048x32xf32>
    %add3A_362 = vector.broadcast %get3A_22 : vector<1x32xf32> to vector<2048x32xf32>
    %add3A_363 = arith.addf %dot_general3A_361, %add3A_362 : vector<2048x32xf32>
    %gt3A_364 = arith.constant 0.000000e+00 : f32
    %gt3A_365 = vector.broadcast %gt3A_364 : f32 to vector<2048x32xf32>
    %gt3A_366 = arith.cmpf ogt, %add3A_363, %gt3A_365 : vector<2048x32xf32>
    %min3A_367 = arith.constant 0.000000e+00 : f32
    %min3A_368 = vector.broadcast %min3A_367 : f32 to vector<2048x32xf32>
    %min3A_369 = arith.minimumf %add3A_363, %min3A_368 : vector<2048x32xf32>
    %exp3A_370 = math.exp %min3A_369 : vector<2048x32xf32>
    %sub3A_371 = arith.constant 1.000000e+00 : f32
    %sub3A_372 = vector.broadcast %sub3A_371 : f32 to vector<2048x32xf32>
    %sub3A_373 = arith.subf %exp3A_370, %sub3A_372 : vector<2048x32xf32>
    %select_n3A_374 = arith.select %gt3A_366, %add3A_363, %sub3A_373 : vector<2048x32xi1>, vector<2048x32xf32>
    %reshape3A_375 = vector.shape_cast %select_n3A_374 : vector<2048x32xf32> to vector<64x32x32xf32>
    %slice3A_376 = vector.extract_strided_slice %reshape3A_375 {offsets = [0, 30, 0], sizes = [64, 2, 32], strides = [1, 1, 1]} : vector<64x32x32xf32> to vector<64x2x32xf32>
    %slice3A_377 = vector.extract_strided_slice %reshape3A_375 {offsets = [0, 0, 0], sizes = [64, 30, 32], strides = [1, 1, 1]} : vector<64x32x32xf32> to vector<64x30x32xf32>
    %concatenate3A_378 = tpu.concatenate %slice3A_376, %slice3A_377 in 1 : vector<64x2x32xf32>, vector<64x30x32xf32> -> vector<64x32x32xf32>
    %slice3A_379 = vector.extract_strided_slice %reshape3A_375 {offsets = [0, 31, 0], sizes = [64, 1, 32], strides = [1, 1, 1]} : vector<64x32x32xf32> to vector<64x1x32xf32>
    %slice3A_380 = vector.extract_strided_slice %reshape3A_375 {offsets = [0, 0, 0], sizes = [64, 31, 32], strides = [1, 1, 1]} : vector<64x32x32xf32> to vector<64x31x32xf32>
    %concatenate3A_381 = tpu.concatenate %slice3A_379, %slice3A_380 in 1 : vector<64x1x32xf32>, vector<64x31x32xf32> -> vector<64x32x32xf32>
    %slice3A_382 = vector.extract_strided_slice %reshape3A_375 {offsets = [0, 1, 0], sizes = [64, 31, 32], strides = [1, 1, 1]} : vector<64x32x32xf32> to vector<64x31x32xf32>
    %slice3A_383 = vector.extract_strided_slice %reshape3A_375 {offsets = [0, 0, 0], sizes = [64, 1, 32], strides = [1, 1, 1]} : vector<64x32x32xf32> to vector<64x1x32xf32>
    %concatenate3A_384 = tpu.concatenate %slice3A_382, %slice3A_383 in 1 : vector<64x31x32xf32>, vector<64x1x32xf32> -> vector<64x32x32xf32>
    %slice3A_385 = vector.extract_strided_slice %reshape3A_375 {offsets = [0, 2, 0], sizes = [64, 30, 32], strides = [1, 1, 1]} : vector<64x32x32xf32> to vector<64x30x32xf32>
    %slice3A_386 = vector.extract_strided_slice %reshape3A_375 {offsets = [0, 0, 0], sizes = [64, 2, 32], strides = [1, 1, 1]} : vector<64x32x32xf32> to vector<64x2x32xf32>
    %concatenate3A_387 = tpu.concatenate %slice3A_385, %slice3A_386 in 1 : vector<64x30x32xf32>, vector<64x2x32xf32> -> vector<64x32x32xf32>
    %concatenate3A_388 = tpu.concatenate %concatenate3A_378, %concatenate3A_381, %reshape3A_375, %concatenate3A_384, %concatenate3A_387 in 2 : vector<64x32x32xf32>, vector<64x32x32xf32>, vector<64x32x32xf32>, vector<64x32x32xf32>, vector<64x32x32xf32> -> vector<64x32x160xf32>
    %reshape3A_389 = vector.shape_cast %concatenate3A_388 : vector<64x32x160xf32> to vector<2048x160xf32>
    %dot_general3A_390 = arith.constant dense<0.000000e+00> : vector<2048x32xf32>
    %dot_general3A_391 = tpu.matmul %reshape3A_389, %get3A_25, %dot_general3A_390 {dimension_numbers = #tpu.dot_dimension_numbers<[1], [0], [0], [1], [0, 0, 1, 1], [], []>, transpose_lhs_hint = false} : vector<2048x160xf32>, vector<160x32xf32>, vector<2048x32xf32> -> vector<2048x32xf32>
    %add3A_392 = vector.broadcast %get3A_28 : vector<1x32xf32> to vector<2048x32xf32>
    %add3A_393 = arith.addf %dot_general3A_391, %add3A_392 : vector<2048x32xf32>
    %gt3A_394 = arith.constant 0.000000e+00 : f32
    %gt3A_395 = vector.broadcast %gt3A_394 : f32 to vector<2048x32xf32>
    %gt3A_396 = arith.cmpf ogt, %add3A_393, %gt3A_395 : vector<2048x32xf32>
    %min3A_397 = arith.constant 0.000000e+00 : f32
    %min3A_398 = vector.broadcast %min3A_397 : f32 to vector<2048x32xf32>
    %min3A_399 = arith.minimumf %add3A_393, %min3A_398 : vector<2048x32xf32>
    %exp3A_400 = math.exp %min3A_399 : vector<2048x32xf32>
    %sub3A_401 = arith.constant 1.000000e+00 : f32
    %sub3A_402 = vector.broadcast %sub3A_401 : f32 to vector<2048x32xf32>
    %sub3A_403 = arith.subf %exp3A_400, %sub3A_402 : vector<2048x32xf32>
    %select_n3A_404 = arith.select %gt3A_396, %add3A_393, %sub3A_403 : vector<2048x32xi1>, vector<2048x32xf32>
    %reshape3A_405 = vector.shape_cast %select_n3A_404 : vector<2048x32xf32> to vector<64x32x32xf32>
    %slice3A_406 = vector.extract_strided_slice %reshape3A_405 {offsets = [0, 30, 0], sizes = [64, 2, 32], strides = [1, 1, 1]} : vector<64x32x32xf32> to vector<64x2x32xf32>
    %slice3A_407 = vector.extract_strided_slice %reshape3A_405 {offsets = [0, 0, 0], sizes = [64, 30, 32], strides = [1, 1, 1]} : vector<64x32x32xf32> to vector<64x30x32xf32>
    %concatenate3A_408 = tpu.concatenate %slice3A_406, %slice3A_407 in 1 : vector<64x2x32xf32>, vector<64x30x32xf32> -> vector<64x32x32xf32>
    %slice3A_409 = vector.extract_strided_slice %reshape3A_405 {offsets = [0, 31, 0], sizes = [64, 1, 32], strides = [1, 1, 1]} : vector<64x32x32xf32> to vector<64x1x32xf32>
    %slice3A_410 = vector.extract_strided_slice %reshape3A_405 {offsets = [0, 0, 0], sizes = [64, 31, 32], strides = [1, 1, 1]} : vector<64x32x32xf32> to vector<64x31x32xf32>
    %concatenate3A_411 = tpu.concatenate %slice3A_409, %slice3A_410 in 1 : vector<64x1x32xf32>, vector<64x31x32xf32> -> vector<64x32x32xf32>
    %slice3A_412 = vector.extract_strided_slice %reshape3A_405 {offsets = [0, 1, 0], sizes = [64, 31, 32], strides = [1, 1, 1]} : vector<64x32x32xf32> to vector<64x31x32xf32>
    %slice3A_413 = vector.extract_strided_slice %reshape3A_405 {offsets = [0, 0, 0], sizes = [64, 1, 32], strides = [1, 1, 1]} : vector<64x32x32xf32> to vector<64x1x32xf32>
    %concatenate3A_414 = tpu.concatenate %slice3A_412, %slice3A_413 in 1 : vector<64x31x32xf32>, vector<64x1x32xf32> -> vector<64x32x32xf32>
    %slice3A_415 = vector.extract_strided_slice %reshape3A_405 {offsets = [0, 2, 0], sizes = [64, 30, 32], strides = [1, 1, 1]} : vector<64x32x32xf32> to vector<64x30x32xf32>
    %slice3A_416 = vector.extract_strided_slice %reshape3A_405 {offsets = [0, 0, 0], sizes = [64, 2, 32], strides = [1, 1, 1]} : vector<64x32x32xf32> to vector<64x2x32xf32>
    %concatenate3A_417 = tpu.concatenate %slice3A_415, %slice3A_416 in 1 : vector<64x30x32xf32>, vector<64x2x32xf32> -> vector<64x32x32xf32>
    %concatenate3A_418 = tpu.concatenate %concatenate3A_408, %concatenate3A_411, %reshape3A_405, %concatenate3A_414, %concatenate3A_417 in 2 : vector<64x32x32xf32>, vector<64x32x32xf32>, vector<64x32x32xf32>, vector<64x32x32xf32>, vector<64x32x32xf32> -> vector<64x32x160xf32>
    %reshape3A_419 = vector.shape_cast %concatenate3A_418 : vector<64x32x160xf32> to vector<2048x160xf32>
    %dot_general3A_420 = arith.constant dense<0.000000e+00> : vector<2048x128xf32>
    %dot_general3A_421 = tpu.matmul %reshape3A_419, %get3A_31, %dot_general3A_420 {dimension_numbers = #tpu.dot_dimension_numbers<[1], [0], [0], [1], [0, 0, 1, 1], [], []>, transpose_lhs_hint = false} : vector<2048x160xf32>, vector<160x128xf32>, vector<2048x128xf32> -> vector<2048x128xf32>
    %add3A_422 = vector.broadcast %get3A_34 : vector<1x128xf32> to vector<2048x128xf32>
    %add3A_423 = arith.addf %dot_general3A_421, %add3A_422 : vector<2048x128xf32>
    %gt3A_424 = arith.constant 0.000000e+00 : f32
    %gt3A_425 = vector.broadcast %gt3A_424 : f32 to vector<2048x128xf32>
    %gt3A_426 = arith.cmpf ogt, %add3A_423, %gt3A_425 : vector<2048x128xf32>
    %min3A_427 = arith.constant 0.000000e+00 : f32
    %min3A_428 = vector.broadcast %min3A_427 : f32 to vector<2048x128xf32>
    %min3A_429 = arith.minimumf %add3A_423, %min3A_428 : vector<2048x128xf32>
    %exp3A_430 = math.exp %min3A_429 : vector<2048x128xf32>
    %sub3A_431 = arith.constant 1.000000e+00 : f32
    %sub3A_432 = vector.broadcast %sub3A_431 : f32 to vector<2048x128xf32>
    %sub3A_433 = arith.subf %exp3A_430, %sub3A_432 : vector<2048x128xf32>
    %select_n3A_434 = arith.select %gt3A_426, %add3A_423, %sub3A_433 : vector<2048x128xi1>, vector<2048x128xf32>
    %reshape3A_435 = vector.shape_cast %select_n3A_434 : vector<2048x128xf32> to vector<64x32x128xf32>
    %reshape3A_436 = vector.shape_cast %reshape3A_435 : vector<64x32x128xf32> to vector<2048x128xf32>
    %dot_general3A_437 = arith.constant dense<0.000000e+00> : vector<2048x256xf32>
    %dot_general3A_438 = tpu.matmul %reshape3A_436, %get3A_37, %dot_general3A_437 {dimension_numbers = #tpu.dot_dimension_numbers<[1], [0], [0], [1], [0, 0, 1, 1], [], []>, transpose_lhs_hint = false} : vector<2048x128xf32>, vector<128x256xf32>, vector<2048x256xf32> -> vector<2048x256xf32>
    %add3A_439 = vector.broadcast %get3A_40 : vector<1x256xf32> to vector<2048x256xf32>
    %add3A_440 = arith.addf %dot_general3A_438, %add3A_439 : vector<2048x256xf32>
    %swap3A_441 = arith.constant 0 : index
    %swap3A_442 = arith.constant 0 : index
    %swap3A_443 = vector.load %arg29[%swap3A_441, %swap3A_442] : memref<2048x256xf32, #tpu.memory_space<vmem>>, vector<2048x256xf32>
    tpu.vector_store %arg29[%swap3A_441, %swap3A_442], %add3A_440 {strides = array<i32>} : memref<2048x256xf32, #tpu.memory_space<vmem>>, vector<2048x256xf32>,
    %dot_general3A_444 = arith.constant dense<0.000000e+00> : vector<2048x256xf32>
    %dot_general3A_445 = tpu.matmul %reshape3A_436, %get3A_43, %dot_general3A_444 {dimension_numbers = #tpu.dot_dimension_numbers<[1], [0], [0], [1], [0, 0, 1, 1], [], []>, transpose_lhs_hint = false} : vector<2048x128xf32>, vector<128x256xf32>, vector<2048x256xf32> -> vector<2048x256xf32>
    %add3A_446 = vector.broadcast %get3A_46 : vector<1x256xf32> to vector<2048x256xf32>
    %add3A_447 = arith.addf %dot_general3A_445, %add3A_446 : vector<2048x256xf32>
    %swap3A_448 = arith.constant 0 : index
    %swap3A_449 = arith.constant 0 : index
    %swap3A_450 = vector.load %arg30[%swap3A_448, %swap3A_449] : memref<2048x256xf32, #tpu.memory_space<vmem>>, vector<2048x256xf32>
    tpu.vector_store %arg30[%swap3A_448, %swap3A_449], %add3A_447 {strides = array<i32>} : memref<2048x256xf32, #tpu.memory_space<vmem>>, vector<2048x256xf32>,
    return
  }
}

module attributes {stable_mosaic.version = 14 : i64} {
  func.func @_fin_body(%arg0: memref<64x1x1xf32, #tpu.memory_space<vmem>>, %arg1: memref<2048x256xf32, #tpu.memory_space<vmem>>, %arg2: memref<2048x256xf32, #tpu.memory_space<vmem>>, %arg3: memref<2048x256xf32, #tpu.memory_space<vmem>>, %arg4: memref<2048x256xf32, #tpu.memory_space<vmem>>, %arg5: memref<256x4xf32, #tpu.memory_space<vmem>>, %arg6: memref<4x256xf32, #tpu.memory_space<vmem>>, %arg7: memref<1x256xf32, #tpu.memory_space<vmem>>, %arg8: memref<1x1x256xf32, #tpu.memory_space<vmem>>, %arg9: memref<64x32x1xf32, #tpu.memory_space<vmem>>, %arg10: memref<64x1x32xf32, #tpu.memory_space<vmem>>, %arg11: memref<64x32x1xf32, #tpu.memory_space<vmem>>, %arg12: memref<64x1x32xf32, #tpu.memory_space<vmem>>, %arg13: memref<2048x1xf32, #tpu.memory_space<vmem>>) attributes {dimension_semantics = [], scalar_prefetch = 0 : i64, scratch_operands = 0 : i64, tpu.core_type = #tpu.core_type<tc>} {
    %get3A = arith.constant 0 : index
    %get3A_0 = arith.constant 0 : index
    %get3A_1 = vector.load %arg1[%get3A, %get3A_0] : memref<2048x256xf32, #tpu.memory_space<vmem>>, vector<2048x256xf32>
    %get3A_2 = arith.constant 0 : index
    %get3A_3 = arith.constant 0 : index
    %get3A_4 = vector.load %arg2[%get3A_2, %get3A_3] : memref<2048x256xf32, #tpu.memory_space<vmem>>, vector<2048x256xf32>
    %get3A_5 = arith.constant 0 : index
    %get3A_6 = arith.constant 0 : index
    %get3A_7 = vector.load %arg3[%get3A_5, %get3A_6] : memref<2048x256xf32, #tpu.memory_space<vmem>>, vector<2048x256xf32>
    %get3A_8 = arith.constant 0 : index
    %get3A_9 = arith.constant 0 : index
    %get3A_10 = vector.load %arg4[%get3A_8, %get3A_9] : memref<2048x256xf32, #tpu.memory_space<vmem>>, vector<2048x256xf32>
    %get3A_11 = arith.constant 0 : index
    %get3A_12 = arith.constant 0 : index
    %get3A_13 = vector.load %arg5[%get3A_11, %get3A_12] : memref<256x4xf32, #tpu.memory_space<vmem>>, vector<256x4xf32>
    %get3A_14 = arith.constant 0 : index
    %get3A_15 = arith.constant 0 : index
    %get3A_16 = vector.load %arg6[%get3A_14, %get3A_15] : memref<4x256xf32, #tpu.memory_space<vmem>>, vector<4x256xf32>
    %get3A_17 = arith.constant 0 : index
    %get3A_18 = arith.constant 0 : index
    %get3A_19 = vector.load %arg7[%get3A_17, %get3A_18] : memref<1x256xf32, #tpu.memory_space<vmem>>, vector<1x256xf32>
    %add3A = arith.addf %get3A_1, %get3A_10 : vector<2048x256xf32>
    %ge3A = arith.constant 0.000000e+00 : f32
    %ge3A_20 = vector.broadcast %ge3A : f32 to vector<2048x256xf32>
    %ge3A_21 = arith.cmpf oge, %add3A, %ge3A_20 : vector<2048x256xf32>
    %mul3A = arith.constant 2.000000e-01 : f32
    %mul3A_22 = vector.broadcast %mul3A : f32 to vector<2048x256xf32>
    %mul3A_23 = arith.mulf %mul3A_22, %add3A : vector<2048x256xf32>
    %select_n3A = arith.select %ge3A_21, %add3A, %mul3A_23 : vector<2048x256xi1>, vector<2048x256xf32>
    %dot_general3A = arith.constant dense<0.000000e+00> : vector<2048x4xf32>
    %dot_general3A_24 = tpu.matmul %select_n3A, %get3A_13, %dot_general3A {dimension_numbers = #tpu.dot_dimension_numbers<[1], [0], [0], [1], [0, 0, 1, 1], [], []>, precision = #tpu.contract_precision<fp32>, transpose_lhs_hint = false} : vector<2048x256xf32>, vector<256x4xf32>, vector<2048x4xf32> -> vector<2048x4xf32>
    %add3A_25 = arith.addf %get3A_4, %get3A_10 : vector<2048x256xf32>
    %ge3A_26 = arith.constant 0.000000e+00 : f32
    %ge3A_27 = vector.broadcast %ge3A_26 : f32 to vector<2048x256xf32>
    %ge3A_28 = arith.cmpf oge, %add3A_25, %ge3A_27 : vector<2048x256xf32>
    %mul3A_29 = arith.constant 2.000000e-01 : f32
    %mul3A_30 = vector.broadcast %mul3A_29 : f32 to vector<2048x256xf32>
    %mul3A_31 = arith.mulf %mul3A_30, %add3A_25 : vector<2048x256xf32>
    %select_n3A_32 = arith.select %ge3A_28, %add3A_25, %mul3A_31 : vector<2048x256xi1>, vector<2048x256xf32>
    %dot_general3A_33 = arith.constant dense<0.000000e+00> : vector<2048x4xf32>
    %dot_general3A_34 = tpu.matmul %select_n3A_32, %get3A_13, %dot_general3A_33 {dimension_numbers = #tpu.dot_dimension_numbers<[1], [0], [0], [1], [0, 0, 1, 1], [], []>, precision = #tpu.contract_precision<fp32>, transpose_lhs_hint = false} : vector<2048x256xf32>, vector<256x4xf32>, vector<2048x4xf32> -> vector<2048x4xf32>
    %add3A_35 = arith.addf %get3A_7, %get3A_10 : vector<2048x256xf32>
    %ge3A_36 = arith.constant 0.000000e+00 : f32
    %ge3A_37 = vector.broadcast %ge3A_36 : f32 to vector<2048x256xf32>
    %ge3A_38 = arith.cmpf oge, %add3A_35, %ge3A_37 : vector<2048x256xf32>
    %mul3A_39 = arith.constant 2.000000e-01 : f32
    %mul3A_40 = vector.broadcast %mul3A_39 : f32 to vector<2048x256xf32>
    %mul3A_41 = arith.mulf %mul3A_40, %add3A_35 : vector<2048x256xf32>
    %select_n3A_42 = arith.select %ge3A_38, %add3A_35, %mul3A_41 : vector<2048x256xi1>, vector<2048x256xf32>
    %dot_general3A_43 = arith.constant dense<0.000000e+00> : vector<2048x4xf32>
    %dot_general3A_44 = tpu.matmul %select_n3A_42, %get3A_13, %dot_general3A_43 {dimension_numbers = #tpu.dot_dimension_numbers<[1], [0], [0], [1], [0, 0, 1, 1], [], []>, precision = #tpu.contract_precision<fp32>, transpose_lhs_hint = false} : vector<2048x256xf32>, vector<256x4xf32>, vector<2048x4xf32> -> vector<2048x4xf32>
    %max3A = arith.maximumf %dot_general3A_24, %dot_general3A_34 : vector<2048x4xf32>
    %max3A_45 = arith.maximumf %max3A, %dot_general3A_44 : vector<2048x4xf32>
    %sub3A = arith.subf %dot_general3A_24, %max3A_45 : vector<2048x4xf32>
    %exp3A = math.exp %sub3A : vector<2048x4xf32>
    %sub3A_46 = arith.subf %dot_general3A_34, %max3A_45 : vector<2048x4xf32>
    %exp3A_47 = math.exp %sub3A_46 : vector<2048x4xf32>
    %sub3A_48 = arith.subf %dot_general3A_44, %max3A_45 : vector<2048x4xf32>
    %exp3A_49 = math.exp %sub3A_48 : vector<2048x4xf32>
    %add3A_50 = arith.addf %exp3A, %exp3A_47 : vector<2048x4xf32>
    %add3A_51 = arith.addf %add3A_50, %exp3A_49 : vector<2048x4xf32>
    %div3A = arith.divf %exp3A, %add3A_51 : vector<2048x4xf32>
    %dot_general3A_52 = arith.constant dense<0.000000e+00> : vector<2048x256xf32>
    %dot_general3A_53 = tpu.matmul %div3A, %get3A_16, %dot_general3A_52 {dimension_numbers = #tpu.dot_dimension_numbers<[1], [0], [0], [1], [0, 0, 1, 1], [], []>, precision = #tpu.contract_precision<fp32>, transpose_lhs_hint = false} : vector<2048x4xf32>, vector<4x256xf32>, vector<2048x256xf32> -> vector<2048x256xf32>
    %mul3A_54 = arith.mulf %dot_general3A_53, %get3A_1 : vector<2048x256xf32>
    %div3A_55 = arith.divf %exp3A_47, %add3A_51 : vector<2048x4xf32>
    %dot_general3A_56 = arith.constant dense<0.000000e+00> : vector<2048x256xf32>
    %dot_general3A_57 = tpu.matmul %div3A_55, %get3A_16, %dot_general3A_56 {dimension_numbers = #tpu.dot_dimension_numbers<[1], [0], [0], [1], [0, 0, 1, 1], [], []>, precision = #tpu.contract_precision<fp32>, transpose_lhs_hint = false} : vector<2048x4xf32>, vector<4x256xf32>, vector<2048x256xf32> -> vector<2048x256xf32>
    %mul3A_58 = arith.mulf %dot_general3A_57, %get3A_4 : vector<2048x256xf32>
    %add3A_59 = arith.addf %mul3A_54, %mul3A_58 : vector<2048x256xf32>
    %div3A_60 = arith.divf %exp3A_49, %add3A_51 : vector<2048x4xf32>
    %dot_general3A_61 = arith.constant dense<0.000000e+00> : vector<2048x256xf32>
    %dot_general3A_62 = tpu.matmul %div3A_60, %get3A_16, %dot_general3A_61 {dimension_numbers = #tpu.dot_dimension_numbers<[1], [0], [0], [1], [0, 0, 1, 1], [], []>, precision = #tpu.contract_precision<fp32>, transpose_lhs_hint = false} : vector<2048x4xf32>, vector<4x256xf32>, vector<2048x256xf32> -> vector<2048x256xf32>
    %mul3A_63 = arith.mulf %dot_general3A_62, %get3A_7 : vector<2048x256xf32>
    %add3A_64 = arith.addf %add3A_59, %mul3A_63 : vector<2048x256xf32>
    %add3A_65 = vector.broadcast %get3A_19 : vector<1x256xf32> to vector<2048x256xf32>
    %add3A_66 = arith.addf %add3A_64, %add3A_65 : vector<2048x256xf32>
    %gt3A = arith.constant 0.000000e+00 : f32
    %gt3A_67 = vector.broadcast %gt3A : f32 to vector<2048x256xf32>
    %gt3A_68 = arith.cmpf ogt, %add3A_66, %gt3A_67 : vector<2048x256xf32>
    %min3A = arith.constant 0.000000e+00 : f32
    %min3A_69 = vector.broadcast %min3A : f32 to vector<2048x256xf32>
    %min3A_70 = arith.minimumf %add3A_66, %min3A_69 : vector<2048x256xf32>
    %exp3A_71 = math.exp %min3A_70 : vector<2048x256xf32>
    %sub3A_72 = arith.constant 1.000000e+00 : f32
    %sub3A_73 = vector.broadcast %sub3A_72 : f32 to vector<2048x256xf32>
    %sub3A_74 = arith.subf %exp3A_71, %sub3A_73 : vector<2048x256xf32>
    %select_n3A_75 = arith.select %gt3A_68, %add3A_66, %sub3A_74 : vector<2048x256xi1>, vector<2048x256xf32>
    %get3A_76 = arith.constant 0 : index
    %get3A_77 = arith.constant 0 : index
    %get3A_78 = arith.constant 0 : index
    %get3A_79 = vector.load %arg0[%get3A_76, %get3A_77, %get3A_78] : memref<64x1x1xf32, #tpu.memory_space<vmem>>, vector<64x1x1xf32>
    %mul3A_80 = arith.constant 2.000000e+00 : f32
    %mul3A_81 = vector.broadcast %mul3A_80 : f32 to vector<64x1x1xf32>
    %mul3A_82 = arith.mulf %mul3A_81, %get3A_79 : vector<64x1x1xf32>
    %add3A_83 = arith.addf %get3A_79, %mul3A_82 : vector<64x1x1xf32>
    %mul3A_84 = arith.constant 2.000000e+00 : f32
    %mul3A_85 = vector.broadcast %mul3A_84 : f32 to vector<64x1x1xf32>
    %mul3A_86 = arith.mulf %mul3A_85, %get3A_79 : vector<64x1x1xf32>
    %add3A_87 = arith.addf %add3A_83, %mul3A_86 : vector<64x1x1xf32>
    %add3A_88 = arith.addf %add3A_87, %get3A_79 : vector<64x1x1xf32>
    %neg3A = arith.constant 0.000000e+00 : f32
    %neg3A_89 = vector.broadcast %neg3A : f32 to vector<64x1x1xf32>
    %neg3A_90 = arith.subf %neg3A_89, %add3A_88 : vector<64x1x1xf32>
    %div3A_91 = arith.constant 6.000000e+00 : f32
    %div3A_92 = vector.broadcast %div3A_91 : f32 to vector<64x1x1xf32>
    %div3A_93 = arith.divf %neg3A_90, %div3A_92 : vector<64x1x1xf32>
    %iota3A = tpu.iota {dimensions = array<i32: 1>} : vector<64x32x1xi32>
    %convert_element_type3A = arith.sitofp %iota3A : vector<64x32x1xi32> to vector<64x32x1xf32>
    %add3A_94 = arith.constant 5.000000e-01 : f32
    %add3A_95 = vector.broadcast %add3A_94 : f32 to vector<64x32x1xf32>
    %add3A_96 = arith.addf %convert_element_type3A, %add3A_95 : vector<64x32x1xf32>
    %mul3A_97 = arith.constant 3.125000e-02 : f32
    %mul3A_98 = vector.broadcast %mul3A_97 : f32 to vector<64x32x1xf32>
    %mul3A_99 = arith.mulf %add3A_96, %mul3A_98 : vector<64x32x1xf32>
    %add3A_100 = vector.broadcast %div3A_93 : vector<64x1x1xf32> to vector<64x32x1xf32>
    %add3A_101 = arith.addf %mul3A_99, %add3A_100 : vector<64x32x1xf32>
    %floor3A = math.floor %add3A_101 : vector<64x32x1xf32>
    %sub3A_102 = arith.subf %add3A_101, %floor3A : vector<64x32x1xf32>
    %iota3A_103 = tpu.iota {dimensions = array<i32: 2>} : vector<64x32x32xi32>
    %convert_element_type3A_104 = arith.sitofp %iota3A_103 : vector<64x32x32xi32> to vector<64x32x32xf32>
    %add3A_105 = arith.constant 5.000000e-01 : f32
    %add3A_106 = vector.broadcast %add3A_105 : f32 to vector<64x32x32xf32>
    %add3A_107 = arith.addf %convert_element_type3A_104, %add3A_106 : vector<64x32x32xf32>
    %mul3A_108 = arith.constant 3.125000e-02 : f32
    %mul3A_109 = vector.broadcast %mul3A_108 : f32 to vector<64x32x32xf32>
    %mul3A_110 = arith.mulf %add3A_107, %mul3A_109 : vector<64x32x32xf32>
    %le3A = vector.broadcast %sub3A_102 : vector<64x32x1xf32> to vector<64x32x32xf32>
    %le3A_111 = arith.cmpf ole, %mul3A_110, %le3A : vector<64x32x32xf32>
    %convert_element_type3A_112 = arith.extui %le3A_111 : vector<64x32x32xi1> to vector<64x32x32xi32>
    %reduce_sum3A = arith.constant dense<0> : vector<64x32xi32>
    %reduce_sum3A_113 = vector.multi_reduction <add>, %convert_element_type3A_112, %reduce_sum3A [2] : vector<64x32x32xi32> to vector<64x32xi32>
    %broadcast_in_dim3A = vector.shape_cast %reduce_sum3A_113 : vector<64x32xi32> to vector<64x32x1xi32>
    %sub3A_114 = arith.constant 1 : i32
    %sub3A_115 = vector.broadcast %sub3A_114 : i32 to vector<64x32x1xi32>
    %sub3A_116 = arith.subi %broadcast_in_dim3A, %sub3A_115 : vector<64x32x1xi32>
    %and3A = arith.constant 31 : i32
    %and3A_117 = vector.broadcast %and3A : i32 to vector<64x32x1xi32>
    %and3A_118 = arith.andi %sub3A_116, %and3A_117 : vector<64x32x1xi32>
    %add3A_119 = arith.constant 1 : i32
    %add3A_120 = vector.broadcast %add3A_119 : i32 to vector<64x32x1xi32>
    %add3A_121 = arith.addi %sub3A_116, %add3A_120 : vector<64x32x1xi32>
    %and3A_122 = arith.constant 31 : i32
    %and3A_123 = vector.broadcast %and3A_122 : i32 to vector<64x32x1xi32>
    %and3A_124 = arith.andi %add3A_121, %and3A_123 : vector<64x32x1xi32>
    %iota3A_125 = tpu.iota {dimensions = array<i32: 2>} : vector<64x32x32xi32>
    %eq3A = vector.broadcast %and3A_118 : vector<64x32x1xi32> to vector<64x32x32xi32>
    %eq3A_126 = arith.cmpi eq, %eq3A, %iota3A_125 : vector<64x32x32xi32>
    %convert_element_type3A_127 = arith.extui %eq3A_126 : vector<64x32x32xi1> to vector<64x32x32xi32>
    %convert_element_type3A_128 = arith.sitofp %convert_element_type3A_127 : vector<64x32x32xi32> to vector<64x32x32xf32>
    %eq3A_129 = vector.broadcast %and3A_124 : vector<64x32x1xi32> to vector<64x32x32xi32>
    %eq3A_130 = arith.cmpi eq, %eq3A_129, %iota3A_125 : vector<64x32x32xi32>
    %convert_element_type3A_131 = arith.extui %eq3A_130 : vector<64x32x32xi1> to vector<64x32x32xi32>
    %convert_element_type3A_132 = arith.sitofp %convert_element_type3A_131 : vector<64x32x32xi32> to vector<64x32x32xf32>
    %add3A_133 = arith.addf %convert_element_type3A_128, %convert_element_type3A_132 : vector<64x32x32xf32>
    %reduce_sum3A_134 = arith.constant dense<0.000000e+00> : vector<64x32xf32>
    %reduce_sum3A_135 = vector.multi_reduction <add>, %add3A_133, %reduce_sum3A_134 [1] : vector<64x32x32xf32> to vector<64x32xf32>
    %broadcast_in_dim3A_136 = vector.shape_cast %reduce_sum3A_135 : vector<64x32xf32> to vector<64x1x32xf32>
    %iota3A_137 = tpu.iota {dimensions = array<i32: 1>} : vector<64x32x32xi32>
    %eq3A_138 = arith.cmpi eq, %iota3A_137, %iota3A_125 : vector<64x32x32xi32>
    %convert_element_type3A_139 = arith.extui %eq3A_138 : vector<64x32x32xi1> to vector<64x32x32xi32>
    %convert_element_type3A_140 = arith.sitofp %convert_element_type3A_139 : vector<64x32x32xi32> to vector<64x32x32xf32>
    %reshape3A = vector.shape_cast %select_n3A_75 : vector<2048x256xf32> to vector<64x32x256xf32>
    %convert_element_type3A_141 = arith.truncf %reshape3A : vector<64x32x256xf32> to vector<64x32x256xbf16>
    %convert_element_type3A_142 = arith.extf %convert_element_type3A_141 : vector<64x32x256xbf16> to vector<64x32x256xf32>
    %get3A_143 = arith.constant 0 : index
    %get3A_144 = arith.constant 0 : index
    %get3A_145 = arith.constant 0 : index
    %get3A_146 = vector.load %arg8[%get3A_143, %get3A_144, %get3A_145] : memref<1x1x256xf32, #tpu.memory_space<vmem>>, vector<1x1x256xf32>
    %convert_element_type3A_147 = arith.truncf %get3A_146 : vector<1x1x256xf32> to vector<1x1x256xbf16>
    %convert_element_type3A_148 = arith.extf %convert_element_type3A_147 : vector<1x1x256xbf16> to vector<1x1x256xf32>
    %mul3A_149 = vector.broadcast %convert_element_type3A_148 : vector<1x1x256xf32> to vector<64x32x256xf32>
    %mul3A_150 = arith.mulf %convert_element_type3A_142, %mul3A_149 : vector<64x32x256xf32>
    %reduce_sum3A_151 = arith.constant dense<0.000000e+00> : vector<64x32xf32>
    %reduce_sum3A_152 = vector.multi_reduction <add>, %mul3A_150, %reduce_sum3A_151 [2] : vector<64x32x256xf32> to vector<64x32xf32>
    %broadcast_in_dim3A_153 = vector.shape_cast %reduce_sum3A_152 : vector<64x32xf32> to vector<64x32x1xf32>
    %mul3A_154 = vector.broadcast %broadcast_in_dim3A_153 : vector<64x32x1xf32> to vector<64x32x32xf32>
    %mul3A_155 = arith.mulf %add3A_133, %mul3A_154 : vector<64x32x32xf32>
    %reduce_sum3A_156 = arith.constant dense<0.000000e+00> : vector<64x32xf32>
    %reduce_sum3A_157 = vector.multi_reduction <add>, %mul3A_155, %reduce_sum3A_156 [1] : vector<64x32x32xf32> to vector<64x32xf32>
    %broadcast_in_dim3A_158 = vector.shape_cast %reduce_sum3A_157 : vector<64x32xf32> to vector<64x1x32xf32>
    %sub3A_159 = arith.constant 1.000000e+00 : f32
    %sub3A_160 = vector.broadcast %sub3A_159 : f32 to vector<64x1x32xf32>
    %sub3A_161 = arith.subf %broadcast_in_dim3A_158, %sub3A_160 : vector<64x1x32xf32>
    %div3A_162 = arith.divf %sub3A_161, %broadcast_in_dim3A_136 : vector<64x1x32xf32>
    %mul3A_163 = vector.broadcast %div3A_162 : vector<64x1x32xf32> to vector<64x32x32xf32>
    %mul3A_164 = arith.mulf %convert_element_type3A_128, %mul3A_163 : vector<64x32x32xf32>
    %reduce_sum3A_165 = arith.constant dense<0.000000e+00> : vector<64x32xf32>
    %reduce_sum3A_166 = vector.multi_reduction <add>, %mul3A_164, %reduce_sum3A_165 [2] : vector<64x32x32xf32> to vector<64x32xf32>
    %broadcast_in_dim3A_167 = vector.shape_cast %reduce_sum3A_166 : vector<64x32xf32> to vector<64x32x1xf32>
    %mul3A_168 = vector.broadcast %div3A_162 : vector<64x1x32xf32> to vector<64x32x32xf32>
    %mul3A_169 = arith.mulf %convert_element_type3A_132, %mul3A_168 : vector<64x32x32xf32>
    %reduce_sum3A_170 = arith.constant dense<0.000000e+00> : vector<64x32xf32>
    %reduce_sum3A_171 = vector.multi_reduction <add>, %mul3A_169, %reduce_sum3A_170 [2] : vector<64x32x32xf32> to vector<64x32xf32>
    %broadcast_in_dim3A_172 = vector.shape_cast %reduce_sum3A_171 : vector<64x32xf32> to vector<64x32x1xf32>
    %get3A_173 = arith.constant 0 : index
    %get3A_174 = arith.constant 0 : index
    %get3A_175 = arith.constant 0 : index
    %get3A_176 = vector.load %arg10[%get3A_173, %get3A_174, %get3A_175] : memref<64x1x32xf32, #tpu.memory_space<vmem>>, vector<64x1x32xf32>
    %mul3A_177 = vector.broadcast %get3A_176 : vector<64x1x32xf32> to vector<64x32x32xf32>
    %mul3A_178 = arith.mulf %convert_element_type3A_128, %mul3A_177 : vector<64x32x32xf32>
    %reduce_sum3A_179 = arith.constant dense<0.000000e+00> : vector<64x32xf32>
    %reduce_sum3A_180 = vector.multi_reduction <add>, %mul3A_178, %reduce_sum3A_179 [2] : vector<64x32x32xf32> to vector<64x32xf32>
    %broadcast_in_dim3A_181 = vector.shape_cast %reduce_sum3A_180 : vector<64x32xf32> to vector<64x32x1xf32>
    %mul3A_182 = vector.broadcast %get3A_176 : vector<64x1x32xf32> to vector<64x32x32xf32>
    %mul3A_183 = arith.mulf %convert_element_type3A_132, %mul3A_182 : vector<64x32x32xf32>
    %reduce_sum3A_184 = arith.constant dense<0.000000e+00> : vector<64x32xf32>
    %reduce_sum3A_185 = vector.multi_reduction <add>, %mul3A_183, %reduce_sum3A_184 [2] : vector<64x32x32xf32> to vector<64x32xf32>
    %broadcast_in_dim3A_186 = vector.shape_cast %reduce_sum3A_185 : vector<64x32xf32> to vector<64x32x1xf32>
    %sub3A_187 = arith.subf %broadcast_in_dim3A_153, %broadcast_in_dim3A_167 : vector<64x32x1xf32>
    %mul3A_188 = arith.mulf %broadcast_in_dim3A_181, %sub3A_187 : vector<64x32x1xf32>
    %sub3A_189 = arith.subf %broadcast_in_dim3A_153, %broadcast_in_dim3A_172 : vector<64x32x1xf32>
    %mul3A_190 = arith.mulf %broadcast_in_dim3A_186, %sub3A_189 : vector<64x32x1xf32>
    %add3A_191 = arith.addf %mul3A_188, %mul3A_190 : vector<64x32x1xf32>
    %swap3A = arith.constant 0 : index
    %swap3A_192 = arith.constant 0 : index
    %swap3A_193 = arith.constant 0 : index
    %swap3A_194 = vector.load %arg11[%swap3A, %swap3A_192, %swap3A_193] : memref<64x32x1xf32, #tpu.memory_space<vmem>>, vector<64x32x1xf32>
    tpu.vector_store %arg11[%swap3A, %swap3A_192, %swap3A_193], %add3A_191 {strides = array<i32>} : memref<64x32x1xf32, #tpu.memory_space<vmem>>, vector<64x32x1xf32>,
    %mul3A_195 = vector.broadcast %add3A_191 : vector<64x32x1xf32> to vector<64x32x32xf32>
    %mul3A_196 = arith.mulf %convert_element_type3A_140, %mul3A_195 : vector<64x32x32xf32>
    %reduce_sum3A_197 = arith.constant dense<0.000000e+00> : vector<64x32xf32>
    %reduce_sum3A_198 = vector.multi_reduction <add>, %mul3A_196, %reduce_sum3A_197 [1] : vector<64x32x32xf32> to vector<64x32xf32>
    %broadcast_in_dim3A_199 = vector.shape_cast %reduce_sum3A_198 : vector<64x32xf32> to vector<64x1x32xf32>
    %swap3A_200 = arith.constant 0 : index
    %swap3A_201 = arith.constant 0 : index
    %swap3A_202 = arith.constant 0 : index
    %swap3A_203 = vector.load %arg12[%swap3A_200, %swap3A_201, %swap3A_202] : memref<64x1x32xf32, #tpu.memory_space<vmem>>, vector<64x1x32xf32>
    tpu.vector_store %arg12[%swap3A_200, %swap3A_201, %swap3A_202], %broadcast_in_dim3A_199 {strides = array<i32>} : memref<64x1x32xf32, #tpu.memory_space<vmem>>, vector<64x1x32xf32>,
    %reshape3A_204 = vector.shape_cast %add3A_191 : vector<64x32x1xf32> to vector<2048x1xf32>
    %swap3A_205 = arith.constant 0 : index
    %swap3A_206 = arith.constant 0 : index
    %swap3A_207 = vector.load %arg13[%swap3A_205, %swap3A_206] : memref<2048x1xf32, #tpu.memory_space<vmem>>, vector<2048x1xf32>
    tpu.vector_store %arg13[%swap3A_205, %swap3A_206], %reshape3A_204 {strides = array<i32>} : memref<2048x1xf32, #tpu.memory_space<vmem>>, vector<2048x1xf32>,
    return
  }
}

</mosaic_0001>

<sc_bundles>
// kernel: kernel.20.cloned.1.call-start
scs
__scs_entry_jumppad:
0x0: {  	(pc) =	sbr.rel $0x88, $3  }
0x1: {  	(tag) =	ssettag $0x0;
	lr =	simm.s32 $0x1  }
0x2: {  	[smem:$0x3F86] =	sst lr;
	_ =	strace $0xD0000000  }
0x3: {  	_ = 	snop  }
0x4: {  	_ = 	snop  }
0x5: {  	_ = 	snop  }
0x6: {  	_ = 	snop  }
0x7: {  	_ = 	snop  }
__scs_overlays_trampoline_lowered:
0x8: {  	[smem:$0x3F95] =	sst s0  }
0x9: {  	[smem:$0x3F96] =	sst s1  }
0xa: {  	[smem:$0x3F97] =	sst s2  }
0xb: {  	[smem:$0x3F98] =	sst s3  }
0xc: {  	[smem:$0x3F99] =	sst s4  }
0xd: {  	[smem:$0x3F9A] =	sst s5  }
0xe: {  	[smem:$0x3F9B] =	sst s6  }
0xf: {  	[smem:$0x3F9C] =	sst s7  }
0x10: {  	[smem:$0x3F9D] =	sst s8  }
0x11: {  	[smem:$0x3F9E] =	sst s9;
	s0 =	simm.s32 @!p0 $0x0  }
0x12: {  	s1 =	sld [smem:$0x3F84];
	s0 =	simm.s32 @p0 $0x1  }
0x13: {  	[smem:$0x3F9F] =	sst s0;
	s0 =	simm.s32 @!p1 $0x0  }
0x14: {  	s2 =	sld [smem:$0x3F83];
	s0 =	simm.s32 @p1 $0x1  }
0x15: {  	[smem:$0x3FA0] =	sst s0;
	s0 =	simm.s32 @!p2 $0x0  }
0x16: {  	s3 =	sld [smem:$0x3FDB];
	s0 =	simm.s32 @p2 $0x1  }
0x17: {  	s4 =	simm.s32 $0x1BF5;
	[smem:$0x3FA2] =	sst s0  }
0x18: {  	s0 =	sld [smem:$0x3F85];
	_ =	swait.ge [sflag:s4], $0x0  }
0x19: {  	s7 =	sld [smem:$0x3F86]  }
0x1a: {  	s8 =	sadd.s32 $0xFFFFE003, lr  }
0x1b: {  	s9 =	sadd.s32 $0xFFFFFEF7, lr;
	s5 =	simm.s32 $0xFFFFFFFF;
	p2 =	slt.u32 s8, $0xFFFFF086  }
0x1c: {  	p1 =	slt.u32 s9, $0xF7A;
	s5 =	simm.s32 @!p2 $0x0  }
0x1d: {  	s5 =	simm.s32 @p1 $0x1;
	p0 =	seq.s32 s7, s2  }
0x1e: {  	s7 =	smul.u32 @!p0 $0xF7A, s2;
	p2 =	seq.s32 @!p0 s5, $0x0  }
0x1f: {  	s9 =	smul.u32 $0xF7A, s1;
	s8 =	simm.s32 @!p0 $0x1BF5;
	p2 =	por !p2, p0  }
0x20: {  	[sflag:s8] =	ssyncset.s32 @!p0 $0xFFFFF086;
	s6 =	sadd.s32 @!p0 s3, s7;
	s7 =	simm.s32 @!p0 $0x108  }
0x21: {  	s3 =	sadd.s32 s3, s9;
	s6 =	sadd.s32 @!p0 $0x88, s6;
	s7 =	simm.s32 @p2 $0x1082  }
0x22: {  	[simem:s7], [sflag:s8] =	dma.local @!p0 [hbm:s6], $0xF7A  }
0x23: {  	s9 =	sor.u32 $0xD0000000, s2;
	s6 =	simm.s32 $0x108;
	_ =	swait.ge @!p0 [sflag:s8], $0x0  }
0x24: {  	s3 =	sadd.s32 $0x88, s3;
	s6 =	simm.s32 @!p1 $0x1082;
	[sflag:s4] =	ssyncset.s32 $0xFFFFF086  }
0x25: {  	[simem:s6], [sflag:s4] =	dma.local [hbm:s3], $0xF7A  }
0x26: {  	[smem:$0x3F86] =	sst s1;
	(tag) =	ssettag s2;
	_ =	strace s9  }
0x27: {  	s1 =	sld [smem:$0x3F96]  }
0x28: {  	s2 =	sld [smem:$0x3F97]  }
0x29: {  	s4 =	sld [smem:$0x3F99]  }
0x2a: {  	p0 =	seq.s32 s5, $0x0;
	s5 =	sld [smem:$0x3F9A]  }
0x2b: {  	s6 =	sld [smem:$0x3F9B]  }
0x2c: {  	s7 =	sld [smem:$0x3F9C]  }
0x2d: {  	s3 =	simm.s32 $0x108;
	s8 =	sld [smem:$0x3F9D]  }
0x2e: {  	s3 =	simm.s32 @!p0 $0x1082;
	s9 =	sld [smem:$0x3F9E]  }
0x2f: {  	lr =	sadd.s32 s0, s3;
	s0 =	sld [smem:$0x3F95]  }
0x30: {  	s3 =	sld [smem:$0x3F98]  }
0x31: {  	[smem:$0x3FA1] =	sst s10  }
0x32: {  	s10 =	sld [smem:$0x3F9F];
	_ =	sdelay $0x3  }
0x33: {  	p0 =	seq.s32 s10, $0x1;
	s10 =	sld [smem:$0x3FA1];
	_ =	sdelay $0x3  }
0x34: {  	[smem:$0x3FA1] =	sst s10  }
0x35: {  	s10 =	sld [smem:$0x3FA0];
	_ =	sdelay $0x3  }
0x36: {  	p1 =	seq.s32 s10, $0x1;
	s10 =	sld [smem:$0x3FA1];
	_ =	sdelay $0x3  }
0x37: {  	[smem:$0x3FA1] =	sst s10  }
0x38: {  	s10 =	sld [smem:$0x3FA2]  }
0x39: {  	_ = 	snop;
	(pc) =	sbr.ind lr, $3  }
0x3a: {  	_ = 	snop  }
0x3b: {  	_ = 	snop  }
0x3c: {  	p2 =	seq.s32 s10, $0x1;
	s10 =	sld [smem:$0x3FA1]  }
0x3d: {  	_ =	shalt  }
0x3e: {  	_ =	shalt  }
0x3f: {  	_ =	shalt  }
0x40: {  	_ =	shalt  }
0x41: {  	_ =	shalt  }
0x42: {  	_ =	shalt  }
0x43: {  	_ =	shalt  }
0x44: {  	_ =	shalt  }
0x45: {  	_ =	shalt  }
0x46: {  	_ =	shalt  }
0x47: {  	_ =	shalt  }
0x48: {  	_ =	shalt  }
0x49: {  	_ =	shalt  }
0x4a: {  	_ =	shalt  }
0x4b: {  	_ =	shalt  }
0x4c: {  	_ =	shalt  }
0x4d: {  	_ =	shalt  }
0x4e: {  	_ =	shalt  }
0x4f: {  	_ =	shalt  }
0x50: {  	_ =	shalt  }
0x51: {  	_ =	shalt  }
0x52: {  	_ =	shalt  }
0x53: {  	_ =	shalt  }
0x54: {  	_ =	shalt  }
0x55: {  	_ =	shalt  }
0x56: {  	_ =	shalt  }
0x57: {  	_ =	shalt  }
0x58: {  	_ =	shalt  }
0x59: {  	_ =	shalt  }
0x5a: {  	_ =	shalt  }
0x5b: {  	_ =	shalt  }
0x5c: {  	_ =	shalt  }
0x5d: {  	_ =	shalt  }
0x5e: {  	_ =	shalt  }
0x5f: {  	_ =	shalt  }
0x60: {  	_ =	shalt  }
0x61: {  	_ =	shalt  }
0x62: {  	_ =	shalt  }
0x63: {  	_ =	shalt  }
0x64: {  	_ =	shalt  }
0x65: {  	_ =	shalt  }
0x66: {  	_ =	shalt  }
0x67: {  	_ =	shalt  }
0x68: {  	_ =	shalt  }
0x69: {  	_ =	shalt  }
0x6a: {  	_ =	shalt  }
0x6b: {  	_ =	shalt  }
0x6c: {  	_ =	shalt  }
0x6d: {  	_ =	shalt  }
0x6e: {  	_ =	shalt  }
0x6f: {  	_ =	shalt  }
0x70: {  	_ =	shalt  }
0x71: {  	_ =	shalt  }
0x72: {  	_ =	shalt  }
0x73: {  	_ =	shalt  }
0x74: {  	_ =	shalt  }
0x75: {  	_ =	shalt  }
0x76: {  	_ =	shalt  }
0x77: {  	_ =	shalt  }
0x78: {  	_ =	shalt  }
0x79: {  	_ =	shalt  }
0x7a: {  	_ =	shalt  }
0x7b: {  	_ =	shalt  }
0x7c: {  	_ =	shalt  }
0x7d: {  	_ =	shalt  }
0x7e: {  	_ =	shalt  }
0x7f: {  	_ =	shalt  }
0x80: {  	_ =	shalt  }
0x81: {  	_ =	shalt  }
0x82: {  	_ =	shalt  }
0x83: {  	_ =	shalt  }
0x84: {  	_ =	shalt  }
0x85: {  	_ =	shalt  }
0x86: {  	_ =	shalt  }
0x87: {  	_ =	shalt  }
.Lfunc_end0:
.L_simem_size_0:
called_computation_lowered:
.L_overlay_start_0:
0x88: {  	s2 =	sld [smem:$0x3FD9]  }
0x89: {  	s3 =	sld [smem:$0x3FFE];
	_ =	sdelay $0x1  }
0x8a: {  	s1 =	srdreg.scid  }
0x8b: {  	s0 =	sand.u32 $0x1, s1  }
0x8c: {  	s17 =	sshll.u32 s0, $0xA;
	s2 =	sadd.s32 s3, s2  }
0x8d: {  	s2 =	sadd.s32 s2, s17  }
0x8e: {  	[smem:$0x3FAD] =	sst s2  }
0x8f: {  	_ = 	snop  }
0x90: {  	s2 =	sld [smem:$0x3FD0];
	(tm) =	ssettm $0x1  }
0x91: {  	s18 =	sld [smem:$0x3FFB];
	_ =	sdelay $0x3  }
0x92: {  	_ =	strace s18  }
0x93: {  	s3 =	sld [smem:$0x3FFC];
	_ =	sdelay $0x3  }
0x94: {  	_ =	strace s3  }
0x95: {  	s3 =	sld [smem:$0x3FFD];
	_ =	sdelay $0x3  }
0x96: {  	_ =	strace s3  }
0x97: {  	_ =	strace $0x8FFFFFFF  }
0x98: {  	s19 =	sld [smem:$0x3FDB];
	_ =	sdelay $0x1  }
0x99: {  	s4 =	simm.s32 $_scs_section_size  }
0x9a: {  	s5 =	simm.s32 $_size__tile_overlayer_lowered;
	s6 =	simm.s32 $_tile_overlayer_lowered  }
0x9b: {  	s22 =	simm.s32 $0x1BFF;
	s21 =	sshll.u32 s6, $0x1;
	s3 =	sadd.s32 s4, s19  }
0x9c: {  	s7 =	simm.s32 $0x0;
	s20 =	sshll.u32 s5, $0x1;
	s5 =	sadd.s32 s21, s3  }
0x9d: {  	[timem:s7], [sflag:s22] =	dma.local [hbm:s5], s20  }
0x9e: {  	_ =	swait.ge [sflag:s22], s20  }
0x9f: {  	s4 =	ssub.s32 $0x0, s20;
	[sflag:s22] =	ssyncset.done $0x0  }
0xa0: {  	[sflag:s22] =	ssyncadd.s32 s4;
	_ =	sdelay $0x1  }
0xa1: {  	s23 =	simm.s32 $0x1B8B  }
0xa2: {  	_ =	swait.ge [sflag:s23], $0x1  }
0xa3: {  	[sflag:s23] =	ssyncset.done $0x0  }
0xa4: {  	s25 =	simm.s32 $0x1B8E;
	s24 =	sld [smem:$0x3FFE];
	[sflag:s23] =	ssyncadd.s32 $0xFFFFFFFF  }
0xa5: {  	s26 =	simm.s32 $execute0_lowered;
	[smem:$0x3FD2] =	sst s25  }
0xa6: {  	s5 =	sshll.u32 s26, $0x1;
	_ =	strace $0x80000046;
	[dreg:$0x1] =	wrdreg $0xFFFFFFFF  }
0xa7: {  	s28 =	simm.s32 $_size_execute0_lowered;
	s3 =	sadd.s32 s3, s5;
	[dreg:$0x0] =	wrdreg $0x0  }
0xa8: {  	s5 =	sshll.u32 s28, $0x1;
	[dreg:$0x2] =	wrdreg s3  }
0xa9: {  	[dreg:$0x3] =	wrdreg s5  }
0xaa: {  	[dreg:$0x4] =	wrdreg $0xC0  }
0xab: {  	_ =	task [dreg:s7], $0x5FFFF  }
0xac: {  	[dreg:$0x1] =	wrdreg $0xFFFFFFFF  }
0xad: {  	[dreg:$0x0] =	wrdreg $0x60  }
0xae: {  	[dreg:$0x2] =	wrdreg s24  }
0xaf: {  	[dreg:$0x3] =	wrdreg s2  }
0xb0: {  	[dreg:$0x4] =	wrdreg $0x9  }
0xb1: {  	_ =	task.clear_ibuf [dreg:s7], $0x5FFFF;
	_ =	strace $0x90000046  }
0xb2: {  	s29 =	simm.s32 $0x9;
	_ =	strace $0x80000048  }
0xb3: {  	_ =	swait.ge [sflag:s29], $0x1  }
0xb4: {  	[sflag:s29] =	ssyncadd.s32 $0xFFFFFFFF  }
0xb5: {  	_ =	strace $0x90000048  }
0xb6: {  	_ =	sfence  }
0xb7: {  	s30 =	sld [smem:$0x0];
	_ =	sdelay $0x2  }
0xb8: {  	s31 =	sshll.u32 s1, $0xD;
	s1 =	sshrl.u32 s1, $0x2  }
0xb9: {  	s3 =	sand.u32 $0x4000, s31;
	s1 =	sadd.s32 s1, s30  }
0xba: {  	s0 =	sor.u32 s3, s0;
	s1 =	sshll.u32 s1, $0x11  }
0xbb: {  	s0 =	sor.u32 s1, s0  }
0xbc: {  	s0 =	sadd.s32 $0x8F2B, s0  }
0xbd: {  	[sflag:s0] =	ssyncadd.remote.s32 $0x1  }
0xbe: {  	_ =	sfence.sel $0xFFFF  }
0xbf: {  	[dreg:$0x0] =	wrdreg $0xFFFFFFFF;
	(pc) =	sbr.abs _section_cstart, $3  }
0xc0: {  	[dreg:$0x1] =	wrdreg $0xFFFFFFFF  }
0xc1: {  	_ =	task.clear_ibuf [dreg:s7], $0x2FFFF;
	_ =	strace $0x9FFFFFFF  }
0xc2: {  	(tm) =	ssettm $0x7FFFFFFF  }
0xc3: {  	_ =	shalt  }
tec
execute0_lowered:
.L_overlay_start_1:
0x0: {  	(tag) =	ssettag $0x1  }
0x1: {  	s4 =	rddreg [dreg:$0x0]  }
0x2: {  	s5 =	rddreg [dreg:$0x1]  }
0x3: {  	s0 =	rddreg [dreg:$0x2]  }
0x4: {  	s3 =	srdreg.scid;
	s2 =	simm.s32 $0x0;
	s1 =	stileid.u32  }
0x5: {  	s11 =	simm.s32 $0x100;
	s12 =	simm.s32 $0x900;
	s13 =	simm.s32 $0x1100  }
0x6: {  	s14 =	simm.s32 $0x1900;
	s15 =	simm.s32 $0x2100;
	s16 =	simm.s32 $0x2900  }
0x7: {  	s17 =	simm.s32 $0x3100;
	s18 =	simm.s32 $0x3900;
	s19 =	simm.s32 $0x4100  }
0x8: {  	s20 =	simm.s32 $0x4900;
	s21 =	simm.s32 $0x5100;
	s22 =	simm.s32 $0x5900  }
0x9: {  	s23 =	simm.s32 $0x6100;
	s24 =	simm.s32 $0x6900;
	s25 =	simm.s32 $0x7100  }
0xa: {  	s26 =	simm.s32 $0x7900;
	s28 =	simm.s32 $0x1;
	s29 =	simm.s32 $0x2  }
0xb: {  	s6 =	sand.u32 $0x1, s3;
	[smem:$0x7FF] =	sst s2;
	s31 =	sshll.u32 s1, $0x7  }
0xc: {  	s3 =	sadd.s32 $0xB600, s4;
	s7 =	sshll.u32 s6, $0x6;
	s6 =	ssub.s32 $0x2, s6  }
0xd: {  	_ =	strace $0x80000047;
	s7 =	sor.u32 s7, s31;
	s10 =	sshrl.u32 s6, $0x1  }
0xe: {  	s8 =	sshrl.u32 s7, $0x3;
	s7 =	sshll.u32 s7, $0x5;
	s10 =	ssub.s32 s6, s10  }
0xf: {  	v2 =	vlaneseq.u32;
	s9 =	sadd.s32 s8, s4;
	s7 =	sadd.s32 s7, s4;
	s4 =	sadd.s32 s5, s8  }
0x10: {  	vm0 =	vmmov $0xffff;
	v1 =	vshrl.u32 v2, $0x3;
	s8 =	smax.u32 s10, $0x1;
	s10 =	simm.s32 $0x80;
	s5 =	sadd.s32 $0xB400, s9  }
0x11: {  	v0 =	vand.u32 $0x7, v2;
	v2 =	vor.u32 $0x8, v2;
	v1 =	vmul.u32 $0x8, v1;
	s6 =	sadd.s32 $0x1B600, s7;
	s7 =	sadd.s32 $0x2B600, s7;
	s9 =	simm.s32 $0x3  }
.LBB2_1:
0x12: {  	[tilespmem:s2], [sflag:$0x3] =	stream.linear.gather [hbm4b:s4+s2], $0x40, $0x38;
	[tilespmem:$0x8100] =	vst v63  }
0x13: {  	_ =	swait.ge [sflag:s9], $0x40  }
0x14: {  	[sflag:s9] =	ssyncset.done $0x0  }
0x15: {  	[sflag:s9] =	ssyncadd.s32 $0xFFFFFFC0  }
0x16: {  	[tilespmem:s10], [sflag:$0x3] =	stream.linear.gather [hbm4b:s5+s2], $0x40, $0x38;
	[tilespmem:$0x8100] =	vst v63  }
0x17: {  	_ =	swait.ge [sflag:s9], $0x40  }
0x18: {  	[sflag:s9] =	ssyncset.done $0x0  }
0x19: {  	[sflag:s9] =	ssyncadd.s32 $0xFFFFFFC0  }
0x1a: {  	v3 =	vld [tilespmem:$0x0];
	_ =	sdelay $0x4  }
0x1b: {  	v4 =	vshll.u32 v3, $0x1  }
0x1c: {  	v3 =	vand.u32 $0x7, v3;
	v4 =	vand.u32 $0xFFFFFFF0, v4  }
0x1d: {  	v3 =	vor.u32 v3, v4  }
0x1e: {  	v4 =	vperm.xlane v3, v0;
	_ =	sdelay $0x1  }
0x1f: {  	v3 =	vperm.xlane v3, v2;
	v4 =	vadd.s32 v1, v4;
	_ =	sdelay $0x1  }
0x20: {  	v3 =	vadd.s32 v1, v3;
	_ =	sdelay $0x2  }
0x21: {  	[tilespmem:s11], [sflag:$0x1] =	stream.indirect_vreg.gather [hbm4b:s3+s2], $0x80, v4, vm0, $0xb8;
	[tilespmem:$0x8100] =	vst v63  }
0x22: {  	_ = 	snop  }
0x23: {  	[tilespmem:s12], [sflag:$0x1] =	stream.indirect_vreg.gather [hbm4b:s3+s2], $0x80, v3, vm0, $0xb8;
	[tilespmem:$0x8100] =	vst v63  }
0x24: {  	v3 =	vld [tilespmem:$0x10];
	_ =	sdelay $0x4  }
0x25: {  	v57 =	vshll.u32 v3, $0x1  }
0x26: {  	v3 =	vand.u32 $0x7, v3;
	v4 =	vand.u32 $0xFFFFFFF0, v57  }
0x27: {  	v3 =	vor.u32 v3, v4  }
0x28: {  	v4 =	vperm.xlane v3, v0;
	_ =	sdelay $0x1  }
0x29: {  	v3 =	vperm.xlane v3, v2;
	v4 =	vadd.s32 v1, v4;
	_ =	sdelay $0x1  }
0x2a: {  	v3 =	vadd.s32 v1, v3;
	_ =	sdelay $0x2  }
0x2b: {  	[tilespmem:s13], [sflag:$0x1] =	stream.indirect_vreg.gather [hbm4b:s3+s2], $0x80, v4, vm0, $0xb8;
	[tilespmem:$0x8100] =	vst v63  }
0x2c: {  	_ = 	snop  }
0x2d: {  	[tilespmem:s14], [sflag:$0x1] =	stream.indirect_vreg.gather [hbm4b:s3+s2], $0x80, v3, vm0, $0xb8;
	[tilespmem:$0x8100] =	vst v63  }
0x2e: {  	v3 =	vld [tilespmem:$0x20];
	_ =	sdelay $0x4  }
0x2f: {  	v58 =	vshll.u32 v3, $0x1  }
0x30: {  	v3 =	vand.u32 $0x7, v3;
	v4 =	vand.u32 $0xFFFFFFF0, v58  }
0x31: {  	v3 =	vor.u32 v3, v4  }
0x32: {  	v4 =	vperm.xlane v3, v0;
	_ =	sdelay $0x1  }
0x33: {  	v3 =	vperm.xlane v3, v2;
	v4 =	vadd.s32 v1, v4;
	_ =	sdelay $0x1  }
0x34: {  	v3 =	vadd.s32 v1, v3;
	_ =	sdelay $0x2  }
0x35: {  	[tilespmem:s15], [sflag:$0x1] =	stream.indirect_vreg.gather [hbm4b:s3+s2], $0x80, v4, vm0, $0xb8;
	[tilespmem:$0x8100] =	vst v63  }
0x36: {  	_ = 	snop  }
0x37: {  	[tilespmem:s16], [sflag:$0x1] =	stream.indirect_vreg.gather [hbm4b:s3+s2], $0x80, v3, vm0, $0xb8;
	[tilespmem:$0x8100] =	vst v63  }
0x38: {  	v3 =	vld [tilespmem:$0x30];
	_ =	sdelay $0x4  }
0x39: {  	v59 =	vshll.u32 v3, $0x1  }
0x3a: {  	v3 =	vand.u32 $0x7, v3;
	v4 =	vand.u32 $0xFFFFFFF0, v59  }
0x3b: {  	v3 =	vor.u32 v3, v4  }
0x3c: {  	v4 =	vperm.xlane v3, v0;
	_ =	sdelay $0x1  }
0x3d: {  	v3 =	vperm.xlane v3, v2;
	v4 =	vadd.s32 v1, v4;
	_ =	sdelay $0x1  }
0x3e: {  	v3 =	vadd.s32 v1, v3;
	_ =	sdelay $0x2  }
0x3f: {  	[tilespmem:s17], [sflag:$0x1] =	stream.indirect_vreg.gather [hbm4b:s3+s2], $0x80, v4, vm0, $0xb8;
	[tilespmem:$0x8100] =	vst v63  }
0x40: {  	_ = 	snop  }
0x41: {  	[tilespmem:s18], [sflag:$0x1] =	stream.indirect_vreg.gather [hbm4b:s3+s2], $0x80, v3, vm0, $0xb8;
	[tilespmem:$0x8100] =	vst v63  }
0x42: {  	v3 =	vld [tilespmem:$0x80];
	_ =	sdelay $0x4  }
0x43: {  	v60 =	vshll.u32 v3, $0x1  }
0x44: {  	v3 =	vand.u32 $0x7, v3;
	v4 =	vand.u32 $0xFFFFFFF0, v60  }
0x45: {  	v3 =	vor.u32 v3, v4  }
0x46: {  	v4 =	vperm.xlane v3, v0;
	_ =	sdelay $0x1  }
0x47: {  	v3 =	vperm.xlane v3, v2;
	v4 =	vadd.s32 v1, v4;
	_ =	sdelay $0x1  }
0x48: {  	v3 =	vadd.s32 v1, v3;
	_ =	sdelay $0x2  }
0x49: {  	[tilespmem:s19], [sflag:$0x2] =	stream.indirect_vreg.gather [hbm4b:s3+s2], $0x80, v4, vm0, $0xb8;
	[tilespmem:$0x8100] =	vst v63  }
0x4a: {  	_ = 	snop  }
0x4b: {  	[tilespmem:s20], [sflag:$0x2] =	stream.indirect_vreg.gather [hbm4b:s3+s2], $0x80, v3, vm0, $0xb8;
	[tilespmem:$0x8100] =	vst v63  }
0x4c: {  	v3 =	vld [tilespmem:$0x90];
	_ =	sdelay $0x4  }
0x4d: {  	v61 =	vshll.u32 v3, $0x1  }
0x4e: {  	v3 =	vand.u32 $0x7, v3;
	v4 =	vand.u32 $0xFFFFFFF0, v61  }
0x4f: {  	v3 =	vor.u32 v3, v4  }
0x50: {  	v4 =	vperm.xlane v3, v0;
	_ =	sdelay $0x1  }
0x51: {  	v3 =	vperm.xlane v3, v2;
	v4 =	vadd.s32 v1, v4;
	_ =	sdelay $0x1  }
0x52: {  	v3 =	vadd.s32 v1, v3;
	_ =	sdelay $0x2  }
0x53: {  	[tilespmem:s21], [sflag:$0x2] =	stream.indirect_vreg.gather [hbm4b:s3+s2], $0x80, v4, vm0, $0xb8;
	[tilespmem:$0x8100] =	vst v63  }
0x54: {  	_ = 	snop  }
0x55: {  	[tilespmem:s22], [sflag:$0x2] =	stream.indirect_vreg.gather [hbm4b:s3+s2], $0x80, v3, vm0, $0xb8;
	[tilespmem:$0x8100] =	vst v63  }
0x56: {  	v3 =	vld [tilespmem:$0xA0];
	_ =	sdelay $0x4  }
0x57: {  	v62 =	vshll.u32 v3, $0x1  }
0x58: {  	v3 =	vand.u32 $0x7, v3;
	v4 =	vand.u32 $0xFFFFFFF0, v62  }
0x59: {  	v3 =	vor.u32 v3, v4  }
0x5a: {  	v4 =	vperm.xlane v3, v0;
	_ =	sdelay $0x1  }
0x5b: {  	v3 =	vperm.xlane v3, v2;
	v4 =	vadd.s32 v1, v4;
	_ =	sdelay $0x1  }
0x5c: {  	v3 =	vadd.s32 v1, v3;
	_ =	sdelay $0x2  }
0x5d: {  	[tilespmem:s23], [sflag:$0x2] =	stream.indirect_vreg.gather [hbm4b:s3+s2], $0x80, v4, vm0, $0xb8;
	[tilespmem:$0x8100] =	vst v63  }
0x5e: {  	_ = 	snop  }
0x5f: {  	[tilespmem:s24], [sflag:$0x2] =	stream.indirect_vreg.gather [hbm4b:s3+s2], $0x80, v3, vm0, $0xb8;
	[tilespmem:$0x8100] =	vst v63  }
0x60: {  	v3 =	vld [tilespmem:$0xB0];
	_ =	sdelay $0x4  }
0x61: {  	v63 =	vshll.u32 v3, $0x1  }
0x62: {  	v3 =	vand.u32 $0x7, v3;
	v4 =	vand.u32 $0xFFFFFFF0, v63  }
0x63: {  	v3 =	vor.u32 v3, v4  }
0x64: {  	v4 =	vperm.xlane v3, v0;
	_ =	sdelay $0x1  }
0x65: {  	v3 =	vperm.xlane v3, v2;
	v4 =	vadd.s32 v1, v4;
	_ =	sdelay $0x1  }
0x66: {  	v3 =	vadd.s32 v1, v3;
	_ =	sdelay $0x2  }
0x67: {  	[tilespmem:s25], [sflag:$0x2] =	stream.indirect_vreg.gather [hbm4b:s3+s2], $0x80, v4, vm0, $0xb8;
	[tilespmem:$0x8100] =	vst v63  }
0x68: {  	_ = 	snop  }
0x69: {  	[tilespmem:s26], [sflag:$0x2] =	stream.indirect_vreg.gather [hbm4b:s3+s2], $0x80, v3, vm0, $0xb8;
	[tilespmem:$0x8100] =	vst v63  }
0x6a: {  	_ =	swait.ge [sflag:s28], $0x4000  }
0x6b: {  	[sflag:s28] =	ssyncset.done $0x0  }
0x6c: {  	[sflag:s28] =	ssyncadd.s32 $0xFFFFC000  }
0x6d: {  	_ =	swait.ge [sflag:s29], $0x4000  }
0x6e: {  	[sflag:s29] =	ssyncset.done $0x0  }
0x6f: {  	[sflag:s29] =	ssyncadd.s32 $0xFFFFC000  }
0x70: {  	[hbm4b:s6+s2] =	stream.linear.scatter [tilespmem:s11], [sflag:$0x3], $0x4000, $0x38;
	[tilespmem:$0x8100] =	vst v63  }
0x71: {  	_ =	swait.ge [sflag:s9], $0x4000  }
0x72: {  	p0 =	sne.s32 s8, $0x1;
	[sflag:s9] =	ssyncset.done $0x0  }
.Ltmp0:
0x73: {  	[sflag:s9] =	ssyncadd.s32 $0xFFFFC000;
	(pc) =	sbr.rel @p0 .LBB2_1-.Ltmp0, $4  }
0x74: {  	[hbm4b:s7+s2] =	stream.linear.scatter [tilespmem:s19], [sflag:$0x3], $0x4000, $0x38;
	[tilespmem:$0x8100] =	vst v63  }
0x75: {  	_ =	swait.ge [sflag:s9], $0x4000  }
0x76: {  	[sflag:s9] =	ssyncset.done $0x0  }
0x77: {  	s8 =	sadd.s32 $0xFFFFFFFF, s8;
	[sflag:s9] =	ssyncadd.s32 $0xFFFFC000  }
0x78: {  	_ =	sfence.sel $0x180000  }
0x79: {  	[bflag:$0x0] =	sbarrier.arrive $0xFFFF  }
0x7a: {  	p0 =	sne.s32 s1, $0x0;
	_ =	strace $0x90000047  }
0x7b: {  	s0 =	sadd.s32 @!p0 $0x100000, s0;
	[bflag:$0x2] =	sbarrier.arrive $0xFFFF  }
0x7c: {  	[sflag:s0] =	ssyncadd.tile.s32 @!p0 $0x1;
	_ =	shalt  }
.Lfunc_end2:
_tile_overlayer_lowered:
.L_overlay_start_2:
0x7d: {  	(tag) =	ssettag $0x2  }
0x7e: {  	s0 =	rddreg [dreg:$0x0];
	s2 =	stileid.u32  }
0x7f: {  	s1 =	rddreg [dreg:$0x1];
	p0 =	sne.s32 s2, $0x0  }
0x80: {  	s3 =	rddreg [dreg:$0x2];
	[bflag:$0x3] =	sbarrier.arrive $0xFFFF;
	s2 =	simm.s32 @!p0 $0x1C03  }
0x81: {  	[timem:s3], [sflag:s2] =	dma.local @!p0 [hbm:s0], s1  }
0x82: {  	s0 =	simm.s32 @!p0 $0x3  }
0x83: {  	_ =	swait.ge @!p0 [sflag:s0], s1  }
0x84: {  	s1 =	ssub.s32 @!p0 $0x0, s1;
	[sflag:s0] =	ssyncset.done @!p0 $0x0  }
0x85: {  	[sflag:s0] =	ssyncadd.s32 @!p0 s1  }
0x86: {  	[bflag:$0x3] =	sbarrier.arrive $0xFFFF  }
0x87: {  	_ =	shalt  }

// kernel: kernel.23.cloned.1.call-start
scs
__scs_entry_jumppad:
0x0: {  	(pc) =	sbr.rel $0x88, $3  }
0x1: {  	(tag) =	ssettag $0x0;
	lr =	simm.s32 $0x1  }
0x2: {  	[smem:$0x3F86] =	sst lr;
	_ =	strace $0xD0000000  }
0x3: {  	_ = 	snop  }
0x4: {  	_ = 	snop  }
0x5: {  	_ = 	snop  }
0x6: {  	_ = 	snop  }
0x7: {  	_ = 	snop  }
__scs_overlays_trampoline_lowered:
0x8: {  	[smem:$0x3F95] =	sst s0  }
0x9: {  	[smem:$0x3F96] =	sst s1  }
0xa: {  	[smem:$0x3F97] =	sst s2  }
0xb: {  	[smem:$0x3F98] =	sst s3  }
0xc: {  	[smem:$0x3F99] =	sst s4  }
0xd: {  	[smem:$0x3F9A] =	sst s5  }
0xe: {  	[smem:$0x3F9B] =	sst s6  }
0xf: {  	[smem:$0x3F9C] =	sst s7  }
0x10: {  	[smem:$0x3F9D] =	sst s8  }
0x11: {  	[smem:$0x3F9E] =	sst s9;
	s0 =	simm.s32 @!p0 $0x0  }
0x12: {  	s1 =	sld [smem:$0x3F84];
	s0 =	simm.s32 @p0 $0x1  }
0x13: {  	[smem:$0x3F9F] =	sst s0;
	s0 =	simm.s32 @!p1 $0x0  }
0x14: {  	s2 =	sld [smem:$0x3F83];
	s0 =	simm.s32 @p1 $0x1  }
0x15: {  	[smem:$0x3FA0] =	sst s0;
	s0 =	simm.s32 @!p2 $0x0  }
0x16: {  	s3 =	sld [smem:$0x3FDB];
	s0 =	simm.s32 @p2 $0x1  }
0x17: {  	s4 =	simm.s32 $0x1BF5;
	[smem:$0x3FA2] =	sst s0  }
0x18: {  	s0 =	sld [smem:$0x3F85];
	_ =	swait.ge [sflag:s4], $0x0  }
0x19: {  	s7 =	sld [smem:$0x3F86]  }
0x1a: {  	s8 =	sadd.s32 $0xFFFFE003, lr  }
0x1b: {  	s9 =	sadd.s32 $0xFFFFFEF7, lr;
	s5 =	simm.s32 $0xFFFFFFFF;
	p2 =	slt.u32 s8, $0xFFFFF086  }
0x1c: {  	p1 =	slt.u32 s9, $0xF7A;
	s5 =	simm.s32 @!p2 $0x0  }
0x1d: {  	s5 =	simm.s32 @p1 $0x1;
	p0 =	seq.s32 s7, s2  }
0x1e: {  	s7 =	smul.u32 @!p0 $0xF7A, s2;
	p2 =	seq.s32 @!p0 s5, $0x0  }
0x1f: {  	s9 =	smul.u32 $0xF7A, s1;
	s8 =	simm.s32 @!p0 $0x1BF5;
	p2 =	por !p2, p0  }
0x20: {  	[sflag:s8] =	ssyncset.s32 @!p0 $0xFFFFF086;
	s6 =	sadd.s32 @!p0 s3, s7;
	s7 =	simm.s32 @!p0 $0x108  }
0x21: {  	s3 =	sadd.s32 s3, s9;
	s6 =	sadd.s32 @!p0 $0x88, s6;
	s7 =	simm.s32 @p2 $0x1082  }
0x22: {  	[simem:s7], [sflag:s8] =	dma.local @!p0 [hbm:s6], $0xF7A  }
0x23: {  	s9 =	sor.u32 $0xD0000000, s2;
	s6 =	simm.s32 $0x108;
	_ =	swait.ge @!p0 [sflag:s8], $0x0  }
0x24: {  	s3 =	sadd.s32 $0x88, s3;
	s6 =	simm.s32 @!p1 $0x1082;
	[sflag:s4] =	ssyncset.s32 $0xFFFFF086  }
0x25: {  	[simem:s6], [sflag:s4] =	dma.local [hbm:s3], $0xF7A  }
0x26: {  	[smem:$0x3F86] =	sst s1;
	(tag) =	ssettag s2;
	_ =	strace s9  }
0x27: {  	s1 =	sld [smem:$0x3F96]  }
0x28: {  	s2 =	sld [smem:$0x3F97]  }
0x29: {  	s4 =	sld [smem:$0x3F99]  }
0x2a: {  	p0 =	seq.s32 s5, $0x0;
	s5 =	sld [smem:$0x3F9A]  }
0x2b: {  	s6 =	sld [smem:$0x3F9B]  }
0x2c: {  	s7 =	sld [smem:$0x3F9C]  }
0x2d: {  	s3 =	simm.s32 $0x108;
	s8 =	sld [smem:$0x3F9D]  }
0x2e: {  	s3 =	simm.s32 @!p0 $0x1082;
	s9 =	sld [smem:$0x3F9E]  }
0x2f: {  	lr =	sadd.s32 s0, s3;
	s0 =	sld [smem:$0x3F95]  }
0x30: {  	s3 =	sld [smem:$0x3F98]  }
0x31: {  	[smem:$0x3FA1] =	sst s10  }
0x32: {  	s10 =	sld [smem:$0x3F9F];
	_ =	sdelay $0x3  }
0x33: {  	p0 =	seq.s32 s10, $0x1;
	s10 =	sld [smem:$0x3FA1];
	_ =	sdelay $0x3  }
0x34: {  	[smem:$0x3FA1] =	sst s10  }
0x35: {  	s10 =	sld [smem:$0x3FA0];
	_ =	sdelay $0x3  }
0x36: {  	p1 =	seq.s32 s10, $0x1;
	s10 =	sld [smem:$0x3FA1];
	_ =	sdelay $0x3  }
0x37: {  	[smem:$0x3FA1] =	sst s10  }
0x38: {  	s10 =	sld [smem:$0x3FA2]  }
0x39: {  	_ = 	snop;
	(pc) =	sbr.ind lr, $3  }
0x3a: {  	_ = 	snop  }
0x3b: {  	_ = 	snop  }
0x3c: {  	p2 =	seq.s32 s10, $0x1;
	s10 =	sld [smem:$0x3FA1]  }
0x3d: {  	_ =	shalt  }
0x3e: {  	_ =	shalt  }
0x3f: {  	_ =	shalt  }
0x40: {  	_ =	shalt  }
0x41: {  	_ =	shalt  }
0x42: {  	_ =	shalt  }
0x43: {  	_ =	shalt  }
0x44: {  	_ =	shalt  }
0x45: {  	_ =	shalt  }
0x46: {  	_ =	shalt  }
0x47: {  	_ =	shalt  }
0x48: {  	_ =	shalt  }
0x49: {  	_ =	shalt  }
0x4a: {  	_ =	shalt  }
0x4b: {  	_ =	shalt  }
0x4c: {  	_ =	shalt  }
0x4d: {  	_ =	shalt  }
0x4e: {  	_ =	shalt  }
0x4f: {  	_ =	shalt  }
0x50: {  	_ =	shalt  }
0x51: {  	_ =	shalt  }
0x52: {  	_ =	shalt  }
0x53: {  	_ =	shalt  }
0x54: {  	_ =	shalt  }
0x55: {  	_ =	shalt  }
0x56: {  	_ =	shalt  }
0x57: {  	_ =	shalt  }
0x58: {  	_ =	shalt  }
0x59: {  	_ =	shalt  }
0x5a: {  	_ =	shalt  }
0x5b: {  	_ =	shalt  }
0x5c: {  	_ =	shalt  }
0x5d: {  	_ =	shalt  }
0x5e: {  	_ =	shalt  }
0x5f: {  	_ =	shalt  }
0x60: {  	_ =	shalt  }
0x61: {  	_ =	shalt  }
0x62: {  	_ =	shalt  }
0x63: {  	_ =	shalt  }
0x64: {  	_ =	shalt  }
0x65: {  	_ =	shalt  }
0x66: {  	_ =	shalt  }
0x67: {  	_ =	shalt  }
0x68: {  	_ =	shalt  }
0x69: {  	_ =	shalt  }
0x6a: {  	_ =	shalt  }
0x6b: {  	_ =	shalt  }
0x6c: {  	_ =	shalt  }
0x6d: {  	_ =	shalt  }
0x6e: {  	_ =	shalt  }
0x6f: {  	_ =	shalt  }
0x70: {  	_ =	shalt  }
0x71: {  	_ =	shalt  }
0x72: {  	_ =	shalt  }
0x73: {  	_ =	shalt  }
0x74: {  	_ =	shalt  }
0x75: {  	_ =	shalt  }
0x76: {  	_ =	shalt  }
0x77: {  	_ =	shalt  }
0x78: {  	_ =	shalt  }
0x79: {  	_ =	shalt  }
0x7a: {  	_ =	shalt  }
0x7b: {  	_ =	shalt  }
0x7c: {  	_ =	shalt  }
0x7d: {  	_ =	shalt  }
0x7e: {  	_ =	shalt  }
0x7f: {  	_ =	shalt  }
0x80: {  	_ =	shalt  }
0x81: {  	_ =	shalt  }
0x82: {  	_ =	shalt  }
0x83: {  	_ =	shalt  }
0x84: {  	_ =	shalt  }
0x85: {  	_ =	shalt  }
0x86: {  	_ =	shalt  }
0x87: {  	_ =	shalt  }
.Lfunc_end0:
.L_simem_size_0:
called_computation.1_lowered:
.L_overlay_start_0:
0x88: {  	s2 =	sld [smem:$0x3FD9]  }
0x89: {  	s3 =	sld [smem:$0x3FFE];
	_ =	sdelay $0x1  }
0x8a: {  	s1 =	srdreg.scid  }
0x8b: {  	s0 =	sand.u32 $0x1, s1  }
0x8c: {  	s17 =	sshll.u32 s0, $0xA;
	s2 =	sadd.s32 s3, s2  }
0x8d: {  	s2 =	sadd.s32 s2, s17  }
0x8e: {  	[smem:$0x3FAD] =	sst s2  }
0x8f: {  	_ = 	snop  }
0x90: {  	s2 =	sld [smem:$0x3FD0];
	(tm) =	ssettm $0x1  }
0x91: {  	s18 =	sld [smem:$0x3FFB];
	_ =	sdelay $0x3  }
0x92: {  	_ =	strace s18  }
0x93: {  	s3 =	sld [smem:$0x3FFC];
	_ =	sdelay $0x3  }
0x94: {  	_ =	strace s3  }
0x95: {  	s3 =	sld [smem:$0x3FFD];
	_ =	sdelay $0x3  }
0x96: {  	_ =	strace s3  }
0x97: {  	_ =	strace $0x8FFFFFFF  }
0x98: {  	s19 =	sld [smem:$0x3FDB];
	_ =	sdelay $0x1  }
0x99: {  	s4 =	simm.s32 $_scs_section_size  }
0x9a: {  	s5 =	simm.s32 $_size__tile_overlayer_lowered;
	s6 =	simm.s32 $_tile_overlayer_lowered  }
0x9b: {  	s22 =	simm.s32 $0x1BFF;
	s21 =	sshll.u32 s6, $0x1;
	s3 =	sadd.s32 s4, s19  }
0x9c: {  	s7 =	simm.s32 $0x0;
	s20 =	sshll.u32 s5, $0x1;
	s5 =	sadd.s32 s21, s3  }
0x9d: {  	[timem:s7], [sflag:s22] =	dma.local [hbm:s5], s20  }
0x9e: {  	_ =	swait.ge [sflag:s22], s20  }
0x9f: {  	s4 =	ssub.s32 $0x0, s20;
	[sflag:s22] =	ssyncset.done $0x0  }
0xa0: {  	[sflag:s22] =	ssyncadd.s32 s4;
	_ =	sdelay $0x1  }
0xa1: {  	s23 =	simm.s32 $0x1B8B  }
0xa2: {  	_ =	swait.ge [sflag:s23], $0x1  }
0xa3: {  	[sflag:s23] =	ssyncset.done $0x0  }
0xa4: {  	s25 =	simm.s32 $0x1B8E;
	s24 =	sld [smem:$0x3FFE];
	[sflag:s23] =	ssyncadd.s32 $0xFFFFFFFF  }
0xa5: {  	s26 =	simm.s32 $execute0_lowered;
	[smem:$0x3FD2] =	sst s25  }
0xa6: {  	s5 =	sshll.u32 s26, $0x1;
	_ =	strace $0x80000049;
	[dreg:$0x1] =	wrdreg $0xFFFFFFFF  }
0xa7: {  	s28 =	simm.s32 $_size_execute0_lowered;
	s3 =	sadd.s32 s3, s5;
	[dreg:$0x0] =	wrdreg $0x0  }
0xa8: {  	s5 =	sshll.u32 s28, $0x1;
	[dreg:$0x2] =	wrdreg s3  }
0xa9: {  	[dreg:$0x3] =	wrdreg s5  }
0xaa: {  	[dreg:$0x4] =	wrdreg $0xC0  }
0xab: {  	_ =	task [dreg:s7], $0x5FFFF  }
0xac: {  	[dreg:$0x1] =	wrdreg $0xFFFFFFFF  }
0xad: {  	[dreg:$0x0] =	wrdreg $0x60  }
0xae: {  	[dreg:$0x2] =	wrdreg s24  }
0xaf: {  	[dreg:$0x3] =	wrdreg s2  }
0xb0: {  	[dreg:$0x4] =	wrdreg $0x9  }
0xb1: {  	_ =	task.clear_ibuf [dreg:s7], $0x5FFFF;
	_ =	strace $0x90000049  }
0xb2: {  	s29 =	simm.s32 $0x9;
	_ =	strace $0x8000004B  }
0xb3: {  	_ =	swait.ge [sflag:s29], $0x1  }
0xb4: {  	[sflag:s29] =	ssyncadd.s32 $0xFFFFFFFF  }
0xb5: {  	_ =	strace $0x9000004B  }
0xb6: {  	_ =	sfence  }
0xb7: {  	s30 =	sld [smem:$0x0];
	_ =	sdelay $0x2  }
0xb8: {  	s31 =	sshll.u32 s1, $0xD;
	s1 =	sshrl.u32 s1, $0x2  }
0xb9: {  	s3 =	sand.u32 $0x4000, s31;
	s1 =	sadd.s32 s1, s30  }
0xba: {  	s0 =	sor.u32 s3, s0;
	s1 =	sshll.u32 s1, $0x11  }
0xbb: {  	s0 =	sor.u32 s1, s0  }
0xbc: {  	s0 =	sadd.s32 $0x8F2B, s0  }
0xbd: {  	[sflag:s0] =	ssyncadd.remote.s32 $0x1  }
0xbe: {  	_ =	sfence.sel $0xFFFF  }
0xbf: {  	[dreg:$0x0] =	wrdreg $0xFFFFFFFF;
	(pc) =	sbr.abs _section_cstart, $3  }
0xc0: {  	[dreg:$0x1] =	wrdreg $0xFFFFFFFF  }
0xc1: {  	_ =	task.clear_ibuf [dreg:s7], $0x2FFFF;
	_ =	strace $0x9FFFFFFF  }
0xc2: {  	(tm) =	ssettm $0x7FFFFFFF  }
0xc3: {  	_ =	shalt  }
tec
execute0_lowered:
.L_overlay_start_1:
0x0: {  	(tag) =	ssettag $0x1  }
0x1: {  	s4 =	rddreg [dreg:$0x0]  }
0x2: {  	s5 =	rddreg [dreg:$0x1]  }
0x3: {  	s0 =	rddreg [dreg:$0x2]  }
0x4: {  	s3 =	srdreg.scid;
	s2 =	simm.s32 $0x0;
	s1 =	stileid.u32  }
0x5: {  	s11 =	simm.s32 $0x100;
	s12 =	simm.s32 $0x900;
	s13 =	simm.s32 $0x1100  }
0x6: {  	s14 =	simm.s32 $0x1900;
	s15 =	simm.s32 $0x2100;
	s16 =	simm.s32 $0x2900  }
0x7: {  	s17 =	simm.s32 $0x3100;
	s18 =	simm.s32 $0x3900;
	s19 =	simm.s32 $0x4100  }
0x8: {  	s20 =	simm.s32 $0x4900;
	s21 =	simm.s32 $0x5100;
	s22 =	simm.s32 $0x5900  }
0x9: {  	s23 =	simm.s32 $0x6100;
	s24 =	simm.s32 $0x6900;
	s25 =	simm.s32 $0x7100  }
0xa: {  	s26 =	simm.s32 $0x7900;
	s28 =	simm.s32 $0x1;
	s29 =	simm.s32 $0x2  }
0xb: {  	s6 =	sand.u32 $0x1, s3;
	[smem:$0x7FF] =	sst s2;
	s31 =	sshll.u32 s1, $0x7  }
0xc: {  	s3 =	sadd.s32 $0xB600, s4;
	s7 =	sshll.u32 s6, $0x6;
	s6 =	ssub.s32 $0x2, s6  }
0xd: {  	_ =	strace $0x8000004A;
	s7 =	sor.u32 s7, s31;
	s10 =	sshrl.u32 s6, $0x1  }
0xe: {  	s8 =	sshrl.u32 s7, $0x3;
	s7 =	sshll.u32 s7, $0x5;
	s10 =	ssub.s32 s6, s10  }
0xf: {  	v2 =	vlaneseq.u32;
	s9 =	sadd.s32 s8, s4;
	s7 =	sadd.s32 s7, s4;
	s4 =	sadd.s32 s5, s8  }
0x10: {  	vm0 =	vmmov $0xffff;
	v1 =	vshrl.u32 v2, $0x3;
	s8 =	smax.u32 s10, $0x1;
	s10 =	simm.s32 $0x80;
	s5 =	sadd.s32 $0xB400, s9  }
0x11: {  	v0 =	vand.u32 $0x7, v2;
	v2 =	vor.u32 $0x8, v2;
	v1 =	vmul.u32 $0x8, v1;
	s6 =	sadd.s32 $0x1B600, s7;
	s7 =	sadd.s32 $0x2B600, s7;
	s9 =	simm.s32 $0x3  }
.LBB2_1:
0x12: {  	[tilespmem:s2], [sflag:$0x3] =	stream.linear.gather [hbm4b:s4+s2], $0x40, $0x38;
	[tilespmem:$0x8100] =	vst v63  }
0x13: {  	_ =	swait.ge [sflag:s9], $0x40  }
0x14: {  	[sflag:s9] =	ssyncset.done $0x0  }
0x15: {  	[sflag:s9] =	ssyncadd.s32 $0xFFFFFFC0  }
0x16: {  	[tilespmem:s10], [sflag:$0x3] =	stream.linear.gather [hbm4b:s5+s2], $0x40, $0x38;
	[tilespmem:$0x8100] =	vst v63  }
0x17: {  	_ =	swait.ge [sflag:s9], $0x40  }
0x18: {  	[sflag:s9] =	ssyncset.done $0x0  }
0x19: {  	[sflag:s9] =	ssyncadd.s32 $0xFFFFFFC0  }
0x1a: {  	v3 =	vld [tilespmem:$0x0];
	_ =	sdelay $0x4  }
0x1b: {  	v4 =	vshll.u32 v3, $0x1  }
0x1c: {  	v3 =	vand.u32 $0x7, v3;
	v4 =	vand.u32 $0xFFFFFFF0, v4  }
0x1d: {  	v3 =	vor.u32 v3, v4  }
0x1e: {  	v4 =	vperm.xlane v3, v0;
	_ =	sdelay $0x1  }
0x1f: {  	v3 =	vperm.xlane v3, v2;
	v4 =	vadd.s32 v1, v4;
	_ =	sdelay $0x1  }
0x20: {  	v3 =	vadd.s32 v1, v3;
	_ =	sdelay $0x2  }
0x21: {  	[tilespmem:s11], [sflag:$0x1] =	stream.indirect_vreg.gather [hbm4b:s3+s2], $0x80, v4, vm0, $0xb8;
	[tilespmem:$0x8100] =	vst v63  }
0x22: {  	_ = 	snop  }
0x23: {  	[tilespmem:s12], [sflag:$0x1] =	stream.indirect_vreg.gather [hbm4b:s3+s2], $0x80, v3, vm0, $0xb8;
	[tilespmem:$0x8100] =	vst v63  }
0x24: {  	v3 =	vld [tilespmem:$0x10];
	_ =	sdelay $0x4  }
0x25: {  	v57 =	vshll.u32 v3, $0x1  }
0x26: {  	v3 =	vand.u32 $0x7, v3;
	v4 =	vand.u32 $0xFFFFFFF0, v57  }
0x27: {  	v3 =	vor.u32 v3, v4  }
0x28: {  	v4 =	vperm.xlane v3, v0;
	_ =	sdelay $0x1  }
0x29: {  	v3 =	vperm.xlane v3, v2;
	v4 =	vadd.s32 v1, v4;
	_ =	sdelay $0x1  }
0x2a: {  	v3 =	vadd.s32 v1, v3;
	_ =	sdelay $0x2  }
0x2b: {  	[tilespmem:s13], [sflag:$0x1] =	stream.indirect_vreg.gather [hbm4b:s3+s2], $0x80, v4, vm0, $0xb8;
	[tilespmem:$0x8100] =	vst v63  }
0x2c: {  	_ = 	snop  }
0x2d: {  	[tilespmem:s14], [sflag:$0x1] =	stream.indirect_vreg.gather [hbm4b:s3+s2], $0x80, v3, vm0, $0xb8;
	[tilespmem:$0x8100] =	vst v63  }
0x2e: {  	v3 =	vld [tilespmem:$0x20];
	_ =	sdelay $0x4  }
0x2f: {  	v58 =	vshll.u32 v3, $0x1  }
0x30: {  	v3 =	vand.u32 $0x7, v3;
	v4 =	vand.u32 $0xFFFFFFF0, v58  }
0x31: {  	v3 =	vor.u32 v3, v4  }
0x32: {  	v4 =	vperm.xlane v3, v0;
	_ =	sdelay $0x1  }
0x33: {  	v3 =	vperm.xlane v3, v2;
	v4 =	vadd.s32 v1, v4;
	_ =	sdelay $0x1  }
0x34: {  	v3 =	vadd.s32 v1, v3;
	_ =	sdelay $0x2  }
0x35: {  	[tilespmem:s15], [sflag:$0x1] =	stream.indirect_vreg.gather [hbm4b:s3+s2], $0x80, v4, vm0, $0xb8;
	[tilespmem:$0x8100] =	vst v63  }
0x36: {  	_ = 	snop  }
0x37: {  	[tilespmem:s16], [sflag:$0x1] =	stream.indirect_vreg.gather [hbm4b:s3+s2], $0x80, v3, vm0, $0xb8;
	[tilespmem:$0x8100] =	vst v63  }
0x38: {  	v3 =	vld [tilespmem:$0x30];
	_ =	sdelay $0x4  }
0x39: {  	v59 =	vshll.u32 v3, $0x1  }
0x3a: {  	v3 =	vand.u32 $0x7, v3;
	v4 =	vand.u32 $0xFFFFFFF0, v59  }
0x3b: {  	v3 =	vor.u32 v3, v4  }
0x3c: {  	v4 =	vperm.xlane v3, v0;
	_ =	sdelay $0x1  }
0x3d: {  	v3 =	vperm.xlane v3, v2;
	v4 =	vadd.s32 v1, v4;
	_ =	sdelay $0x1  }
0x3e: {  	v3 =	vadd.s32 v1, v3;
	_ =	sdelay $0x2  }
0x3f: {  	[tilespmem:s17], [sflag:$0x1] =	stream.indirect_vreg.gather [hbm4b:s3+s2], $0x80, v4, vm0, $0xb8;
	[tilespmem:$0x8100] =	vst v63  }
0x40: {  	_ = 	snop  }
0x41: {  	[tilespmem:s18], [sflag:$0x1] =	stream.indirect_vreg.gather [hbm4b:s3+s2], $0x80, v3, vm0, $0xb8;
	[tilespmem:$0x8100] =	vst v63  }
0x42: {  	v3 =	vld [tilespmem:$0x80];
	_ =	sdelay $0x4  }
0x43: {  	v60 =	vshll.u32 v3, $0x1  }
0x44: {  	v3 =	vand.u32 $0x7, v3;
	v4 =	vand.u32 $0xFFFFFFF0, v60  }
0x45: {  	v3 =	vor.u32 v3, v4  }
0x46: {  	v4 =	vperm.xlane v3, v0;
	_ =	sdelay $0x1  }
0x47: {  	v3 =	vperm.xlane v3, v2;
	v4 =	vadd.s32 v1, v4;
	_ =	sdelay $0x1  }
0x48: {  	v3 =	vadd.s32 v1, v3;
	_ =	sdelay $0x2  }
0x49: {  	[tilespmem:s19], [sflag:$0x2] =	stream.indirect_vreg.gather [hbm4b:s3+s2], $0x80, v4, vm0, $0xb8;
	[tilespmem:$0x8100] =	vst v63  }
0x4a: {  	_ = 	snop  }
0x4b: {  	[tilespmem:s20], [sflag:$0x2] =	stream.indirect_vreg.gather [hbm4b:s3+s2], $0x80, v3, vm0, $0xb8;
	[tilespmem:$0x8100] =	vst v63  }
0x4c: {  	v3 =	vld [tilespmem:$0x90];
	_ =	sdelay $0x4  }
0x4d: {  	v61 =	vshll.u32 v3, $0x1  }
0x4e: {  	v3 =	vand.u32 $0x7, v3;
	v4 =	vand.u32 $0xFFFFFFF0, v61  }
0x4f: {  	v3 =	vor.u32 v3, v4  }
0x50: {  	v4 =	vperm.xlane v3, v0;
	_ =	sdelay $0x1  }
0x51: {  	v3 =	vperm.xlane v3, v2;
	v4 =	vadd.s32 v1, v4;
	_ =	sdelay $0x1  }
0x52: {  	v3 =	vadd.s32 v1, v3;
	_ =	sdelay $0x2  }
0x53: {  	[tilespmem:s21], [sflag:$0x2] =	stream.indirect_vreg.gather [hbm4b:s3+s2], $0x80, v4, vm0, $0xb8;
	[tilespmem:$0x8100] =	vst v63  }
0x54: {  	_ = 	snop  }
0x55: {  	[tilespmem:s22], [sflag:$0x2] =	stream.indirect_vreg.gather [hbm4b:s3+s2], $0x80, v3, vm0, $0xb8;
	[tilespmem:$0x8100] =	vst v63  }
0x56: {  	v3 =	vld [tilespmem:$0xA0];
	_ =	sdelay $0x4  }
0x57: {  	v62 =	vshll.u32 v3, $0x1  }
0x58: {  	v3 =	vand.u32 $0x7, v3;
	v4 =	vand.u32 $0xFFFFFFF0, v62  }
0x59: {  	v3 =	vor.u32 v3, v4  }
0x5a: {  	v4 =	vperm.xlane v3, v0;
	_ =	sdelay $0x1  }
0x5b: {  	v3 =	vperm.xlane v3, v2;
	v4 =	vadd.s32 v1, v4;
	_ =	sdelay $0x1  }
0x5c: {  	v3 =	vadd.s32 v1, v3;
	_ =	sdelay $0x2  }
0x5d: {  	[tilespmem:s23], [sflag:$0x2] =	stream.indirect_vreg.gather [hbm4b:s3+s2], $0x80, v4, vm0, $0xb8;
	[tilespmem:$0x8100] =	vst v63  }
0x5e: {  	_ = 	snop  }
0x5f: {  	[tilespmem:s24], [sflag:$0x2] =	stream.indirect_vreg.gather [hbm4b:s3+s2], $0x80, v3, vm0, $0xb8;
	[tilespmem:$0x8100] =	vst v63  }
0x60: {  	v3 =	vld [tilespmem:$0xB0];
	_ =	sdelay $0x4  }
0x61: {  	v63 =	vshll.u32 v3, $0x1  }
0x62: {  	v3 =	vand.u32 $0x7, v3;
	v4 =	vand.u32 $0xFFFFFFF0, v63  }
0x63: {  	v3 =	vor.u32 v3, v4  }
0x64: {  	v4 =	vperm.xlane v3, v0;
	_ =	sdelay $0x1  }
0x65: {  	v3 =	vperm.xlane v3, v2;
	v4 =	vadd.s32 v1, v4;
	_ =	sdelay $0x1  }
0x66: {  	v3 =	vadd.s32 v1, v3;
	_ =	sdelay $0x2  }
0x67: {  	[tilespmem:s25], [sflag:$0x2] =	stream.indirect_vreg.gather [hbm4b:s3+s2], $0x80, v4, vm0, $0xb8;
	[tilespmem:$0x8100] =	vst v63  }
0x68: {  	_ = 	snop  }
0x69: {  	[tilespmem:s26], [sflag:$0x2] =	stream.indirect_vreg.gather [hbm4b:s3+s2], $0x80, v3, vm0, $0xb8;
	[tilespmem:$0x8100] =	vst v63  }
0x6a: {  	_ =	swait.ge [sflag:s28], $0x4000  }
0x6b: {  	[sflag:s28] =	ssyncset.done $0x0  }
0x6c: {  	[sflag:s28] =	ssyncadd.s32 $0xFFFFC000  }
0x6d: {  	_ =	swait.ge [sflag:s29], $0x4000  }
0x6e: {  	[sflag:s29] =	ssyncset.done $0x0  }
0x6f: {  	[sflag:s29] =	ssyncadd.s32 $0xFFFFC000  }
0x70: {  	[hbm4b:s6+s2] =	stream.linear.scatter [tilespmem:s11], [sflag:$0x3], $0x4000, $0x38;
	[tilespmem:$0x8100] =	vst v63  }
0x71: {  	_ =	swait.ge [sflag:s9], $0x4000  }
0x72: {  	p0 =	sne.s32 s8, $0x1;
	[sflag:s9] =	ssyncset.done $0x0  }
.Ltmp0:
0x73: {  	[sflag:s9] =	ssyncadd.s32 $0xFFFFC000;
	(pc) =	sbr.rel @p0 .LBB2_1-.Ltmp0, $4  }
0x74: {  	[hbm4b:s7+s2] =	stream.linear.scatter [tilespmem:s19], [sflag:$0x3], $0x4000, $0x38;
	[tilespmem:$0x8100] =	vst v63  }
0x75: {  	_ =	swait.ge [sflag:s9], $0x4000  }
0x76: {  	[sflag:s9] =	ssyncset.done $0x0  }
0x77: {  	s8 =	sadd.s32 $0xFFFFFFFF, s8;
	[sflag:s9] =	ssyncadd.s32 $0xFFFFC000  }
0x78: {  	_ =	sfence.sel $0x180000  }
0x79: {  	[bflag:$0x0] =	sbarrier.arrive $0xFFFF  }
0x7a: {  	p0 =	sne.s32 s1, $0x0;
	_ =	strace $0x9000004A  }
0x7b: {  	s0 =	sadd.s32 @!p0 $0x100000, s0;
	[bflag:$0x2] =	sbarrier.arrive $0xFFFF  }
0x7c: {  	[sflag:s0] =	ssyncadd.tile.s32 @!p0 $0x1;
	_ =	shalt  }
.Lfunc_end2:
_tile_overlayer_lowered:
.L_overlay_start_2:
0x7d: {  	(tag) =	ssettag $0x2  }
0x7e: {  	s0 =	rddreg [dreg:$0x0];
	s2 =	stileid.u32  }
0x7f: {  	s1 =	rddreg [dreg:$0x1];
	p0 =	sne.s32 s2, $0x0  }
0x80: {  	s3 =	rddreg [dreg:$0x2];
	[bflag:$0x3] =	sbarrier.arrive $0xFFFF;
	s2 =	simm.s32 @!p0 $0x1C03  }
0x81: {  	[timem:s3], [sflag:s2] =	dma.local @!p0 [hbm:s0], s1  }
0x82: {  	s0 =	simm.s32 @!p0 $0x3  }
0x83: {  	_ =	swait.ge @!p0 [sflag:s0], s1  }
0x84: {  	s1 =	ssub.s32 @!p0 $0x0, s1;
	[sflag:s0] =	ssyncset.done @!p0 $0x0  }
0x85: {  	[sflag:s0] =	ssyncadd.s32 @!p0 s1  }
0x86: {  	[bflag:$0x3] =	sbarrier.arrive $0xFFFF  }
0x87: {  	_ =	shalt  }

// kernel: kernel.26.cloned.1.call-start
scs
__scs_entry_jumppad:
0x0: {  	(pc) =	sbr.rel $0x88, $3  }
0x1: {  	(tag) =	ssettag $0x0;
	lr =	simm.s32 $0x1  }
0x2: {  	[smem:$0x3F86] =	sst lr;
	_ =	strace $0xD0000000  }
0x3: {  	_ = 	snop  }
0x4: {  	_ = 	snop  }
0x5: {  	_ = 	snop  }
0x6: {  	_ = 	snop  }
0x7: {  	_ = 	snop  }
__scs_overlays_trampoline_lowered:
0x8: {  	[smem:$0x3F95] =	sst s0  }
0x9: {  	[smem:$0x3F96] =	sst s1  }
0xa: {  	[smem:$0x3F97] =	sst s2  }
0xb: {  	[smem:$0x3F98] =	sst s3  }
0xc: {  	[smem:$0x3F99] =	sst s4  }
0xd: {  	[smem:$0x3F9A] =	sst s5  }
0xe: {  	[smem:$0x3F9B] =	sst s6  }
0xf: {  	[smem:$0x3F9C] =	sst s7  }
0x10: {  	[smem:$0x3F9D] =	sst s8  }
0x11: {  	[smem:$0x3F9E] =	sst s9;
	s0 =	simm.s32 @!p0 $0x0  }
0x12: {  	s1 =	sld [smem:$0x3F84];
	s0 =	simm.s32 @p0 $0x1  }
0x13: {  	[smem:$0x3F9F] =	sst s0;
	s0 =	simm.s32 @!p1 $0x0  }
0x14: {  	s2 =	sld [smem:$0x3F83];
	s0 =	simm.s32 @p1 $0x1  }
0x15: {  	[smem:$0x3FA0] =	sst s0;
	s0 =	simm.s32 @!p2 $0x0  }
0x16: {  	s3 =	sld [smem:$0x3FDB];
	s0 =	simm.s32 @p2 $0x1  }
0x17: {  	s4 =	simm.s32 $0x1BF5;
	[smem:$0x3FA2] =	sst s0  }
0x18: {  	s0 =	sld [smem:$0x3F85];
	_ =	swait.ge [sflag:s4], $0x0  }
0x19: {  	s7 =	sld [smem:$0x3F86]  }
0x1a: {  	s8 =	sadd.s32 $0xFFFFE003, lr  }
0x1b: {  	s9 =	sadd.s32 $0xFFFFFEF7, lr;
	s5 =	simm.s32 $0xFFFFFFFF;
	p2 =	slt.u32 s8, $0xFFFFF086  }
0x1c: {  	p1 =	slt.u32 s9, $0xF7A;
	s5 =	simm.s32 @!p2 $0x0  }
0x1d: {  	s5 =	simm.s32 @p1 $0x1;
	p0 =	seq.s32 s7, s2  }
0x1e: {  	s7 =	smul.u32 @!p0 $0xF7A, s2;
	p2 =	seq.s32 @!p0 s5, $0x0  }
0x1f: {  	s9 =	smul.u32 $0xF7A, s1;
	s8 =	simm.s32 @!p0 $0x1BF5;
	p2 =	por !p2, p0  }
0x20: {  	[sflag:s8] =	ssyncset.s32 @!p0 $0xFFFFF086;
	s6 =	sadd.s32 @!p0 s3, s7;
	s7 =	simm.s32 @!p0 $0x108  }
0x21: {  	s3 =	sadd.s32 s3, s9;
	s6 =	sadd.s32 @!p0 $0x88, s6;
	s7 =	simm.s32 @p2 $0x1082  }
0x22: {  	[simem:s7], [sflag:s8] =	dma.local @!p0 [hbm:s6], $0xF7A  }
0x23: {  	s9 =	sor.u32 $0xD0000000, s2;
	s6 =	simm.s32 $0x108;
	_ =	swait.ge @!p0 [sflag:s8], $0x0  }
0x24: {  	s3 =	sadd.s32 $0x88, s3;
	s6 =	simm.s32 @!p1 $0x1082;
	[sflag:s4] =	ssyncset.s32 $0xFFFFF086  }
0x25: {  	[simem:s6], [sflag:s4] =	dma.local [hbm:s3], $0xF7A  }
0x26: {  	[smem:$0x3F86] =	sst s1;
	(tag) =	ssettag s2;
	_ =	strace s9  }
0x27: {  	s1 =	sld [smem:$0x3F96]  }
0x28: {  	s2 =	sld [smem:$0x3F97]  }
0x29: {  	s4 =	sld [smem:$0x3F99]  }
0x2a: {  	p0 =	seq.s32 s5, $0x0;
	s5 =	sld [smem:$0x3F9A]  }
0x2b: {  	s6 =	sld [smem:$0x3F9B]  }
0x2c: {  	s7 =	sld [smem:$0x3F9C]  }
0x2d: {  	s3 =	simm.s32 $0x108;
	s8 =	sld [smem:$0x3F9D]  }
0x2e: {  	s3 =	simm.s32 @!p0 $0x1082;
	s9 =	sld [smem:$0x3F9E]  }
0x2f: {  	lr =	sadd.s32 s0, s3;
	s0 =	sld [smem:$0x3F95]  }
0x30: {  	s3 =	sld [smem:$0x3F98]  }
0x31: {  	[smem:$0x3FA1] =	sst s10  }
0x32: {  	s10 =	sld [smem:$0x3F9F];
	_ =	sdelay $0x3  }
0x33: {  	p0 =	seq.s32 s10, $0x1;
	s10 =	sld [smem:$0x3FA1];
	_ =	sdelay $0x3  }
0x34: {  	[smem:$0x3FA1] =	sst s10  }
0x35: {  	s10 =	sld [smem:$0x3FA0];
	_ =	sdelay $0x3  }
0x36: {  	p1 =	seq.s32 s10, $0x1;
	s10 =	sld [smem:$0x3FA1];
	_ =	sdelay $0x3  }
0x37: {  	[smem:$0x3FA1] =	sst s10  }
0x38: {  	s10 =	sld [smem:$0x3FA2]  }
0x39: {  	_ = 	snop;
	(pc) =	sbr.ind lr, $3  }
0x3a: {  	_ = 	snop  }
0x3b: {  	_ = 	snop  }
0x3c: {  	p2 =	seq.s32 s10, $0x1;
	s10 =	sld [smem:$0x3FA1]  }
0x3d: {  	_ =	shalt  }
0x3e: {  	_ =	shalt  }
0x3f: {  	_ =	shalt  }
0x40: {  	_ =	shalt  }
0x41: {  	_ =	shalt  }
0x42: {  	_ =	shalt  }
0x43: {  	_ =	shalt  }
0x44: {  	_ =	shalt  }
0x45: {  	_ =	shalt  }
0x46: {  	_ =	shalt  }
0x47: {  	_ =	shalt  }
0x48: {  	_ =	shalt  }
0x49: {  	_ =	shalt  }
0x4a: {  	_ =	shalt  }
0x4b: {  	_ =	shalt  }
0x4c: {  	_ =	shalt  }
0x4d: {  	_ =	shalt  }
0x4e: {  	_ =	shalt  }
0x4f: {  	_ =	shalt  }
0x50: {  	_ =	shalt  }
0x51: {  	_ =	shalt  }
0x52: {  	_ =	shalt  }
0x53: {  	_ =	shalt  }
0x54: {  	_ =	shalt  }
0x55: {  	_ =	shalt  }
0x56: {  	_ =	shalt  }
0x57: {  	_ =	shalt  }
0x58: {  	_ =	shalt  }
0x59: {  	_ =	shalt  }
0x5a: {  	_ =	shalt  }
0x5b: {  	_ =	shalt  }
0x5c: {  	_ =	shalt  }
0x5d: {  	_ =	shalt  }
0x5e: {  	_ =	shalt  }
0x5f: {  	_ =	shalt  }
0x60: {  	_ =	shalt  }
0x61: {  	_ =	shalt  }
0x62: {  	_ =	shalt  }
0x63: {  	_ =	shalt  }
0x64: {  	_ =	shalt  }
0x65: {  	_ =	shalt  }
0x66: {  	_ =	shalt  }
0x67: {  	_ =	shalt  }
0x68: {  	_ =	shalt  }
0x69: {  	_ =	shalt  }
0x6a: {  	_ =	shalt  }
0x6b: {  	_ =	shalt  }
0x6c: {  	_ =	shalt  }
0x6d: {  	_ =	shalt  }
0x6e: {  	_ =	shalt  }
0x6f: {  	_ =	shalt  }
0x70: {  	_ =	shalt  }
0x71: {  	_ =	shalt  }
0x72: {  	_ =	shalt  }
0x73: {  	_ =	shalt  }
0x74: {  	_ =	shalt  }
0x75: {  	_ =	shalt  }
0x76: {  	_ =	shalt  }
0x77: {  	_ =	shalt  }
0x78: {  	_ =	shalt  }
0x79: {  	_ =	shalt  }
0x7a: {  	_ =	shalt  }
0x7b: {  	_ =	shalt  }
0x7c: {  	_ =	shalt  }
0x7d: {  	_ =	shalt  }
0x7e: {  	_ =	shalt  }
0x7f: {  	_ =	shalt  }
0x80: {  	_ =	shalt  }
0x81: {  	_ =	shalt  }
0x82: {  	_ =	shalt  }
0x83: {  	_ =	shalt  }
0x84: {  	_ =	shalt  }
0x85: {  	_ =	shalt  }
0x86: {  	_ =	shalt  }
0x87: {  	_ =	shalt  }
.Lfunc_end0:
.L_simem_size_0:
called_computation.2_lowered:
.L_overlay_start_0:
0x88: {  	s2 =	sld [smem:$0x3FD9]  }
0x89: {  	s3 =	sld [smem:$0x3FFE];
	_ =	sdelay $0x1  }
0x8a: {  	s1 =	srdreg.scid  }
0x8b: {  	s0 =	sand.u32 $0x1, s1  }
0x8c: {  	s17 =	sshll.u32 s0, $0xA;
	s2 =	sadd.s32 s3, s2  }
0x8d: {  	s2 =	sadd.s32 s2, s17  }
0x8e: {  	[smem:$0x3FAD] =	sst s2  }
0x8f: {  	_ = 	snop  }
0x90: {  	s2 =	sld [smem:$0x3FD0];
	(tm) =	ssettm $0x1  }
0x91: {  	s18 =	sld [smem:$0x3FFB];
	_ =	sdelay $0x3  }
0x92: {  	_ =	strace s18  }
0x93: {  	s3 =	sld [smem:$0x3FFC];
	_ =	sdelay $0x3  }
0x94: {  	_ =	strace s3  }
0x95: {  	s3 =	sld [smem:$0x3FFD];
	_ =	sdelay $0x3  }
0x96: {  	_ =	strace s3  }
0x97: {  	_ =	strace $0x8FFFFFFF  }
0x98: {  	s19 =	sld [smem:$0x3FDB];
	_ =	sdelay $0x1  }
0x99: {  	s4 =	simm.s32 $_scs_section_size  }
0x9a: {  	s5 =	simm.s32 $_size__tile_overlayer_lowered;
	s6 =	simm.s32 $_tile_overlayer_lowered  }
0x9b: {  	s22 =	simm.s32 $0x1BFF;
	s21 =	sshll.u32 s6, $0x1;
	s3 =	sadd.s32 s4, s19  }
0x9c: {  	s7 =	simm.s32 $0x0;
	s20 =	sshll.u32 s5, $0x1;
	s5 =	sadd.s32 s21, s3  }
0x9d: {  	[timem:s7], [sflag:s22] =	dma.local [hbm:s5], s20  }
0x9e: {  	_ =	swait.ge [sflag:s22], s20  }
0x9f: {  	s4 =	ssub.s32 $0x0, s20;
	[sflag:s22] =	ssyncset.done $0x0  }
0xa0: {  	[sflag:s22] =	ssyncadd.s32 s4;
	_ =	sdelay $0x1  }
0xa1: {  	s23 =	simm.s32 $0x1B8B  }
0xa2: {  	_ =	swait.ge [sflag:s23], $0x1  }
0xa3: {  	[sflag:s23] =	ssyncset.done $0x0  }
0xa4: {  	s25 =	simm.s32 $0x1B8E;
	s24 =	sld [smem:$0x3FFE];
	[sflag:s23] =	ssyncadd.s32 $0xFFFFFFFF  }
0xa5: {  	s26 =	simm.s32 $execute0_lowered;
	[smem:$0x3FD2] =	sst s25  }
0xa6: {  	s5 =	sshll.u32 s26, $0x1;
	_ =	strace $0x8000004C;
	[dreg:$0x1] =	wrdreg $0xFFFFFFFF  }
0xa7: {  	s28 =	simm.s32 $_size_execute0_lowered;
	s3 =	sadd.s32 s3, s5;
	[dreg:$0x0] =	wrdreg $0x0  }
0xa8: {  	s5 =	sshll.u32 s28, $0x1;
	[dreg:$0x2] =	wrdreg s3  }
0xa9: {  	[dreg:$0x3] =	wrdreg s5  }
0xaa: {  	[dreg:$0x4] =	wrdreg $0xC0  }
0xab: {  	_ =	task [dreg:s7], $0x5FFFF  }
0xac: {  	[dreg:$0x1] =	wrdreg $0xFFFFFFFF  }
0xad: {  	[dreg:$0x0] =	wrdreg $0x60  }
0xae: {  	[dreg:$0x2] =	wrdreg s24  }
0xaf: {  	[dreg:$0x3] =	wrdreg s2  }
0xb0: {  	[dreg:$0x4] =	wrdreg $0x9  }
0xb1: {  	_ =	task.clear_ibuf [dreg:s7], $0x5FFFF;
	_ =	strace $0x9000004C  }
0xb2: {  	s29 =	simm.s32 $0x9;
	_ =	strace $0x8000004E  }
0xb3: {  	_ =	swait.ge [sflag:s29], $0x1  }
0xb4: {  	[sflag:s29] =	ssyncadd.s32 $0xFFFFFFFF  }
0xb5: {  	_ =	strace $0x9000004E  }
0xb6: {  	_ =	sfence  }
0xb7: {  	s30 =	sld [smem:$0x0];
	_ =	sdelay $0x2  }
0xb8: {  	s31 =	sshll.u32 s1, $0xD;
	s1 =	sshrl.u32 s1, $0x2  }
0xb9: {  	s3 =	sand.u32 $0x4000, s31;
	s1 =	sadd.s32 s1, s30  }
0xba: {  	s0 =	sor.u32 s3, s0;
	s1 =	sshll.u32 s1, $0x11  }
0xbb: {  	s0 =	sor.u32 s1, s0  }
0xbc: {  	s0 =	sadd.s32 $0x8F2B, s0  }
0xbd: {  	[sflag:s0] =	ssyncadd.remote.s32 $0x1  }
0xbe: {  	_ =	sfence.sel $0xFFFF  }
0xbf: {  	[dreg:$0x0] =	wrdreg $0xFFFFFFFF;
	(pc) =	sbr.abs _section_cstart, $3  }
0xc0: {  	[dreg:$0x1] =	wrdreg $0xFFFFFFFF  }
0xc1: {  	_ =	task.clear_ibuf [dreg:s7], $0x2FFFF;
	_ =	strace $0x9FFFFFFF  }
0xc2: {  	(tm) =	ssettm $0x7FFFFFFF  }
0xc3: {  	_ =	shalt  }
tec
execute0_lowered:
.L_overlay_start_1:
0x0: {  	(tag) =	ssettag $0x1  }
0x1: {  	s4 =	rddreg [dreg:$0x0]  }
0x2: {  	s5 =	rddreg [dreg:$0x1]  }
0x3: {  	s0 =	rddreg [dreg:$0x2]  }
0x4: {  	s3 =	srdreg.scid;
	s2 =	simm.s32 $0x0;
	s1 =	stileid.u32  }
0x5: {  	s11 =	simm.s32 $0x100;
	s12 =	simm.s32 $0x900;
	s13 =	simm.s32 $0x1100  }
0x6: {  	s14 =	simm.s32 $0x1900;
	s15 =	simm.s32 $0x2100;
	s16 =	simm.s32 $0x2900  }
0x7: {  	s17 =	simm.s32 $0x3100;
	s18 =	simm.s32 $0x3900;
	s19 =	simm.s32 $0x4100  }
0x8: {  	s20 =	simm.s32 $0x4900;
	s21 =	simm.s32 $0x5100;
	s22 =	simm.s32 $0x5900  }
0x9: {  	s23 =	simm.s32 $0x6100;
	s24 =	simm.s32 $0x6900;
	s25 =	simm.s32 $0x7100  }
0xa: {  	s26 =	simm.s32 $0x7900;
	s28 =	simm.s32 $0x1;
	s29 =	simm.s32 $0x2  }
0xb: {  	s6 =	sand.u32 $0x1, s3;
	[smem:$0x7FF] =	sst s2;
	s31 =	sshll.u32 s1, $0x7  }
0xc: {  	s3 =	sadd.s32 $0xB600, s4;
	s7 =	sshll.u32 s6, $0x6;
	s6 =	ssub.s32 $0x2, s6  }
0xd: {  	_ =	strace $0x8000004D;
	s7 =	sor.u32 s7, s31;
	s10 =	sshrl.u32 s6, $0x1  }
0xe: {  	s8 =	sshrl.u32 s7, $0x3;
	s7 =	sshll.u32 s7, $0x5;
	s10 =	ssub.s32 s6, s10  }
0xf: {  	v2 =	vlaneseq.u32;
	s9 =	sadd.s32 s8, s4;
	s7 =	sadd.s32 s7, s4;
	s4 =	sadd.s32 s5, s8  }
0x10: {  	vm0 =	vmmov $0xffff;
	v1 =	vshrl.u32 v2, $0x3;
	s8 =	smax.u32 s10, $0x1;
	s10 =	simm.s32 $0x80;
	s5 =	sadd.s32 $0xB400, s9  }
0x11: {  	v0 =	vand.u32 $0x7, v2;
	v2 =	vor.u32 $0x8, v2;
	v1 =	vmul.u32 $0x8, v1;
	s6 =	sadd.s32 $0x1B600, s7;
	s7 =	sadd.s32 $0x2B600, s7;
	s9 =	simm.s32 $0x3  }
.LBB2_1:
0x12: {  	[tilespmem:s2], [sflag:$0x3] =	stream.linear.gather [hbm4b:s4+s2], $0x40, $0x38;
	[tilespmem:$0x8100] =	vst v63  }
0x13: {  	_ =	swait.ge [sflag:s9], $0x40  }
0x14: {  	[sflag:s9] =	ssyncset.done $0x0  }
0x15: {  	[sflag:s9] =	ssyncadd.s32 $0xFFFFFFC0  }
0x16: {  	[tilespmem:s10], [sflag:$0x3] =	stream.linear.gather [hbm4b:s5+s2], $0x40, $0x38;
	[tilespmem:$0x8100] =	vst v63  }
0x17: {  	_ =	swait.ge [sflag:s9], $0x40  }
0x18: {  	[sflag:s9] =	ssyncset.done $0x0  }
0x19: {  	[sflag:s9] =	ssyncadd.s32 $0xFFFFFFC0  }
0x1a: {  	v3 =	vld [tilespmem:$0x0];
	_ =	sdelay $0x4  }
0x1b: {  	v4 =	vshll.u32 v3, $0x1  }
0x1c: {  	v3 =	vand.u32 $0x7, v3;
	v4 =	vand.u32 $0xFFFFFFF0, v4  }
0x1d: {  	v3 =	vor.u32 v3, v4  }
0x1e: {  	v4 =	vperm.xlane v3, v0;
	_ =	sdelay $0x1  }
0x1f: {  	v3 =	vperm.xlane v3, v2;
	v4 =	vadd.s32 v1, v4;
	_ =	sdelay $0x1  }
0x20: {  	v3 =	vadd.s32 v1, v3;
	_ =	sdelay $0x2  }
0x21: {  	[tilespmem:s11], [sflag:$0x1] =	stream.indirect_vreg.gather [hbm4b:s3+s2], $0x80, v4, vm0, $0xb8;
	[tilespmem:$0x8100] =	vst v63  }
0x22: {  	_ = 	snop  }
0x23: {  	[tilespmem:s12], [sflag:$0x1] =	stream.indirect_vreg.gather [hbm4b:s3+s2], $0x80, v3, vm0, $0xb8;
	[tilespmem:$0x8100] =	vst v63  }
0x24: {  	v3 =	vld [tilespmem:$0x10];
	_ =	sdelay $0x4  }
0x25: {  	v57 =	vshll.u32 v3, $0x1  }
0x26: {  	v3 =	vand.u32 $0x7, v3;
	v4 =	vand.u32 $0xFFFFFFF0, v57  }
0x27: {  	v3 =	vor.u32 v3, v4  }
0x28: {  	v4 =	vperm.xlane v3, v0;
	_ =	sdelay $0x1  }
0x29: {  	v3 =	vperm.xlane v3, v2;
	v4 =	vadd.s32 v1, v4;
	_ =	sdelay $0x1  }
0x2a: {  	v3 =	vadd.s32 v1, v3;
	_ =	sdelay $0x2  }
0x2b: {  	[tilespmem:s13], [sflag:$0x1] =	stream.indirect_vreg.gather [hbm4b:s3+s2], $0x80, v4, vm0, $0xb8;
	[tilespmem:$0x8100] =	vst v63  }
0x2c: {  	_ = 	snop  }
0x2d: {  	[tilespmem:s14], [sflag:$0x1] =	stream.indirect_vreg.gather [hbm4b:s3+s2], $0x80, v3, vm0, $0xb8;
	[tilespmem:$0x8100] =	vst v63  }
0x2e: {  	v3 =	vld [tilespmem:$0x20];
	_ =	sdelay $0x4  }
0x2f: {  	v58 =	vshll.u32 v3, $0x1  }
0x30: {  	v3 =	vand.u32 $0x7, v3;
	v4 =	vand.u32 $0xFFFFFFF0, v58  }
0x31: {  	v3 =	vor.u32 v3, v4  }
0x32: {  	v4 =	vperm.xlane v3, v0;
	_ =	sdelay $0x1  }
0x33: {  	v3 =	vperm.xlane v3, v2;
	v4 =	vadd.s32 v1, v4;
	_ =	sdelay $0x1  }
0x34: {  	v3 =	vadd.s32 v1, v3;
	_ =	sdelay $0x2  }
0x35: {  	[tilespmem:s15], [sflag:$0x1] =	stream.indirect_vreg.gather [hbm4b:s3+s2], $0x80, v4, vm0, $0xb8;
	[tilespmem:$0x8100] =	vst v63  }
0x36: {  	_ = 	snop  }
0x37: {  	[tilespmem:s16], [sflag:$0x1] =	stream.indirect_vreg.gather [hbm4b:s3+s2], $0x80, v3, vm0, $0xb8;
	[tilespmem:$0x8100] =	vst v63  }
0x38: {  	v3 =	vld [tilespmem:$0x30];
	_ =	sdelay $0x4  }
0x39: {  	v59 =	vshll.u32 v3, $0x1  }
0x3a: {  	v3 =	vand.u32 $0x7, v3;
	v4 =	vand.u32 $0xFFFFFFF0, v59  }
0x3b: {  	v3 =	vor.u32 v3, v4  }
0x3c: {  	v4 =	vperm.xlane v3, v0;
	_ =	sdelay $0x1  }
0x3d: {  	v3 =	vperm.xlane v3, v2;
	v4 =	vadd.s32 v1, v4;
	_ =	sdelay $0x1  }
0x3e: {  	v3 =	vadd.s32 v1, v3;
	_ =	sdelay $0x2  }
0x3f: {  	[tilespmem:s17], [sflag:$0x1] =	stream.indirect_vreg.gather [hbm4b:s3+s2], $0x80, v4, vm0, $0xb8;
	[tilespmem:$0x8100] =	vst v63  }
0x40: {  	_ = 	snop  }
0x41: {  	[tilespmem:s18], [sflag:$0x1] =	stream.indirect_vreg.gather [hbm4b:s3+s2], $0x80, v3, vm0, $0xb8;
	[tilespmem:$0x8100] =	vst v63  }
0x42: {  	v3 =	vld [tilespmem:$0x80];
	_ =	sdelay $0x4  }
0x43: {  	v60 =	vshll.u32 v3, $0x1  }
0x44: {  	v3 =	vand.u32 $0x7, v3;
	v4 =	vand.u32 $0xFFFFFFF0, v60  }
0x45: {  	v3 =	vor.u32 v3, v4  }
0x46: {  	v4 =	vperm.xlane v3, v0;
	_ =	sdelay $0x1  }
0x47: {  	v3 =	vperm.xlane v3, v2;
	v4 =	vadd.s32 v1, v4;
	_ =	sdelay $0x1  }
0x48: {  	v3 =	vadd.s32 v1, v3;
	_ =	sdelay $0x2  }
0x49: {  	[tilespmem:s19], [sflag:$0x2] =	stream.indirect_vreg.gather [hbm4b:s3+s2], $0x80, v4, vm0, $0xb8;
	[tilespmem:$0x8100] =	vst v63  }
0x4a: {  	_ = 	snop  }
0x4b: {  	[tilespmem:s20], [sflag:$0x2] =	stream.indirect_vreg.gather [hbm4b:s3+s2], $0x80, v3, vm0, $0xb8;
	[tilespmem:$0x8100] =	vst v63  }
0x4c: {  	v3 =	vld [tilespmem:$0x90];
	_ =	sdelay $0x4  }
0x4d: {  	v61 =	vshll.u32 v3, $0x1  }
0x4e: {  	v3 =	vand.u32 $0x7, v3;
	v4 =	vand.u32 $0xFFFFFFF0, v61  }
0x4f: {  	v3 =	vor.u32 v3, v4  }
0x50: {  	v4 =	vperm.xlane v3, v0;
	_ =	sdelay $0x1  }
0x51: {  	v3 =	vperm.xlane v3, v2;
	v4 =	vadd.s32 v1, v4;
	_ =	sdelay $0x1  }
0x52: {  	v3 =	vadd.s32 v1, v3;
	_ =	sdelay $0x2  }
0x53: {  	[tilespmem:s21], [sflag:$0x2] =	stream.indirect_vreg.gather [hbm4b:s3+s2], $0x80, v4, vm0, $0xb8;
	[tilespmem:$0x8100] =	vst v63  }
0x54: {  	_ = 	snop  }
0x55: {  	[tilespmem:s22], [sflag:$0x2] =	stream.indirect_vreg.gather [hbm4b:s3+s2], $0x80, v3, vm0, $0xb8;
	[tilespmem:$0x8100] =	vst v63  }
0x56: {  	v3 =	vld [tilespmem:$0xA0];
	_ =	sdelay $0x4  }
0x57: {  	v62 =	vshll.u32 v3, $0x1  }
0x58: {  	v3 =	vand.u32 $0x7, v3;
	v4 =	vand.u32 $0xFFFFFFF0, v62  }
0x59: {  	v3 =	vor.u32 v3, v4  }
0x5a: {  	v4 =	vperm.xlane v3, v0;
	_ =	sdelay $0x1  }
0x5b: {  	v3 =	vperm.xlane v3, v2;
	v4 =	vadd.s32 v1, v4;
	_ =	sdelay $0x1  }
0x5c: {  	v3 =	vadd.s32 v1, v3;
	_ =	sdelay $0x2  }
0x5d: {  	[tilespmem:s23], [sflag:$0x2] =	stream.indirect_vreg.gather [hbm4b:s3+s2], $0x80, v4, vm0, $0xb8;
	[tilespmem:$0x8100] =	vst v63  }
0x5e: {  	_ = 	snop  }
0x5f: {  	[tilespmem:s24], [sflag:$0x2] =	stream.indirect_vreg.gather [hbm4b:s3+s2], $0x80, v3, vm0, $0xb8;
	[tilespmem:$0x8100] =	vst v63  }
0x60: {  	v3 =	vld [tilespmem:$0xB0];
	_ =	sdelay $0x4  }
0x61: {  	v63 =	vshll.u32 v3, $0x1  }
0x62: {  	v3 =	vand.u32 $0x7, v3;
	v4 =	vand.u32 $0xFFFFFFF0, v63  }
0x63: {  	v3 =	vor.u32 v3, v4  }
0x64: {  	v4 =	vperm.xlane v3, v0;
	_ =	sdelay $0x1  }
0x65: {  	v3 =	vperm.xlane v3, v2;
	v4 =	vadd.s32 v1, v4;
	_ =	sdelay $0x1  }
0x66: {  	v3 =	vadd.s32 v1, v3;
	_ =	sdelay $0x2  }
0x67: {  	[tilespmem:s25], [sflag:$0x2] =	stream.indirect_vreg.gather [hbm4b:s3+s2], $0x80, v4, vm0, $0xb8;
	[tilespmem:$0x8100] =	vst v63  }
0x68: {  	_ = 	snop  }
0x69: {  	[tilespmem:s26], [sflag:$0x2] =	stream.indirect_vreg.gather [hbm4b:s3+s2], $0x80, v3, vm0, $0xb8;
	[tilespmem:$0x8100] =	vst v63  }
0x6a: {  	_ =	swait.ge [sflag:s28], $0x4000  }
0x6b: {  	[sflag:s28] =	ssyncset.done $0x0  }
0x6c: {  	[sflag:s28] =	ssyncadd.s32 $0xFFFFC000  }
0x6d: {  	_ =	swait.ge [sflag:s29], $0x4000  }
0x6e: {  	[sflag:s29] =	ssyncset.done $0x0  }
0x6f: {  	[sflag:s29] =	ssyncadd.s32 $0xFFFFC000  }
0x70: {  	[hbm4b:s6+s2] =	stream.linear.scatter [tilespmem:s11], [sflag:$0x3], $0x4000, $0x38;
	[tilespmem:$0x8100] =	vst v63  }
0x71: {  	_ =	swait.ge [sflag:s9], $0x4000  }
0x72: {  	p0 =	sne.s32 s8, $0x1;
	[sflag:s9] =	ssyncset.done $0x0  }
.Ltmp0:
0x73: {  	[sflag:s9] =	ssyncadd.s32 $0xFFFFC000;
	(pc) =	sbr.rel @p0 .LBB2_1-.Ltmp0, $4  }
0x74: {  	[hbm4b:s7+s2] =	stream.linear.scatter [tilespmem:s19], [sflag:$0x3], $0x4000, $0x38;
	[tilespmem:$0x8100] =	vst v63  }
0x75: {  	_ =	swait.ge [sflag:s9], $0x4000  }
0x76: {  	[sflag:s9] =	ssyncset.done $0x0  }
0x77: {  	s8 =	sadd.s32 $0xFFFFFFFF, s8;
	[sflag:s9] =	ssyncadd.s32 $0xFFFFC000  }
0x78: {  	_ =	sfence.sel $0x180000  }
0x79: {  	[bflag:$0x0] =	sbarrier.arrive $0xFFFF  }
0x7a: {  	p0 =	sne.s32 s1, $0x0;
	_ =	strace $0x9000004D  }
0x7b: {  	s0 =	sadd.s32 @!p0 $0x100000, s0;
	[bflag:$0x2] =	sbarrier.arrive $0xFFFF  }
0x7c: {  	[sflag:s0] =	ssyncadd.tile.s32 @!p0 $0x1;
	_ =	shalt  }
.Lfunc_end2:
_tile_overlayer_lowered:
.L_overlay_start_2:
0x7d: {  	(tag) =	ssettag $0x2  }
0x7e: {  	s0 =	rddreg [dreg:$0x0];
	s2 =	stileid.u32  }
0x7f: {  	s1 =	rddreg [dreg:$0x1];
	p0 =	sne.s32 s2, $0x0  }
0x80: {  	s3 =	rddreg [dreg:$0x2];
	[bflag:$0x3] =	sbarrier.arrive $0xFFFF;
	s2 =	simm.s32 @!p0 $0x1C03  }
0x81: {  	[timem:s3], [sflag:s2] =	dma.local @!p0 [hbm:s0], s1  }
0x82: {  	s0 =	simm.s32 @!p0 $0x3  }
0x83: {  	_ =	swait.ge @!p0 [sflag:s0], s1  }
0x84: {  	s1 =	ssub.s32 @!p0 $0x0, s1;
	[sflag:s0] =	ssyncset.done @!p0 $0x0  }
0x85: {  	[sflag:s0] =	ssyncadd.s32 @!p0 s1  }
0x86: {  	[bflag:$0x3] =	sbarrier.arrive $0xFFFF  }
0x87: {  	_ =	shalt  }

// kernel: kernel.29.cloned.1.call-start
scs
__scs_entry_jumppad:
0x0: {  	(pc) =	sbr.rel $0x88, $3  }
0x1: {  	(tag) =	ssettag $0x0;
	lr =	simm.s32 $0x1  }
0x2: {  	[smem:$0x3F86] =	sst lr;
	_ =	strace $0xD0000000  }
0x3: {  	_ = 	snop  }
0x4: {  	_ = 	snop  }
0x5: {  	_ = 	snop  }
0x6: {  	_ = 	snop  }
0x7: {  	_ = 	snop  }
__scs_overlays_trampoline_lowered:
0x8: {  	[smem:$0x3F95] =	sst s0  }
0x9: {  	[smem:$0x3F96] =	sst s1  }
0xa: {  	[smem:$0x3F97] =	sst s2  }
0xb: {  	[smem:$0x3F98] =	sst s3  }
0xc: {  	[smem:$0x3F99] =	sst s4  }
0xd: {  	[smem:$0x3F9A] =	sst s5  }
0xe: {  	[smem:$0x3F9B] =	sst s6  }
0xf: {  	[smem:$0x3F9C] =	sst s7  }
0x10: {  	[smem:$0x3F9D] =	sst s8  }
0x11: {  	[smem:$0x3F9E] =	sst s9;
	s0 =	simm.s32 @!p0 $0x0  }
0x12: {  	s1 =	sld [smem:$0x3F84];
	s0 =	simm.s32 @p0 $0x1  }
0x13: {  	[smem:$0x3F9F] =	sst s0;
	s0 =	simm.s32 @!p1 $0x0  }
0x14: {  	s2 =	sld [smem:$0x3F83];
	s0 =	simm.s32 @p1 $0x1  }
0x15: {  	[smem:$0x3FA0] =	sst s0;
	s0 =	simm.s32 @!p2 $0x0  }
0x16: {  	s3 =	sld [smem:$0x3FDB];
	s0 =	simm.s32 @p2 $0x1  }
0x17: {  	s4 =	simm.s32 $0x1BF5;
	[smem:$0x3FA2] =	sst s0  }
0x18: {  	s0 =	sld [smem:$0x3F85];
	_ =	swait.ge [sflag:s4], $0x0  }
0x19: {  	s7 =	sld [smem:$0x3F86]  }
0x1a: {  	s8 =	sadd.s32 $0xFFFFE003, lr  }
0x1b: {  	s9 =	sadd.s32 $0xFFFFFEF7, lr;
	s5 =	simm.s32 $0xFFFFFFFF;
	p2 =	slt.u32 s8, $0xFFFFF086  }
0x1c: {  	p1 =	slt.u32 s9, $0xF7A;
	s5 =	simm.s32 @!p2 $0x0  }
0x1d: {  	s5 =	simm.s32 @p1 $0x1;
	p0 =	seq.s32 s7, s2  }
0x1e: {  	s7 =	smul.u32 @!p0 $0xF7A, s2;
	p2 =	seq.s32 @!p0 s5, $0x0  }
0x1f: {  	s9 =	smul.u32 $0xF7A, s1;
	s8 =	simm.s32 @!p0 $0x1BF5;
	p2 =	por !p2, p0  }
0x20: {  	[sflag:s8] =	ssyncset.s32 @!p0 $0xFFFFF086;
	s6 =	sadd.s32 @!p0 s3, s7;
	s7 =	simm.s32 @!p0 $0x108  }
0x21: {  	s3 =	sadd.s32 s3, s9;
	s6 =	sadd.s32 @!p0 $0x88, s6;
	s7 =	simm.s32 @p2 $0x1082  }
0x22: {  	[simem:s7], [sflag:s8] =	dma.local @!p0 [hbm:s6], $0xF7A  }
0x23: {  	s9 =	sor.u32 $0xD0000000, s2;
	s6 =	simm.s32 $0x108;
	_ =	swait.ge @!p0 [sflag:s8], $0x0  }
0x24: {  	s3 =	sadd.s32 $0x88, s3;
	s6 =	simm.s32 @!p1 $0x1082;
	[sflag:s4] =	ssyncset.s32 $0xFFFFF086  }
0x25: {  	[simem:s6], [sflag:s4] =	dma.local [hbm:s3], $0xF7A  }
0x26: {  	[smem:$0x3F86] =	sst s1;
	(tag) =	ssettag s2;
	_ =	strace s9  }
0x27: {  	s1 =	sld [smem:$0x3F96]  }
0x28: {  	s2 =	sld [smem:$0x3F97]  }
0x29: {  	s4 =	sld [smem:$0x3F99]  }
0x2a: {  	p0 =	seq.s32 s5, $0x0;
	s5 =	sld [smem:$0x3F9A]  }
0x2b: {  	s6 =	sld [smem:$0x3F9B]  }
0x2c: {  	s7 =	sld [smem:$0x3F9C]  }
0x2d: {  	s3 =	simm.s32 $0x108;
	s8 =	sld [smem:$0x3F9D]  }
0x2e: {  	s3 =	simm.s32 @!p0 $0x1082;
	s9 =	sld [smem:$0x3F9E]  }
0x2f: {  	lr =	sadd.s32 s0, s3;
	s0 =	sld [smem:$0x3F95]  }
0x30: {  	s3 =	sld [smem:$0x3F98]  }
0x31: {  	[smem:$0x3FA1] =	sst s10  }
0x32: {  	s10 =	sld [smem:$0x3F9F];
	_ =	sdelay $0x3  }
0x33: {  	p0 =	seq.s32 s10, $0x1;
	s10 =	sld [smem:$0x3FA1];
	_ =	sdelay $0x3  }
0x34: {  	[smem:$0x3FA1] =	sst s10  }
0x35: {  	s10 =	sld [smem:$0x3FA0];
	_ =	sdelay $0x3  }
0x36: {  	p1 =	seq.s32 s10, $0x1;
	s10 =	sld [smem:$0x3FA1];
	_ =	sdelay $0x3  }
0x37: {  	[smem:$0x3FA1] =	sst s10  }
0x38: {  	s10 =	sld [smem:$0x3FA2]  }
0x39: {  	_ = 	snop;
	(pc) =	sbr.ind lr, $3  }
0x3a: {  	_ = 	snop  }
0x3b: {  	_ = 	snop  }
0x3c: {  	p2 =	seq.s32 s10, $0x1;
	s10 =	sld [smem:$0x3FA1]  }
0x3d: {  	_ =	shalt  }
0x3e: {  	_ =	shalt  }
0x3f: {  	_ =	shalt  }
0x40: {  	_ =	shalt  }
0x41: {  	_ =	shalt  }
0x42: {  	_ =	shalt  }
0x43: {  	_ =	shalt  }
0x44: {  	_ =	shalt  }
0x45: {  	_ =	shalt  }
0x46: {  	_ =	shalt  }
0x47: {  	_ =	shalt  }
0x48: {  	_ =	shalt  }
0x49: {  	_ =	shalt  }
0x4a: {  	_ =	shalt  }
0x4b: {  	_ =	shalt  }
0x4c: {  	_ =	shalt  }
0x4d: {  	_ =	shalt  }
0x4e: {  	_ =	shalt  }
0x4f: {  	_ =	shalt  }
0x50: {  	_ =	shalt  }
0x51: {  	_ =	shalt  }
0x52: {  	_ =	shalt  }
0x53: {  	_ =	shalt  }
0x54: {  	_ =	shalt  }
0x55: {  	_ =	shalt  }
0x56: {  	_ =	shalt  }
0x57: {  	_ =	shalt  }
0x58: {  	_ =	shalt  }
0x59: {  	_ =	shalt  }
0x5a: {  	_ =	shalt  }
0x5b: {  	_ =	shalt  }
0x5c: {  	_ =	shalt  }
0x5d: {  	_ =	shalt  }
0x5e: {  	_ =	shalt  }
0x5f: {  	_ =	shalt  }
0x60: {  	_ =	shalt  }
0x61: {  	_ =	shalt  }
0x62: {  	_ =	shalt  }
0x63: {  	_ =	shalt  }
0x64: {  	_ =	shalt  }
0x65: {  	_ =	shalt  }
0x66: {  	_ =	shalt  }
0x67: {  	_ =	shalt  }
0x68: {  	_ =	shalt  }
0x69: {  	_ =	shalt  }
0x6a: {  	_ =	shalt  }
0x6b: {  	_ =	shalt  }
0x6c: {  	_ =	shalt  }
0x6d: {  	_ =	shalt  }
0x6e: {  	_ =	shalt  }
0x6f: {  	_ =	shalt  }
0x70: {  	_ =	shalt  }
0x71: {  	_ =	shalt  }
0x72: {  	_ =	shalt  }
0x73: {  	_ =	shalt  }
0x74: {  	_ =	shalt  }
0x75: {  	_ =	shalt  }
0x76: {  	_ =	shalt  }
0x77: {  	_ =	shalt  }
0x78: {  	_ =	shalt  }
0x79: {  	_ =	shalt  }
0x7a: {  	_ =	shalt  }
0x7b: {  	_ =	shalt  }
0x7c: {  	_ =	shalt  }
0x7d: {  	_ =	shalt  }
0x7e: {  	_ =	shalt  }
0x7f: {  	_ =	shalt  }
0x80: {  	_ =	shalt  }
0x81: {  	_ =	shalt  }
0x82: {  	_ =	shalt  }
0x83: {  	_ =	shalt  }
0x84: {  	_ =	shalt  }
0x85: {  	_ =	shalt  }
0x86: {  	_ =	shalt  }
0x87: {  	_ =	shalt  }
.Lfunc_end0:
.L_simem_size_0:
called_computation.3_lowered:
.L_overlay_start_0:
0x88: {  	s2 =	sld [smem:$0x3FD9]  }
0x89: {  	s3 =	sld [smem:$0x3FFE];
	_ =	sdelay $0x1  }
0x8a: {  	s1 =	srdreg.scid  }
0x8b: {  	s0 =	sand.u32 $0x1, s1  }
0x8c: {  	s17 =	sshll.u32 s0, $0xA;
	s2 =	sadd.s32 s3, s2  }
0x8d: {  	s2 =	sadd.s32 s2, s17  }
0x8e: {  	[smem:$0x3FAD] =	sst s2  }
0x8f: {  	_ = 	snop  }
0x90: {  	s2 =	sld [smem:$0x3FD0];
	(tm) =	ssettm $0x1  }
0x91: {  	s18 =	sld [smem:$0x3FFB];
	_ =	sdelay $0x3  }
0x92: {  	_ =	strace s18  }
0x93: {  	s3 =	sld [smem:$0x3FFC];
	_ =	sdelay $0x3  }
0x94: {  	_ =	strace s3  }
0x95: {  	s3 =	sld [smem:$0x3FFD];
	_ =	sdelay $0x3  }
0x96: {  	_ =	strace s3  }
0x97: {  	_ =	strace $0x8FFFFFFF  }
0x98: {  	s19 =	sld [smem:$0x3FDB];
	_ =	sdelay $0x1  }
0x99: {  	s4 =	simm.s32 $_scs_section_size  }
0x9a: {  	s5 =	simm.s32 $_size__tile_overlayer_lowered;
	s6 =	simm.s32 $_tile_overlayer_lowered  }
0x9b: {  	s22 =	simm.s32 $0x1BFF;
	s21 =	sshll.u32 s6, $0x1;
	s3 =	sadd.s32 s4, s19  }
0x9c: {  	s7 =	simm.s32 $0x0;
	s20 =	sshll.u32 s5, $0x1;
	s5 =	sadd.s32 s21, s3  }
0x9d: {  	[timem:s7], [sflag:s22] =	dma.local [hbm:s5], s20  }
0x9e: {  	_ =	swait.ge [sflag:s22], s20  }
0x9f: {  	s4 =	ssub.s32 $0x0, s20;
	[sflag:s22] =	ssyncset.done $0x0  }
0xa0: {  	[sflag:s22] =	ssyncadd.s32 s4;
	_ =	sdelay $0x1  }
0xa1: {  	s23 =	simm.s32 $0x1B8B  }
0xa2: {  	_ =	swait.ge [sflag:s23], $0x1  }
0xa3: {  	[sflag:s23] =	ssyncset.done $0x0  }
0xa4: {  	s25 =	simm.s32 $0x1B8E;
	s24 =	sld [smem:$0x3FFE];
	[sflag:s23] =	ssyncadd.s32 $0xFFFFFFFF  }
0xa5: {  	s26 =	simm.s32 $execute0_lowered;
	[smem:$0x3FD2] =	sst s25  }
0xa6: {  	s5 =	sshll.u32 s26, $0x1;
	_ =	strace $0x8000004F;
	[dreg:$0x1] =	wrdreg $0xFFFFFFFF  }
0xa7: {  	s28 =	simm.s32 $_size_execute0_lowered;
	s3 =	sadd.s32 s3, s5;
	[dreg:$0x0] =	wrdreg $0x0  }
0xa8: {  	s5 =	sshll.u32 s28, $0x1;
	[dreg:$0x2] =	wrdreg s3  }
0xa9: {  	[dreg:$0x3] =	wrdreg s5  }
0xaa: {  	[dreg:$0x4] =	wrdreg $0xC0  }
0xab: {  	_ =	task [dreg:s7], $0x5FFFF  }
0xac: {  	[dreg:$0x1] =	wrdreg $0xFFFFFFFF  }
0xad: {  	[dreg:$0x0] =	wrdreg $0x60  }
0xae: {  	[dreg:$0x2] =	wrdreg s24  }
0xaf: {  	[dreg:$0x3] =	wrdreg s2  }
0xb0: {  	[dreg:$0x4] =	wrdreg $0x9  }
0xb1: {  	_ =	task.clear_ibuf [dreg:s7], $0x5FFFF;
	_ =	strace $0x9000004F  }
0xb2: {  	s29 =	simm.s32 $0x9;
	_ =	strace $0x80000051  }
0xb3: {  	_ =	swait.ge [sflag:s29], $0x1  }
0xb4: {  	[sflag:s29] =	ssyncadd.s32 $0xFFFFFFFF  }
0xb5: {  	_ =	strace $0x90000051  }
0xb6: {  	_ =	sfence  }
0xb7: {  	s30 =	sld [smem:$0x0];
	_ =	sdelay $0x2  }
0xb8: {  	s31 =	sshll.u32 s1, $0xD;
	s1 =	sshrl.u32 s1, $0x2  }
0xb9: {  	s3 =	sand.u32 $0x4000, s31;
	s1 =	sadd.s32 s1, s30  }
0xba: {  	s0 =	sor.u32 s3, s0;
	s1 =	sshll.u32 s1, $0x11  }
0xbb: {  	s0 =	sor.u32 s1, s0  }
0xbc: {  	s0 =	sadd.s32 $0x8F2B, s0  }
0xbd: {  	[sflag:s0] =	ssyncadd.remote.s32 $0x1  }
0xbe: {  	_ =	sfence.sel $0xFFFF  }
0xbf: {  	[dreg:$0x0] =	wrdreg $0xFFFFFFFF;
	(pc) =	sbr.abs _section_cstart, $3  }
0xc0: {  	[dreg:$0x1] =	wrdreg $0xFFFFFFFF  }
0xc1: {  	_ =	task.clear_ibuf [dreg:s7], $0x2FFFF;
	_ =	strace $0x9FFFFFFF  }
0xc2: {  	(tm) =	ssettm $0x7FFFFFFF  }
0xc3: {  	_ =	shalt  }
tec
execute0_lowered:
.L_overlay_start_1:
0x0: {  	(tag) =	ssettag $0x1  }
0x1: {  	s4 =	rddreg [dreg:$0x0]  }
0x2: {  	s5 =	rddreg [dreg:$0x1]  }
0x3: {  	s0 =	rddreg [dreg:$0x2]  }
0x4: {  	s3 =	srdreg.scid;
	s2 =	simm.s32 $0x0;
	s1 =	stileid.u32  }
0x5: {  	s11 =	simm.s32 $0x100;
	s12 =	simm.s32 $0x900;
	s13 =	simm.s32 $0x1100  }
0x6: {  	s14 =	simm.s32 $0x1900;
	s15 =	simm.s32 $0x2100;
	s16 =	simm.s32 $0x2900  }
0x7: {  	s17 =	simm.s32 $0x3100;
	s18 =	simm.s32 $0x3900;
	s19 =	simm.s32 $0x4100  }
0x8: {  	s20 =	simm.s32 $0x4900;
	s21 =	simm.s32 $0x5100;
	s22 =	simm.s32 $0x5900  }
0x9: {  	s23 =	simm.s32 $0x6100;
	s24 =	simm.s32 $0x6900;
	s25 =	simm.s32 $0x7100  }
0xa: {  	s26 =	simm.s32 $0x7900;
	s28 =	simm.s32 $0x1;
	s29 =	simm.s32 $0x2  }
0xb: {  	s6 =	sand.u32 $0x1, s3;
	[smem:$0x7FF] =	sst s2;
	s31 =	sshll.u32 s1, $0x7  }
0xc: {  	s3 =	sadd.s32 $0xB600, s4;
	s7 =	sshll.u32 s6, $0x6;
	s6 =	ssub.s32 $0x2, s6  }
0xd: {  	_ =	strace $0x80000050;
	s7 =	sor.u32 s7, s31;
	s10 =	sshrl.u32 s6, $0x1  }
0xe: {  	s8 =	sshrl.u32 s7, $0x3;
	s7 =	sshll.u32 s7, $0x5;
	s10 =	ssub.s32 s6, s10  }
0xf: {  	v2 =	vlaneseq.u32;
	s9 =	sadd.s32 s8, s4;
	s7 =	sadd.s32 s7, s4;
	s4 =	sadd.s32 s5, s8  }
0x10: {  	vm0 =	vmmov $0xffff;
	v1 =	vshrl.u32 v2, $0x3;
	s8 =	smax.u32 s10, $0x1;
	s10 =	simm.s32 $0x80;
	s5 =	sadd.s32 $0xB400, s9  }
0x11: {  	v0 =	vand.u32 $0x7, v2;
	v2 =	vor.u32 $0x8, v2;
	v1 =	vmul.u32 $0x8, v1;
	s6 =	sadd.s32 $0x1B600, s7;
	s7 =	sadd.s32 $0x2B600, s7;
	s9 =	simm.s32 $0x3  }
.LBB2_1:
0x12: {  	[tilespmem:s2], [sflag:$0x3] =	stream.linear.gather [hbm4b:s4+s2], $0x40, $0x38;
	[tilespmem:$0x8100] =	vst v63  }
0x13: {  	_ =	swait.ge [sflag:s9], $0x40  }
0x14: {  	[sflag:s9] =	ssyncset.done $0x0  }
0x15: {  	[sflag:s9] =	ssyncadd.s32 $0xFFFFFFC0  }
0x16: {  	[tilespmem:s10], [sflag:$0x3] =	stream.linear.gather [hbm4b:s5+s2], $0x40, $0x38;
	[tilespmem:$0x8100] =	vst v63  }
0x17: {  	_ =	swait.ge [sflag:s9], $0x40  }
0x18: {  	[sflag:s9] =	ssyncset.done $0x0  }
0x19: {  	[sflag:s9] =	ssyncadd.s32 $0xFFFFFFC0  }
0x1a: {  	v3 =	vld [tilespmem:$0x0];
	_ =	sdelay $0x4  }
0x1b: {  	v4 =	vshll.u32 v3, $0x1  }
0x1c: {  	v3 =	vand.u32 $0x7, v3;
	v4 =	vand.u32 $0xFFFFFFF0, v4  }
0x1d: {  	v3 =	vor.u32 v3, v4  }
0x1e: {  	v4 =	vperm.xlane v3, v0;
	_ =	sdelay $0x1  }
0x1f: {  	v3 =	vperm.xlane v3, v2;
	v4 =	vadd.s32 v1, v4;
	_ =	sdelay $0x1  }
0x20: {  	v3 =	vadd.s32 v1, v3;
	_ =	sdelay $0x2  }
0x21: {  	[tilespmem:s11], [sflag:$0x1] =	stream.indirect_vreg.gather [hbm4b:s3+s2], $0x80, v4, vm0, $0xb8;
	[tilespmem:$0x8100] =	vst v63  }
0x22: {  	_ = 	snop  }
0x23: {  	[tilespmem:s12], [sflag:$0x1] =	stream.indirect_vreg.gather [hbm4b:s3+s2], $0x80, v3, vm0, $0xb8;
	[tilespmem:$0x8100] =	vst v63  }
0x24: {  	v3 =	vld [tilespmem:$0x10];
	_ =	sdelay $0x4  }
0x25: {  	v57 =	vshll.u32 v3, $0x1  }
0x26: {  	v3 =	vand.u32 $0x7, v3;
	v4 =	vand.u32 $0xFFFFFFF0, v57  }
0x27: {  	v3 =	vor.u32 v3, v4  }
0x28: {  	v4 =	vperm.xlane v3, v0;
	_ =	sdelay $0x1  }
0x29: {  	v3 =	vperm.xlane v3, v2;
	v4 =	vadd.s32 v1, v4;
	_ =	sdelay $0x1  }
0x2a: {  	v3 =	vadd.s32 v1, v3;
	_ =	sdelay $0x2  }
0x2b: {  	[tilespmem:s13], [sflag:$0x1] =	stream.indirect_vreg.gather [hbm4b:s3+s2], $0x80, v4, vm0, $0xb8;
	[tilespmem:$0x8100] =	vst v63  }
0x2c: {  	_ = 	snop  }
0x2d: {  	[tilespmem:s14], [sflag:$0x1] =	stream.indirect_vreg.gather [hbm4b:s3+s2], $0x80, v3, vm0, $0xb8;
	[tilespmem:$0x8100] =	vst v63  }
0x2e: {  	v3 =	vld [tilespmem:$0x20];
	_ =	sdelay $0x4  }
0x2f: {  	v58 =	vshll.u32 v3, $0x1  }
0x30: {  	v3 =	vand.u32 $0x7, v3;
	v4 =	vand.u32 $0xFFFFFFF0, v58  }
0x31: {  	v3 =	vor.u32 v3, v4  }
0x32: {  	v4 =	vperm.xlane v3, v0;
	_ =	sdelay $0x1  }
0x33: {  	v3 =	vperm.xlane v3, v2;
	v4 =	vadd.s32 v1, v4;
	_ =	sdelay $0x1  }
0x34: {  	v3 =	vadd.s32 v1, v3;
	_ =	sdelay $0x2  }
0x35: {  	[tilespmem:s15], [sflag:$0x1] =	stream.indirect_vreg.gather [hbm4b:s3+s2], $0x80, v4, vm0, $0xb8;
	[tilespmem:$0x8100] =	vst v63  }
0x36: {  	_ = 	snop  }
0x37: {  	[tilespmem:s16], [sflag:$0x1] =	stream.indirect_vreg.gather [hbm4b:s3+s2], $0x80, v3, vm0, $0xb8;
	[tilespmem:$0x8100] =	vst v63  }
0x38: {  	v3 =	vld [tilespmem:$0x30];
	_ =	sdelay $0x4  }
0x39: {  	v59 =	vshll.u32 v3, $0x1  }
0x3a: {  	v3 =	vand.u32 $0x7, v3;
	v4 =	vand.u32 $0xFFFFFFF0, v59  }
0x3b: {  	v3 =	vor.u32 v3, v4  }
0x3c: {  	v4 =	vperm.xlane v3, v0;
	_ =	sdelay $0x1  }
0x3d: {  	v3 =	vperm.xlane v3, v2;
	v4 =	vadd.s32 v1, v4;
	_ =	sdelay $0x1  }
0x3e: {  	v3 =	vadd.s32 v1, v3;
	_ =	sdelay $0x2  }
0x3f: {  	[tilespmem:s17], [sflag:$0x1] =	stream.indirect_vreg.gather [hbm4b:s3+s2], $0x80, v4, vm0, $0xb8;
	[tilespmem:$0x8100] =	vst v63  }
0x40: {  	_ = 	snop  }
0x41: {  	[tilespmem:s18], [sflag:$0x1] =	stream.indirect_vreg.gather [hbm4b:s3+s2], $0x80, v3, vm0, $0xb8;
	[tilespmem:$0x8100] =	vst v63  }
0x42: {  	v3 =	vld [tilespmem:$0x80];
	_ =	sdelay $0x4  }
0x43: {  	v60 =	vshll.u32 v3, $0x1  }
0x44: {  	v3 =	vand.u32 $0x7, v3;
	v4 =	vand.u32 $0xFFFFFFF0, v60  }
0x45: {  	v3 =	vor.u32 v3, v4  }
0x46: {  	v4 =	vperm.xlane v3, v0;
	_ =	sdelay $0x1  }
0x47: {  	v3 =	vperm.xlane v3, v2;
	v4 =	vadd.s32 v1, v4;
	_ =	sdelay $0x1  }
0x48: {  	v3 =	vadd.s32 v1, v3;
	_ =	sdelay $0x2  }
0x49: {  	[tilespmem:s19], [sflag:$0x2] =	stream.indirect_vreg.gather [hbm4b:s3+s2], $0x80, v4, vm0, $0xb8;
	[tilespmem:$0x8100] =	vst v63  }
0x4a: {  	_ = 	snop  }
0x4b: {  	[tilespmem:s20], [sflag:$0x2] =	stream.indirect_vreg.gather [hbm4b:s3+s2], $0x80, v3, vm0, $0xb8;
	[tilespmem:$0x8100] =	vst v63  }
0x4c: {  	v3 =	vld [tilespmem:$0x90];
	_ =	sdelay $0x4  }
0x4d: {  	v61 =	vshll.u32 v3, $0x1  }
0x4e: {  	v3 =	vand.u32 $0x7, v3;
	v4 =	vand.u32 $0xFFFFFFF0, v61  }
0x4f: {  	v3 =	vor.u32 v3, v4  }
0x50: {  	v4 =	vperm.xlane v3, v0;
	_ =	sdelay $0x1  }
0x51: {  	v3 =	vperm.xlane v3, v2;
	v4 =	vadd.s32 v1, v4;
	_ =	sdelay $0x1  }
0x52: {  	v3 =	vadd.s32 v1, v3;
	_ =	sdelay $0x2  }
0x53: {  	[tilespmem:s21], [sflag:$0x2] =	stream.indirect_vreg.gather [hbm4b:s3+s2], $0x80, v4, vm0, $0xb8;
	[tilespmem:$0x8100] =	vst v63  }
0x54: {  	_ = 	snop  }
0x55: {  	[tilespmem:s22], [sflag:$0x2] =	stream.indirect_vreg.gather [hbm4b:s3+s2], $0x80, v3, vm0, $0xb8;
	[tilespmem:$0x8100] =	vst v63  }
0x56: {  	v3 =	vld [tilespmem:$0xA0];
	_ =	sdelay $0x4  }
0x57: {  	v62 =	vshll.u32 v3, $0x1  }
0x58: {  	v3 =	vand.u32 $0x7, v3;
	v4 =	vand.u32 $0xFFFFFFF0, v62  }
0x59: {  	v3 =	vor.u32 v3, v4  }
0x5a: {  	v4 =	vperm.xlane v3, v0;
	_ =	sdelay $0x1  }
0x5b: {  	v3 =	vperm.xlane v3, v2;
	v4 =	vadd.s32 v1, v4;
	_ =	sdelay $0x1  }
0x5c: {  	v3 =	vadd.s32 v1, v3;
	_ =	sdelay $0x2  }
0x5d: {  	[tilespmem:s23], [sflag:$0x2] =	stream.indirect_vreg.gather [hbm4b:s3+s2], $0x80, v4, vm0, $0xb8;
	[tilespmem:$0x8100] =	vst v63  }
0x5e: {  	_ = 	snop  }
0x5f: {  	[tilespmem:s24], [sflag:$0x2] =	stream.indirect_vreg.gather [hbm4b:s3+s2], $0x80, v3, vm0, $0xb8;
	[tilespmem:$0x8100] =	vst v63  }
0x60: {  	v3 =	vld [tilespmem:$0xB0];
	_ =	sdelay $0x4  }
0x61: {  	v63 =	vshll.u32 v3, $0x1  }
0x62: {  	v3 =	vand.u32 $0x7, v3;
	v4 =	vand.u32 $0xFFFFFFF0, v63  }
0x63: {  	v3 =	vor.u32 v3, v4  }
0x64: {  	v4 =	vperm.xlane v3, v0;
	_ =	sdelay $0x1  }
0x65: {  	v3 =	vperm.xlane v3, v2;
	v4 =	vadd.s32 v1, v4;
	_ =	sdelay $0x1  }
0x66: {  	v3 =	vadd.s32 v1, v3;
	_ =	sdelay $0x2  }
0x67: {  	[tilespmem:s25], [sflag:$0x2] =	stream.indirect_vreg.gather [hbm4b:s3+s2], $0x80, v4, vm0, $0xb8;
	[tilespmem:$0x8100] =	vst v63  }
0x68: {  	_ = 	snop  }
0x69: {  	[tilespmem:s26], [sflag:$0x2] =	stream.indirect_vreg.gather [hbm4b:s3+s2], $0x80, v3, vm0, $0xb8;
	[tilespmem:$0x8100] =	vst v63  }
0x6a: {  	_ =	swait.ge [sflag:s28], $0x4000  }
0x6b: {  	[sflag:s28] =	ssyncset.done $0x0  }
0x6c: {  	[sflag:s28] =	ssyncadd.s32 $0xFFFFC000  }
0x6d: {  	_ =	swait.ge [sflag:s29], $0x4000  }
0x6e: {  	[sflag:s29] =	ssyncset.done $0x0  }
0x6f: {  	[sflag:s29] =	ssyncadd.s32 $0xFFFFC000  }
0x70: {  	[hbm4b:s6+s2] =	stream.linear.scatter [tilespmem:s11], [sflag:$0x3], $0x4000, $0x38;
	[tilespmem:$0x8100] =	vst v63  }
0x71: {  	_ =	swait.ge [sflag:s9], $0x4000  }
0x72: {  	p0 =	sne.s32 s8, $0x1;
	[sflag:s9] =	ssyncset.done $0x0  }
.Ltmp0:
0x73: {  	[sflag:s9] =	ssyncadd.s32 $0xFFFFC000;
	(pc) =	sbr.rel @p0 .LBB2_1-.Ltmp0, $4  }
0x74: {  	[hbm4b:s7+s2] =	stream.linear.scatter [tilespmem:s19], [sflag:$0x3], $0x4000, $0x38;
	[tilespmem:$0x8100] =	vst v63  }
0x75: {  	_ =	swait.ge [sflag:s9], $0x4000  }
0x76: {  	[sflag:s9] =	ssyncset.done $0x0  }
0x77: {  	s8 =	sadd.s32 $0xFFFFFFFF, s8;
	[sflag:s9] =	ssyncadd.s32 $0xFFFFC000  }
0x78: {  	_ =	sfence.sel $0x180000  }
0x79: {  	[bflag:$0x0] =	sbarrier.arrive $0xFFFF  }
0x7a: {  	p0 =	sne.s32 s1, $0x0;
	_ =	strace $0x90000050  }
0x7b: {  	s0 =	sadd.s32 @!p0 $0x100000, s0;
	[bflag:$0x2] =	sbarrier.arrive $0xFFFF  }
0x7c: {  	[sflag:s0] =	ssyncadd.tile.s32 @!p0 $0x1;
	_ =	shalt  }
.Lfunc_end2:
_tile_overlayer_lowered:
.L_overlay_start_2:
0x7d: {  	(tag) =	ssettag $0x2  }
0x7e: {  	s0 =	rddreg [dreg:$0x0];
	s2 =	stileid.u32  }
0x7f: {  	s1 =	rddreg [dreg:$0x1];
	p0 =	sne.s32 s2, $0x0  }
0x80: {  	s3 =	rddreg [dreg:$0x2];
	[bflag:$0x3] =	sbarrier.arrive $0xFFFF;
	s2 =	simm.s32 @!p0 $0x1C03  }
0x81: {  	[timem:s3], [sflag:s2] =	dma.local @!p0 [hbm:s0], s1  }
0x82: {  	s0 =	simm.s32 @!p0 $0x3  }
0x83: {  	_ =	swait.ge @!p0 [sflag:s0], s1  }
0x84: {  	s1 =	ssub.s32 @!p0 $0x0, s1;
	[sflag:s0] =	ssyncset.done @!p0 $0x0  }
0x85: {  	[sflag:s0] =	ssyncadd.s32 @!p0 s1  }
0x86: {  	[bflag:$0x3] =	sbarrier.arrive $0xFFFF  }
0x87: {  	_ =	shalt  }

// kernel: kernel.32.cloned.1.call-start
scs
__scs_entry_jumppad:
0x0: {  	(pc) =	sbr.rel $0x88, $3  }
0x1: {  	(tag) =	ssettag $0x0;
	lr =	simm.s32 $0x1  }
0x2: {  	[smem:$0x3F86] =	sst lr;
	_ =	strace $0xD0000000  }
0x3: {  	_ = 	snop  }
0x4: {  	_ = 	snop  }
0x5: {  	_ = 	snop  }
0x6: {  	_ = 	snop  }
0x7: {  	_ = 	snop  }
__scs_overlays_trampoline_lowered:
0x8: {  	[smem:$0x3F95] =	sst s0  }
0x9: {  	[smem:$0x3F96] =	sst s1  }
0xa: {  	[smem:$0x3F97] =	sst s2  }
0xb: {  	[smem:$0x3F98] =	sst s3  }
0xc: {  	[smem:$0x3F99] =	sst s4  }
0xd: {  	[smem:$0x3F9A] =	sst s5  }
0xe: {  	[smem:$0x3F9B] =	sst s6  }
0xf: {  	[smem:$0x3F9C] =	sst s7  }
0x10: {  	[smem:$0x3F9D] =	sst s8  }
0x11: {  	[smem:$0x3F9E] =	sst s9;
	s0 =	simm.s32 @!p0 $0x0  }
0x12: {  	s1 =	sld [smem:$0x3F84];
	s0 =	simm.s32 @p0 $0x1  }
0x13: {  	[smem:$0x3F9F] =	sst s0;
	s0 =	simm.s32 @!p1 $0x0  }
0x14: {  	s2 =	sld [smem:$0x3F83];
	s0 =	simm.s32 @p1 $0x1  }
0x15: {  	[smem:$0x3FA0] =	sst s0;
	s0 =	simm.s32 @!p2 $0x0  }
0x16: {  	s3 =	sld [smem:$0x3FDB];
	s0 =	simm.s32 @p2 $0x1  }
0x17: {  	s4 =	simm.s32 $0x1BF5;
	[smem:$0x3FA2] =	sst s0  }
0x18: {  	s0 =	sld [smem:$0x3F85];
	_ =	swait.ge [sflag:s4], $0x0  }
0x19: {  	s7 =	sld [smem:$0x3F86]  }
0x1a: {  	s8 =	sadd.s32 $0xFFFFE003, lr  }
0x1b: {  	s9 =	sadd.s32 $0xFFFFFEF7, lr;
	s5 =	simm.s32 $0xFFFFFFFF;
	p2 =	slt.u32 s8, $0xFFFFF086  }
0x1c: {  	p1 =	slt.u32 s9, $0xF7A;
	s5 =	simm.s32 @!p2 $0x0  }
0x1d: {  	s5 =	simm.s32 @p1 $0x1;
	p0 =	seq.s32 s7, s2  }
0x1e: {  	s7 =	smul.u32 @!p0 $0xF7A, s2;
	p2 =	seq.s32 @!p0 s5, $0x0  }
0x1f: {  	s9 =	smul.u32 $0xF7A, s1;
	s8 =	simm.s32 @!p0 $0x1BF5;
	p2 =	por !p2, p0  }
0x20: {  	[sflag:s8] =	ssyncset.s32 @!p0 $0xFFFFF086;
	s6 =	sadd.s32 @!p0 s3, s7;
	s7 =	simm.s32 @!p0 $0x108  }
0x21: {  	s3 =	sadd.s32 s3, s9;
	s6 =	sadd.s32 @!p0 $0x88, s6;
	s7 =	simm.s32 @p2 $0x1082  }
0x22: {  	[simem:s7], [sflag:s8] =	dma.local @!p0 [hbm:s6], $0xF7A  }
0x23: {  	s9 =	sor.u32 $0xD0000000, s2;
	s6 =	simm.s32 $0x108;
	_ =	swait.ge @!p0 [sflag:s8], $0x0  }
0x24: {  	s3 =	sadd.s32 $0x88, s3;
	s6 =	simm.s32 @!p1 $0x1082;
	[sflag:s4] =	ssyncset.s32 $0xFFFFF086  }
0x25: {  	[simem:s6], [sflag:s4] =	dma.local [hbm:s3], $0xF7A  }
0x26: {  	[smem:$0x3F86] =	sst s1;
	(tag) =	ssettag s2;
	_ =	strace s9  }
0x27: {  	s1 =	sld [smem:$0x3F96]  }
0x28: {  	s2 =	sld [smem:$0x3F97]  }
0x29: {  	s4 =	sld [smem:$0x3F99]  }
0x2a: {  	p0 =	seq.s32 s5, $0x0;
	s5 =	sld [smem:$0x3F9A]  }
0x2b: {  	s6 =	sld [smem:$0x3F9B]  }
0x2c: {  	s7 =	sld [smem:$0x3F9C]  }
0x2d: {  	s3 =	simm.s32 $0x108;
	s8 =	sld [smem:$0x3F9D]  }
0x2e: {  	s3 =	simm.s32 @!p0 $0x1082;
	s9 =	sld [smem:$0x3F9E]  }
0x2f: {  	lr =	sadd.s32 s0, s3;
	s0 =	sld [smem:$0x3F95]  }
0x30: {  	s3 =	sld [smem:$0x3F98]  }
0x31: {  	[smem:$0x3FA1] =	sst s10  }
0x32: {  	s10 =	sld [smem:$0x3F9F];
	_ =	sdelay $0x3  }
0x33: {  	p0 =	seq.s32 s10, $0x1;
	s10 =	sld [smem:$0x3FA1];
	_ =	sdelay $0x3  }
0x34: {  	[smem:$0x3FA1] =	sst s10  }
0x35: {  	s10 =	sld [smem:$0x3FA0];
	_ =	sdelay $0x3  }
0x36: {  	p1 =	seq.s32 s10, $0x1;
	s10 =	sld [smem:$0x3FA1];
	_ =	sdelay $0x3  }
0x37: {  	[smem:$0x3FA1] =	sst s10  }
0x38: {  	s10 =	sld [smem:$0x3FA2]  }
0x39: {  	_ = 	snop;
	(pc) =	sbr.ind lr, $3  }
0x3a: {  	_ = 	snop  }
0x3b: {  	_ = 	snop  }
0x3c: {  	p2 =	seq.s32 s10, $0x1;
	s10 =	sld [smem:$0x3FA1]  }
0x3d: {  	_ =	shalt  }
0x3e: {  	_ =	shalt  }
0x3f: {  	_ =	shalt  }
0x40: {  	_ =	shalt  }
0x41: {  	_ =	shalt  }
0x42: {  	_ =	shalt  }
0x43: {  	_ =	shalt  }
0x44: {  	_ =	shalt  }
0x45: {  	_ =	shalt  }
0x46: {  	_ =	shalt  }
0x47: {  	_ =	shalt  }
0x48: {  	_ =	shalt  }
0x49: {  	_ =	shalt  }
0x4a: {  	_ =	shalt  }
0x4b: {  	_ =	shalt  }
0x4c: {  	_ =	shalt  }
0x4d: {  	_ =	shalt  }
0x4e: {  	_ =	shalt  }
0x4f: {  	_ =	shalt  }
0x50: {  	_ =	shalt  }
0x51: {  	_ =	shalt  }
0x52: {  	_ =	shalt  }
0x53: {  	_ =	shalt  }
0x54: {  	_ =	shalt  }
0x55: {  	_ =	shalt  }
0x56: {  	_ =	shalt  }
0x57: {  	_ =	shalt  }
0x58: {  	_ =	shalt  }
0x59: {  	_ =	shalt  }
0x5a: {  	_ =	shalt  }
0x5b: {  	_ =	shalt  }
0x5c: {  	_ =	shalt  }
0x5d: {  	_ =	shalt  }
0x5e: {  	_ =	shalt  }
0x5f: {  	_ =	shalt  }
0x60: {  	_ =	shalt  }
0x61: {  	_ =	shalt  }
0x62: {  	_ =	shalt  }
0x63: {  	_ =	shalt  }
0x64: {  	_ =	shalt  }
0x65: {  	_ =	shalt  }
0x66: {  	_ =	shalt  }
0x67: {  	_ =	shalt  }
0x68: {  	_ =	shalt  }
0x69: {  	_ =	shalt  }
0x6a: {  	_ =	shalt  }
0x6b: {  	_ =	shalt  }
0x6c: {  	_ =	shalt  }
0x6d: {  	_ =	shalt  }
0x6e: {  	_ =	shalt  }
0x6f: {  	_ =	shalt  }
0x70: {  	_ =	shalt  }
0x71: {  	_ =	shalt  }
0x72: {  	_ =	shalt  }
0x73: {  	_ =	shalt  }
0x74: {  	_ =	shalt  }
0x75: {  	_ =	shalt  }
0x76: {  	_ =	shalt  }
0x77: {  	_ =	shalt  }
0x78: {  	_ =	shalt  }
0x79: {  	_ =	shalt  }
0x7a: {  	_ =	shalt  }
0x7b: {  	_ =	shalt  }
0x7c: {  	_ =	shalt  }
0x7d: {  	_ =	shalt  }
0x7e: {  	_ =	shalt  }
0x7f: {  	_ =	shalt  }
0x80: {  	_ =	shalt  }
0x81: {  	_ =	shalt  }
0x82: {  	_ =	shalt  }
0x83: {  	_ =	shalt  }
0x84: {  	_ =	shalt  }
0x85: {  	_ =	shalt  }
0x86: {  	_ =	shalt  }
0x87: {  	_ =	shalt  }
.Lfunc_end0:
.L_simem_size_0:
called_computation.4_lowered:
.L_overlay_start_0:
0x88: {  	s2 =	sld [smem:$0x3FD9]  }
0x89: {  	s3 =	sld [smem:$0x3FFE];
	_ =	sdelay $0x1  }
0x8a: {  	s1 =	srdreg.scid  }
0x8b: {  	s0 =	sand.u32 $0x1, s1  }
0x8c: {  	s17 =	sshll.u32 s0, $0xA;
	s2 =	sadd.s32 s3, s2  }
0x8d: {  	s2 =	sadd.s32 s2, s17  }
0x8e: {  	[smem:$0x3FAD] =	sst s2  }
0x8f: {  	_ = 	snop  }
0x90: {  	s2 =	sld [smem:$0x3FD0];
	(tm) =	ssettm $0x1  }
0x91: {  	s18 =	sld [smem:$0x3FFB];
	_ =	sdelay $0x3  }
0x92: {  	_ =	strace s18  }
0x93: {  	s3 =	sld [smem:$0x3FFC];
	_ =	sdelay $0x3  }
0x94: {  	_ =	strace s3  }
0x95: {  	s3 =	sld [smem:$0x3FFD];
	_ =	sdelay $0x3  }
0x96: {  	_ =	strace s3  }
0x97: {  	_ =	strace $0x8FFFFFFF  }
0x98: {  	s19 =	sld [smem:$0x3FDB];
	_ =	sdelay $0x1  }
0x99: {  	s4 =	simm.s32 $_scs_section_size  }
0x9a: {  	s5 =	simm.s32 $_size__tile_overlayer_lowered;
	s6 =	simm.s32 $_tile_overlayer_lowered  }
0x9b: {  	s22 =	simm.s32 $0x1BFF;
	s21 =	sshll.u32 s6, $0x1;
	s3 =	sadd.s32 s4, s19  }
0x9c: {  	s7 =	simm.s32 $0x0;
	s20 =	sshll.u32 s5, $0x1;
	s5 =	sadd.s32 s21, s3  }
0x9d: {  	[timem:s7], [sflag:s22] =	dma.local [hbm:s5], s20  }
0x9e: {  	_ =	swait.ge [sflag:s22], s20  }
0x9f: {  	s4 =	ssub.s32 $0x0, s20;
	[sflag:s22] =	ssyncset.done $0x0  }
0xa0: {  	[sflag:s22] =	ssyncadd.s32 s4;
	_ =	sdelay $0x1  }
0xa1: {  	s23 =	simm.s32 $0x1B8B  }
0xa2: {  	_ =	swait.ge [sflag:s23], $0x1  }
0xa3: {  	[sflag:s23] =	ssyncset.done $0x0  }
0xa4: {  	s25 =	simm.s32 $0x1B8E;
	s24 =	sld [smem:$0x3FFE];
	[sflag:s23] =	ssyncadd.s32 $0xFFFFFFFF  }
0xa5: {  	s26 =	simm.s32 $execute0_lowered;
	[smem:$0x3FD2] =	sst s25  }
0xa6: {  	s5 =	sshll.u32 s26, $0x1;
	_ =	strace $0x80000052;
	[dreg:$0x1] =	wrdreg $0xFFFFFFFF  }
0xa7: {  	s28 =	simm.s32 $_size_execute0_lowered;
	s3 =	sadd.s32 s3, s5;
	[dreg:$0x0] =	wrdreg $0x0  }
0xa8: {  	s5 =	sshll.u32 s28, $0x1;
	[dreg:$0x2] =	wrdreg s3  }
0xa9: {  	[dreg:$0x3] =	wrdreg s5  }
0xaa: {  	[dreg:$0x4] =	wrdreg $0xC0  }
0xab: {  	_ =	task [dreg:s7], $0x5FFFF  }
0xac: {  	[dreg:$0x1] =	wrdreg $0xFFFFFFFF  }
0xad: {  	[dreg:$0x0] =	wrdreg $0x60  }
0xae: {  	[dreg:$0x2] =	wrdreg s24  }
0xaf: {  	[dreg:$0x3] =	wrdreg s2  }
0xb0: {  	[dreg:$0x4] =	wrdreg $0x9  }
0xb1: {  	_ =	task.clear_ibuf [dreg:s7], $0x5FFFF;
	_ =	strace $0x90000052  }
0xb2: {  	s29 =	simm.s32 $0x9;
	_ =	strace $0x80000054  }
0xb3: {  	_ =	swait.ge [sflag:s29], $0x1  }
0xb4: {  	[sflag:s29] =	ssyncadd.s32 $0xFFFFFFFF  }
0xb5: {  	_ =	strace $0x90000054  }
0xb6: {  	_ =	sfence  }
0xb7: {  	s30 =	sld [smem:$0x0];
	_ =	sdelay $0x2  }
0xb8: {  	s31 =	sshll.u32 s1, $0xD;
	s1 =	sshrl.u32 s1, $0x2  }
0xb9: {  	s3 =	sand.u32 $0x4000, s31;
	s1 =	sadd.s32 s1, s30  }
0xba: {  	s0 =	sor.u32 s3, s0;
	s1 =	sshll.u32 s1, $0x11  }
0xbb: {  	s0 =	sor.u32 s1, s0  }
0xbc: {  	s0 =	sadd.s32 $0x8F2B, s0  }
0xbd: {  	[sflag:s0] =	ssyncadd.remote.s32 $0x1  }
0xbe: {  	_ =	sfence.sel $0xFFFF  }
0xbf: {  	[dreg:$0x0] =	wrdreg $0xFFFFFFFF;
	(pc) =	sbr.abs _section_cstart, $3  }
0xc0: {  	[dreg:$0x1] =	wrdreg $0xFFFFFFFF  }
0xc1: {  	_ =	task.clear_ibuf [dreg:s7], $0x2FFFF;
	_ =	strace $0x9FFFFFFF  }
0xc2: {  	(tm) =	ssettm $0x7FFFFFFF  }
0xc3: {  	_ =	shalt  }
tec
execute0_lowered:
.L_overlay_start_1:
0x0: {  	(tag) =	ssettag $0x1  }
0x1: {  	s4 =	rddreg [dreg:$0x0]  }
0x2: {  	s5 =	rddreg [dreg:$0x1]  }
0x3: {  	s0 =	rddreg [dreg:$0x2]  }
0x4: {  	s3 =	srdreg.scid;
	s2 =	simm.s32 $0x0;
	s1 =	stileid.u32  }
0x5: {  	s11 =	simm.s32 $0x100;
	s12 =	simm.s32 $0x900;
	s13 =	simm.s32 $0x1100  }
0x6: {  	s14 =	simm.s32 $0x1900;
	s15 =	simm.s32 $0x2100;
	s16 =	simm.s32 $0x2900  }
0x7: {  	s17 =	simm.s32 $0x3100;
	s18 =	simm.s32 $0x3900;
	s19 =	simm.s32 $0x4100  }
0x8: {  	s20 =	simm.s32 $0x4900;
	s21 =	simm.s32 $0x5100;
	s22 =	simm.s32 $0x5900  }
0x9: {  	s23 =	simm.s32 $0x6100;
	s24 =	simm.s32 $0x6900;
	s25 =	simm.s32 $0x7100  }
0xa: {  	s26 =	simm.s32 $0x7900;
	s28 =	simm.s32 $0x1;
	s29 =	simm.s32 $0x2  }
0xb: {  	s6 =	sand.u32 $0x1, s3;
	[smem:$0x7FF] =	sst s2;
	s31 =	sshll.u32 s1, $0x7  }
0xc: {  	s3 =	sadd.s32 $0xB600, s4;
	s7 =	sshll.u32 s6, $0x6;
	s6 =	ssub.s32 $0x2, s6  }
0xd: {  	_ =	strace $0x80000053;
	s7 =	sor.u32 s7, s31;
	s10 =	sshrl.u32 s6, $0x1  }
0xe: {  	s8 =	sshrl.u32 s7, $0x3;
	s7 =	sshll.u32 s7, $0x5;
	s10 =	ssub.s32 s6, s10  }
0xf: {  	v2 =	vlaneseq.u32;
	s9 =	sadd.s32 s8, s4;
	s7 =	sadd.s32 s7, s4;
	s4 =	sadd.s32 s5, s8  }
0x10: {  	vm0 =	vmmov $0xffff;
	v1 =	vshrl.u32 v2, $0x3;
	s8 =	smax.u32 s10, $0x1;
	s10 =	simm.s32 $0x80;
	s5 =	sadd.s32 $0xB400, s9  }
0x11: {  	v0 =	vand.u32 $0x7, v2;
	v2 =	vor.u32 $0x8, v2;
	v1 =	vmul.u32 $0x8, v1;
	s6 =	sadd.s32 $0x1B600, s7;
	s7 =	sadd.s32 $0x2B600, s7;
	s9 =	simm.s32 $0x3  }
.LBB2_1:
0x12: {  	[tilespmem:s2], [sflag:$0x3] =	stream.linear.gather [hbm4b:s4+s2], $0x40, $0x38;
	[tilespmem:$0x8100] =	vst v63  }
0x13: {  	_ =	swait.ge [sflag:s9], $0x40  }
0x14: {  	[sflag:s9] =	ssyncset.done $0x0  }
0x15: {  	[sflag:s9] =	ssyncadd.s32 $0xFFFFFFC0  }
0x16: {  	[tilespmem:s10], [sflag:$0x3] =	stream.linear.gather [hbm4b:s5+s2], $0x40, $0x38;
	[tilespmem:$0x8100] =	vst v63  }
0x17: {  	_ =	swait.ge [sflag:s9], $0x40  }
0x18: {  	[sflag:s9] =	ssyncset.done $0x0  }
0x19: {  	[sflag:s9] =	ssyncadd.s32 $0xFFFFFFC0  }
0x1a: {  	v3 =	vld [tilespmem:$0x0];
	_ =	sdelay $0x4  }
0x1b: {  	v4 =	vshll.u32 v3, $0x1  }
0x1c: {  	v3 =	vand.u32 $0x7, v3;
	v4 =	vand.u32 $0xFFFFFFF0, v4  }
0x1d: {  	v3 =	vor.u32 v3, v4  }
0x1e: {  	v4 =	vperm.xlane v3, v0;
	_ =	sdelay $0x1  }
0x1f: {  	v3 =	vperm.xlane v3, v2;
	v4 =	vadd.s32 v1, v4;
	_ =	sdelay $0x1  }
0x20: {  	v3 =	vadd.s32 v1, v3;
	_ =	sdelay $0x2  }
0x21: {  	[tilespmem:s11], [sflag:$0x1] =	stream.indirect_vreg.gather [hbm4b:s3+s2], $0x80, v4, vm0, $0xb8;
	[tilespmem:$0x8100] =	vst v63  }
0x22: {  	_ = 	snop  }
0x23: {  	[tilespmem:s12], [sflag:$0x1] =	stream.indirect_vreg.gather [hbm4b:s3+s2], $0x80, v3, vm0, $0xb8;
	[tilespmem:$0x8100] =	vst v63  }
0x24: {  	v3 =	vld [tilespmem:$0x10];
	_ =	sdelay $0x4  }
0x25: {  	v57 =	vshll.u32 v3, $0x1  }
0x26: {  	v3 =	vand.u32 $0x7, v3;
	v4 =	vand.u32 $0xFFFFFFF0, v57  }
0x27: {  	v3 =	vor.u32 v3, v4  }
0x28: {  	v4 =	vperm.xlane v3, v0;
	_ =	sdelay $0x1  }
0x29: {  	v3 =	vperm.xlane v3, v2;
	v4 =	vadd.s32 v1, v4;
	_ =	sdelay $0x1  }
0x2a: {  	v3 =	vadd.s32 v1, v3;
	_ =	sdelay $0x2  }
0x2b: {  	[tilespmem:s13], [sflag:$0x1] =	stream.indirect_vreg.gather [hbm4b:s3+s2], $0x80, v4, vm0, $0xb8;
	[tilespmem:$0x8100] =	vst v63  }
0x2c: {  	_ = 	snop  }
0x2d: {  	[tilespmem:s14], [sflag:$0x1] =	stream.indirect_vreg.gather [hbm4b:s3+s2], $0x80, v3, vm0, $0xb8;
	[tilespmem:$0x8100] =	vst v63  }
0x2e: {  	v3 =	vld [tilespmem:$0x20];
	_ =	sdelay $0x4  }
0x2f: {  	v58 =	vshll.u32 v3, $0x1  }
0x30: {  	v3 =	vand.u32 $0x7, v3;
	v4 =	vand.u32 $0xFFFFFFF0, v58  }
0x31: {  	v3 =	vor.u32 v3, v4  }
0x32: {  	v4 =	vperm.xlane v3, v0;
	_ =	sdelay $0x1  }
0x33: {  	v3 =	vperm.xlane v3, v2;
	v4 =	vadd.s32 v1, v4;
	_ =	sdelay $0x1  }
0x34: {  	v3 =	vadd.s32 v1, v3;
	_ =	sdelay $0x2  }
0x35: {  	[tilespmem:s15], [sflag:$0x1] =	stream.indirect_vreg.gather [hbm4b:s3+s2], $0x80, v4, vm0, $0xb8;
	[tilespmem:$0x8100] =	vst v63  }
0x36: {  	_ = 	snop  }
0x37: {  	[tilespmem:s16], [sflag:$0x1] =	stream.indirect_vreg.gather [hbm4b:s3+s2], $0x80, v3, vm0, $0xb8;
	[tilespmem:$0x8100] =	vst v63  }
0x38: {  	v3 =	vld [tilespmem:$0x30];
	_ =	sdelay $0x4  }
0x39: {  	v59 =	vshll.u32 v3, $0x1  }
0x3a: {  	v3 =	vand.u32 $0x7, v3;
	v4 =	vand.u32 $0xFFFFFFF0, v59  }
0x3b: {  	v3 =	vor.u32 v3, v4  }
0x3c: {  	v4 =	vperm.xlane v3, v0;
	_ =	sdelay $0x1  }
0x3d: {  	v3 =	vperm.xlane v3, v2;
	v4 =	vadd.s32 v1, v4;
	_ =	sdelay $0x1  }
0x3e: {  	v3 =	vadd.s32 v1, v3;
	_ =	sdelay $0x2  }
0x3f: {  	[tilespmem:s17], [sflag:$0x1] =	stream.indirect_vreg.gather [hbm4b:s3+s2], $0x80, v4, vm0, $0xb8;
	[tilespmem:$0x8100] =	vst v63  }
0x40: {  	_ = 	snop  }
0x41: {  	[tilespmem:s18], [sflag:$0x1] =	stream.indirect_vreg.gather [hbm4b:s3+s2], $0x80, v3, vm0, $0xb8;
	[tilespmem:$0x8100] =	vst v63  }
0x42: {  	v3 =	vld [tilespmem:$0x80];
	_ =	sdelay $0x4  }
0x43: {  	v60 =	vshll.u32 v3, $0x1  }
0x44: {  	v3 =	vand.u32 $0x7, v3;
	v4 =	vand.u32 $0xFFFFFFF0, v60  }
0x45: {  	v3 =	vor.u32 v3, v4  }
0x46: {  	v4 =	vperm.xlane v3, v0;
	_ =	sdelay $0x1  }
0x47: {  	v3 =	vperm.xlane v3, v2;
	v4 =	vadd.s32 v1, v4;
	_ =	sdelay $0x1  }
0x48: {  	v3 =	vadd.s32 v1, v3;
	_ =	sdelay $0x2  }
0x49: {  	[tilespmem:s19], [sflag:$0x2] =	stream.indirect_vreg.gather [hbm4b:s3+s2], $0x80, v4, vm0, $0xb8;
	[tilespmem:$0x8100] =	vst v63  }
0x4a: {  	_ = 	snop  }
0x4b: {  	[tilespmem:s20], [sflag:$0x2] =	stream.indirect_vreg.gather [hbm4b:s3+s2], $0x80, v3, vm0, $0xb8;
	[tilespmem:$0x8100] =	vst v63  }
0x4c: {  	v3 =	vld [tilespmem:$0x90];
	_ =	sdelay $0x4  }
0x4d: {  	v61 =	vshll.u32 v3, $0x1  }
0x4e: {  	v3 =	vand.u32 $0x7, v3;
	v4 =	vand.u32 $0xFFFFFFF0, v61  }
0x4f: {  	v3 =	vor.u32 v3, v4  }
0x50: {  	v4 =	vperm.xlane v3, v0;
	_ =	sdelay $0x1  }
0x51: {  	v3 =	vperm.xlane v3, v2;
	v4 =	vadd.s32 v1, v4;
	_ =	sdelay $0x1  }
0x52: {  	v3 =	vadd.s32 v1, v3;
	_ =	sdelay $0x2  }
0x53: {  	[tilespmem:s21], [sflag:$0x2] =	stream.indirect_vreg.gather [hbm4b:s3+s2], $0x80, v4, vm0, $0xb8;
	[tilespmem:$0x8100] =	vst v63  }
0x54: {  	_ = 	snop  }
0x55: {  	[tilespmem:s22], [sflag:$0x2] =	stream.indirect_vreg.gather [hbm4b:s3+s2], $0x80, v3, vm0, $0xb8;
	[tilespmem:$0x8100] =	vst v63  }
0x56: {  	v3 =	vld [tilespmem:$0xA0];
	_ =	sdelay $0x4  }
0x57: {  	v62 =	vshll.u32 v3, $0x1  }
0x58: {  	v3 =	vand.u32 $0x7, v3;
	v4 =	vand.u32 $0xFFFFFFF0, v62  }
0x59: {  	v3 =	vor.u32 v3, v4  }
0x5a: {  	v4 =	vperm.xlane v3, v0;
	_ =	sdelay $0x1  }
0x5b: {  	v3 =	vperm.xlane v3, v2;
	v4 =	vadd.s32 v1, v4;
	_ =	sdelay $0x1  }
0x5c: {  	v3 =	vadd.s32 v1, v3;
	_ =	sdelay $0x2  }
0x5d: {  	[tilespmem:s23], [sflag:$0x2] =	stream.indirect_vreg.gather [hbm4b:s3+s2], $0x80, v4, vm0, $0xb8;
	[tilespmem:$0x8100] =	vst v63  }
0x5e: {  	_ = 	snop  }
0x5f: {  	[tilespmem:s24], [sflag:$0x2] =	stream.indirect_vreg.gather [hbm4b:s3+s2], $0x80, v3, vm0, $0xb8;
	[tilespmem:$0x8100] =	vst v63  }
0x60: {  	v3 =	vld [tilespmem:$0xB0];
	_ =	sdelay $0x4  }
0x61: {  	v63 =	vshll.u32 v3, $0x1  }
0x62: {  	v3 =	vand.u32 $0x7, v3;
	v4 =	vand.u32 $0xFFFFFFF0, v63  }
0x63: {  	v3 =	vor.u32 v3, v4  }
0x64: {  	v4 =	vperm.xlane v3, v0;
	_ =	sdelay $0x1  }
0x65: {  	v3 =	vperm.xlane v3, v2;
	v4 =	vadd.s32 v1, v4;
	_ =	sdelay $0x1  }
0x66: {  	v3 =	vadd.s32 v1, v3;
	_ =	sdelay $0x2  }
0x67: {  	[tilespmem:s25], [sflag:$0x2] =	stream.indirect_vreg.gather [hbm4b:s3+s2], $0x80, v4, vm0, $0xb8;
	[tilespmem:$0x8100] =	vst v63  }
0x68: {  	_ = 	snop  }
0x69: {  	[tilespmem:s26], [sflag:$0x2] =	stream.indirect_vreg.gather [hbm4b:s3+s2], $0x80, v3, vm0, $0xb8;
	[tilespmem:$0x8100] =	vst v63  }
0x6a: {  	_ =	swait.ge [sflag:s28], $0x4000  }
0x6b: {  	[sflag:s28] =	ssyncset.done $0x0  }
0x6c: {  	[sflag:s28] =	ssyncadd.s32 $0xFFFFC000  }
0x6d: {  	_ =	swait.ge [sflag:s29], $0x4000  }
0x6e: {  	[sflag:s29] =	ssyncset.done $0x0  }
0x6f: {  	[sflag:s29] =	ssyncadd.s32 $0xFFFFC000  }
0x70: {  	[hbm4b:s6+s2] =	stream.linear.scatter [tilespmem:s11], [sflag:$0x3], $0x4000, $0x38;
	[tilespmem:$0x8100] =	vst v63  }
0x71: {  	_ =	swait.ge [sflag:s9], $0x4000  }
0x72: {  	p0 =	sne.s32 s8, $0x1;
	[sflag:s9] =	ssyncset.done $0x0  }
.Ltmp0:
0x73: {  	[sflag:s9] =	ssyncadd.s32 $0xFFFFC000;
	(pc) =	sbr.rel @p0 .LBB2_1-.Ltmp0, $4  }
0x74: {  	[hbm4b:s7+s2] =	stream.linear.scatter [tilespmem:s19], [sflag:$0x3], $0x4000, $0x38;
	[tilespmem:$0x8100] =	vst v63  }
0x75: {  	_ =	swait.ge [sflag:s9], $0x4000  }
0x76: {  	[sflag:s9] =	ssyncset.done $0x0  }
0x77: {  	s8 =	sadd.s32 $0xFFFFFFFF, s8;
	[sflag:s9] =	ssyncadd.s32 $0xFFFFC000  }
0x78: {  	_ =	sfence.sel $0x180000  }
0x79: {  	[bflag:$0x0] =	sbarrier.arrive $0xFFFF  }
0x7a: {  	p0 =	sne.s32 s1, $0x0;
	_ =	strace $0x90000053  }
0x7b: {  	s0 =	sadd.s32 @!p0 $0x100000, s0;
	[bflag:$0x2] =	sbarrier.arrive $0xFFFF  }
0x7c: {  	[sflag:s0] =	ssyncadd.tile.s32 @!p0 $0x1;
	_ =	shalt  }
.Lfunc_end2:
_tile_overlayer_lowered:
.L_overlay_start_2:
0x7d: {  	(tag) =	ssettag $0x2  }
0x7e: {  	s0 =	rddreg [dreg:$0x0];
	s2 =	stileid.u32  }
0x7f: {  	s1 =	rddreg [dreg:$0x1];
	p0 =	sne.s32 s2, $0x0  }
0x80: {  	s3 =	rddreg [dreg:$0x2];
	[bflag:$0x3] =	sbarrier.arrive $0xFFFF;
	s2 =	simm.s32 @!p0 $0x1C03  }
0x81: {  	[timem:s3], [sflag:s2] =	dma.local @!p0 [hbm:s0], s1  }
0x82: {  	s0 =	simm.s32 @!p0 $0x3  }
0x83: {  	_ =	swait.ge @!p0 [sflag:s0], s1  }
0x84: {  	s1 =	ssub.s32 @!p0 $0x0, s1;
	[sflag:s0] =	ssyncset.done @!p0 $0x0  }
0x85: {  	[sflag:s0] =	ssyncadd.s32 @!p0 s1  }
0x86: {  	[bflag:$0x3] =	sbarrier.arrive $0xFFFF  }
0x87: {  	_ =	shalt  }

// kernel: kernel.35.cloned.1.call-start
scs
__scs_entry_jumppad:
0x0: {  	(pc) =	sbr.rel $0x88, $3  }
0x1: {  	(tag) =	ssettag $0x0;
	lr =	simm.s32 $0x1  }
0x2: {  	[smem:$0x3F86] =	sst lr;
	_ =	strace $0xD0000000  }
0x3: {  	_ = 	snop  }
0x4: {  	_ = 	snop  }
0x5: {  	_ = 	snop  }
0x6: {  	_ = 	snop  }
0x7: {  	_ = 	snop  }
__scs_overlays_trampoline_lowered:
0x8: {  	[smem:$0x3F95] =	sst s0  }
0x9: {  	[smem:$0x3F96] =	sst s1  }
0xa: {  	[smem:$0x3F97] =	sst s2  }
0xb: {  	[smem:$0x3F98] =	sst s3  }
0xc: {  	[smem:$0x3F99] =	sst s4  }
0xd: {  	[smem:$0x3F9A] =	sst s5  }
0xe: {  	[smem:$0x3F9B] =	sst s6  }
0xf: {  	[smem:$0x3F9C] =	sst s7  }
0x10: {  	[smem:$0x3F9D] =	sst s8  }
0x11: {  	[smem:$0x3F9E] =	sst s9;
	s0 =	simm.s32 @!p0 $0x0  }
0x12: {  	s1 =	sld [smem:$0x3F84];
	s0 =	simm.s32 @p0 $0x1  }
0x13: {  	[smem:$0x3F9F] =	sst s0;
	s0 =	simm.s32 @!p1 $0x0  }
0x14: {  	s2 =	sld [smem:$0x3F83];
	s0 =	simm.s32 @p1 $0x1  }
0x15: {  	[smem:$0x3FA0] =	sst s0;
	s0 =	simm.s32 @!p2 $0x0  }
0x16: {  	s3 =	sld [smem:$0x3FDB];
	s0 =	simm.s32 @p2 $0x1  }
0x17: {  	s4 =	simm.s32 $0x1BF5;
	[smem:$0x3FA2] =	sst s0  }
0x18: {  	s0 =	sld [smem:$0x3F85];
	_ =	swait.ge [sflag:s4], $0x0  }
0x19: {  	s7 =	sld [smem:$0x3F86]  }
0x1a: {  	s8 =	sadd.s32 $0xFFFFE003, lr  }
0x1b: {  	s9 =	sadd.s32 $0xFFFFFEF7, lr;
	s5 =	simm.s32 $0xFFFFFFFF;
	p2 =	slt.u32 s8, $0xFFFFF086  }
0x1c: {  	p1 =	slt.u32 s9, $0xF7A;
	s5 =	simm.s32 @!p2 $0x0  }
0x1d: {  	s5 =	simm.s32 @p1 $0x1;
	p0 =	seq.s32 s7, s2  }
0x1e: {  	s7 =	smul.u32 @!p0 $0xF7A, s2;
	p2 =	seq.s32 @!p0 s5, $0x0  }
0x1f: {  	s9 =	smul.u32 $0xF7A, s1;
	s8 =	simm.s32 @!p0 $0x1BF5;
	p2 =	por !p2, p0  }
0x20: {  	[sflag:s8] =	ssyncset.s32 @!p0 $0xFFFFF086;
	s6 =	sadd.s32 @!p0 s3, s7;
	s7 =	simm.s32 @!p0 $0x108  }
0x21: {  	s3 =	sadd.s32 s3, s9;
	s6 =	sadd.s32 @!p0 $0x88, s6;
	s7 =	simm.s32 @p2 $0x1082  }
0x22: {  	[simem:s7], [sflag:s8] =	dma.local @!p0 [hbm:s6], $0xF7A  }
0x23: {  	s9 =	sor.u32 $0xD0000000, s2;
	s6 =	simm.s32 $0x108;
	_ =	swait.ge @!p0 [sflag:s8], $0x0  }
0x24: {  	s3 =	sadd.s32 $0x88, s3;
	s6 =	simm.s32 @!p1 $0x1082;
	[sflag:s4] =	ssyncset.s32 $0xFFFFF086  }
0x25: {  	[simem:s6], [sflag:s4] =	dma.local [hbm:s3], $0xF7A  }
0x26: {  	[smem:$0x3F86] =	sst s1;
	(tag) =	ssettag s2;
	_ =	strace s9  }
0x27: {  	s1 =	sld [smem:$0x3F96]  }
0x28: {  	s2 =	sld [smem:$0x3F97]  }
0x29: {  	s4 =	sld [smem:$0x3F99]  }
0x2a: {  	p0 =	seq.s32 s5, $0x0;
	s5 =	sld [smem:$0x3F9A]  }
0x2b: {  	s6 =	sld [smem:$0x3F9B]  }
0x2c: {  	s7 =	sld [smem:$0x3F9C]  }
0x2d: {  	s3 =	simm.s32 $0x108;
	s8 =	sld [smem:$0x3F9D]  }
0x2e: {  	s3 =	simm.s32 @!p0 $0x1082;
	s9 =	sld [smem:$0x3F9E]  }
0x2f: {  	lr =	sadd.s32 s0, s3;
	s0 =	sld [smem:$0x3F95]  }
0x30: {  	s3 =	sld [smem:$0x3F98]  }
0x31: {  	[smem:$0x3FA1] =	sst s10  }
0x32: {  	s10 =	sld [smem:$0x3F9F];
	_ =	sdelay $0x3  }
0x33: {  	p0 =	seq.s32 s10, $0x1;
	s10 =	sld [smem:$0x3FA1];
	_ =	sdelay $0x3  }
0x34: {  	[smem:$0x3FA1] =	sst s10  }
0x35: {  	s10 =	sld [smem:$0x3FA0];
	_ =	sdelay $0x3  }
0x36: {  	p1 =	seq.s32 s10, $0x1;
	s10 =	sld [smem:$0x3FA1];
	_ =	sdelay $0x3  }
0x37: {  	[smem:$0x3FA1] =	sst s10  }
0x38: {  	s10 =	sld [smem:$0x3FA2]  }
0x39: {  	_ = 	snop;
	(pc) =	sbr.ind lr, $3  }
0x3a: {  	_ = 	snop  }
0x3b: {  	_ = 	snop  }
0x3c: {  	p2 =	seq.s32 s10, $0x1;
	s10 =	sld [smem:$0x3FA1]  }
0x3d: {  	_ =	shalt  }
0x3e: {  	_ =	shalt  }
0x3f: {  	_ =	shalt  }
0x40: {  	_ =	shalt  }
0x41: {  	_ =	shalt  }
0x42: {  	_ =	shalt  }
0x43: {  	_ =	shalt  }
0x44: {  	_ =	shalt  }
0x45: {  	_ =	shalt  }
0x46: {  	_ =	shalt  }
0x47: {  	_ =	shalt  }
0x48: {  	_ =	shalt  }
0x49: {  	_ =	shalt  }
0x4a: {  	_ =	shalt  }
0x4b: {  	_ =	shalt  }
0x4c: {  	_ =	shalt  }
0x4d: {  	_ =	shalt  }
0x4e: {  	_ =	shalt  }
0x4f: {  	_ =	shalt  }
0x50: {  	_ =	shalt  }
0x51: {  	_ =	shalt  }
0x52: {  	_ =	shalt  }
0x53: {  	_ =	shalt  }
0x54: {  	_ =	shalt  }
0x55: {  	_ =	shalt  }
0x56: {  	_ =	shalt  }
0x57: {  	_ =	shalt  }
0x58: {  	_ =	shalt  }
0x59: {  	_ =	shalt  }
0x5a: {  	_ =	shalt  }
0x5b: {  	_ =	shalt  }
0x5c: {  	_ =	shalt  }
0x5d: {  	_ =	shalt  }
0x5e: {  	_ =	shalt  }
0x5f: {  	_ =	shalt  }
0x60: {  	_ =	shalt  }
0x61: {  	_ =	shalt  }
0x62: {  	_ =	shalt  }
0x63: {  	_ =	shalt  }
0x64: {  	_ =	shalt  }
0x65: {  	_ =	shalt  }
0x66: {  	_ =	shalt  }
0x67: {  	_ =	shalt  }
0x68: {  	_ =	shalt  }
0x69: {  	_ =	shalt  }
0x6a: {  	_ =	shalt  }
0x6b: {  	_ =	shalt  }
0x6c: {  	_ =	shalt  }
0x6d: {  	_ =	shalt  }
0x6e: {  	_ =	shalt  }
0x6f: {  	_ =	shalt  }
0x70: {  	_ =	shalt  }
0x71: {  	_ =	shalt  }
0x72: {  	_ =	shalt  }
0x73: {  	_ =	shalt  }
0x74: {  	_ =	shalt  }
0x75: {  	_ =	shalt  }
0x76: {  	_ =	shalt  }
0x77: {  	_ =	shalt  }
0x78: {  	_ =	shalt  }
0x79: {  	_ =	shalt  }
0x7a: {  	_ =	shalt  }
0x7b: {  	_ =	shalt  }
0x7c: {  	_ =	shalt  }
0x7d: {  	_ =	shalt  }
0x7e: {  	_ =	shalt  }
0x7f: {  	_ =	shalt  }
0x80: {  	_ =	shalt  }
0x81: {  	_ =	shalt  }
0x82: {  	_ =	shalt  }
0x83: {  	_ =	shalt  }
0x84: {  	_ =	shalt  }
0x85: {  	_ =	shalt  }
0x86: {  	_ =	shalt  }
0x87: {  	_ =	shalt  }
.Lfunc_end0:
.L_simem_size_0:
called_computation.5_lowered:
.L_overlay_start_0:
0x88: {  	s2 =	sld [smem:$0x3FD9]  }
0x89: {  	s3 =	sld [smem:$0x3FFE];
	_ =	sdelay $0x1  }
0x8a: {  	s1 =	srdreg.scid  }
0x8b: {  	s0 =	sand.u32 $0x1, s1  }
0x8c: {  	s17 =	sshll.u32 s0, $0xA;
	s2 =	sadd.s32 s3, s2  }
0x8d: {  	s2 =	sadd.s32 s2, s17  }
0x8e: {  	[smem:$0x3FAD] =	sst s2  }
0x8f: {  	_ = 	snop  }
0x90: {  	s2 =	sld [smem:$0x3FD0];
	(tm) =	ssettm $0x1  }
0x91: {  	s18 =	sld [smem:$0x3FFB];
	_ =	sdelay $0x3  }
0x92: {  	_ =	strace s18  }
0x93: {  	s3 =	sld [smem:$0x3FFC];
	_ =	sdelay $0x3  }
0x94: {  	_ =	strace s3  }
0x95: {  	s3 =	sld [smem:$0x3FFD];
	_ =	sdelay $0x3  }
0x96: {  	_ =	strace s3  }
0x97: {  	_ =	strace $0x8FFFFFFF  }
0x98: {  	s19 =	sld [smem:$0x3FDB];
	_ =	sdelay $0x1  }
0x99: {  	s4 =	simm.s32 $_scs_section_size  }
0x9a: {  	s5 =	simm.s32 $_size__tile_overlayer_lowered;
	s6 =	simm.s32 $_tile_overlayer_lowered  }
0x9b: {  	s22 =	simm.s32 $0x1BFF;
	s21 =	sshll.u32 s6, $0x1;
	s3 =	sadd.s32 s4, s19  }
0x9c: {  	s7 =	simm.s32 $0x0;
	s20 =	sshll.u32 s5, $0x1;
	s5 =	sadd.s32 s21, s3  }
0x9d: {  	[timem:s7], [sflag:s22] =	dma.local [hbm:s5], s20  }
0x9e: {  	_ =	swait.ge [sflag:s22], s20  }
0x9f: {  	s4 =	ssub.s32 $0x0, s20;
	[sflag:s22] =	ssyncset.done $0x0  }
0xa0: {  	[sflag:s22] =	ssyncadd.s32 s4;
	_ =	sdelay $0x1  }
0xa1: {  	s23 =	simm.s32 $0x1B8B  }
0xa2: {  	_ =	swait.ge [sflag:s23], $0x1  }
0xa3: {  	[sflag:s23] =	ssyncset.done $0x0  }
0xa4: {  	s25 =	simm.s32 $0x1B8E;
	s24 =	sld [smem:$0x3FFE];
	[sflag:s23] =	ssyncadd.s32 $0xFFFFFFFF  }
0xa5: {  	s26 =	simm.s32 $execute0_lowered;
	[smem:$0x3FD2] =	sst s25  }
0xa6: {  	s5 =	sshll.u32 s26, $0x1;
	_ =	strace $0x80000055;
	[dreg:$0x1] =	wrdreg $0xFFFFFFFF  }
0xa7: {  	s28 =	simm.s32 $_size_execute0_lowered;
	s3 =	sadd.s32 s3, s5;
	[dreg:$0x0] =	wrdreg $0x0  }
0xa8: {  	s5 =	sshll.u32 s28, $0x1;
	[dreg:$0x2] =	wrdreg s3  }
0xa9: {  	[dreg:$0x3] =	wrdreg s5  }
0xaa: {  	[dreg:$0x4] =	wrdreg $0xC0  }
0xab: {  	_ =	task [dreg:s7], $0x5FFFF  }
0xac: {  	[dreg:$0x1] =	wrdreg $0xFFFFFFFF  }
0xad: {  	[dreg:$0x0] =	wrdreg $0x60  }
0xae: {  	[dreg:$0x2] =	wrdreg s24  }
0xaf: {  	[dreg:$0x3] =	wrdreg s2  }
0xb0: {  	[dreg:$0x4] =	wrdreg $0x9  }
0xb1: {  	_ =	task.clear_ibuf [dreg:s7], $0x5FFFF;
	_ =	strace $0x90000055  }
0xb2: {  	s29 =	simm.s32 $0x9;
	_ =	strace $0x80000057  }
0xb3: {  	_ =	swait.ge [sflag:s29], $0x1  }
0xb4: {  	[sflag:s29] =	ssyncadd.s32 $0xFFFFFFFF  }
0xb5: {  	_ =	strace $0x90000057  }
0xb6: {  	_ =	sfence  }
0xb7: {  	s30 =	sld [smem:$0x0];
	_ =	sdelay $0x2  }
0xb8: {  	s31 =	sshll.u32 s1, $0xD;
	s1 =	sshrl.u32 s1, $0x2  }
0xb9: {  	s3 =	sand.u32 $0x4000, s31;
	s1 =	sadd.s32 s1, s30  }
0xba: {  	s0 =	sor.u32 s3, s0;
	s1 =	sshll.u32 s1, $0x11  }
0xbb: {  	s0 =	sor.u32 s1, s0  }
0xbc: {  	s0 =	sadd.s32 $0x8F2B, s0  }
0xbd: {  	[sflag:s0] =	ssyncadd.remote.s32 $0x1  }
0xbe: {  	_ =	sfence.sel $0xFFFF  }
0xbf: {  	[dreg:$0x0] =	wrdreg $0xFFFFFFFF;
	(pc) =	sbr.abs _section_cstart, $3  }
0xc0: {  	[dreg:$0x1] =	wrdreg $0xFFFFFFFF  }
0xc1: {  	_ =	task.clear_ibuf [dreg:s7], $0x2FFFF;
	_ =	strace $0x9FFFFFFF  }
0xc2: {  	(tm) =	ssettm $0x7FFFFFFF  }
0xc3: {  	_ =	shalt  }
tec
execute0_lowered:
.L_overlay_start_1:
0x0: {  	(tag) =	ssettag $0x1  }
0x1: {  	s4 =	rddreg [dreg:$0x0]  }
0x2: {  	s5 =	rddreg [dreg:$0x1]  }
0x3: {  	s0 =	rddreg [dreg:$0x2]  }
0x4: {  	s3 =	srdreg.scid;
	s2 =	simm.s32 $0x0;
	s1 =	stileid.u32  }
0x5: {  	s11 =	simm.s32 $0x100;
	s12 =	simm.s32 $0x900;
	s13 =	simm.s32 $0x1100  }
0x6: {  	s14 =	simm.s32 $0x1900;
	s15 =	simm.s32 $0x2100;
	s16 =	simm.s32 $0x2900  }
0x7: {  	s17 =	simm.s32 $0x3100;
	s18 =	simm.s32 $0x3900;
	s19 =	simm.s32 $0x4100  }
0x8: {  	s20 =	simm.s32 $0x4900;
	s21 =	simm.s32 $0x5100;
	s22 =	simm.s32 $0x5900  }
0x9: {  	s23 =	simm.s32 $0x6100;
	s24 =	simm.s32 $0x6900;
	s25 =	simm.s32 $0x7100  }
0xa: {  	s26 =	simm.s32 $0x7900;
	s28 =	simm.s32 $0x1;
	s29 =	simm.s32 $0x2  }
0xb: {  	s6 =	sand.u32 $0x1, s3;
	[smem:$0x7FF] =	sst s2;
	s31 =	sshll.u32 s1, $0x7  }
0xc: {  	s3 =	sadd.s32 $0xB600, s4;
	s7 =	sshll.u32 s6, $0x6;
	s6 =	ssub.s32 $0x2, s6  }
0xd: {  	_ =	strace $0x80000056;
	s7 =	sor.u32 s7, s31;
	s10 =	sshrl.u32 s6, $0x1  }
0xe: {  	s8 =	sshrl.u32 s7, $0x3;
	s7 =	sshll.u32 s7, $0x5;
	s10 =	ssub.s32 s6, s10  }
0xf: {  	v2 =	vlaneseq.u32;
	s9 =	sadd.s32 s8, s4;
	s7 =	sadd.s32 s7, s4;
	s4 =	sadd.s32 s5, s8  }
0x10: {  	vm0 =	vmmov $0xffff;
	v1 =	vshrl.u32 v2, $0x3;
	s8 =	smax.u32 s10, $0x1;
	s10 =	simm.s32 $0x80;
	s5 =	sadd.s32 $0xB400, s9  }
0x11: {  	v0 =	vand.u32 $0x7, v2;
	v2 =	vor.u32 $0x8, v2;
	v1 =	vmul.u32 $0x8, v1;
	s6 =	sadd.s32 $0x1B600, s7;
	s7 =	sadd.s32 $0x2B600, s7;
	s9 =	simm.s32 $0x3  }
.LBB2_1:
0x12: {  	[tilespmem:s2], [sflag:$0x3] =	stream.linear.gather [hbm4b:s4+s2], $0x40, $0x38;
	[tilespmem:$0x8100] =	vst v63  }
0x13: {  	_ =	swait.ge [sflag:s9], $0x40  }
0x14: {  	[sflag:s9] =	ssyncset.done $0x0  }
0x15: {  	[sflag:s9] =	ssyncadd.s32 $0xFFFFFFC0  }
0x16: {  	[tilespmem:s10], [sflag:$0x3] =	stream.linear.gather [hbm4b:s5+s2], $0x40, $0x38;
	[tilespmem:$0x8100] =	vst v63  }
0x17: {  	_ =	swait.ge [sflag:s9], $0x40  }
0x18: {  	[sflag:s9] =	ssyncset.done $0x0  }
0x19: {  	[sflag:s9] =	ssyncadd.s32 $0xFFFFFFC0  }
0x1a: {  	v3 =	vld [tilespmem:$0x0];
	_ =	sdelay $0x4  }
0x1b: {  	v4 =	vshll.u32 v3, $0x1  }
0x1c: {  	v3 =	vand.u32 $0x7, v3;
	v4 =	vand.u32 $0xFFFFFFF0, v4  }
0x1d: {  	v3 =	vor.u32 v3, v4  }
0x1e: {  	v4 =	vperm.xlane v3, v0;
	_ =	sdelay $0x1  }
0x1f: {  	v3 =	vperm.xlane v3, v2;
	v4 =	vadd.s32 v1, v4;
	_ =	sdelay $0x1  }
0x20: {  	v3 =	vadd.s32 v1, v3;
	_ =	sdelay $0x2  }
0x21: {  	[tilespmem:s11], [sflag:$0x1] =	stream.indirect_vreg.gather [hbm4b:s3+s2], $0x80, v4, vm0, $0xb8;
	[tilespmem:$0x8100] =	vst v63  }
0x22: {  	_ = 	snop  }
0x23: {  	[tilespmem:s12], [sflag:$0x1] =	stream.indirect_vreg.gather [hbm4b:s3+s2], $0x80, v3, vm0, $0xb8;
	[tilespmem:$0x8100] =	vst v63  }
0x24: {  	v3 =	vld [tilespmem:$0x10];
	_ =	sdelay $0x4  }
0x25: {  	v57 =	vshll.u32 v3, $0x1  }
0x26: {  	v3 =	vand.u32 $0x7, v3;
	v4 =	vand.u32 $0xFFFFFFF0, v57  }
0x27: {  	v3 =	vor.u32 v3, v4  }
0x28: {  	v4 =	vperm.xlane v3, v0;
	_ =	sdelay $0x1  }
0x29: {  	v3 =	vperm.xlane v3, v2;
	v4 =	vadd.s32 v1, v4;
	_ =	sdelay $0x1  }
0x2a: {  	v3 =	vadd.s32 v1, v3;
	_ =	sdelay $0x2  }
0x2b: {  	[tilespmem:s13], [sflag:$0x1] =	stream.indirect_vreg.gather [hbm4b:s3+s2], $0x80, v4, vm0, $0xb8;
	[tilespmem:$0x8100] =	vst v63  }
0x2c: {  	_ = 	snop  }
0x2d: {  	[tilespmem:s14], [sflag:$0x1] =	stream.indirect_vreg.gather [hbm4b:s3+s2], $0x80, v3, vm0, $0xb8;
	[tilespmem:$0x8100] =	vst v63  }
0x2e: {  	v3 =	vld [tilespmem:$0x20];
	_ =	sdelay $0x4  }
0x2f: {  	v58 =	vshll.u32 v3, $0x1  }
0x30: {  	v3 =	vand.u32 $0x7, v3;
	v4 =	vand.u32 $0xFFFFFFF0, v58  }
0x31: {  	v3 =	vor.u32 v3, v4  }
0x32: {  	v4 =	vperm.xlane v3, v0;
	_ =	sdelay $0x1  }
0x33: {  	v3 =	vperm.xlane v3, v2;
	v4 =	vadd.s32 v1, v4;
	_ =	sdelay $0x1  }
0x34: {  	v3 =	vadd.s32 v1, v3;
	_ =	sdelay $0x2  }
0x35: {  	[tilespmem:s15], [sflag:$0x1] =	stream.indirect_vreg.gather [hbm4b:s3+s2], $0x80, v4, vm0, $0xb8;
	[tilespmem:$0x8100] =	vst v63  }
0x36: {  	_ = 	snop  }
0x37: {  	[tilespmem:s16], [sflag:$0x1] =	stream.indirect_vreg.gather [hbm4b:s3+s2], $0x80, v3, vm0, $0xb8;
	[tilespmem:$0x8100] =	vst v63  }
0x38: {  	v3 =	vld [tilespmem:$0x30];
	_ =	sdelay $0x4  }
0x39: {  	v59 =	vshll.u32 v3, $0x1  }
0x3a: {  	v3 =	vand.u32 $0x7, v3;
	v4 =	vand.u32 $0xFFFFFFF0, v59  }
0x3b: {  	v3 =	vor.u32 v3, v4  }
0x3c: {  	v4 =	vperm.xlane v3, v0;
	_ =	sdelay $0x1  }
0x3d: {  	v3 =	vperm.xlane v3, v2;
	v4 =	vadd.s32 v1, v4;
	_ =	sdelay $0x1  }
0x3e: {  	v3 =	vadd.s32 v1, v3;
	_ =	sdelay $0x2  }
0x3f: {  	[tilespmem:s17], [sflag:$0x1] =	stream.indirect_vreg.gather [hbm4b:s3+s2], $0x80, v4, vm0, $0xb8;
	[tilespmem:$0x8100] =	vst v63  }
0x40: {  	_ = 	snop  }
0x41: {  	[tilespmem:s18], [sflag:$0x1] =	stream.indirect_vreg.gather [hbm4b:s3+s2], $0x80, v3, vm0, $0xb8;
	[tilespmem:$0x8100] =	vst v63  }
0x42: {  	v3 =	vld [tilespmem:$0x80];
	_ =	sdelay $0x4  }
0x43: {  	v60 =	vshll.u32 v3, $0x1  }
0x44: {  	v3 =	vand.u32 $0x7, v3;
	v4 =	vand.u32 $0xFFFFFFF0, v60  }
0x45: {  	v3 =	vor.u32 v3, v4  }
0x46: {  	v4 =	vperm.xlane v3, v0;
	_ =	sdelay $0x1  }
0x47: {  	v3 =	vperm.xlane v3, v2;
	v4 =	vadd.s32 v1, v4;
	_ =	sdelay $0x1  }
0x48: {  	v3 =	vadd.s32 v1, v3;
	_ =	sdelay $0x2  }
0x49: {  	[tilespmem:s19], [sflag:$0x2] =	stream.indirect_vreg.gather [hbm4b:s3+s2], $0x80, v4, vm0, $0xb8;
	[tilespmem:$0x8100] =	vst v63  }
0x4a: {  	_ = 	snop  }
0x4b: {  	[tilespmem:s20], [sflag:$0x2] =	stream.indirect_vreg.gather [hbm4b:s3+s2], $0x80, v3, vm0, $0xb8;
	[tilespmem:$0x8100] =	vst v63  }
0x4c: {  	v3 =	vld [tilespmem:$0x90];
	_ =	sdelay $0x4  }
0x4d: {  	v61 =	vshll.u32 v3, $0x1  }
0x4e: {  	v3 =	vand.u32 $0x7, v3;
	v4 =	vand.u32 $0xFFFFFFF0, v61  }
0x4f: {  	v3 =	vor.u32 v3, v4  }
0x50: {  	v4 =	vperm.xlane v3, v0;
	_ =	sdelay $0x1  }
0x51: {  	v3 =	vperm.xlane v3, v2;
	v4 =	vadd.s32 v1, v4;
	_ =	sdelay $0x1  }
0x52: {  	v3 =	vadd.s32 v1, v3;
	_ =	sdelay $0x2  }
0x53: {  	[tilespmem:s21], [sflag:$0x2] =	stream.indirect_vreg.gather [hbm4b:s3+s2], $0x80, v4, vm0, $0xb8;
	[tilespmem:$0x8100] =	vst v63  }
0x54: {  	_ = 	snop  }
0x55: {  	[tilespmem:s22], [sflag:$0x2] =	stream.indirect_vreg.gather [hbm4b:s3+s2], $0x80, v3, vm0, $0xb8;
	[tilespmem:$0x8100] =	vst v63  }
0x56: {  	v3 =	vld [tilespmem:$0xA0];
	_ =	sdelay $0x4  }
0x57: {  	v62 =	vshll.u32 v3, $0x1  }
0x58: {  	v3 =	vand.u32 $0x7, v3;
	v4 =	vand.u32 $0xFFFFFFF0, v62  }
0x59: {  	v3 =	vor.u32 v3, v4  }
0x5a: {  	v4 =	vperm.xlane v3, v0;
	_ =	sdelay $0x1  }
0x5b: {  	v3 =	vperm.xlane v3, v2;
	v4 =	vadd.s32 v1, v4;
	_ =	sdelay $0x1  }
0x5c: {  	v3 =	vadd.s32 v1, v3;
	_ =	sdelay $0x2  }
0x5d: {  	[tilespmem:s23], [sflag:$0x2] =	stream.indirect_vreg.gather [hbm4b:s3+s2], $0x80, v4, vm0, $0xb8;
	[tilespmem:$0x8100] =	vst v63  }
0x5e: {  	_ = 	snop  }
0x5f: {  	[tilespmem:s24], [sflag:$0x2] =	stream.indirect_vreg.gather [hbm4b:s3+s2], $0x80, v3, vm0, $0xb8;
	[tilespmem:$0x8100] =	vst v63  }
0x60: {  	v3 =	vld [tilespmem:$0xB0];
	_ =	sdelay $0x4  }
0x61: {  	v63 =	vshll.u32 v3, $0x1  }
0x62: {  	v3 =	vand.u32 $0x7, v3;
	v4 =	vand.u32 $0xFFFFFFF0, v63  }
0x63: {  	v3 =	vor.u32 v3, v4  }
0x64: {  	v4 =	vperm.xlane v3, v0;
	_ =	sdelay $0x1  }
0x65: {  	v3 =	vperm.xlane v3, v2;
	v4 =	vadd.s32 v1, v4;
	_ =	sdelay $0x1  }
0x66: {  	v3 =	vadd.s32 v1, v3;
	_ =	sdelay $0x2  }
0x67: {  	[tilespmem:s25], [sflag:$0x2] =	stream.indirect_vreg.gather [hbm4b:s3+s2], $0x80, v4, vm0, $0xb8;
	[tilespmem:$0x8100] =	vst v63  }
0x68: {  	_ = 	snop  }
0x69: {  	[tilespmem:s26], [sflag:$0x2] =	stream.indirect_vreg.gather [hbm4b:s3+s2], $0x80, v3, vm0, $0xb8;
	[tilespmem:$0x8100] =	vst v63  }
0x6a: {  	_ =	swait.ge [sflag:s28], $0x4000  }
0x6b: {  	[sflag:s28] =	ssyncset.done $0x0  }
0x6c: {  	[sflag:s28] =	ssyncadd.s32 $0xFFFFC000  }
0x6d: {  	_ =	swait.ge [sflag:s29], $0x4000  }
0x6e: {  	[sflag:s29] =	ssyncset.done $0x0  }
0x6f: {  	[sflag:s29] =	ssyncadd.s32 $0xFFFFC000  }
0x70: {  	[hbm4b:s6+s2] =	stream.linear.scatter [tilespmem:s11], [sflag:$0x3], $0x4000, $0x38;
	[tilespmem:$0x8100] =	vst v63  }
0x71: {  	_ =	swait.ge [sflag:s9], $0x4000  }
0x72: {  	p0 =	sne.s32 s8, $0x1;
	[sflag:s9] =	ssyncset.done $0x0  }
.Ltmp0:
0x73: {  	[sflag:s9] =	ssyncadd.s32 $0xFFFFC000;
	(pc) =	sbr.rel @p0 .LBB2_1-.Ltmp0, $4  }
0x74: {  	[hbm4b:s7+s2] =	stream.linear.scatter [tilespmem:s19], [sflag:$0x3], $0x4000, $0x38;
	[tilespmem:$0x8100] =	vst v63  }
0x75: {  	_ =	swait.ge [sflag:s9], $0x4000  }
0x76: {  	[sflag:s9] =	ssyncset.done $0x0  }
0x77: {  	s8 =	sadd.s32 $0xFFFFFFFF, s8;
	[sflag:s9] =	ssyncadd.s32 $0xFFFFC000  }
0x78: {  	_ =	sfence.sel $0x180000  }
0x79: {  	[bflag:$0x0] =	sbarrier.arrive $0xFFFF  }
0x7a: {  	p0 =	sne.s32 s1, $0x0;
	_ =	strace $0x90000056  }
0x7b: {  	s0 =	sadd.s32 @!p0 $0x100000, s0;
	[bflag:$0x2] =	sbarrier.arrive $0xFFFF  }
0x7c: {  	[sflag:s0] =	ssyncadd.tile.s32 @!p0 $0x1;
	_ =	shalt  }
.Lfunc_end2:
_tile_overlayer_lowered:
.L_overlay_start_2:
0x7d: {  	(tag) =	ssettag $0x2  }
0x7e: {  	s0 =	rddreg [dreg:$0x0];
	s2 =	stileid.u32  }
0x7f: {  	s1 =	rddreg [dreg:$0x1];
	p0 =	sne.s32 s2, $0x0  }
0x80: {  	s3 =	rddreg [dreg:$0x2];
	[bflag:$0x3] =	sbarrier.arrive $0xFFFF;
	s2 =	simm.s32 @!p0 $0x1C03  }
0x81: {  	[timem:s3], [sflag:s2] =	dma.local @!p0 [hbm:s0], s1  }
0x82: {  	s0 =	simm.s32 @!p0 $0x3  }
0x83: {  	_ =	swait.ge @!p0 [sflag:s0], s1  }
0x84: {  	s1 =	ssub.s32 @!p0 $0x0, s1;
	[sflag:s0] =	ssyncset.done @!p0 $0x0  }
0x85: {  	[sflag:s0] =	ssyncadd.s32 @!p0 s1  }
0x86: {  	[bflag:$0x3] =	sbarrier.arrive $0xFFFF  }
0x87: {  	_ =	shalt  }

// kernel: kernel.38.cloned.1.call-start
scs
__scs_entry_jumppad:
0x0: {  	(pc) =	sbr.rel $0x88, $3  }
0x1: {  	(tag) =	ssettag $0x0;
	lr =	simm.s32 $0x1  }
0x2: {  	[smem:$0x3F86] =	sst lr;
	_ =	strace $0xD0000000  }
0x3: {  	_ = 	snop  }
0x4: {  	_ = 	snop  }
0x5: {  	_ = 	snop  }
0x6: {  	_ = 	snop  }
0x7: {  	_ = 	snop  }
__scs_overlays_trampoline_lowered:
0x8: {  	[smem:$0x3F95] =	sst s0  }
0x9: {  	[smem:$0x3F96] =	sst s1  }
0xa: {  	[smem:$0x3F97] =	sst s2  }
0xb: {  	[smem:$0x3F98] =	sst s3  }
0xc: {  	[smem:$0x3F99] =	sst s4  }
0xd: {  	[smem:$0x3F9A] =	sst s5  }
0xe: {  	[smem:$0x3F9B] =	sst s6  }
0xf: {  	[smem:$0x3F9C] =	sst s7  }
0x10: {  	[smem:$0x3F9D] =	sst s8  }
0x11: {  	[smem:$0x3F9E] =	sst s9;
	s0 =	simm.s32 @!p0 $0x0  }
0x12: {  	s1 =	sld [smem:$0x3F84];
	s0 =	simm.s32 @p0 $0x1  }
0x13: {  	[smem:$0x3F9F] =	sst s0;
	s0 =	simm.s32 @!p1 $0x0  }
0x14: {  	s2 =	sld [smem:$0x3F83];
	s0 =	simm.s32 @p1 $0x1  }
0x15: {  	[smem:$0x3FA0] =	sst s0;
	s0 =	simm.s32 @!p2 $0x0  }
0x16: {  	s3 =	sld [smem:$0x3FDB];
	s0 =	simm.s32 @p2 $0x1  }
0x17: {  	s4 =	simm.s32 $0x1BF5;
	[smem:$0x3FA2] =	sst s0  }
0x18: {  	s0 =	sld [smem:$0x3F85];
	_ =	swait.ge [sflag:s4], $0x0  }
0x19: {  	s7 =	sld [smem:$0x3F86]  }
0x1a: {  	s8 =	sadd.s32 $0xFFFFE003, lr  }
0x1b: {  	s9 =	sadd.s32 $0xFFFFFEF7, lr;
	s5 =	simm.s32 $0xFFFFFFFF;
	p2 =	slt.u32 s8, $0xFFFFF086  }
0x1c: {  	p1 =	slt.u32 s9, $0xF7A;
	s5 =	simm.s32 @!p2 $0x0  }
0x1d: {  	s5 =	simm.s32 @p1 $0x1;
	p0 =	seq.s32 s7, s2  }
0x1e: {  	s7 =	smul.u32 @!p0 $0xF7A, s2;
	p2 =	seq.s32 @!p0 s5, $0x0  }
0x1f: {  	s9 =	smul.u32 $0xF7A, s1;
	s8 =	simm.s32 @!p0 $0x1BF5;
	p2 =	por !p2, p0  }
0x20: {  	[sflag:s8] =	ssyncset.s32 @!p0 $0xFFFFF086;
	s6 =	sadd.s32 @!p0 s3, s7;
	s7 =	simm.s32 @!p0 $0x108  }
0x21: {  	s3 =	sadd.s32 s3, s9;
	s6 =	sadd.s32 @!p0 $0x88, s6;
	s7 =	simm.s32 @p2 $0x1082  }
0x22: {  	[simem:s7], [sflag:s8] =	dma.local @!p0 [hbm:s6], $0xF7A  }
0x23: {  	s9 =	sor.u32 $0xD0000000, s2;
	s6 =	simm.s32 $0x108;
	_ =	swait.ge @!p0 [sflag:s8], $0x0  }
0x24: {  	s3 =	sadd.s32 $0x88, s3;
	s6 =	simm.s32 @!p1 $0x1082;
	[sflag:s4] =	ssyncset.s32 $0xFFFFF086  }
0x25: {  	[simem:s6], [sflag:s4] =	dma.local [hbm:s3], $0xF7A  }
0x26: {  	[smem:$0x3F86] =	sst s1;
	(tag) =	ssettag s2;
	_ =	strace s9  }
0x27: {  	s1 =	sld [smem:$0x3F96]  }
0x28: {  	s2 =	sld [smem:$0x3F97]  }
0x29: {  	s4 =	sld [smem:$0x3F99]  }
0x2a: {  	p0 =	seq.s32 s5, $0x0;
	s5 =	sld [smem:$0x3F9A]  }
0x2b: {  	s6 =	sld [smem:$0x3F9B]  }
0x2c: {  	s7 =	sld [smem:$0x3F9C]  }
0x2d: {  	s3 =	simm.s32 $0x108;
	s8 =	sld [smem:$0x3F9D]  }
0x2e: {  	s3 =	simm.s32 @!p0 $0x1082;
	s9 =	sld [smem:$0x3F9E]  }
0x2f: {  	lr =	sadd.s32 s0, s3;
	s0 =	sld [smem:$0x3F95]  }
0x30: {  	s3 =	sld [smem:$0x3F98]  }
0x31: {  	[smem:$0x3FA1] =	sst s10  }
0x32: {  	s10 =	sld [smem:$0x3F9F];
	_ =	sdelay $0x3  }
0x33: {  	p0 =	seq.s32 s10, $0x1;
	s10 =	sld [smem:$0x3FA1];
	_ =	sdelay $0x3  }
0x34: {  	[smem:$0x3FA1] =	sst s10  }
0x35: {  	s10 =	sld [smem:$0x3FA0];
	_ =	sdelay $0x3  }
0x36: {  	p1 =	seq.s32 s10, $0x1;
	s10 =	sld [smem:$0x3FA1];
	_ =	sdelay $0x3  }
0x37: {  	[smem:$0x3FA1] =	sst s10  }
0x38: {  	s10 =	sld [smem:$0x3FA2]  }
0x39: {  	_ = 	snop;
	(pc) =	sbr.ind lr, $3  }
0x3a: {  	_ = 	snop  }
0x3b: {  	_ = 	snop  }
0x3c: {  	p2 =	seq.s32 s10, $0x1;
	s10 =	sld [smem:$0x3FA1]  }
0x3d: {  	_ =	shalt  }
0x3e: {  	_ =	shalt  }
0x3f: {  	_ =	shalt  }
0x40: {  	_ =	shalt  }
0x41: {  	_ =	shalt  }
0x42: {  	_ =	shalt  }
0x43: {  	_ =	shalt  }
0x44: {  	_ =	shalt  }
0x45: {  	_ =	shalt  }
0x46: {  	_ =	shalt  }
0x47: {  	_ =	shalt  }
0x48: {  	_ =	shalt  }
0x49: {  	_ =	shalt  }
0x4a: {  	_ =	shalt  }
0x4b: {  	_ =	shalt  }
0x4c: {  	_ =	shalt  }
0x4d: {  	_ =	shalt  }
0x4e: {  	_ =	shalt  }
0x4f: {  	_ =	shalt  }
0x50: {  	_ =	shalt  }
0x51: {  	_ =	shalt  }
0x52: {  	_ =	shalt  }
0x53: {  	_ =	shalt  }
0x54: {  	_ =	shalt  }
0x55: {  	_ =	shalt  }
0x56: {  	_ =	shalt  }
0x57: {  	_ =	shalt  }
0x58: {  	_ =	shalt  }
0x59: {  	_ =	shalt  }
0x5a: {  	_ =	shalt  }
0x5b: {  	_ =	shalt  }
0x5c: {  	_ =	shalt  }
0x5d: {  	_ =	shalt  }
0x5e: {  	_ =	shalt  }
0x5f: {  	_ =	shalt  }
0x60: {  	_ =	shalt  }
0x61: {  	_ =	shalt  }
0x62: {  	_ =	shalt  }
0x63: {  	_ =	shalt  }
0x64: {  	_ =	shalt  }
0x65: {  	_ =	shalt  }
0x66: {  	_ =	shalt  }
0x67: {  	_ =	shalt  }
0x68: {  	_ =	shalt  }
0x69: {  	_ =	shalt  }
0x6a: {  	_ =	shalt  }
0x6b: {  	_ =	shalt  }
0x6c: {  	_ =	shalt  }
0x6d: {  	_ =	shalt  }
0x6e: {  	_ =	shalt  }
0x6f: {  	_ =	shalt  }
0x70: {  	_ =	shalt  }
0x71: {  	_ =	shalt  }
0x72: {  	_ =	shalt  }
0x73: {  	_ =	shalt  }
0x74: {  	_ =	shalt  }
0x75: {  	_ =	shalt  }
0x76: {  	_ =	shalt  }
0x77: {  	_ =	shalt  }
0x78: {  	_ =	shalt  }
0x79: {  	_ =	shalt  }
0x7a: {  	_ =	shalt  }
0x7b: {  	_ =	shalt  }
0x7c: {  	_ =	shalt  }
0x7d: {  	_ =	shalt  }
0x7e: {  	_ =	shalt  }
0x7f: {  	_ =	shalt  }
0x80: {  	_ =	shalt  }
0x81: {  	_ =	shalt  }
0x82: {  	_ =	shalt  }
0x83: {  	_ =	shalt  }
0x84: {  	_ =	shalt  }
0x85: {  	_ =	shalt  }
0x86: {  	_ =	shalt  }
0x87: {  	_ =	shalt  }
.Lfunc_end0:
.L_simem_size_0:
called_computation.6_lowered:
.L_overlay_start_0:
0x88: {  	s2 =	sld [smem:$0x3FD9]  }
0x89: {  	s3 =	sld [smem:$0x3FFE];
	_ =	sdelay $0x1  }
0x8a: {  	s1 =	srdreg.scid  }
0x8b: {  	s0 =	sand.u32 $0x1, s1  }
0x8c: {  	s17 =	sshll.u32 s0, $0xA;
	s2 =	sadd.s32 s3, s2  }
0x8d: {  	s2 =	sadd.s32 s2, s17  }
0x8e: {  	[smem:$0x3FAD] =	sst s2  }
0x8f: {  	_ = 	snop  }
0x90: {  	s2 =	sld [smem:$0x3FD0];
	(tm) =	ssettm $0x1  }
0x91: {  	s18 =	sld [smem:$0x3FFB];
	_ =	sdelay $0x3  }
0x92: {  	_ =	strace s18  }
0x93: {  	s3 =	sld [smem:$0x3FFC];
	_ =	sdelay $0x3  }
0x94: {  	_ =	strace s3  }
0x95: {  	s3 =	sld [smem:$0x3FFD];
	_ =	sdelay $0x3  }
0x96: {  	_ =	strace s3  }
0x97: {  	_ =	strace $0x8FFFFFFF  }
0x98: {  	s19 =	sld [smem:$0x3FDB];
	_ =	sdelay $0x1  }
0x99: {  	s4 =	simm.s32 $_scs_section_size  }
0x9a: {  	s5 =	simm.s32 $_size__tile_overlayer_lowered;
	s6 =	simm.s32 $_tile_overlayer_lowered  }
0x9b: {  	s22 =	simm.s32 $0x1BFF;
	s21 =	sshll.u32 s6, $0x1;
	s3 =	sadd.s32 s4, s19  }
0x9c: {  	s7 =	simm.s32 $0x0;
	s20 =	sshll.u32 s5, $0x1;
	s5 =	sadd.s32 s21, s3  }
0x9d: {  	[timem:s7], [sflag:s22] =	dma.local [hbm:s5], s20  }
0x9e: {  	_ =	swait.ge [sflag:s22], s20  }
0x9f: {  	s4 =	ssub.s32 $0x0, s20;
	[sflag:s22] =	ssyncset.done $0x0  }
0xa0: {  	[sflag:s22] =	ssyncadd.s32 s4;
	_ =	sdelay $0x1  }
0xa1: {  	s23 =	simm.s32 $0x1B8B  }
0xa2: {  	_ =	swait.ge [sflag:s23], $0x1  }
0xa3: {  	[sflag:s23] =	ssyncset.done $0x0  }
0xa4: {  	s25 =	simm.s32 $0x1B8E;
	s24 =	sld [smem:$0x3FFE];
	[sflag:s23] =	ssyncadd.s32 $0xFFFFFFFF  }
0xa5: {  	s26 =	simm.s32 $execute0_lowered;
	[smem:$0x3FD2] =	sst s25  }
0xa6: {  	s5 =	sshll.u32 s26, $0x1;
	_ =	strace $0x80000058;
	[dreg:$0x1] =	wrdreg $0xFFFFFFFF  }
0xa7: {  	s28 =	simm.s32 $_size_execute0_lowered;
	s3 =	sadd.s32 s3, s5;
	[dreg:$0x0] =	wrdreg $0x0  }
0xa8: {  	s5 =	sshll.u32 s28, $0x1;
	[dreg:$0x2] =	wrdreg s3  }
0xa9: {  	[dreg:$0x3] =	wrdreg s5  }
0xaa: {  	[dreg:$0x4] =	wrdreg $0xC0  }
0xab: {  	_ =	task [dreg:s7], $0x5FFFF  }
0xac: {  	[dreg:$0x1] =	wrdreg $0xFFFFFFFF  }
0xad: {  	[dreg:$0x0] =	wrdreg $0x60  }
0xae: {  	[dreg:$0x2] =	wrdreg s24  }
0xaf: {  	[dreg:$0x3] =	wrdreg s2  }
0xb0: {  	[dreg:$0x4] =	wrdreg $0x9  }
0xb1: {  	_ =	task.clear_ibuf [dreg:s7], $0x5FFFF;
	_ =	strace $0x90000058  }
0xb2: {  	s29 =	simm.s32 $0x9;
	_ =	strace $0x8000005A  }
0xb3: {  	_ =	swait.ge [sflag:s29], $0x1  }
0xb4: {  	[sflag:s29] =	ssyncadd.s32 $0xFFFFFFFF  }
0xb5: {  	_ =	strace $0x9000005A  }
0xb6: {  	_ =	sfence  }
0xb7: {  	s30 =	sld [smem:$0x0];
	_ =	sdelay $0x2  }
0xb8: {  	s31 =	sshll.u32 s1, $0xD;
	s1 =	sshrl.u32 s1, $0x2  }
0xb9: {  	s3 =	sand.u32 $0x4000, s31;
	s1 =	sadd.s32 s1, s30  }
0xba: {  	s0 =	sor.u32 s3, s0;
	s1 =	sshll.u32 s1, $0x11  }
0xbb: {  	s0 =	sor.u32 s1, s0  }
0xbc: {  	s0 =	sadd.s32 $0x8F2B, s0  }
0xbd: {  	[sflag:s0] =	ssyncadd.remote.s32 $0x1  }
0xbe: {  	_ =	sfence.sel $0xFFFF  }
0xbf: {  	[dreg:$0x0] =	wrdreg $0xFFFFFFFF;
	(pc) =	sbr.abs _section_cstart, $3  }
0xc0: {  	[dreg:$0x1] =	wrdreg $0xFFFFFFFF  }
0xc1: {  	_ =	task.clear_ibuf [dreg:s7], $0x2FFFF;
	_ =	strace $0x9FFFFFFF  }
0xc2: {  	(tm) =	ssettm $0x7FFFFFFF  }
0xc3: {  	_ =	shalt  }
tec
execute0_lowered:
.L_overlay_start_1:
0x0: {  	(tag) =	ssettag $0x1  }
0x1: {  	s4 =	rddreg [dreg:$0x0]  }
0x2: {  	s5 =	rddreg [dreg:$0x1]  }
0x3: {  	s0 =	rddreg [dreg:$0x2]  }
0x4: {  	s3 =	srdreg.scid;
	s2 =	simm.s32 $0x0;
	s1 =	stileid.u32  }
0x5: {  	s11 =	simm.s32 $0x100;
	s12 =	simm.s32 $0x900;
	s13 =	simm.s32 $0x1100  }
0x6: {  	s14 =	simm.s32 $0x1900;
	s15 =	simm.s32 $0x2100;
	s16 =	simm.s32 $0x2900  }
0x7: {  	s17 =	simm.s32 $0x3100;
	s18 =	simm.s32 $0x3900;
	s19 =	simm.s32 $0x4100  }
0x8: {  	s20 =	simm.s32 $0x4900;
	s21 =	simm.s32 $0x5100;
	s22 =	simm.s32 $0x5900  }
0x9: {  	s23 =	simm.s32 $0x6100;
	s24 =	simm.s32 $0x6900;
	s25 =	simm.s32 $0x7100  }
0xa: {  	s26 =	simm.s32 $0x7900;
	s28 =	simm.s32 $0x1;
	s29 =	simm.s32 $0x2  }
0xb: {  	s6 =	sand.u32 $0x1, s3;
	[smem:$0x7FF] =	sst s2;
	s31 =	sshll.u32 s1, $0x7  }
0xc: {  	s3 =	sadd.s32 $0xB600, s4;
	s7 =	sshll.u32 s6, $0x6;
	s6 =	ssub.s32 $0x2, s6  }
0xd: {  	_ =	strace $0x80000059;
	s7 =	sor.u32 s7, s31;
	s10 =	sshrl.u32 s6, $0x1  }
0xe: {  	s8 =	sshrl.u32 s7, $0x3;
	s7 =	sshll.u32 s7, $0x5;
	s10 =	ssub.s32 s6, s10  }
0xf: {  	v2 =	vlaneseq.u32;
	s9 =	sadd.s32 s8, s4;
	s7 =	sadd.s32 s7, s4;
	s4 =	sadd.s32 s5, s8  }
0x10: {  	vm0 =	vmmov $0xffff;
	v1 =	vshrl.u32 v2, $0x3;
	s8 =	smax.u32 s10, $0x1;
	s10 =	simm.s32 $0x80;
	s5 =	sadd.s32 $0xB400, s9  }
0x11: {  	v0 =	vand.u32 $0x7, v2;
	v2 =	vor.u32 $0x8, v2;
	v1 =	vmul.u32 $0x8, v1;
	s6 =	sadd.s32 $0x1B600, s7;
	s7 =	sadd.s32 $0x2B600, s7;
	s9 =	simm.s32 $0x3  }
.LBB2_1:
0x12: {  	[tilespmem:s2], [sflag:$0x3] =	stream.linear.gather [hbm4b:s4+s2], $0x40, $0x38;
	[tilespmem:$0x8100] =	vst v63  }
0x13: {  	_ =	swait.ge [sflag:s9], $0x40  }
0x14: {  	[sflag:s9] =	ssyncset.done $0x0  }
0x15: {  	[sflag:s9] =	ssyncadd.s32 $0xFFFFFFC0  }
0x16: {  	[tilespmem:s10], [sflag:$0x3] =	stream.linear.gather [hbm4b:s5+s2], $0x40, $0x38;
	[tilespmem:$0x8100] =	vst v63  }
0x17: {  	_ =	swait.ge [sflag:s9], $0x40  }
0x18: {  	[sflag:s9] =	ssyncset.done $0x0  }
0x19: {  	[sflag:s9] =	ssyncadd.s32 $0xFFFFFFC0  }
0x1a: {  	v3 =	vld [tilespmem:$0x0];
	_ =	sdelay $0x4  }
0x1b: {  	v4 =	vshll.u32 v3, $0x1  }
0x1c: {  	v3 =	vand.u32 $0x7, v3;
	v4 =	vand.u32 $0xFFFFFFF0, v4  }
0x1d: {  	v3 =	vor.u32 v3, v4  }
0x1e: {  	v4 =	vperm.xlane v3, v0;
	_ =	sdelay $0x1  }
0x1f: {  	v3 =	vperm.xlane v3, v2;
	v4 =	vadd.s32 v1, v4;
	_ =	sdelay $0x1  }
0x20: {  	v3 =	vadd.s32 v1, v3;
	_ =	sdelay $0x2  }
0x21: {  	[tilespmem:s11], [sflag:$0x1] =	stream.indirect_vreg.gather [hbm4b:s3+s2], $0x80, v4, vm0, $0xb8;
	[tilespmem:$0x8100] =	vst v63  }
0x22: {  	_ = 	snop  }
0x23: {  	[tilespmem:s12], [sflag:$0x1] =	stream.indirect_vreg.gather [hbm4b:s3+s2], $0x80, v3, vm0, $0xb8;
	[tilespmem:$0x8100] =	vst v63  }
0x24: {  	v3 =	vld [tilespmem:$0x10];
	_ =	sdelay $0x4  }
0x25: {  	v57 =	vshll.u32 v3, $0x1  }
0x26: {  	v3 =	vand.u32 $0x7, v3;
	v4 =	vand.u32 $0xFFFFFFF0, v57  }
0x27: {  	v3 =	vor.u32 v3, v4  }
0x28: {  	v4 =	vperm.xlane v3, v0;
	_ =	sdelay $0x1  }
0x29: {  	v3 =	vperm.xlane v3, v2;
	v4 =	vadd.s32 v1, v4;
	_ =	sdelay $0x1  }
0x2a: {  	v3 =	vadd.s32 v1, v3;
	_ =	sdelay $0x2  }
0x2b: {  	[tilespmem:s13], [sflag:$0x1] =	stream.indirect_vreg.gather [hbm4b:s3+s2], $0x80, v4, vm0, $0xb8;
	[tilespmem:$0x8100] =	vst v63  }
0x2c: {  	_ = 	snop  }
0x2d: {  	[tilespmem:s14], [sflag:$0x1] =	stream.indirect_vreg.gather [hbm4b:s3+s2], $0x80, v3, vm0, $0xb8;
	[tilespmem:$0x8100] =	vst v63  }
0x2e: {  	v3 =	vld [tilespmem:$0x20];
	_ =	sdelay $0x4  }
0x2f: {  	v58 =	vshll.u32 v3, $0x1  }
0x30: {  	v3 =	vand.u32 $0x7, v3;
	v4 =	vand.u32 $0xFFFFFFF0, v58  }
0x31: {  	v3 =	vor.u32 v3, v4  }
0x32: {  	v4 =	vperm.xlane v3, v0;
	_ =	sdelay $0x1  }
0x33: {  	v3 =	vperm.xlane v3, v2;
	v4 =	vadd.s32 v1, v4;
	_ =	sdelay $0x1  }
0x34: {  	v3 =	vadd.s32 v1, v3;
	_ =	sdelay $0x2  }
0x35: {  	[tilespmem:s15], [sflag:$0x1] =	stream.indirect_vreg.gather [hbm4b:s3+s2], $0x80, v4, vm0, $0xb8;
	[tilespmem:$0x8100] =	vst v63  }
0x36: {  	_ = 	snop  }
0x37: {  	[tilespmem:s16], [sflag:$0x1] =	stream.indirect_vreg.gather [hbm4b:s3+s2], $0x80, v3, vm0, $0xb8;
	[tilespmem:$0x8100] =	vst v63  }
0x38: {  	v3 =	vld [tilespmem:$0x30];
	_ =	sdelay $0x4  }
0x39: {  	v59 =	vshll.u32 v3, $0x1  }
0x3a: {  	v3 =	vand.u32 $0x7, v3;
	v4 =	vand.u32 $0xFFFFFFF0, v59  }
0x3b: {  	v3 =	vor.u32 v3, v4  }
0x3c: {  	v4 =	vperm.xlane v3, v0;
	_ =	sdelay $0x1  }
0x3d: {  	v3 =	vperm.xlane v3, v2;
	v4 =	vadd.s32 v1, v4;
	_ =	sdelay $0x1  }
0x3e: {  	v3 =	vadd.s32 v1, v3;
	_ =	sdelay $0x2  }
0x3f: {  	[tilespmem:s17], [sflag:$0x1] =	stream.indirect_vreg.gather [hbm4b:s3+s2], $0x80, v4, vm0, $0xb8;
	[tilespmem:$0x8100] =	vst v63  }
0x40: {  	_ = 	snop  }
0x41: {  	[tilespmem:s18], [sflag:$0x1] =	stream.indirect_vreg.gather [hbm4b:s3+s2], $0x80, v3, vm0, $0xb8;
	[tilespmem:$0x8100] =	vst v63  }
0x42: {  	v3 =	vld [tilespmem:$0x80];
	_ =	sdelay $0x4  }
0x43: {  	v60 =	vshll.u32 v3, $0x1  }
0x44: {  	v3 =	vand.u32 $0x7, v3;
	v4 =	vand.u32 $0xFFFFFFF0, v60  }
0x45: {  	v3 =	vor.u32 v3, v4  }
0x46: {  	v4 =	vperm.xlane v3, v0;
	_ =	sdelay $0x1  }
0x47: {  	v3 =	vperm.xlane v3, v2;
	v4 =	vadd.s32 v1, v4;
	_ =	sdelay $0x1  }
0x48: {  	v3 =	vadd.s32 v1, v3;
	_ =	sdelay $0x2  }
0x49: {  	[tilespmem:s19], [sflag:$0x2] =	stream.indirect_vreg.gather [hbm4b:s3+s2], $0x80, v4, vm0, $0xb8;
	[tilespmem:$0x8100] =	vst v63  }
0x4a: {  	_ = 	snop  }
0x4b: {  	[tilespmem:s20], [sflag:$0x2] =	stream.indirect_vreg.gather [hbm4b:s3+s2], $0x80, v3, vm0, $0xb8;
	[tilespmem:$0x8100] =	vst v63  }
0x4c: {  	v3 =	vld [tilespmem:$0x90];
	_ =	sdelay $0x4  }
0x4d: {  	v61 =	vshll.u32 v3, $0x1  }
0x4e: {  	v3 =	vand.u32 $0x7, v3;
	v4 =	vand.u32 $0xFFFFFFF0, v61  }
0x4f: {  	v3 =	vor.u32 v3, v4  }
0x50: {  	v4 =	vperm.xlane v3, v0;
	_ =	sdelay $0x1  }
0x51: {  	v3 =	vperm.xlane v3, v2;
	v4 =	vadd.s32 v1, v4;
	_ =	sdelay $0x1  }
0x52: {  	v3 =	vadd.s32 v1, v3;
	_ =	sdelay $0x2  }
0x53: {  	[tilespmem:s21], [sflag:$0x2] =	stream.indirect_vreg.gather [hbm4b:s3+s2], $0x80, v4, vm0, $0xb8;
	[tilespmem:$0x8100] =	vst v63  }
0x54: {  	_ = 	snop  }
0x55: {  	[tilespmem:s22], [sflag:$0x2] =	stream.indirect_vreg.gather [hbm4b:s3+s2], $0x80, v3, vm0, $0xb8;
	[tilespmem:$0x8100] =	vst v63  }
0x56: {  	v3 =	vld [tilespmem:$0xA0];
	_ =	sdelay $0x4  }
0x57: {  	v62 =	vshll.u32 v3, $0x1  }
0x58: {  	v3 =	vand.u32 $0x7, v3;
	v4 =	vand.u32 $0xFFFFFFF0, v62  }
0x59: {  	v3 =	vor.u32 v3, v4  }
0x5a: {  	v4 =	vperm.xlane v3, v0;
	_ =	sdelay $0x1  }
0x5b: {  	v3 =	vperm.xlane v3, v2;
	v4 =	vadd.s32 v1, v4;
	_ =	sdelay $0x1  }
0x5c: {  	v3 =	vadd.s32 v1, v3;
	_ =	sdelay $0x2  }
0x5d: {  	[tilespmem:s23], [sflag:$0x2] =	stream.indirect_vreg.gather [hbm4b:s3+s2], $0x80, v4, vm0, $0xb8;
	[tilespmem:$0x8100] =	vst v63  }
0x5e: {  	_ = 	snop  }
0x5f: {  	[tilespmem:s24], [sflag:$0x2] =	stream.indirect_vreg.gather [hbm4b:s3+s2], $0x80, v3, vm0, $0xb8;
	[tilespmem:$0x8100] =	vst v63  }
0x60: {  	v3 =	vld [tilespmem:$0xB0];
	_ =	sdelay $0x4  }
0x61: {  	v63 =	vshll.u32 v3, $0x1  }
0x62: {  	v3 =	vand.u32 $0x7, v3;
	v4 =	vand.u32 $0xFFFFFFF0, v63  }
0x63: {  	v3 =	vor.u32 v3, v4  }
0x64: {  	v4 =	vperm.xlane v3, v0;
	_ =	sdelay $0x1  }
0x65: {  	v3 =	vperm.xlane v3, v2;
	v4 =	vadd.s32 v1, v4;
	_ =	sdelay $0x1  }
0x66: {  	v3 =	vadd.s32 v1, v3;
	_ =	sdelay $0x2  }
0x67: {  	[tilespmem:s25], [sflag:$0x2] =	stream.indirect_vreg.gather [hbm4b:s3+s2], $0x80, v4, vm0, $0xb8;
	[tilespmem:$0x8100] =	vst v63  }
0x68: {  	_ = 	snop  }
0x69: {  	[tilespmem:s26], [sflag:$0x2] =	stream.indirect_vreg.gather [hbm4b:s3+s2], $0x80, v3, vm0, $0xb8;
	[tilespmem:$0x8100] =	vst v63  }
0x6a: {  	_ =	swait.ge [sflag:s28], $0x4000  }
0x6b: {  	[sflag:s28] =	ssyncset.done $0x0  }
0x6c: {  	[sflag:s28] =	ssyncadd.s32 $0xFFFFC000  }
0x6d: {  	_ =	swait.ge [sflag:s29], $0x4000  }
0x6e: {  	[sflag:s29] =	ssyncset.done $0x0  }
0x6f: {  	[sflag:s29] =	ssyncadd.s32 $0xFFFFC000  }
0x70: {  	[hbm4b:s6+s2] =	stream.linear.scatter [tilespmem:s11], [sflag:$0x3], $0x4000, $0x38;
	[tilespmem:$0x8100] =	vst v63  }
0x71: {  	_ =	swait.ge [sflag:s9], $0x4000  }
0x72: {  	p0 =	sne.s32 s8, $0x1;
	[sflag:s9] =	ssyncset.done $0x0  }
.Ltmp0:
0x73: {  	[sflag:s9] =	ssyncadd.s32 $0xFFFFC000;
	(pc) =	sbr.rel @p0 .LBB2_1-.Ltmp0, $4  }
0x74: {  	[hbm4b:s7+s2] =	stream.linear.scatter [tilespmem:s19], [sflag:$0x3], $0x4000, $0x38;
	[tilespmem:$0x8100] =	vst v63  }
0x75: {  	_ =	swait.ge [sflag:s9], $0x4000  }
0x76: {  	[sflag:s9] =	ssyncset.done $0x0  }
0x77: {  	s8 =	sadd.s32 $0xFFFFFFFF, s8;
	[sflag:s9] =	ssyncadd.s32 $0xFFFFC000  }
0x78: {  	_ =	sfence.sel $0x180000  }
0x79: {  	[bflag:$0x0] =	sbarrier.arrive $0xFFFF  }
0x7a: {  	p0 =	sne.s32 s1, $0x0;
	_ =	strace $0x90000059  }
0x7b: {  	s0 =	sadd.s32 @!p0 $0x100000, s0;
	[bflag:$0x2] =	sbarrier.arrive $0xFFFF  }
0x7c: {  	[sflag:s0] =	ssyncadd.tile.s32 @!p0 $0x1;
	_ =	shalt  }
.Lfunc_end2:
_tile_overlayer_lowered:
.L_overlay_start_2:
0x7d: {  	(tag) =	ssettag $0x2  }
0x7e: {  	s0 =	rddreg [dreg:$0x0];
	s2 =	stileid.u32  }
0x7f: {  	s1 =	rddreg [dreg:$0x1];
	p0 =	sne.s32 s2, $0x0  }
0x80: {  	s3 =	rddreg [dreg:$0x2];
	[bflag:$0x3] =	sbarrier.arrive $0xFFFF;
	s2 =	simm.s32 @!p0 $0x1C03  }
0x81: {  	[timem:s3], [sflag:s2] =	dma.local @!p0 [hbm:s0], s1  }
0x82: {  	s0 =	simm.s32 @!p0 $0x3  }
0x83: {  	_ =	swait.ge @!p0 [sflag:s0], s1  }
0x84: {  	s1 =	ssub.s32 @!p0 $0x0, s1;
	[sflag:s0] =	ssyncset.done @!p0 $0x0  }
0x85: {  	[sflag:s0] =	ssyncadd.s32 @!p0 s1  }
0x86: {  	[bflag:$0x3] =	sbarrier.arrive $0xFFFF  }
0x87: {  	_ =	shalt  }

// kernel: kernel.41.cloned.1.call-start
scs
__scs_entry_jumppad:
0x0: {  	(pc) =	sbr.rel $0x88, $3  }
0x1: {  	(tag) =	ssettag $0x0;
	lr =	simm.s32 $0x1  }
0x2: {  	[smem:$0x3F86] =	sst lr;
	_ =	strace $0xD0000000  }
0x3: {  	_ = 	snop  }
0x4: {  	_ = 	snop  }
0x5: {  	_ = 	snop  }
0x6: {  	_ = 	snop  }
0x7: {  	_ = 	snop  }
__scs_overlays_trampoline_lowered:
0x8: {  	[smem:$0x3F95] =	sst s0  }
0x9: {  	[smem:$0x3F96] =	sst s1  }
0xa: {  	[smem:$0x3F97] =	sst s2  }
0xb: {  	[smem:$0x3F98] =	sst s3  }
0xc: {  	[smem:$0x3F99] =	sst s4  }
0xd: {  	[smem:$0x3F9A] =	sst s5  }
0xe: {  	[smem:$0x3F9B] =	sst s6  }
0xf: {  	[smem:$0x3F9C] =	sst s7  }
0x10: {  	[smem:$0x3F9D] =	sst s8  }
0x11: {  	[smem:$0x3F9E] =	sst s9;
	s0 =	simm.s32 @!p0 $0x0  }
0x12: {  	s1 =	sld [smem:$0x3F84];
	s0 =	simm.s32 @p0 $0x1  }
0x13: {  	[smem:$0x3F9F] =	sst s0;
	s0 =	simm.s32 @!p1 $0x0  }
0x14: {  	s2 =	sld [smem:$0x3F83];
	s0 =	simm.s32 @p1 $0x1  }
0x15: {  	[smem:$0x3FA0] =	sst s0;
	s0 =	simm.s32 @!p2 $0x0  }
0x16: {  	s3 =	sld [smem:$0x3FDB];
	s0 =	simm.s32 @p2 $0x1  }
0x17: {  	s4 =	simm.s32 $0x1BF5;
	[smem:$0x3FA2] =	sst s0  }
0x18: {  	s0 =	sld [smem:$0x3F85];
	_ =	swait.ge [sflag:s4], $0x0  }
0x19: {  	s7 =	sld [smem:$0x3F86]  }
0x1a: {  	s8 =	sadd.s32 $0xFFFFE003, lr  }
0x1b: {  	s9 =	sadd.s32 $0xFFFFFEF7, lr;
	s5 =	simm.s32 $0xFFFFFFFF;
	p2 =	slt.u32 s8, $0xFFFFF086  }
0x1c: {  	p1 =	slt.u32 s9, $0xF7A;
	s5 =	simm.s32 @!p2 $0x0  }
0x1d: {  	s5 =	simm.s32 @p1 $0x1;
	p0 =	seq.s32 s7, s2  }
0x1e: {  	s7 =	smul.u32 @!p0 $0xF7A, s2;
	p2 =	seq.s32 @!p0 s5, $0x0  }
0x1f: {  	s9 =	smul.u32 $0xF7A, s1;
	s8 =	simm.s32 @!p0 $0x1BF5;
	p2 =	por !p2, p0  }
0x20: {  	[sflag:s8] =	ssyncset.s32 @!p0 $0xFFFFF086;
	s6 =	sadd.s32 @!p0 s3, s7;
	s7 =	simm.s32 @!p0 $0x108  }
0x21: {  	s3 =	sadd.s32 s3, s9;
	s6 =	sadd.s32 @!p0 $0x88, s6;
	s7 =	simm.s32 @p2 $0x1082  }
0x22: {  	[simem:s7], [sflag:s8] =	dma.local @!p0 [hbm:s6], $0xF7A  }
0x23: {  	s9 =	sor.u32 $0xD0000000, s2;
	s6 =	simm.s32 $0x108;
	_ =	swait.ge @!p0 [sflag:s8], $0x0  }
0x24: {  	s3 =	sadd.s32 $0x88, s3;
	s6 =	simm.s32 @!p1 $0x1082;
	[sflag:s4] =	ssyncset.s32 $0xFFFFF086  }
0x25: {  	[simem:s6], [sflag:s4] =	dma.local [hbm:s3], $0xF7A  }
0x26: {  	[smem:$0x3F86] =	sst s1;
	(tag) =	ssettag s2;
	_ =	strace s9  }
0x27: {  	s1 =	sld [smem:$0x3F96]  }
0x28: {  	s2 =	sld [smem:$0x3F97]  }
0x29: {  	s4 =	sld [smem:$0x3F99]  }
0x2a: {  	p0 =	seq.s32 s5, $0x0;
	s5 =	sld [smem:$0x3F9A]  }
0x2b: {  	s6 =	sld [smem:$0x3F9B]  }
0x2c: {  	s7 =	sld [smem:$0x3F9C]  }
0x2d: {  	s3 =	simm.s32 $0x108;
	s8 =	sld [smem:$0x3F9D]  }
0x2e: {  	s3 =	simm.s32 @!p0 $0x1082;
	s9 =	sld [smem:$0x3F9E]  }
0x2f: {  	lr =	sadd.s32 s0, s3;
	s0 =	sld [smem:$0x3F95]  }
0x30: {  	s3 =	sld [smem:$0x3F98]  }
0x31: {  	[smem:$0x3FA1] =	sst s10  }
0x32: {  	s10 =	sld [smem:$0x3F9F];
	_ =	sdelay $0x3  }
0x33: {  	p0 =	seq.s32 s10, $0x1;
	s10 =	sld [smem:$0x3FA1];
	_ =	sdelay $0x3  }
0x34: {  	[smem:$0x3FA1] =	sst s10  }
0x35: {  	s10 =	sld [smem:$0x3FA0];
	_ =	sdelay $0x3  }
0x36: {  	p1 =	seq.s32 s10, $0x1;
	s10 =	sld [smem:$0x3FA1];
	_ =	sdelay $0x3  }
0x37: {  	[smem:$0x3FA1] =	sst s10  }
0x38: {  	s10 =	sld [smem:$0x3FA2]  }
0x39: {  	_ = 	snop;
	(pc) =	sbr.ind lr, $3  }
0x3a: {  	_ = 	snop  }
0x3b: {  	_ = 	snop  }
0x3c: {  	p2 =	seq.s32 s10, $0x1;
	s10 =	sld [smem:$0x3FA1]  }
0x3d: {  	_ =	shalt  }
0x3e: {  	_ =	shalt  }
0x3f: {  	_ =	shalt  }
0x40: {  	_ =	shalt  }
0x41: {  	_ =	shalt  }
0x42: {  	_ =	shalt  }
0x43: {  	_ =	shalt  }
0x44: {  	_ =	shalt  }
0x45: {  	_ =	shalt  }
0x46: {  	_ =	shalt  }
0x47: {  	_ =	shalt  }
0x48: {  	_ =	shalt  }
0x49: {  	_ =	shalt  }
0x4a: {  	_ =	shalt  }
0x4b: {  	_ =	shalt  }
0x4c: {  	_ =	shalt  }
0x4d: {  	_ =	shalt  }
0x4e: {  	_ =	shalt  }
0x4f: {  	_ =	shalt  }
0x50: {  	_ =	shalt  }
0x51: {  	_ =	shalt  }
0x52: {  	_ =	shalt  }
0x53: {  	_ =	shalt  }
0x54: {  	_ =	shalt  }
0x55: {  	_ =	shalt  }
0x56: {  	_ =	shalt  }
0x57: {  	_ =	shalt  }
0x58: {  	_ =	shalt  }
0x59: {  	_ =	shalt  }
0x5a: {  	_ =	shalt  }
0x5b: {  	_ =	shalt  }
0x5c: {  	_ =	shalt  }
0x5d: {  	_ =	shalt  }
0x5e: {  	_ =	shalt  }
0x5f: {  	_ =	shalt  }
0x60: {  	_ =	shalt  }
0x61: {  	_ =	shalt  }
0x62: {  	_ =	shalt  }
0x63: {  	_ =	shalt  }
0x64: {  	_ =	shalt  }
0x65: {  	_ =	shalt  }
0x66: {  	_ =	shalt  }
0x67: {  	_ =	shalt  }
0x68: {  	_ =	shalt  }
0x69: {  	_ =	shalt  }
0x6a: {  	_ =	shalt  }
0x6b: {  	_ =	shalt  }
0x6c: {  	_ =	shalt  }
0x6d: {  	_ =	shalt  }
0x6e: {  	_ =	shalt  }
0x6f: {  	_ =	shalt  }
0x70: {  	_ =	shalt  }
0x71: {  	_ =	shalt  }
0x72: {  	_ =	shalt  }
0x73: {  	_ =	shalt  }
0x74: {  	_ =	shalt  }
0x75: {  	_ =	shalt  }
0x76: {  	_ =	shalt  }
0x77: {  	_ =	shalt  }
0x78: {  	_ =	shalt  }
0x79: {  	_ =	shalt  }
0x7a: {  	_ =	shalt  }
0x7b: {  	_ =	shalt  }
0x7c: {  	_ =	shalt  }
0x7d: {  	_ =	shalt  }
0x7e: {  	_ =	shalt  }
0x7f: {  	_ =	shalt  }
0x80: {  	_ =	shalt  }
0x81: {  	_ =	shalt  }
0x82: {  	_ =	shalt  }
0x83: {  	_ =	shalt  }
0x84: {  	_ =	shalt  }
0x85: {  	_ =	shalt  }
0x86: {  	_ =	shalt  }
0x87: {  	_ =	shalt  }
.Lfunc_end0:
.L_simem_size_0:
called_computation.7_lowered:
.L_overlay_start_0:
0x88: {  	s2 =	sld [smem:$0x3FD9]  }
0x89: {  	s3 =	sld [smem:$0x3FFE];
	_ =	sdelay $0x1  }
0x8a: {  	s1 =	srdreg.scid  }
0x8b: {  	s0 =	sand.u32 $0x1, s1  }
0x8c: {  	s17 =	sshll.u32 s0, $0xA;
	s2 =	sadd.s32 s3, s2  }
0x8d: {  	s2 =	sadd.s32 s2, s17  }
0x8e: {  	[smem:$0x3FAD] =	sst s2  }
0x8f: {  	_ = 	snop  }
0x90: {  	s2 =	sld [smem:$0x3FD0];
	(tm) =	ssettm $0x1  }
0x91: {  	s18 =	sld [smem:$0x3FFB];
	_ =	sdelay $0x3  }
0x92: {  	_ =	strace s18  }
0x93: {  	s3 =	sld [smem:$0x3FFC];
	_ =	sdelay $0x3  }
0x94: {  	_ =	strace s3  }
0x95: {  	s3 =	sld [smem:$0x3FFD];
	_ =	sdelay $0x3  }
0x96: {  	_ =	strace s3  }
0x97: {  	_ =	strace $0x8FFFFFFF  }
0x98: {  	s19 =	sld [smem:$0x3FDB];
	_ =	sdelay $0x1  }
0x99: {  	s4 =	simm.s32 $_scs_section_size  }
0x9a: {  	s5 =	simm.s32 $_size__tile_overlayer_lowered;
	s6 =	simm.s32 $_tile_overlayer_lowered  }
0x9b: {  	s22 =	simm.s32 $0x1BFF;
	s21 =	sshll.u32 s6, $0x1;
	s3 =	sadd.s32 s4, s19  }
0x9c: {  	s7 =	simm.s32 $0x0;
	s20 =	sshll.u32 s5, $0x1;
	s5 =	sadd.s32 s21, s3  }
0x9d: {  	[timem:s7], [sflag:s22] =	dma.local [hbm:s5], s20  }
0x9e: {  	_ =	swait.ge [sflag:s22], s20  }
0x9f: {  	s4 =	ssub.s32 $0x0, s20;
	[sflag:s22] =	ssyncset.done $0x0  }
0xa0: {  	[sflag:s22] =	ssyncadd.s32 s4;
	_ =	sdelay $0x1  }
0xa1: {  	s23 =	simm.s32 $0x1B8B  }
0xa2: {  	_ =	swait.ge [sflag:s23], $0x1  }
0xa3: {  	[sflag:s23] =	ssyncset.done $0x0  }
0xa4: {  	s25 =	simm.s32 $0x1B8E;
	s24 =	sld [smem:$0x3FFE];
	[sflag:s23] =	ssyncadd.s32 $0xFFFFFFFF  }
0xa5: {  	s26 =	simm.s32 $execute0_lowered;
	[smem:$0x3FD2] =	sst s25  }
0xa6: {  	s5 =	sshll.u32 s26, $0x1;
	_ =	strace $0x8000005B;
	[dreg:$0x1] =	wrdreg $0xFFFFFFFF  }
0xa7: {  	s28 =	simm.s32 $_size_execute0_lowered;
	s3 =	sadd.s32 s3, s5;
	[dreg:$0x0] =	wrdreg $0x0  }
0xa8: {  	s5 =	sshll.u32 s28, $0x1;
	[dreg:$0x2] =	wrdreg s3  }
0xa9: {  	[dreg:$0x3] =	wrdreg s5  }
0xaa: {  	[dreg:$0x4] =	wrdreg $0xC0  }
0xab: {  	_ =	task [dreg:s7], $0x5FFFF  }
0xac: {  	[dreg:$0x1] =	wrdreg $0xFFFFFFFF  }
0xad: {  	[dreg:$0x0] =	wrdreg $0x60  }
0xae: {  	[dreg:$0x2] =	wrdreg s24  }
0xaf: {  	[dreg:$0x3] =	wrdreg s2  }
0xb0: {  	[dreg:$0x4] =	wrdreg $0x9  }
0xb1: {  	_ =	task.clear_ibuf [dreg:s7], $0x5FFFF;
	_ =	strace $0x9000005B  }
0xb2: {  	s29 =	simm.s32 $0x9;
	_ =	strace $0x8000005D  }
0xb3: {  	_ =	swait.ge [sflag:s29], $0x1  }
0xb4: {  	[sflag:s29] =	ssyncadd.s32 $0xFFFFFFFF  }
0xb5: {  	_ =	strace $0x9000005D  }
0xb6: {  	_ =	sfence  }
0xb7: {  	s30 =	sld [smem:$0x0];
	_ =	sdelay $0x2  }
0xb8: {  	s31 =	sshll.u32 s1, $0xD;
	s1 =	sshrl.u32 s1, $0x2  }
0xb9: {  	s3 =	sand.u32 $0x4000, s31;
	s1 =	sadd.s32 s1, s30  }
0xba: {  	s0 =	sor.u32 s3, s0;
	s1 =	sshll.u32 s1, $0x11  }
0xbb: {  	s0 =	sor.u32 s1, s0  }
0xbc: {  	s0 =	sadd.s32 $0x8F2B, s0  }
0xbd: {  	[sflag:s0] =	ssyncadd.remote.s32 $0x1  }
0xbe: {  	_ =	sfence.sel $0xFFFF  }
0xbf: {  	[dreg:$0x0] =	wrdreg $0xFFFFFFFF;
	(pc) =	sbr.abs _section_cstart, $3  }
0xc0: {  	[dreg:$0x1] =	wrdreg $0xFFFFFFFF  }
0xc1: {  	_ =	task.clear_ibuf [dreg:s7], $0x2FFFF;
	_ =	strace $0x9FFFFFFF  }
0xc2: {  	(tm) =	ssettm $0x7FFFFFFF  }
0xc3: {  	_ =	shalt  }
tec
execute0_lowered:
.L_overlay_start_1:
0x0: {  	(tag) =	ssettag $0x1  }
0x1: {  	s4 =	rddreg [dreg:$0x0]  }
0x2: {  	s5 =	rddreg [dreg:$0x1]  }
0x3: {  	s0 =	rddreg [dreg:$0x2]  }
0x4: {  	s3 =	srdreg.scid;
	s2 =	simm.s32 $0x0;
	s1 =	stileid.u32  }
0x5: {  	s11 =	simm.s32 $0x100;
	s12 =	simm.s32 $0x900;
	s13 =	simm.s32 $0x1100  }
0x6: {  	s14 =	simm.s32 $0x1900;
	s15 =	simm.s32 $0x2100;
	s16 =	simm.s32 $0x2900  }
0x7: {  	s17 =	simm.s32 $0x3100;
	s18 =	simm.s32 $0x3900;
	s19 =	simm.s32 $0x4100  }
0x8: {  	s20 =	simm.s32 $0x4900;
	s21 =	simm.s32 $0x5100;
	s22 =	simm.s32 $0x5900  }
0x9: {  	s23 =	simm.s32 $0x6100;
	s24 =	simm.s32 $0x6900;
	s25 =	simm.s32 $0x7100  }
0xa: {  	s26 =	simm.s32 $0x7900;
	s28 =	simm.s32 $0x1;
	s29 =	simm.s32 $0x2  }
0xb: {  	s6 =	sand.u32 $0x1, s3;
	[smem:$0x7FF] =	sst s2;
	s31 =	sshll.u32 s1, $0x7  }
0xc: {  	s3 =	sadd.s32 $0xB600, s4;
	s7 =	sshll.u32 s6, $0x6;
	s6 =	ssub.s32 $0x2, s6  }
0xd: {  	_ =	strace $0x8000005C;
	s7 =	sor.u32 s7, s31;
	s10 =	sshrl.u32 s6, $0x1  }
0xe: {  	s8 =	sshrl.u32 s7, $0x3;
	s7 =	sshll.u32 s7, $0x5;
	s10 =	ssub.s32 s6, s10  }
0xf: {  	v2 =	vlaneseq.u32;
	s9 =	sadd.s32 s8, s4;
	s7 =	sadd.s32 s7, s4;
	s4 =	sadd.s32 s5, s8  }
0x10: {  	vm0 =	vmmov $0xffff;
	v1 =	vshrl.u32 v2, $0x3;
	s8 =	smax.u32 s10, $0x1;
	s10 =	simm.s32 $0x80;
	s5 =	sadd.s32 $0xB400, s9  }
0x11: {  	v0 =	vand.u32 $0x7, v2;
	v2 =	vor.u32 $0x8, v2;
	v1 =	vmul.u32 $0x8, v1;
	s6 =	sadd.s32 $0x1B600, s7;
	s7 =	sadd.s32 $0x2B600, s7;
	s9 =	simm.s32 $0x3  }
.LBB2_1:
0x12: {  	[tilespmem:s2], [sflag:$0x3] =	stream.linear.gather [hbm4b:s4+s2], $0x40, $0x38;
	[tilespmem:$0x8100] =	vst v63  }
0x13: {  	_ =	swait.ge [sflag:s9], $0x40  }
0x14: {  	[sflag:s9] =	ssyncset.done $0x0  }
0x15: {  	[sflag:s9] =	ssyncadd.s32 $0xFFFFFFC0  }
0x16: {  	[tilespmem:s10], [sflag:$0x3] =	stream.linear.gather [hbm4b:s5+s2], $0x40, $0x38;
	[tilespmem:$0x8100] =	vst v63  }
0x17: {  	_ =	swait.ge [sflag:s9], $0x40  }
0x18: {  	[sflag:s9] =	ssyncset.done $0x0  }
0x19: {  	[sflag:s9] =	ssyncadd.s32 $0xFFFFFFC0  }
0x1a: {  	v3 =	vld [tilespmem:$0x0];
	_ =	sdelay $0x4  }
0x1b: {  	v4 =	vshll.u32 v3, $0x1  }
0x1c: {  	v3 =	vand.u32 $0x7, v3;
	v4 =	vand.u32 $0xFFFFFFF0, v4  }
0x1d: {  	v3 =	vor.u32 v3, v4  }
0x1e: {  	v4 =	vperm.xlane v3, v0;
	_ =	sdelay $0x1  }
0x1f: {  	v3 =	vperm.xlane v3, v2;
	v4 =	vadd.s32 v1, v4;
	_ =	sdelay $0x1  }
0x20: {  	v3 =	vadd.s32 v1, v3;
	_ =	sdelay $0x2  }
0x21: {  	[tilespmem:s11], [sflag:$0x1] =	stream.indirect_vreg.gather [hbm4b:s3+s2], $0x80, v4, vm0, $0xb8;
	[tilespmem:$0x8100] =	vst v63  }
0x22: {  	_ = 	snop  }
0x23: {  	[tilespmem:s12], [sflag:$0x1] =	stream.indirect_vreg.gather [hbm4b:s3+s2], $0x80, v3, vm0, $0xb8;
	[tilespmem:$0x8100] =	vst v63  }
0x24: {  	v3 =	vld [tilespmem:$0x10];
	_ =	sdelay $0x4  }
0x25: {  	v57 =	vshll.u32 v3, $0x1  }
0x26: {  	v3 =	vand.u32 $0x7, v3;
	v4 =	vand.u32 $0xFFFFFFF0, v57  }
0x27: {  	v3 =	vor.u32 v3, v4  }
0x28: {  	v4 =	vperm.xlane v3, v0;
	_ =	sdelay $0x1  }
0x29: {  	v3 =	vperm.xlane v3, v2;
	v4 =	vadd.s32 v1, v4;
	_ =	sdelay $0x1  }
0x2a: {  	v3 =	vadd.s32 v1, v3;
	_ =	sdelay $0x2  }
0x2b: {  	[tilespmem:s13], [sflag:$0x1] =	stream.indirect_vreg.gather [hbm4b:s3+s2], $0x80, v4, vm0, $0xb8;
	[tilespmem:$0x8100] =	vst v63  }
0x2c: {  	_ = 	snop  }
0x2d: {  	[tilespmem:s14], [sflag:$0x1] =	stream.indirect_vreg.gather [hbm4b:s3+s2], $0x80, v3, vm0, $0xb8;
	[tilespmem:$0x8100] =	vst v63  }
0x2e: {  	v3 =	vld [tilespmem:$0x20];
	_ =	sdelay $0x4  }
0x2f: {  	v58 =	vshll.u32 v3, $0x1  }
0x30: {  	v3 =	vand.u32 $0x7, v3;
	v4 =	vand.u32 $0xFFFFFFF0, v58  }
0x31: {  	v3 =	vor.u32 v3, v4  }
0x32: {  	v4 =	vperm.xlane v3, v0;
	_ =	sdelay $0x1  }
0x33: {  	v3 =	vperm.xlane v3, v2;
	v4 =	vadd.s32 v1, v4;
	_ =	sdelay $0x1  }
0x34: {  	v3 =	vadd.s32 v1, v3;
	_ =	sdelay $0x2  }
0x35: {  	[tilespmem:s15], [sflag:$0x1] =	stream.indirect_vreg.gather [hbm4b:s3+s2], $0x80, v4, vm0, $0xb8;
	[tilespmem:$0x8100] =	vst v63  }
0x36: {  	_ = 	snop  }
0x37: {  	[tilespmem:s16], [sflag:$0x1] =	stream.indirect_vreg.gather [hbm4b:s3+s2], $0x80, v3, vm0, $0xb8;
	[tilespmem:$0x8100] =	vst v63  }
0x38: {  	v3 =	vld [tilespmem:$0x30];
	_ =	sdelay $0x4  }
0x39: {  	v59 =	vshll.u32 v3, $0x1  }
0x3a: {  	v3 =	vand.u32 $0x7, v3;
	v4 =	vand.u32 $0xFFFFFFF0, v59  }
0x3b: {  	v3 =	vor.u32 v3, v4  }
0x3c: {  	v4 =	vperm.xlane v3, v0;
	_ =	sdelay $0x1  }
0x3d: {  	v3 =	vperm.xlane v3, v2;
	v4 =	vadd.s32 v1, v4;
	_ =	sdelay $0x1  }
0x3e: {  	v3 =	vadd.s32 v1, v3;
	_ =	sdelay $0x2  }
0x3f: {  	[tilespmem:s17], [sflag:$0x1] =	stream.indirect_vreg.gather [hbm4b:s3+s2], $0x80, v4, vm0, $0xb8;
	[tilespmem:$0x8100] =	vst v63  }
0x40: {  	_ = 	snop  }
0x41: {  	[tilespmem:s18], [sflag:$0x1] =	stream.indirect_vreg.gather [hbm4b:s3+s2], $0x80, v3, vm0, $0xb8;
	[tilespmem:$0x8100] =	vst v63  }
0x42: {  	v3 =	vld [tilespmem:$0x80];
	_ =	sdelay $0x4  }
0x43: {  	v60 =	vshll.u32 v3, $0x1  }
0x44: {  	v3 =	vand.u32 $0x7, v3;
	v4 =	vand.u32 $0xFFFFFFF0, v60  }
0x45: {  	v3 =	vor.u32 v3, v4  }
0x46: {  	v4 =	vperm.xlane v3, v0;
	_ =	sdelay $0x1  }
0x47: {  	v3 =	vperm.xlane v3, v2;
	v4 =	vadd.s32 v1, v4;
	_ =	sdelay $0x1  }
0x48: {  	v3 =	vadd.s32 v1, v3;
	_ =	sdelay $0x2  }
0x49: {  	[tilespmem:s19], [sflag:$0x2] =	stream.indirect_vreg.gather [hbm4b:s3+s2], $0x80, v4, vm0, $0xb8;
	[tilespmem:$0x8100] =	vst v63  }
0x4a: {  	_ = 	snop  }
0x4b: {  	[tilespmem:s20], [sflag:$0x2] =	stream.indirect_vreg.gather [hbm4b:s3+s2], $0x80, v3, vm0, $0xb8;
	[tilespmem:$0x8100] =	vst v63  }
0x4c: {  	v3 =	vld [tilespmem:$0x90];
	_ =	sdelay $0x4  }
0x4d: {  	v61 =	vshll.u32 v3, $0x1  }
0x4e: {  	v3 =	vand.u32 $0x7, v3;
	v4 =	vand.u32 $0xFFFFFFF0, v61  }
0x4f: {  	v3 =	vor.u32 v3, v4  }
0x50: {  	v4 =	vperm.xlane v3, v0;
	_ =	sdelay $0x1  }
0x51: {  	v3 =	vperm.xlane v3, v2;
	v4 =	vadd.s32 v1, v4;
	_ =	sdelay $0x1  }
0x52: {  	v3 =	vadd.s32 v1, v3;
	_ =	sdelay $0x2  }
0x53: {  	[tilespmem:s21], [sflag:$0x2] =	stream.indirect_vreg.gather [hbm4b:s3+s2], $0x80, v4, vm0, $0xb8;
	[tilespmem:$0x8100] =	vst v63  }
0x54: {  	_ = 	snop  }
0x55: {  	[tilespmem:s22], [sflag:$0x2] =	stream.indirect_vreg.gather [hbm4b:s3+s2], $0x80, v3, vm0, $0xb8;
	[tilespmem:$0x8100] =	vst v63  }
0x56: {  	v3 =	vld [tilespmem:$0xA0];
	_ =	sdelay $0x4  }
0x57: {  	v62 =	vshll.u32 v3, $0x1  }
0x58: {  	v3 =	vand.u32 $0x7, v3;
	v4 =	vand.u32 $0xFFFFFFF0, v62  }
0x59: {  	v3 =	vor.u32 v3, v4  }
0x5a: {  	v4 =	vperm.xlane v3, v0;
	_ =	sdelay $0x1  }
0x5b: {  	v3 =	vperm.xlane v3, v2;
	v4 =	vadd.s32 v1, v4;
	_ =	sdelay $0x1  }
0x5c: {  	v3 =	vadd.s32 v1, v3;
	_ =	sdelay $0x2  }
0x5d: {  	[tilespmem:s23], [sflag:$0x2] =	stream.indirect_vreg.gather [hbm4b:s3+s2], $0x80, v4, vm0, $0xb8;
	[tilespmem:$0x8100] =	vst v63  }
0x5e: {  	_ = 	snop  }
0x5f: {  	[tilespmem:s24], [sflag:$0x2] =	stream.indirect_vreg.gather [hbm4b:s3+s2], $0x80, v3, vm0, $0xb8;
	[tilespmem:$0x8100] =	vst v63  }
0x60: {  	v3 =	vld [tilespmem:$0xB0];
	_ =	sdelay $0x4  }
0x61: {  	v63 =	vshll.u32 v3, $0x1  }
0x62: {  	v3 =	vand.u32 $0x7, v3;
	v4 =	vand.u32 $0xFFFFFFF0, v63  }
0x63: {  	v3 =	vor.u32 v3, v4  }
0x64: {  	v4 =	vperm.xlane v3, v0;
	_ =	sdelay $0x1  }
0x65: {  	v3 =	vperm.xlane v3, v2;
	v4 =	vadd.s32 v1, v4;
	_ =	sdelay $0x1  }
0x66: {  	v3 =	vadd.s32 v1, v3;
	_ =	sdelay $0x2  }
0x67: {  	[tilespmem:s25], [sflag:$0x2] =	stream.indirect_vreg.gather [hbm4b:s3+s2], $0x80, v4, vm0, $0xb8;
	[tilespmem:$0x8100] =	vst v63  }
0x68: {  	_ = 	snop  }
0x69: {  	[tilespmem:s26], [sflag:$0x2] =	stream.indirect_vreg.gather [hbm4b:s3+s2], $0x80, v3, vm0, $0xb8;
	[tilespmem:$0x8100] =	vst v63  }
0x6a: {  	_ =	swait.ge [sflag:s28], $0x4000  }
0x6b: {  	[sflag:s28] =	ssyncset.done $0x0  }
0x6c: {  	[sflag:s28] =	ssyncadd.s32 $0xFFFFC000  }
0x6d: {  	_ =	swait.ge [sflag:s29], $0x4000  }
0x6e: {  	[sflag:s29] =	ssyncset.done $0x0  }
0x6f: {  	[sflag:s29] =	ssyncadd.s32 $0xFFFFC000  }
0x70: {  	[hbm4b:s6+s2] =	stream.linear.scatter [tilespmem:s11], [sflag:$0x3], $0x4000, $0x38;
	[tilespmem:$0x8100] =	vst v63  }
0x71: {  	_ =	swait.ge [sflag:s9], $0x4000  }
0x72: {  	p0 =	sne.s32 s8, $0x1;
	[sflag:s9] =	ssyncset.done $0x0  }
.Ltmp0:
0x73: {  	[sflag:s9] =	ssyncadd.s32 $0xFFFFC000;
	(pc) =	sbr.rel @p0 .LBB2_1-.Ltmp0, $4  }
0x74: {  	[hbm4b:s7+s2] =	stream.linear.scatter [tilespmem:s19], [sflag:$0x3], $0x4000, $0x38;
	[tilespmem:$0x8100] =	vst v63  }
0x75: {  	_ =	swait.ge [sflag:s9], $0x4000  }
0x76: {  	[sflag:s9] =	ssyncset.done $0x0  }
0x77: {  	s8 =	sadd.s32 $0xFFFFFFFF, s8;
	[sflag:s9] =	ssyncadd.s32 $0xFFFFC000  }
0x78: {  	_ =	sfence.sel $0x180000  }
0x79: {  	[bflag:$0x0] =	sbarrier.arrive $0xFFFF  }
0x7a: {  	p0 =	sne.s32 s1, $0x0;
	_ =	strace $0x9000005C  }
0x7b: {  	s0 =	sadd.s32 @!p0 $0x100000, s0;
	[bflag:$0x2] =	sbarrier.arrive $0xFFFF  }
0x7c: {  	[sflag:s0] =	ssyncadd.tile.s32 @!p0 $0x1;
	_ =	shalt  }
.Lfunc_end2:
_tile_overlayer_lowered:
.L_overlay_start_2:
0x7d: {  	(tag) =	ssettag $0x2  }
0x7e: {  	s0 =	rddreg [dreg:$0x0];
	s2 =	stileid.u32  }
0x7f: {  	s1 =	rddreg [dreg:$0x1];
	p0 =	sne.s32 s2, $0x0  }
0x80: {  	s3 =	rddreg [dreg:$0x2];
	[bflag:$0x3] =	sbarrier.arrive $0xFFFF;
	s2 =	simm.s32 @!p0 $0x1C03  }
0x81: {  	[timem:s3], [sflag:s2] =	dma.local @!p0 [hbm:s0], s1  }
0x82: {  	s0 =	simm.s32 @!p0 $0x3  }
0x83: {  	_ =	swait.ge @!p0 [sflag:s0], s1  }
0x84: {  	s1 =	ssub.s32 @!p0 $0x0, s1;
	[sflag:s0] =	ssyncset.done @!p0 $0x0  }
0x85: {  	[sflag:s0] =	ssyncadd.s32 @!p0 s1  }
0x86: {  	[bflag:$0x3] =	sbarrier.arrive $0xFFFF  }
0x87: {  	_ =	shalt  }

</sc_bundles>
